<compile_context>
chip_gen: v7x
topology: tpu7x:2x2x1
jax: 0.10.2.dev20260603
libtpu: 0.0.44.dev20260713+nightly
codegen_flags: <defaults>
</compile_context>

<pallas_src>
import functools

import jax
import jax.numpy as jnp
from jax import lax
from jax.experimental import pallas as pl
from jax.experimental.pallas import tpu as pltpu
from jax.experimental.pallas import tpu_sc as plsc

N = 10000
E = 320000
D = 128
G = 16
CHUNK = 128
NW = 32
EPT = E // NW
FULLC = EPT // CHUNK
TAILE = EPT - FULLC * CHUNK
STAGE = (FULLC + 1) * CHUNK

_BLK = 1000
_GRID = N // _BLK



@functools.lru_cache(maxsize=None)
def _make_gather():
    mesh = plsc.VectorSubcoreMesh(core_axis_name="c", subcore_axis_name="s")

    @functools.partial(
        pl.kernel,
        mesh=mesh,
        out_type=jax.ShapeDtypeStruct((E, D), jnp.float32),
        scratch_types=[
            pltpu.VMEM((STAGE,), jnp.int32),
            pltpu.VMEM((CHUNK, D), jnp.float32),
            pltpu.VMEM((CHUNK, D), jnp.float32),
            pltpu.SemaphoreType.DMA,
            pltpu.SemaphoreType.DMA,
        ],
    )
    def gk(hw_hbm, src_hbm, msg_hbm, sidx, rows0, rows1, sem0, sem1):
        cid = lax.axis_index("c")
        sid = lax.axis_index("s")
        wid = sid * 2 + cid
        ebase = wid * EPT

        pltpu.sync_copy(src_hbm.at[pl.ds(ebase, STAGE)], sidx)

        pltpu.async_copy(hw_hbm.at[sidx.at[pl.ds(0, CHUNK)]], rows0, sem0)
        pltpu.async_copy(hw_hbm.at[sidx.at[pl.ds(CHUNK, CHUNK)]], rows1, sem1)

        def body(j2, c):
            j = 2 * j2
            for (rows, sem, off) in ((rows0, sem0, 0), (rows1, sem1, 1)):
                jj = j + off
                pltpu.make_async_copy(
                    hw_hbm.at[sidx.at[pl.ds(0, CHUNK)]], rows, sem).wait()
                pltpu.sync_copy(rows,
                                msg_hbm.at[pl.ds(ebase + jj * CHUNK, CHUNK)])

                @pl.when(jj + 2 < FULLC)
                def _():
                    pltpu.async_copy(
                        hw_hbm.at[sidx.at[pl.ds((jj + 2) * CHUNK, CHUNK)]],
                        rows, sem)
            return c

        lax.fori_loop(0, FULLC // 2, body, 0)
        pltpu.async_copy(hw_hbm.at[sidx.at[pl.ds(FULLC * CHUNK, CHUNK)]],
                         rows0, sem0).wait()
        pltpu.sync_copy(rows0.at[pl.ds(0, TAILE)],
                        msg_hbm.at[pl.ds(ebase + FULLC * CHUNK, TAILE)])

    return gk



def _bf16_dot(a, b):
    return jnp.dot(a.astype(jnp.bfloat16), b.astype(jnp.bfloat16),
                   preferred_element_type=jnp.float32)


def _mm_body(x_ref, w_ref, o_ref):
    o_ref[...] = _bf16_dot(x_ref[...], w_ref[...])


def _mm(x, w):
    return pl.pallas_call(
        _mm_body,
        grid=(_GRID,),
        in_specs=[
            pl.BlockSpec((_BLK, D), lambda i: (i, 0)),
            pl.BlockSpec((D, D), lambda i: (0, 0)),
        ],
        out_specs=pl.BlockSpec((_BLK, D), lambda i: (i, 0)),
        out_shape=jax.ShapeDtypeStruct((N, D), jnp.float32),
    )(x, w)


def kernel(x, edge_index, batch, W1, b1, W2, b2, W3, b3, prototype_vectors, last_w):
    src = edge_index[0]
    dst = edge_index[1]
    src_pad = jnp.concatenate([src, jnp.zeros((CHUNK,), jnp.int32)])
    gather = _make_gather()

    h = x
    for (W, b) in ((W1, b1), (W2, b2), (W3, b3)):
        hw = _mm(h, W)
        msg = gather(hw, src_pad)
        agg = jax.ops.segment_sum(msg, dst, num_segments=N)
        h = jax.nn.elu(agg + b)
    node_emb = h

    counts = jax.ops.segment_sum(jnp.ones((N,), jnp.float32), batch,
                                 num_segments=G)
    graph_emb = (jax.ops.segment_sum(node_emb, batch, num_segments=G)
                 / jnp.maximum(counts, 1.0)[:, None])
    xp = graph_emb @ prototype_vectors.T
    distance = (-2.0 * xp
                + jnp.sum(graph_emb ** 2, axis=1, keepdims=True)
                + jnp.sum(prototype_vectors ** 2, axis=1)[None, :])
    similarity = jnp.log((distance + 1.0) / (distance + 1e-4))
    logits = similarity @ last_w.T
    probs = jax.nn.softmax(logits, axis=-1)
    return (logits, probs, node_emb, graph_emb, distance)

# --- scband reference (transcript-rebuilt; emitter-appended) ---
"""Pipeline reference for scband-gcnnet-39513699123711 (READ-ONLY COPY).

The authoritative reference and input builder live on the scoring server;
editing this copy changes nothing except your own understanding.
"""

import jax, jax.numpy as jnp
import numpy as np

N = 10000
E = 320000
D = 128
G = 16
NUM_PROTO = 10
C = 2


def setup_inputs(seed: int = 0) -> dict:
    key = jax.random.key(seed)
    ks = jax.random.split(key, 8)
    x = jax.random.normal(ks[0], (N, D), dtype=jnp.float32)
    edge_index = jax.random.randint(ks[1], (2, E), 0, N, dtype=jnp.int32)
    batch = jnp.sort(jax.random.randint(ks[2], (N,), 0, G, dtype=jnp.int32))
    s = 1.0 / np.sqrt(D)
    W1 = jax.random.uniform(ks[3], (D, D), jnp.float32, -s, s)
    b1 = jnp.zeros((D,), jnp.float32)
    W2 = jax.random.uniform(ks[4], (D, D), jnp.float32, -s, s)
    b2 = jnp.zeros((D,), jnp.float32)
    W3 = jax.random.uniform(ks[5], (D, D), jnp.float32, -s, s)
    b3 = jnp.zeros((D,), jnp.float32)
    prototype_vectors = jax.random.uniform(ks[6], (NUM_PROTO, D), jnp.float32)
    ident = np.zeros((NUM_PROTO, C), dtype=np.float32)
    for j in range(NUM_PROTO):
        ident[j, j // (NUM_PROTO // C)] = 1.0
    last_w = jnp.asarray(1.0 * ident.T + (-0.5) * (1.0 - ident.T), dtype=jnp.float32)
    return {"x": x, "edge_index": edge_index, "batch": batch,
            "W1": W1, "b1": b1, "W2": W2, "b2": b2, "W3": W3, "b3": b3,
            "prototype_vectors": prototype_vectors, "last_w": last_w}


def reference(x, edge_index, batch, W1, b1, W2, b2, W3, b3, prototype_vectors, last_w):
    src = edge_index[0]
    dst = edge_index[1]
    # adj_normlize=False path: GCNConv with explicit all-ones edge_weight
    edge_weight = jnp.ones((E,), jnp.float32)
    h = x
    for (W, b) in ((W1, b1), (W2, b2), (W3, b3)):
        h = h @ W  # linear (no bias inside lin; bias added after aggregation)
        msg = h[src] * edge_weight[:, None]  # gather
        h = jax.ops.segment_sum(msg, dst, num_segments=N) + b  # scatter-add
        h = jax.nn.elu(h)  # gnn_non_linear (emb_normlize=False)
    node_emb = h
    # global_mean_pool readout
    counts = jax.ops.segment_sum(jnp.ones((N,), jnp.float32), batch, num_segments=G)
    graph_emb = jax.ops.segment_sum(h, batch, num_segments=G) / jnp.maximum(counts, 1.0)[:, None]
    # prototype distances (enable_prot=True)
    xp = graph_emb @ prototype_vectors.T
    distance = (-2.0 * xp
                + jnp.sum(graph_emb ** 2, axis=1, keepdims=True)
                + jnp.sum(prototype_vectors ** 2, axis=1)[None, :])
    similarity = jnp.log((distance + 1.0) / (distance + 1e-4))
    logits = similarity @ last_w.T
    probs = jax.nn.softmax(logits, axis=-1)
    return (logits, probs, node_emb, graph_emb, distance)

if __name__ == "__main__":
    import jax
    _d = setup_inputs()
    print(jax.jit(kernel)(*tuple(_d.values())))

</pallas_src>

<mosaic_0001>
#map = affine_map<(d0, d1) -> (0, 0)>
#map1 = affine_map<(d0, d1) -> (0)>
module attributes {stable_mosaic.version = 14 : i64} {
  func.func @gk(%arg0: i32, %arg1: i32, %arg2: memref<10000x128xf32, #tpu.memory_space<hbm>>, %arg3: memref<320128xi32, #tpu.memory_space<hbm>>, %arg4: memref<320000x128xf32, #tpu.memory_space<hbm>>, %arg5: memref<10112xi32, #tpu.memory_space<vmem>>, %arg6: memref<128x128xf32, #tpu.memory_space<vmem>>, %arg7: memref<128x128xf32, #tpu.memory_space<vmem>>, %arg8: memref<!tpu.dma_semaphore, #tpu.memory_space<semaphore_mem>>, %arg9: memref<!tpu.dma_semaphore, #tpu.memory_space<semaphore_mem>>) attributes {dimension_semantics = [#tpu.dimension_semantics<core_parallel>, #tpu.dimension_semantics<subcore_parallel>], iteration_bounds = array<i64: 2, 16>, scalar_prefetch = 0 : i64, scratch_operands = 5 : i64, tpu.core_type = #tpu.core_type<sc_vector_subcore>, window_params = [{transform_indices = #map}, {transform_indices = #map1}, {transform_indices = #map}]} {
    %mul3A = arith.constant 2 : i32
    %mul3A_0 = arith.muli %arg1, %mul3A : i32
    %add3A = arith.addi %mul3A_0, %arg0 : i32
    %mul3A_1 = arith.constant 10000 : i32
    %mul3A_2 = arith.muli %add3A, %mul3A_1 : i32
    "tpu.region"() ({
      %run_scoped3A = tpu.sem_alloc : memref<!tpu.dma_semaphore, #tpu.memory_space<semaphore_mem>>
      %dma_start3A_28 = tpu.memref_slice %arg3[%mul3A_2] : memref<320128xi32, #tpu.memory_space<hbm>> -> memref<10112xi32, #tpu.memory_space<hbm>>
      %dma_start3A_29 = tpu.memref_slice %arg3[%mul3A_2] : memref<320128xi32, #tpu.memory_space<hbm>> -> memref<10112xi32, #tpu.memory_space<hbm>>
      tpu.enqueue_dma source(%dma_start3A_29 : memref<10112xi32, #tpu.memory_space<hbm>>) target(%arg5 : memref<10112xi32, #tpu.memory_space<vmem>>) target_semaphore(%run_scoped3A : memref<!tpu.dma_semaphore, #tpu.memory_space<semaphore_mem>>)
      %dma_wait3A_30 = tpu.memref_slice %arg3[%mul3A_2] : memref<320128xi32, #tpu.memory_space<hbm>> -> memref<10112xi32, #tpu.memory_space<hbm>>
      %dma_wait3A_31 = tpu.memref_slice %arg3[%mul3A_2] : memref<320128xi32, #tpu.memory_space<hbm>> -> memref<10112xi32, #tpu.memory_space<hbm>>
      tpu.wait_dma2 semaphore(%run_scoped3A : memref<!tpu.dma_semaphore, #tpu.memory_space<semaphore_mem>>) src(%dma_wait3A_31 : memref<10112xi32, #tpu.memory_space<hbm>>) dst(%arg5 : memref<10112xi32, #tpu.memory_space<vmem>>)
      tpu.yield
    }) : () -> ()
    %dma_start3A = arith.constant 0 : i32
    %dma_start3A_3 = tpu.memref_slice %arg5[%dma_start3A] : memref<10112xi32, #tpu.memory_space<vmem>> -> memref<128xi32, #tpu.memory_space<vmem>>
    %dma_start3A_4 = arith.constant 0 : i32
    %dma_start3A_5 = arith.constant 0 : i32
    %dma_start3A_6 = tpu.memref_slice %arg2[%dma_start3A_4, %dma_start3A_5] : memref<10000x128xf32, #tpu.memory_space<hbm>> -> memref<10000x128xf32, #tpu.memory_space<hbm>>
    tpu.enqueue_indirect_dma source(%dma_start3A_6 : memref<10000x128xf32, #tpu.memory_space<hbm>>) target(%arg6 : memref<128x128xf32, #tpu.memory_space<vmem>>) offsets(%dma_start3A_3 : memref<128xi32, #tpu.memory_space<vmem>>) semaphore(%arg8 : memref<!tpu.dma_semaphore, #tpu.memory_space<semaphore_mem>>)
    %dma_start3A_7 = arith.constant 128 : i32
    %dma_start3A_8 = tpu.memref_slice %arg5[%dma_start3A_7] : memref<10112xi32, #tpu.memory_space<vmem>> -> memref<128xi32, #tpu.memory_space<vmem>>
    %dma_start3A_9 = arith.constant 0 : i32
    %dma_start3A_10 = arith.constant 0 : i32
    %dma_start3A_11 = tpu.memref_slice %arg2[%dma_start3A_9, %dma_start3A_10] : memref<10000x128xf32, #tpu.memory_space<hbm>> -> memref<10000x128xf32, #tpu.memory_space<hbm>>
    tpu.enqueue_indirect_dma source(%dma_start3A_11 : memref<10000x128xf32, #tpu.memory_space<hbm>>) target(%arg7 : memref<128x128xf32, #tpu.memory_space<vmem>>) offsets(%dma_start3A_8 : memref<128xi32, #tpu.memory_space<vmem>>) semaphore(%arg9 : memref<!tpu.dma_semaphore, #tpu.memory_space<semaphore_mem>>)
    %scan3A = arith.constant 0 : i32
    %scan3A_12 = arith.constant 0 : i32
    %scan3A_13 = arith.constant 39 : i32
    %scan3A_14 = arith.addi %scan3A_12, %scan3A_13 : i32
    %scan3A_15 = arith.constant 1 : i32
    scf.for %scan3A_28 = %scan3A_12 to %scan3A_14 step %scan3A_15  : i32 {
      %mul3A_29 = arith.constant 2 : i32
      %mul3A_30 = arith.muli %mul3A_29, %scan3A_28 : i32
      %add3A_31 = arith.constant 0 : i32
      %add3A_32 = arith.addi %mul3A_30, %add3A_31 : i32
      %dma_wait3A_33 = arith.constant 0 : i32
      %dma_wait3A_34 = tpu.memref_slice %arg5[%dma_wait3A_33] : memref<10112xi32, #tpu.memory_space<vmem>> -> memref<128xi32, #tpu.memory_space<vmem>>
      %dma_wait3A_35 = arith.constant 0 : i32
      %dma_wait3A_36 = arith.constant 0 : i32
      %dma_wait3A_37 = tpu.memref_slice %arg2[%dma_wait3A_35, %dma_wait3A_36] : memref<10000x128xf32, #tpu.memory_space<hbm>> -> memref<10000x128xf32, #tpu.memory_space<hbm>>
      tpu.wait_indirect_dma semaphore(%arg8 : memref<!tpu.dma_semaphore, #tpu.memory_space<semaphore_mem>>) src(%dma_wait3A_37 : memref<10000x128xf32, #tpu.memory_space<hbm>>) dst(%arg6 : memref<128x128xf32, #tpu.memory_space<vmem>>)
      %mul3A_38 = arith.constant 128 : i32
      %mul3A_39 = arith.muli %add3A_32, %mul3A_38 : i32
      %add3A_40 = arith.addi %mul3A_2, %mul3A_39 : i32
      "tpu.region"() ({
        %run_scoped3A = tpu.sem_alloc : memref<!tpu.dma_semaphore, #tpu.memory_space<semaphore_mem>>
        %dma_start3A_62 = arith.constant 0 : i32
        %dma_start3A_63 = tpu.memref_slice %arg4[%add3A_40, %dma_start3A_62] : memref<320000x128xf32, #tpu.memory_space<hbm>> -> memref<128x128xf32, #tpu.memory_space<hbm>>
        %dma_start3A_64 = arith.constant 0 : i32
        %dma_start3A_65 = tpu.memref_slice %arg4[%add3A_40, %dma_start3A_64] : memref<320000x128xf32, #tpu.memory_space<hbm>> -> memref<128x128xf32, #tpu.memory_space<hbm>>
        tpu.enqueue_dma source(%arg6 : memref<128x128xf32, #tpu.memory_space<vmem>>) target(%dma_start3A_65 : memref<128x128xf32, #tpu.memory_space<hbm>>) target_semaphore(%run_scoped3A : memref<!tpu.dma_semaphore, #tpu.memory_space<semaphore_mem>>)
        %dma_wait3A_66 = arith.constant 0 : i32
        %dma_wait3A_67 = tpu.memref_slice %arg4[%add3A_40, %dma_wait3A_66] : memref<320000x128xf32, #tpu.memory_space<hbm>> -> memref<128x128xf32, #tpu.memory_space<hbm>>
        %dma_wait3A_68 = arith.constant 0 : i32
        %dma_wait3A_69 = tpu.memref_slice %arg4[%add3A_40, %dma_wait3A_68] : memref<320000x128xf32, #tpu.memory_space<hbm>> -> memref<128x128xf32, #tpu.memory_space<hbm>>
        tpu.wait_dma2 semaphore(%run_scoped3A : memref<!tpu.dma_semaphore, #tpu.memory_space<semaphore_mem>>) src(%arg6 : memref<128x128xf32, #tpu.memory_space<vmem>>) dst(%dma_wait3A_69 : memref<128x128xf32, #tpu.memory_space<hbm>>)
        tpu.yield
      }) : () -> ()
      %add3A_41 = arith.constant 2 : i32
      %add3A_42 = arith.addi %add3A_32, %add3A_41 : i32
      %lt3A = arith.constant 78 : i32
      %lt3A_43 = arith.cmpi slt, %add3A_42, %lt3A : i32
      %convert_element_type3A = arith.extui %lt3A_43 : i1 to i32
      %cond3A = arith.constant 0 : i32
      %cond3A_44 = arith.cmpi ne, %convert_element_type3A, %cond3A : i32
      scf.if %cond3A_44 {
        %add3A_62 = arith.constant 2 : i32
        %add3A_63 = arith.addi %add3A_32, %add3A_62 : i32
        %mul3A_64 = arith.constant 128 : i32
        %mul3A_65 = arith.muli %add3A_63, %mul3A_64 : i32
        %dma_start3A_66 = tpu.memref_slice %arg5[%mul3A_65] : memref<10112xi32, #tpu.memory_space<vmem>> -> memref<128xi32, #tpu.memory_space<vmem>>
        %dma_start3A_67 = arith.constant 0 : i32
        %dma_start3A_68 = arith.constant 0 : i32
        %dma_start3A_69 = tpu.memref_slice %arg2[%dma_start3A_67, %dma_start3A_68] : memref<10000x128xf32, #tpu.memory_space<hbm>> -> memref<10000x128xf32, #tpu.memory_space<hbm>>
        tpu.enqueue_indirect_dma source(%dma_start3A_69 : memref<10000x128xf32, #tpu.memory_space<hbm>>) target(%arg6 : memref<128x128xf32, #tpu.memory_space<vmem>>) offsets(%dma_start3A_66 : memref<128xi32, #tpu.memory_space<vmem>>) semaphore(%arg8 : memref<!tpu.dma_semaphore, #tpu.memory_space<semaphore_mem>>)
      } else {
      }
      %add3A_45 = arith.constant 1 : i32
      %add3A_46 = arith.addi %mul3A_30, %add3A_45 : i32
      %dma_wait3A_47 = arith.constant 0 : i32
      %dma_wait3A_48 = tpu.memref_slice %arg5[%dma_wait3A_47] : memref<10112xi32, #tpu.memory_space<vmem>> -> memref<128xi32, #tpu.memory_space<vmem>>
      %dma_wait3A_49 = arith.constant 0 : i32
      %dma_wait3A_50 = arith.constant 0 : i32
      %dma_wait3A_51 = tpu.memref_slice %arg2[%dma_wait3A_49, %dma_wait3A_50] : memref<10000x128xf32, #tpu.memory_space<hbm>> -> memref<10000x128xf32, #tpu.memory_space<hbm>>
      tpu.wait_indirect_dma semaphore(%arg9 : memref<!tpu.dma_semaphore, #tpu.memory_space<semaphore_mem>>) src(%dma_wait3A_51 : memref<10000x128xf32, #tpu.memory_space<hbm>>) dst(%arg7 : memref<128x128xf32, #tpu.memory_space<vmem>>)
      %mul3A_52 = arith.constant 128 : i32
      %mul3A_53 = arith.muli %add3A_46, %mul3A_52 : i32
      %add3A_54 = arith.addi %mul3A_2, %mul3A_53 : i32
      "tpu.region"() ({
        %run_scoped3A = tpu.sem_alloc : memref<!tpu.dma_semaphore, #tpu.memory_space<semaphore_mem>>
        %dma_start3A_62 = arith.constant 0 : i32
        %dma_start3A_63 = tpu.memref_slice %arg4[%add3A_54, %dma_start3A_62] : memref<320000x128xf32, #tpu.memory_space<hbm>> -> memref<128x128xf32, #tpu.memory_space<hbm>>
        %dma_start3A_64 = arith.constant 0 : i32
        %dma_start3A_65 = tpu.memref_slice %arg4[%add3A_54, %dma_start3A_64] : memref<320000x128xf32, #tpu.memory_space<hbm>> -> memref<128x128xf32, #tpu.memory_space<hbm>>
        tpu.enqueue_dma source(%arg7 : memref<128x128xf32, #tpu.memory_space<vmem>>) target(%dma_start3A_65 : memref<128x128xf32, #tpu.memory_space<hbm>>) target_semaphore(%run_scoped3A : memref<!tpu.dma_semaphore, #tpu.memory_space<semaphore_mem>>)
        %dma_wait3A_66 = arith.constant 0 : i32
        %dma_wait3A_67 = tpu.memref_slice %arg4[%add3A_54, %dma_wait3A_66] : memref<320000x128xf32, #tpu.memory_space<hbm>> -> memref<128x128xf32, #tpu.memory_space<hbm>>
        %dma_wait3A_68 = arith.constant 0 : i32
        %dma_wait3A_69 = tpu.memref_slice %arg4[%add3A_54, %dma_wait3A_68] : memref<320000x128xf32, #tpu.memory_space<hbm>> -> memref<128x128xf32, #tpu.memory_space<hbm>>
        tpu.wait_dma2 semaphore(%run_scoped3A : memref<!tpu.dma_semaphore, #tpu.memory_space<semaphore_mem>>) src(%arg7 : memref<128x128xf32, #tpu.memory_space<vmem>>) dst(%dma_wait3A_69 : memref<128x128xf32, #tpu.memory_space<hbm>>)
        tpu.yield
      }) : () -> ()
      %add3A_55 = arith.constant 2 : i32
      %add3A_56 = arith.addi %add3A_46, %add3A_55 : i32
      %lt3A_57 = arith.constant 78 : i32
      %lt3A_58 = arith.cmpi slt, %add3A_56, %lt3A_57 : i32
      %convert_element_type3A_59 = arith.extui %lt3A_58 : i1 to i32
      %cond3A_60 = arith.constant 0 : i32
      %cond3A_61 = arith.cmpi ne, %convert_element_type3A_59, %cond3A_60 : i32
      scf.if %cond3A_61 {
        %add3A_62 = arith.constant 2 : i32
        %add3A_63 = arith.addi %add3A_46, %add3A_62 : i32
        %mul3A_64 = arith.constant 128 : i32
        %mul3A_65 = arith.muli %add3A_63, %mul3A_64 : i32
        %dma_start3A_66 = tpu.memref_slice %arg5[%mul3A_65] : memref<10112xi32, #tpu.memory_space<vmem>> -> memref<128xi32, #tpu.memory_space<vmem>>
        %dma_start3A_67 = arith.constant 0 : i32
        %dma_start3A_68 = arith.constant 0 : i32
        %dma_start3A_69 = tpu.memref_slice %arg2[%dma_start3A_67, %dma_start3A_68] : memref<10000x128xf32, #tpu.memory_space<hbm>> -> memref<10000x128xf32, #tpu.memory_space<hbm>>
        tpu.enqueue_indirect_dma source(%dma_start3A_69 : memref<10000x128xf32, #tpu.memory_space<hbm>>) target(%arg7 : memref<128x128xf32, #tpu.memory_space<vmem>>) offsets(%dma_start3A_66 : memref<128xi32, #tpu.memory_space<vmem>>) semaphore(%arg9 : memref<!tpu.dma_semaphore, #tpu.memory_space<semaphore_mem>>)
      } else {
      }
    }
    %scan3A_16 = arith.constant 39 : i32
    %dma_start3A_17 = arith.constant 9984 : i32
    %dma_start3A_18 = tpu.memref_slice %arg5[%dma_start3A_17] : memref<10112xi32, #tpu.memory_space<vmem>> -> memref<128xi32, #tpu.memory_space<vmem>>
    %dma_start3A_19 = arith.constant 0 : i32
    %dma_start3A_20 = arith.constant 0 : i32
    %dma_start3A_21 = tpu.memref_slice %arg2[%dma_start3A_19, %dma_start3A_20] : memref<10000x128xf32, #tpu.memory_space<hbm>> -> memref<10000x128xf32, #tpu.memory_space<hbm>>
    tpu.enqueue_indirect_dma source(%dma_start3A_21 : memref<10000x128xf32, #tpu.memory_space<hbm>>) target(%arg6 : memref<128x128xf32, #tpu.memory_space<vmem>>) offsets(%dma_start3A_18 : memref<128xi32, #tpu.memory_space<vmem>>) semaphore(%arg8 : memref<!tpu.dma_semaphore, #tpu.memory_space<semaphore_mem>>)
    %dma_wait3A = arith.constant 9984 : i32
    %dma_wait3A_22 = tpu.memref_slice %arg5[%dma_wait3A] : memref<10112xi32, #tpu.memory_space<vmem>> -> memref<128xi32, #tpu.memory_space<vmem>>
    %dma_wait3A_23 = arith.constant 0 : i32
    %dma_wait3A_24 = arith.constant 0 : i32
    %dma_wait3A_25 = tpu.memref_slice %arg2[%dma_wait3A_23, %dma_wait3A_24] : memref<10000x128xf32, #tpu.memory_space<hbm>> -> memref<10000x128xf32, #tpu.memory_space<hbm>>
    tpu.wait_indirect_dma semaphore(%arg8 : memref<!tpu.dma_semaphore, #tpu.memory_space<semaphore_mem>>) src(%dma_wait3A_25 : memref<10000x128xf32, #tpu.memory_space<hbm>>) dst(%arg6 : memref<128x128xf32, #tpu.memory_space<vmem>>)
    %add3A_26 = arith.constant 9984 : i32
    %add3A_27 = arith.addi %mul3A_2, %add3A_26 : i32
    "tpu.region"() ({
      %run_scoped3A = tpu.sem_alloc : memref<!tpu.dma_semaphore, #tpu.memory_space<semaphore_mem>>
      %dma_start3A_28 = arith.constant 0 : i32
      %dma_start3A_29 = arith.constant 0 : i32
      %dma_start3A_30 = tpu.memref_slice %arg6[%dma_start3A_28, %dma_start3A_29] : memref<128x128xf32, #tpu.memory_space<vmem>> -> memref<16x128xf32, #tpu.memory_space<vmem>>
      %dma_start3A_31 = arith.constant 0 : i32
      %dma_start3A_32 = tpu.memref_slice %arg4[%add3A_27, %dma_start3A_31] : memref<320000x128xf32, #tpu.memory_space<hbm>> -> memref<16x128xf32, #tpu.memory_space<hbm>>
      %dma_start3A_33 = arith.constant 0 : i32
      %dma_start3A_34 = tpu.memref_slice %arg4[%add3A_27, %dma_start3A_33] : memref<320000x128xf32, #tpu.memory_space<hbm>> -> memref<16x128xf32, #tpu.memory_space<hbm>>
      %dma_start3A_35 = arith.constant 0 : i32
      %dma_start3A_36 = arith.constant 0 : i32
      %dma_start3A_37 = tpu.memref_slice %arg6[%dma_start3A_35, %dma_start3A_36] : memref<128x128xf32, #tpu.memory_space<vmem>> -> memref<16x128xf32, #tpu.memory_space<vmem>>
      tpu.enqueue_dma source(%dma_start3A_37 : memref<16x128xf32, #tpu.memory_space<vmem>>) target(%dma_start3A_34 : memref<16x128xf32, #tpu.memory_space<hbm>>) target_semaphore(%run_scoped3A : memref<!tpu.dma_semaphore, #tpu.memory_space<semaphore_mem>>)
      %dma_wait3A_38 = arith.constant 0 : i32
      %dma_wait3A_39 = arith.constant 0 : i32
      %dma_wait3A_40 = tpu.memref_slice %arg6[%dma_wait3A_38, %dma_wait3A_39] : memref<128x128xf32, #tpu.memory_space<vmem>> -> memref<16x128xf32, #tpu.memory_space<vmem>>
      %dma_wait3A_41 = arith.constant 0 : i32
      %dma_wait3A_42 = tpu.memref_slice %arg4[%add3A_27, %dma_wait3A_41] : memref<320000x128xf32, #tpu.memory_space<hbm>> -> memref<16x128xf32, #tpu.memory_space<hbm>>
      %dma_wait3A_43 = arith.constant 0 : i32
      %dma_wait3A_44 = tpu.memref_slice %arg4[%add3A_27, %dma_wait3A_43] : memref<320000x128xf32, #tpu.memory_space<hbm>> -> memref<16x128xf32, #tpu.memory_space<hbm>>
      %dma_wait3A_45 = arith.constant 0 : i32
      %dma_wait3A_46 = arith.constant 0 : i32
      %dma_wait3A_47 = tpu.memref_slice %arg6[%dma_wait3A_45, %dma_wait3A_46] : memref<128x128xf32, #tpu.memory_space<vmem>> -> memref<16x128xf32, #tpu.memory_space<vmem>>
      tpu.wait_dma2 semaphore(%run_scoped3A : memref<!tpu.dma_semaphore, #tpu.memory_space<semaphore_mem>>) src(%dma_wait3A_47 : memref<16x128xf32, #tpu.memory_space<vmem>>) dst(%dma_wait3A_44 : memref<16x128xf32, #tpu.memory_space<hbm>>)
      tpu.yield
    }) : () -> ()
    return
  }
}

#map = affine_map<(d0, d1) -> (0, 0)>
#map1 = affine_map<(d0, d1) -> (0)>
module attributes {stable_mosaic.version = 14 : i64} {
  func.func @gk(%arg0: i32, %arg1: i32, %arg2: memref<10000x128xf32, #tpu.memory_space<hbm>>, %arg3: memref<320128xi32, #tpu.memory_space<hbm>>, %arg4: memref<320000x128xf32, #tpu.memory_space<hbm>>, %arg5: memref<10112xi32, #tpu.memory_space<vmem>>, %arg6: memref<128x128xf32, #tpu.memory_space<vmem>>, %arg7: memref<128x128xf32, #tpu.memory_space<vmem>>, %arg8: memref<!tpu.dma_semaphore, #tpu.memory_space<semaphore_mem>>, %arg9: memref<!tpu.dma_semaphore, #tpu.memory_space<semaphore_mem>>) attributes {dimension_semantics = [#tpu.dimension_semantics<core_parallel>, #tpu.dimension_semantics<subcore_parallel>], iteration_bounds = array<i64: 2, 16>, scalar_prefetch = 0 : i64, scratch_operands = 5 : i64, tpu.core_type = #tpu.core_type<sc_vector_subcore>, window_params = [{transform_indices = #map}, {transform_indices = #map1}, {transform_indices = #map}]} {
    %mul3A = arith.constant 2 : i32
    %mul3A_0 = arith.muli %arg1, %mul3A : i32
    %add3A = arith.addi %mul3A_0, %arg0 : i32
    %mul3A_1 = arith.constant 10000 : i32
    %mul3A_2 = arith.muli %add3A, %mul3A_1 : i32
    "tpu.region"() ({
      %run_scoped3A = tpu.sem_alloc : memref<!tpu.dma_semaphore, #tpu.memory_space<semaphore_mem>>
      %dma_start3A_28 = tpu.memref_slice %arg3[%mul3A_2] : memref<320128xi32, #tpu.memory_space<hbm>> -> memref<10112xi32, #tpu.memory_space<hbm>>
      %dma_start3A_29 = tpu.memref_slice %arg3[%mul3A_2] : memref<320128xi32, #tpu.memory_space<hbm>> -> memref<10112xi32, #tpu.memory_space<hbm>>
      tpu.enqueue_dma source(%dma_start3A_29 : memref<10112xi32, #tpu.memory_space<hbm>>) target(%arg5 : memref<10112xi32, #tpu.memory_space<vmem>>) target_semaphore(%run_scoped3A : memref<!tpu.dma_semaphore, #tpu.memory_space<semaphore_mem>>)
      %dma_wait3A_30 = tpu.memref_slice %arg3[%mul3A_2] : memref<320128xi32, #tpu.memory_space<hbm>> -> memref<10112xi32, #tpu.memory_space<hbm>>
      %dma_wait3A_31 = tpu.memref_slice %arg3[%mul3A_2] : memref<320128xi32, #tpu.memory_space<hbm>> -> memref<10112xi32, #tpu.memory_space<hbm>>
      tpu.wait_dma2 semaphore(%run_scoped3A : memref<!tpu.dma_semaphore, #tpu.memory_space<semaphore_mem>>) src(%dma_wait3A_31 : memref<10112xi32, #tpu.memory_space<hbm>>) dst(%arg5 : memref<10112xi32, #tpu.memory_space<vmem>>)
      tpu.yield
    }) : () -> ()
    %dma_start3A = arith.constant 0 : i32
    %dma_start3A_3 = tpu.memref_slice %arg5[%dma_start3A] : memref<10112xi32, #tpu.memory_space<vmem>> -> memref<128xi32, #tpu.memory_space<vmem>>
    %dma_start3A_4 = arith.constant 0 : i32
    %dma_start3A_5 = arith.constant 0 : i32
    %dma_start3A_6 = tpu.memref_slice %arg2[%dma_start3A_4, %dma_start3A_5] : memref<10000x128xf32, #tpu.memory_space<hbm>> -> memref<10000x128xf32, #tpu.memory_space<hbm>>
    tpu.enqueue_indirect_dma source(%dma_start3A_6 : memref<10000x128xf32, #tpu.memory_space<hbm>>) target(%arg6 : memref<128x128xf32, #tpu.memory_space<vmem>>) offsets(%dma_start3A_3 : memref<128xi32, #tpu.memory_space<vmem>>) semaphore(%arg8 : memref<!tpu.dma_semaphore, #tpu.memory_space<semaphore_mem>>)
    %dma_start3A_7 = arith.constant 128 : i32
    %dma_start3A_8 = tpu.memref_slice %arg5[%dma_start3A_7] : memref<10112xi32, #tpu.memory_space<vmem>> -> memref<128xi32, #tpu.memory_space<vmem>>
    %dma_start3A_9 = arith.constant 0 : i32
    %dma_start3A_10 = arith.constant 0 : i32
    %dma_start3A_11 = tpu.memref_slice %arg2[%dma_start3A_9, %dma_start3A_10] : memref<10000x128xf32, #tpu.memory_space<hbm>> -> memref<10000x128xf32, #tpu.memory_space<hbm>>
    tpu.enqueue_indirect_dma source(%dma_start3A_11 : memref<10000x128xf32, #tpu.memory_space<hbm>>) target(%arg7 : memref<128x128xf32, #tpu.memory_space<vmem>>) offsets(%dma_start3A_8 : memref<128xi32, #tpu.memory_space<vmem>>) semaphore(%arg9 : memref<!tpu.dma_semaphore, #tpu.memory_space<semaphore_mem>>)
    %scan3A = arith.constant 0 : i32
    %scan3A_12 = arith.constant 0 : i32
    %scan3A_13 = arith.constant 39 : i32
    %scan3A_14 = arith.addi %scan3A_12, %scan3A_13 : i32
    %scan3A_15 = arith.constant 1 : i32
    scf.for %scan3A_28 = %scan3A_12 to %scan3A_14 step %scan3A_15  : i32 {
      %mul3A_29 = arith.constant 2 : i32
      %mul3A_30 = arith.muli %mul3A_29, %scan3A_28 : i32
      %add3A_31 = arith.constant 0 : i32
      %add3A_32 = arith.addi %mul3A_30, %add3A_31 : i32
      %dma_wait3A_33 = arith.constant 0 : i32
      %dma_wait3A_34 = tpu.memref_slice %arg5[%dma_wait3A_33] : memref<10112xi32, #tpu.memory_space<vmem>> -> memref<128xi32, #tpu.memory_space<vmem>>
      %dma_wait3A_35 = arith.constant 0 : i32
      %dma_wait3A_36 = arith.constant 0 : i32
      %dma_wait3A_37 = tpu.memref_slice %arg2[%dma_wait3A_35, %dma_wait3A_36] : memref<10000x128xf32, #tpu.memory_space<hbm>> -> memref<10000x128xf32, #tpu.memory_space<hbm>>
      tpu.wait_indirect_dma semaphore(%arg8 : memref<!tpu.dma_semaphore, #tpu.memory_space<semaphore_mem>>) src(%dma_wait3A_37 : memref<10000x128xf32, #tpu.memory_space<hbm>>) dst(%arg6 : memref<128x128xf32, #tpu.memory_space<vmem>>)
      %mul3A_38 = arith.constant 128 : i32
      %mul3A_39 = arith.muli %add3A_32, %mul3A_38 : i32
      %add3A_40 = arith.addi %mul3A_2, %mul3A_39 : i32
      "tpu.region"() ({
        %run_scoped3A = tpu.sem_alloc : memref<!tpu.dma_semaphore, #tpu.memory_space<semaphore_mem>>
        %dma_start3A_62 = arith.constant 0 : i32
        %dma_start3A_63 = tpu.memref_slice %arg4[%add3A_40, %dma_start3A_62] : memref<320000x128xf32, #tpu.memory_space<hbm>> -> memref<128x128xf32, #tpu.memory_space<hbm>>
        %dma_start3A_64 = arith.constant 0 : i32
        %dma_start3A_65 = tpu.memref_slice %arg4[%add3A_40, %dma_start3A_64] : memref<320000x128xf32, #tpu.memory_space<hbm>> -> memref<128x128xf32, #tpu.memory_space<hbm>>
        tpu.enqueue_dma source(%arg6 : memref<128x128xf32, #tpu.memory_space<vmem>>) target(%dma_start3A_65 : memref<128x128xf32, #tpu.memory_space<hbm>>) target_semaphore(%run_scoped3A : memref<!tpu.dma_semaphore, #tpu.memory_space<semaphore_mem>>)
        %dma_wait3A_66 = arith.constant 0 : i32
        %dma_wait3A_67 = tpu.memref_slice %arg4[%add3A_40, %dma_wait3A_66] : memref<320000x128xf32, #tpu.memory_space<hbm>> -> memref<128x128xf32, #tpu.memory_space<hbm>>
        %dma_wait3A_68 = arith.constant 0 : i32
        %dma_wait3A_69 = tpu.memref_slice %arg4[%add3A_40, %dma_wait3A_68] : memref<320000x128xf32, #tpu.memory_space<hbm>> -> memref<128x128xf32, #tpu.memory_space<hbm>>
        tpu.wait_dma2 semaphore(%run_scoped3A : memref<!tpu.dma_semaphore, #tpu.memory_space<semaphore_mem>>) src(%arg6 : memref<128x128xf32, #tpu.memory_space<vmem>>) dst(%dma_wait3A_69 : memref<128x128xf32, #tpu.memory_space<hbm>>)
        tpu.yield
      }) : () -> ()
      %add3A_41 = arith.constant 2 : i32
      %add3A_42 = arith.addi %add3A_32, %add3A_41 : i32
      %lt3A = arith.constant 78 : i32
      %lt3A_43 = arith.cmpi slt, %add3A_42, %lt3A : i32
      %convert_element_type3A = arith.extui %lt3A_43 : i1 to i32
      %cond3A = arith.constant 0 : i32
      %cond3A_44 = arith.cmpi ne, %convert_element_type3A, %cond3A : i32
      scf.if %cond3A_44 {
        %add3A_62 = arith.constant 2 : i32
        %add3A_63 = arith.addi %add3A_32, %add3A_62 : i32
        %mul3A_64 = arith.constant 128 : i32
        %mul3A_65 = arith.muli %add3A_63, %mul3A_64 : i32
        %dma_start3A_66 = tpu.memref_slice %arg5[%mul3A_65] : memref<10112xi32, #tpu.memory_space<vmem>> -> memref<128xi32, #tpu.memory_space<vmem>>
        %dma_start3A_67 = arith.constant 0 : i32
        %dma_start3A_68 = arith.constant 0 : i32
        %dma_start3A_69 = tpu.memref_slice %arg2[%dma_start3A_67, %dma_start3A_68] : memref<10000x128xf32, #tpu.memory_space<hbm>> -> memref<10000x128xf32, #tpu.memory_space<hbm>>
        tpu.enqueue_indirect_dma source(%dma_start3A_69 : memref<10000x128xf32, #tpu.memory_space<hbm>>) target(%arg6 : memref<128x128xf32, #tpu.memory_space<vmem>>) offsets(%dma_start3A_66 : memref<128xi32, #tpu.memory_space<vmem>>) semaphore(%arg8 : memref<!tpu.dma_semaphore, #tpu.memory_space<semaphore_mem>>)
      } else {
      }
      %add3A_45 = arith.constant 1 : i32
      %add3A_46 = arith.addi %mul3A_30, %add3A_45 : i32
      %dma_wait3A_47 = arith.constant 0 : i32
      %dma_wait3A_48 = tpu.memref_slice %arg5[%dma_wait3A_47] : memref<10112xi32, #tpu.memory_space<vmem>> -> memref<128xi32, #tpu.memory_space<vmem>>
      %dma_wait3A_49 = arith.constant 0 : i32
      %dma_wait3A_50 = arith.constant 0 : i32
      %dma_wait3A_51 = tpu.memref_slice %arg2[%dma_wait3A_49, %dma_wait3A_50] : memref<10000x128xf32, #tpu.memory_space<hbm>> -> memref<10000x128xf32, #tpu.memory_space<hbm>>
      tpu.wait_indirect_dma semaphore(%arg9 : memref<!tpu.dma_semaphore, #tpu.memory_space<semaphore_mem>>) src(%dma_wait3A_51 : memref<10000x128xf32, #tpu.memory_space<hbm>>) dst(%arg7 : memref<128x128xf32, #tpu.memory_space<vmem>>)
      %mul3A_52 = arith.constant 128 : i32
      %mul3A_53 = arith.muli %add3A_46, %mul3A_52 : i32
      %add3A_54 = arith.addi %mul3A_2, %mul3A_53 : i32
      "tpu.region"() ({
        %run_scoped3A = tpu.sem_alloc : memref<!tpu.dma_semaphore, #tpu.memory_space<semaphore_mem>>
        %dma_start3A_62 = arith.constant 0 : i32
        %dma_start3A_63 = tpu.memref_slice %arg4[%add3A_54, %dma_start3A_62] : memref<320000x128xf32, #tpu.memory_space<hbm>> -> memref<128x128xf32, #tpu.memory_space<hbm>>
        %dma_start3A_64 = arith.constant 0 : i32
        %dma_start3A_65 = tpu.memref_slice %arg4[%add3A_54, %dma_start3A_64] : memref<320000x128xf32, #tpu.memory_space<hbm>> -> memref<128x128xf32, #tpu.memory_space<hbm>>
        tpu.enqueue_dma source(%arg7 : memref<128x128xf32, #tpu.memory_space<vmem>>) target(%dma_start3A_65 : memref<128x128xf32, #tpu.memory_space<hbm>>) target_semaphore(%run_scoped3A : memref<!tpu.dma_semaphore, #tpu.memory_space<semaphore_mem>>)
        %dma_wait3A_66 = arith.constant 0 : i32
        %dma_wait3A_67 = tpu.memref_slice %arg4[%add3A_54, %dma_wait3A_66] : memref<320000x128xf32, #tpu.memory_space<hbm>> -> memref<128x128xf32, #tpu.memory_space<hbm>>
        %dma_wait3A_68 = arith.constant 0 : i32
        %dma_wait3A_69 = tpu.memref_slice %arg4[%add3A_54, %dma_wait3A_68] : memref<320000x128xf32, #tpu.memory_space<hbm>> -> memref<128x128xf32, #tpu.memory_space<hbm>>
        tpu.wait_dma2 semaphore(%run_scoped3A : memref<!tpu.dma_semaphore, #tpu.memory_space<semaphore_mem>>) src(%arg7 : memref<128x128xf32, #tpu.memory_space<vmem>>) dst(%dma_wait3A_69 : memref<128x128xf32, #tpu.memory_space<hbm>>)
        tpu.yield
      }) : () -> ()
      %add3A_55 = arith.constant 2 : i32
      %add3A_56 = arith.addi %add3A_46, %add3A_55 : i32
      %lt3A_57 = arith.constant 78 : i32
      %lt3A_58 = arith.cmpi slt, %add3A_56, %lt3A_57 : i32
      %convert_element_type3A_59 = arith.extui %lt3A_58 : i1 to i32
      %cond3A_60 = arith.constant 0 : i32
      %cond3A_61 = arith.cmpi ne, %convert_element_type3A_59, %cond3A_60 : i32
      scf.if %cond3A_61 {
        %add3A_62 = arith.constant 2 : i32
        %add3A_63 = arith.addi %add3A_46, %add3A_62 : i32
        %mul3A_64 = arith.constant 128 : i32
        %mul3A_65 = arith.muli %add3A_63, %mul3A_64 : i32
        %dma_start3A_66 = tpu.memref_slice %arg5[%mul3A_65] : memref<10112xi32, #tpu.memory_space<vmem>> -> memref<128xi32, #tpu.memory_space<vmem>>
        %dma_start3A_67 = arith.constant 0 : i32
        %dma_start3A_68 = arith.constant 0 : i32
        %dma_start3A_69 = tpu.memref_slice %arg2[%dma_start3A_67, %dma_start3A_68] : memref<10000x128xf32, #tpu.memory_space<hbm>> -> memref<10000x128xf32, #tpu.memory_space<hbm>>
        tpu.enqueue_indirect_dma source(%dma_start3A_69 : memref<10000x128xf32, #tpu.memory_space<hbm>>) target(%arg7 : memref<128x128xf32, #tpu.memory_space<vmem>>) offsets(%dma_start3A_66 : memref<128xi32, #tpu.memory_space<vmem>>) semaphore(%arg9 : memref<!tpu.dma_semaphore, #tpu.memory_space<semaphore_mem>>)
      } else {
      }
    }
    %scan3A_16 = arith.constant 39 : i32
    %dma_start3A_17 = arith.constant 9984 : i32
    %dma_start3A_18 = tpu.memref_slice %arg5[%dma_start3A_17] : memref<10112xi32, #tpu.memory_space<vmem>> -> memref<128xi32, #tpu.memory_space<vmem>>
    %dma_start3A_19 = arith.constant 0 : i32
    %dma_start3A_20 = arith.constant 0 : i32
    %dma_start3A_21 = tpu.memref_slice %arg2[%dma_start3A_19, %dma_start3A_20] : memref<10000x128xf32, #tpu.memory_space<hbm>> -> memref<10000x128xf32, #tpu.memory_space<hbm>>
    tpu.enqueue_indirect_dma source(%dma_start3A_21 : memref<10000x128xf32, #tpu.memory_space<hbm>>) target(%arg6 : memref<128x128xf32, #tpu.memory_space<vmem>>) offsets(%dma_start3A_18 : memref<128xi32, #tpu.memory_space<vmem>>) semaphore(%arg8 : memref<!tpu.dma_semaphore, #tpu.memory_space<semaphore_mem>>)
    %dma_wait3A = arith.constant 9984 : i32
    %dma_wait3A_22 = tpu.memref_slice %arg5[%dma_wait3A] : memref<10112xi32, #tpu.memory_space<vmem>> -> memref<128xi32, #tpu.memory_space<vmem>>
    %dma_wait3A_23 = arith.constant 0 : i32
    %dma_wait3A_24 = arith.constant 0 : i32
    %dma_wait3A_25 = tpu.memref_slice %arg2[%dma_wait3A_23, %dma_wait3A_24] : memref<10000x128xf32, #tpu.memory_space<hbm>> -> memref<10000x128xf32, #tpu.memory_space<hbm>>
    tpu.wait_indirect_dma semaphore(%arg8 : memref<!tpu.dma_semaphore, #tpu.memory_space<semaphore_mem>>) src(%dma_wait3A_25 : memref<10000x128xf32, #tpu.memory_space<hbm>>) dst(%arg6 : memref<128x128xf32, #tpu.memory_space<vmem>>)
    %add3A_26 = arith.constant 9984 : i32
    %add3A_27 = arith.addi %mul3A_2, %add3A_26 : i32
    "tpu.region"() ({
      %run_scoped3A = tpu.sem_alloc : memref<!tpu.dma_semaphore, #tpu.memory_space<semaphore_mem>>
      %dma_start3A_28 = arith.constant 0 : i32
      %dma_start3A_29 = arith.constant 0 : i32
      %dma_start3A_30 = tpu.memref_slice %arg6[%dma_start3A_28, %dma_start3A_29] : memref<128x128xf32, #tpu.memory_space<vmem>> -> memref<16x128xf32, #tpu.memory_space<vmem>>
      %dma_start3A_31 = arith.constant 0 : i32
      %dma_start3A_32 = tpu.memref_slice %arg4[%add3A_27, %dma_start3A_31] : memref<320000x128xf32, #tpu.memory_space<hbm>> -> memref<16x128xf32, #tpu.memory_space<hbm>>
      %dma_start3A_33 = arith.constant 0 : i32
      %dma_start3A_34 = tpu.memref_slice %arg4[%add3A_27, %dma_start3A_33] : memref<320000x128xf32, #tpu.memory_space<hbm>> -> memref<16x128xf32, #tpu.memory_space<hbm>>
      %dma_start3A_35 = arith.constant 0 : i32
      %dma_start3A_36 = arith.constant 0 : i32
      %dma_start3A_37 = tpu.memref_slice %arg6[%dma_start3A_35, %dma_start3A_36] : memref<128x128xf32, #tpu.memory_space<vmem>> -> memref<16x128xf32, #tpu.memory_space<vmem>>
      tpu.enqueue_dma source(%dma_start3A_37 : memref<16x128xf32, #tpu.memory_space<vmem>>) target(%dma_start3A_34 : memref<16x128xf32, #tpu.memory_space<hbm>>) target_semaphore(%run_scoped3A : memref<!tpu.dma_semaphore, #tpu.memory_space<semaphore_mem>>)
      %dma_wait3A_38 = arith.constant 0 : i32
      %dma_wait3A_39 = arith.constant 0 : i32
      %dma_wait3A_40 = tpu.memref_slice %arg6[%dma_wait3A_38, %dma_wait3A_39] : memref<128x128xf32, #tpu.memory_space<vmem>> -> memref<16x128xf32, #tpu.memory_space<vmem>>
      %dma_wait3A_41 = arith.constant 0 : i32
      %dma_wait3A_42 = tpu.memref_slice %arg4[%add3A_27, %dma_wait3A_41] : memref<320000x128xf32, #tpu.memory_space<hbm>> -> memref<16x128xf32, #tpu.memory_space<hbm>>
      %dma_wait3A_43 = arith.constant 0 : i32
      %dma_wait3A_44 = tpu.memref_slice %arg4[%add3A_27, %dma_wait3A_43] : memref<320000x128xf32, #tpu.memory_space<hbm>> -> memref<16x128xf32, #tpu.memory_space<hbm>>
      %dma_wait3A_45 = arith.constant 0 : i32
      %dma_wait3A_46 = arith.constant 0 : i32
      %dma_wait3A_47 = tpu.memref_slice %arg6[%dma_wait3A_45, %dma_wait3A_46] : memref<128x128xf32, #tpu.memory_space<vmem>> -> memref<16x128xf32, #tpu.memory_space<vmem>>
      tpu.wait_dma2 semaphore(%run_scoped3A : memref<!tpu.dma_semaphore, #tpu.memory_space<semaphore_mem>>) src(%dma_wait3A_47 : memref<16x128xf32, #tpu.memory_space<vmem>>) dst(%dma_wait3A_44 : memref<16x128xf32, #tpu.memory_space<hbm>>)
      tpu.yield
    }) : () -> ()
    return
  }
}

#map = affine_map<(d0, d1) -> (0, 0)>
#map1 = affine_map<(d0, d1) -> (0)>
module attributes {stable_mosaic.version = 14 : i64} {
  func.func @gk(%arg0: i32, %arg1: i32, %arg2: memref<10000x128xf32, #tpu.memory_space<hbm>>, %arg3: memref<320128xi32, #tpu.memory_space<hbm>>, %arg4: memref<320000x128xf32, #tpu.memory_space<hbm>>, %arg5: memref<10112xi32, #tpu.memory_space<vmem>>, %arg6: memref<128x128xf32, #tpu.memory_space<vmem>>, %arg7: memref<128x128xf32, #tpu.memory_space<vmem>>, %arg8: memref<!tpu.dma_semaphore, #tpu.memory_space<semaphore_mem>>, %arg9: memref<!tpu.dma_semaphore, #tpu.memory_space<semaphore_mem>>) attributes {dimension_semantics = [#tpu.dimension_semantics<core_parallel>, #tpu.dimension_semantics<subcore_parallel>], iteration_bounds = array<i64: 2, 16>, scalar_prefetch = 0 : i64, scratch_operands = 5 : i64, tpu.core_type = #tpu.core_type<sc_vector_subcore>, window_params = [{transform_indices = #map}, {transform_indices = #map1}, {transform_indices = #map}]} {
    %mul3A = arith.constant 2 : i32
    %mul3A_0 = arith.muli %arg1, %mul3A : i32
    %add3A = arith.addi %mul3A_0, %arg0 : i32
    %mul3A_1 = arith.constant 10000 : i32
    %mul3A_2 = arith.muli %add3A, %mul3A_1 : i32
    "tpu.region"() ({
      %run_scoped3A = tpu.sem_alloc : memref<!tpu.dma_semaphore, #tpu.memory_space<semaphore_mem>>
      %dma_start3A_28 = tpu.memref_slice %arg3[%mul3A_2] : memref<320128xi32, #tpu.memory_space<hbm>> -> memref<10112xi32, #tpu.memory_space<hbm>>
      %dma_start3A_29 = tpu.memref_slice %arg3[%mul3A_2] : memref<320128xi32, #tpu.memory_space<hbm>> -> memref<10112xi32, #tpu.memory_space<hbm>>
      tpu.enqueue_dma source(%dma_start3A_29 : memref<10112xi32, #tpu.memory_space<hbm>>) target(%arg5 : memref<10112xi32, #tpu.memory_space<vmem>>) target_semaphore(%run_scoped3A : memref<!tpu.dma_semaphore, #tpu.memory_space<semaphore_mem>>)
      %dma_wait3A_30 = tpu.memref_slice %arg3[%mul3A_2] : memref<320128xi32, #tpu.memory_space<hbm>> -> memref<10112xi32, #tpu.memory_space<hbm>>
      %dma_wait3A_31 = tpu.memref_slice %arg3[%mul3A_2] : memref<320128xi32, #tpu.memory_space<hbm>> -> memref<10112xi32, #tpu.memory_space<hbm>>
      tpu.wait_dma2 semaphore(%run_scoped3A : memref<!tpu.dma_semaphore, #tpu.memory_space<semaphore_mem>>) src(%dma_wait3A_31 : memref<10112xi32, #tpu.memory_space<hbm>>) dst(%arg5 : memref<10112xi32, #tpu.memory_space<vmem>>)
      tpu.yield
    }) : () -> ()
    %dma_start3A = arith.constant 0 : i32
    %dma_start3A_3 = tpu.memref_slice %arg5[%dma_start3A] : memref<10112xi32, #tpu.memory_space<vmem>> -> memref<128xi32, #tpu.memory_space<vmem>>
    %dma_start3A_4 = arith.constant 0 : i32
    %dma_start3A_5 = arith.constant 0 : i32
    %dma_start3A_6 = tpu.memref_slice %arg2[%dma_start3A_4, %dma_start3A_5] : memref<10000x128xf32, #tpu.memory_space<hbm>> -> memref<10000x128xf32, #tpu.memory_space<hbm>>
    tpu.enqueue_indirect_dma source(%dma_start3A_6 : memref<10000x128xf32, #tpu.memory_space<hbm>>) target(%arg6 : memref<128x128xf32, #tpu.memory_space<vmem>>) offsets(%dma_start3A_3 : memref<128xi32, #tpu.memory_space<vmem>>) semaphore(%arg8 : memref<!tpu.dma_semaphore, #tpu.memory_space<semaphore_mem>>)
    %dma_start3A_7 = arith.constant 128 : i32
    %dma_start3A_8 = tpu.memref_slice %arg5[%dma_start3A_7] : memref<10112xi32, #tpu.memory_space<vmem>> -> memref<128xi32, #tpu.memory_space<vmem>>
    %dma_start3A_9 = arith.constant 0 : i32
    %dma_start3A_10 = arith.constant 0 : i32
    %dma_start3A_11 = tpu.memref_slice %arg2[%dma_start3A_9, %dma_start3A_10] : memref<10000x128xf32, #tpu.memory_space<hbm>> -> memref<10000x128xf32, #tpu.memory_space<hbm>>
    tpu.enqueue_indirect_dma source(%dma_start3A_11 : memref<10000x128xf32, #tpu.memory_space<hbm>>) target(%arg7 : memref<128x128xf32, #tpu.memory_space<vmem>>) offsets(%dma_start3A_8 : memref<128xi32, #tpu.memory_space<vmem>>) semaphore(%arg9 : memref<!tpu.dma_semaphore, #tpu.memory_space<semaphore_mem>>)
    %scan3A = arith.constant 0 : i32
    %scan3A_12 = arith.constant 0 : i32
    %scan3A_13 = arith.constant 39 : i32
    %scan3A_14 = arith.addi %scan3A_12, %scan3A_13 : i32
    %scan3A_15 = arith.constant 1 : i32
    scf.for %scan3A_28 = %scan3A_12 to %scan3A_14 step %scan3A_15  : i32 {
      %mul3A_29 = arith.constant 2 : i32
      %mul3A_30 = arith.muli %mul3A_29, %scan3A_28 : i32
      %add3A_31 = arith.constant 0 : i32
      %add3A_32 = arith.addi %mul3A_30, %add3A_31 : i32
      %dma_wait3A_33 = arith.constant 0 : i32
      %dma_wait3A_34 = tpu.memref_slice %arg5[%dma_wait3A_33] : memref<10112xi32, #tpu.memory_space<vmem>> -> memref<128xi32, #tpu.memory_space<vmem>>
      %dma_wait3A_35 = arith.constant 0 : i32
      %dma_wait3A_36 = arith.constant 0 : i32
      %dma_wait3A_37 = tpu.memref_slice %arg2[%dma_wait3A_35, %dma_wait3A_36] : memref<10000x128xf32, #tpu.memory_space<hbm>> -> memref<10000x128xf32, #tpu.memory_space<hbm>>
      tpu.wait_indirect_dma semaphore(%arg8 : memref<!tpu.dma_semaphore, #tpu.memory_space<semaphore_mem>>) src(%dma_wait3A_37 : memref<10000x128xf32, #tpu.memory_space<hbm>>) dst(%arg6 : memref<128x128xf32, #tpu.memory_space<vmem>>)
      %mul3A_38 = arith.constant 128 : i32
      %mul3A_39 = arith.muli %add3A_32, %mul3A_38 : i32
      %add3A_40 = arith.addi %mul3A_2, %mul3A_39 : i32
      "tpu.region"() ({
        %run_scoped3A = tpu.sem_alloc : memref<!tpu.dma_semaphore, #tpu.memory_space<semaphore_mem>>
        %dma_start3A_62 = arith.constant 0 : i32
        %dma_start3A_63 = tpu.memref_slice %arg4[%add3A_40, %dma_start3A_62] : memref<320000x128xf32, #tpu.memory_space<hbm>> -> memref<128x128xf32, #tpu.memory_space<hbm>>
        %dma_start3A_64 = arith.constant 0 : i32
        %dma_start3A_65 = tpu.memref_slice %arg4[%add3A_40, %dma_start3A_64] : memref<320000x128xf32, #tpu.memory_space<hbm>> -> memref<128x128xf32, #tpu.memory_space<hbm>>
        tpu.enqueue_dma source(%arg6 : memref<128x128xf32, #tpu.memory_space<vmem>>) target(%dma_start3A_65 : memref<128x128xf32, #tpu.memory_space<hbm>>) target_semaphore(%run_scoped3A : memref<!tpu.dma_semaphore, #tpu.memory_space<semaphore_mem>>)
        %dma_wait3A_66 = arith.constant 0 : i32
        %dma_wait3A_67 = tpu.memref_slice %arg4[%add3A_40, %dma_wait3A_66] : memref<320000x128xf32, #tpu.memory_space<hbm>> -> memref<128x128xf32, #tpu.memory_space<hbm>>
        %dma_wait3A_68 = arith.constant 0 : i32
        %dma_wait3A_69 = tpu.memref_slice %arg4[%add3A_40, %dma_wait3A_68] : memref<320000x128xf32, #tpu.memory_space<hbm>> -> memref<128x128xf32, #tpu.memory_space<hbm>>
        tpu.wait_dma2 semaphore(%run_scoped3A : memref<!tpu.dma_semaphore, #tpu.memory_space<semaphore_mem>>) src(%arg6 : memref<128x128xf32, #tpu.memory_space<vmem>>) dst(%dma_wait3A_69 : memref<128x128xf32, #tpu.memory_space<hbm>>)
        tpu.yield
      }) : () -> ()
      %add3A_41 = arith.constant 2 : i32
      %add3A_42 = arith.addi %add3A_32, %add3A_41 : i32
      %lt3A = arith.constant 78 : i32
      %lt3A_43 = arith.cmpi slt, %add3A_42, %lt3A : i32
      %convert_element_type3A = arith.extui %lt3A_43 : i1 to i32
      %cond3A = arith.constant 0 : i32
      %cond3A_44 = arith.cmpi ne, %convert_element_type3A, %cond3A : i32
      scf.if %cond3A_44 {
        %add3A_62 = arith.constant 2 : i32
        %add3A_63 = arith.addi %add3A_32, %add3A_62 : i32
        %mul3A_64 = arith.constant 128 : i32
        %mul3A_65 = arith.muli %add3A_63, %mul3A_64 : i32
        %dma_start3A_66 = tpu.memref_slice %arg5[%mul3A_65] : memref<10112xi32, #tpu.memory_space<vmem>> -> memref<128xi32, #tpu.memory_space<vmem>>
        %dma_start3A_67 = arith.constant 0 : i32
        %dma_start3A_68 = arith.constant 0 : i32
        %dma_start3A_69 = tpu.memref_slice %arg2[%dma_start3A_67, %dma_start3A_68] : memref<10000x128xf32, #tpu.memory_space<hbm>> -> memref<10000x128xf32, #tpu.memory_space<hbm>>
        tpu.enqueue_indirect_dma source(%dma_start3A_69 : memref<10000x128xf32, #tpu.memory_space<hbm>>) target(%arg6 : memref<128x128xf32, #tpu.memory_space<vmem>>) offsets(%dma_start3A_66 : memref<128xi32, #tpu.memory_space<vmem>>) semaphore(%arg8 : memref<!tpu.dma_semaphore, #tpu.memory_space<semaphore_mem>>)
      } else {
      }
      %add3A_45 = arith.constant 1 : i32
      %add3A_46 = arith.addi %mul3A_30, %add3A_45 : i32
      %dma_wait3A_47 = arith.constant 0 : i32
      %dma_wait3A_48 = tpu.memref_slice %arg5[%dma_wait3A_47] : memref<10112xi32, #tpu.memory_space<vmem>> -> memref<128xi32, #tpu.memory_space<vmem>>
      %dma_wait3A_49 = arith.constant 0 : i32
      %dma_wait3A_50 = arith.constant 0 : i32
      %dma_wait3A_51 = tpu.memref_slice %arg2[%dma_wait3A_49, %dma_wait3A_50] : memref<10000x128xf32, #tpu.memory_space<hbm>> -> memref<10000x128xf32, #tpu.memory_space<hbm>>
      tpu.wait_indirect_dma semaphore(%arg9 : memref<!tpu.dma_semaphore, #tpu.memory_space<semaphore_mem>>) src(%dma_wait3A_51 : memref<10000x128xf32, #tpu.memory_space<hbm>>) dst(%arg7 : memref<128x128xf32, #tpu.memory_space<vmem>>)
      %mul3A_52 = arith.constant 128 : i32
      %mul3A_53 = arith.muli %add3A_46, %mul3A_52 : i32
      %add3A_54 = arith.addi %mul3A_2, %mul3A_53 : i32
      "tpu.region"() ({
        %run_scoped3A = tpu.sem_alloc : memref<!tpu.dma_semaphore, #tpu.memory_space<semaphore_mem>>
        %dma_start3A_62 = arith.constant 0 : i32
        %dma_start3A_63 = tpu.memref_slice %arg4[%add3A_54, %dma_start3A_62] : memref<320000x128xf32, #tpu.memory_space<hbm>> -> memref<128x128xf32, #tpu.memory_space<hbm>>
        %dma_start3A_64 = arith.constant 0 : i32
        %dma_start3A_65 = tpu.memref_slice %arg4[%add3A_54, %dma_start3A_64] : memref<320000x128xf32, #tpu.memory_space<hbm>> -> memref<128x128xf32, #tpu.memory_space<hbm>>
        tpu.enqueue_dma source(%arg7 : memref<128x128xf32, #tpu.memory_space<vmem>>) target(%dma_start3A_65 : memref<128x128xf32, #tpu.memory_space<hbm>>) target_semaphore(%run_scoped3A : memref<!tpu.dma_semaphore, #tpu.memory_space<semaphore_mem>>)
        %dma_wait3A_66 = arith.constant 0 : i32
        %dma_wait3A_67 = tpu.memref_slice %arg4[%add3A_54, %dma_wait3A_66] : memref<320000x128xf32, #tpu.memory_space<hbm>> -> memref<128x128xf32, #tpu.memory_space<hbm>>
        %dma_wait3A_68 = arith.constant 0 : i32
        %dma_wait3A_69 = tpu.memref_slice %arg4[%add3A_54, %dma_wait3A_68] : memref<320000x128xf32, #tpu.memory_space<hbm>> -> memref<128x128xf32, #tpu.memory_space<hbm>>
        tpu.wait_dma2 semaphore(%run_scoped3A : memref<!tpu.dma_semaphore, #tpu.memory_space<semaphore_mem>>) src(%arg7 : memref<128x128xf32, #tpu.memory_space<vmem>>) dst(%dma_wait3A_69 : memref<128x128xf32, #tpu.memory_space<hbm>>)
        tpu.yield
      }) : () -> ()
      %add3A_55 = arith.constant 2 : i32
      %add3A_56 = arith.addi %add3A_46, %add3A_55 : i32
      %lt3A_57 = arith.constant 78 : i32
      %lt3A_58 = arith.cmpi slt, %add3A_56, %lt3A_57 : i32
      %convert_element_type3A_59 = arith.extui %lt3A_58 : i1 to i32
      %cond3A_60 = arith.constant 0 : i32
      %cond3A_61 = arith.cmpi ne, %convert_element_type3A_59, %cond3A_60 : i32
      scf.if %cond3A_61 {
        %add3A_62 = arith.constant 2 : i32
        %add3A_63 = arith.addi %add3A_46, %add3A_62 : i32
        %mul3A_64 = arith.constant 128 : i32
        %mul3A_65 = arith.muli %add3A_63, %mul3A_64 : i32
        %dma_start3A_66 = tpu.memref_slice %arg5[%mul3A_65] : memref<10112xi32, #tpu.memory_space<vmem>> -> memref<128xi32, #tpu.memory_space<vmem>>
        %dma_start3A_67 = arith.constant 0 : i32
        %dma_start3A_68 = arith.constant 0 : i32
        %dma_start3A_69 = tpu.memref_slice %arg2[%dma_start3A_67, %dma_start3A_68] : memref<10000x128xf32, #tpu.memory_space<hbm>> -> memref<10000x128xf32, #tpu.memory_space<hbm>>
        tpu.enqueue_indirect_dma source(%dma_start3A_69 : memref<10000x128xf32, #tpu.memory_space<hbm>>) target(%arg7 : memref<128x128xf32, #tpu.memory_space<vmem>>) offsets(%dma_start3A_66 : memref<128xi32, #tpu.memory_space<vmem>>) semaphore(%arg9 : memref<!tpu.dma_semaphore, #tpu.memory_space<semaphore_mem>>)
      } else {
      }
    }
    %scan3A_16 = arith.constant 39 : i32
    %dma_start3A_17 = arith.constant 9984 : i32
    %dma_start3A_18 = tpu.memref_slice %arg5[%dma_start3A_17] : memref<10112xi32, #tpu.memory_space<vmem>> -> memref<128xi32, #tpu.memory_space<vmem>>
    %dma_start3A_19 = arith.constant 0 : i32
    %dma_start3A_20 = arith.constant 0 : i32
    %dma_start3A_21 = tpu.memref_slice %arg2[%dma_start3A_19, %dma_start3A_20] : memref<10000x128xf32, #tpu.memory_space<hbm>> -> memref<10000x128xf32, #tpu.memory_space<hbm>>
    tpu.enqueue_indirect_dma source(%dma_start3A_21 : memref<10000x128xf32, #tpu.memory_space<hbm>>) target(%arg6 : memref<128x128xf32, #tpu.memory_space<vmem>>) offsets(%dma_start3A_18 : memref<128xi32, #tpu.memory_space<vmem>>) semaphore(%arg8 : memref<!tpu.dma_semaphore, #tpu.memory_space<semaphore_mem>>)
    %dma_wait3A = arith.constant 9984 : i32
    %dma_wait3A_22 = tpu.memref_slice %arg5[%dma_wait3A] : memref<10112xi32, #tpu.memory_space<vmem>> -> memref<128xi32, #tpu.memory_space<vmem>>
    %dma_wait3A_23 = arith.constant 0 : i32
    %dma_wait3A_24 = arith.constant 0 : i32
    %dma_wait3A_25 = tpu.memref_slice %arg2[%dma_wait3A_23, %dma_wait3A_24] : memref<10000x128xf32, #tpu.memory_space<hbm>> -> memref<10000x128xf32, #tpu.memory_space<hbm>>
    tpu.wait_indirect_dma semaphore(%arg8 : memref<!tpu.dma_semaphore, #tpu.memory_space<semaphore_mem>>) src(%dma_wait3A_25 : memref<10000x128xf32, #tpu.memory_space<hbm>>) dst(%arg6 : memref<128x128xf32, #tpu.memory_space<vmem>>)
    %add3A_26 = arith.constant 9984 : i32
    %add3A_27 = arith.addi %mul3A_2, %add3A_26 : i32
    "tpu.region"() ({
      %run_scoped3A = tpu.sem_alloc : memref<!tpu.dma_semaphore, #tpu.memory_space<semaphore_mem>>
      %dma_start3A_28 = arith.constant 0 : i32
      %dma_start3A_29 = arith.constant 0 : i32
      %dma_start3A_30 = tpu.memref_slice %arg6[%dma_start3A_28, %dma_start3A_29] : memref<128x128xf32, #tpu.memory_space<vmem>> -> memref<16x128xf32, #tpu.memory_space<vmem>>
      %dma_start3A_31 = arith.constant 0 : i32
      %dma_start3A_32 = tpu.memref_slice %arg4[%add3A_27, %dma_start3A_31] : memref<320000x128xf32, #tpu.memory_space<hbm>> -> memref<16x128xf32, #tpu.memory_space<hbm>>
      %dma_start3A_33 = arith.constant 0 : i32
      %dma_start3A_34 = tpu.memref_slice %arg4[%add3A_27, %dma_start3A_33] : memref<320000x128xf32, #tpu.memory_space<hbm>> -> memref<16x128xf32, #tpu.memory_space<hbm>>
      %dma_start3A_35 = arith.constant 0 : i32
      %dma_start3A_36 = arith.constant 0 : i32
      %dma_start3A_37 = tpu.memref_slice %arg6[%dma_start3A_35, %dma_start3A_36] : memref<128x128xf32, #tpu.memory_space<vmem>> -> memref<16x128xf32, #tpu.memory_space<vmem>>
      tpu.enqueue_dma source(%dma_start3A_37 : memref<16x128xf32, #tpu.memory_space<vmem>>) target(%dma_start3A_34 : memref<16x128xf32, #tpu.memory_space<hbm>>) target_semaphore(%run_scoped3A : memref<!tpu.dma_semaphore, #tpu.memory_space<semaphore_mem>>)
      %dma_wait3A_38 = arith.constant 0 : i32
      %dma_wait3A_39 = arith.constant 0 : i32
      %dma_wait3A_40 = tpu.memref_slice %arg6[%dma_wait3A_38, %dma_wait3A_39] : memref<128x128xf32, #tpu.memory_space<vmem>> -> memref<16x128xf32, #tpu.memory_space<vmem>>
      %dma_wait3A_41 = arith.constant 0 : i32
      %dma_wait3A_42 = tpu.memref_slice %arg4[%add3A_27, %dma_wait3A_41] : memref<320000x128xf32, #tpu.memory_space<hbm>> -> memref<16x128xf32, #tpu.memory_space<hbm>>
      %dma_wait3A_43 = arith.constant 0 : i32
      %dma_wait3A_44 = tpu.memref_slice %arg4[%add3A_27, %dma_wait3A_43] : memref<320000x128xf32, #tpu.memory_space<hbm>> -> memref<16x128xf32, #tpu.memory_space<hbm>>
      %dma_wait3A_45 = arith.constant 0 : i32
      %dma_wait3A_46 = arith.constant 0 : i32
      %dma_wait3A_47 = tpu.memref_slice %arg6[%dma_wait3A_45, %dma_wait3A_46] : memref<128x128xf32, #tpu.memory_space<vmem>> -> memref<16x128xf32, #tpu.memory_space<vmem>>
      tpu.wait_dma2 semaphore(%run_scoped3A : memref<!tpu.dma_semaphore, #tpu.memory_space<semaphore_mem>>) src(%dma_wait3A_47 : memref<16x128xf32, #tpu.memory_space<vmem>>) dst(%dma_wait3A_44 : memref<16x128xf32, #tpu.memory_space<hbm>>)
      tpu.yield
    }) : () -> ()
    return
  }
}

module attributes {stable_mosaic.version = 14 : i64} {
  func.func @_mm_body(%arg0: i32, %arg1: memref<1000x128xf32, #tpu.memory_space<vmem>>, %arg2: memref<128x128xf32, #tpu.memory_space<vmem>>, %arg3: memref<1000x128xf32, #tpu.memory_space<vmem>>) attributes {dimension_semantics = [#tpu.dimension_semantics<arbitrary>], iteration_bounds = array<i64: 10>, scalar_prefetch = 0 : i64, scratch_operands = 0 : i64, tpu.core_type = #tpu.core_type<tc>, window_params = [{transform_indices = @transform_0, window_bounds = array<i64: 1000, 128>}, {pipeline_mode = #tpu.pipeline_mode<synchronous>, transform_indices = @transform_1, window_bounds = array<i64: 128, 128>}, {transform_indices = @transform_2, window_bounds = array<i64: 1000, 128>}]} {
    %get3A = arith.constant 0 : index
    %get3A_0 = arith.constant 0 : index
    %get3A_1 = vector.load %arg1[%get3A, %get3A_0] : memref<1000x128xf32, #tpu.memory_space<vmem>>, vector<1000x128xf32>
    %get3A_2 = arith.constant 0 : index
    %get3A_3 = arith.constant 0 : index
    %get3A_4 = vector.load %arg2[%get3A_2, %get3A_3] : memref<128x128xf32, #tpu.memory_space<vmem>>, vector<128x128xf32>
    %convert_element_type3A = arith.truncf %get3A_1 : vector<1000x128xf32> to vector<1000x128xbf16>
    %convert_element_type3A_5 = arith.truncf %get3A_4 : vector<128x128xf32> to vector<128x128xbf16>
    %dot_general3A = arith.constant dense<0.000000e+00> : vector<1000x128xf32>
    %dot_general3A_6 = tpu.matmul %convert_element_type3A, %convert_element_type3A_5, %dot_general3A {dimension_numbers = #tpu.dot_dimension_numbers<[1], [0], [0], [1], [0, 0, 1, 1], [], []>, transpose_lhs_hint = false} : vector<1000x128xbf16>, vector<128x128xbf16>, vector<1000x128xf32> -> vector<1000x128xf32>
    %swap3A = arith.constant 0 : index
    %swap3A_7 = arith.constant 0 : index
    %swap3A_8 = vector.load %arg3[%swap3A, %swap3A_7] : memref<1000x128xf32, #tpu.memory_space<vmem>>, vector<1000x128xf32>
    tpu.vector_store %arg3[%swap3A, %swap3A_7], %dot_general3A_6 {strides = array<i32>} : memref<1000x128xf32, #tpu.memory_space<vmem>>, vector<1000x128xf32>,
    return
  }
  func.func @transform_0(%arg0: i32) -> (i32, i32) {
    %c0_i32 = arith.constant 0 : i32
    %c0_i32_0 = arith.constant 0 : i32
    return %arg0, %c0_i32 : i32, i32
  }
  func.func @transform_1(%arg0: i32) -> (i32, i32) {
    %c0_i32 = arith.constant 0 : i32
    %c0_i32_0 = arith.constant 0 : i32
    %c0_i32_1 = arith.constant 0 : i32
    return %c0_i32, %c0_i32_0 : i32, i32
  }
  func.func @transform_2(%arg0: i32) -> (i32, i32) {
    %c0_i32 = arith.constant 0 : i32
    %c0_i32_0 = arith.constant 0 : i32
    return %arg0, %c0_i32 : i32, i32
  }
}

</mosaic_0001>

<sc_bundles>
// kernel: kernel.11.cloned.1.call-start
scs
__scs_entry_jumppad:
0x0: {  	(pc) =	sbr.rel $0x88, $3  }
0x1: {  	(tag) =	ssettag $0x0;
	lr =	simm.s32 $0x1  }
0x2: {  	[smem:$0x3F96] =	sst lr;
	_ =	strace $0xD0000000  }
0x3: {  	_ = 	snop  }
0x4: {  	_ = 	snop  }
0x5: {  	_ = 	snop  }
0x6: {  	_ = 	snop  }
0x7: {  	_ = 	snop  }
__scs_overlays_trampoline_lowered:
0x8: {  	[smem:$0x3FA5] =	sst s0  }
0x9: {  	[smem:$0x3FA6] =	sst s1  }
0xa: {  	[smem:$0x3FA7] =	sst s2  }
0xb: {  	[smem:$0x3FA8] =	sst s3  }
0xc: {  	[smem:$0x3FA9] =	sst s4  }
0xd: {  	[smem:$0x3FAA] =	sst s5  }
0xe: {  	[smem:$0x3FAB] =	sst s6  }
0xf: {  	[smem:$0x3FAC] =	sst s7  }
0x10: {  	[smem:$0x3FAD] =	sst s8  }
0x11: {  	[smem:$0x3FAE] =	sst s9;
	s0 =	simm.s32 @!p0 $0x0  }
0x12: {  	s1 =	sld [smem:$0x3F94];
	s0 =	simm.s32 @p0 $0x1  }
0x13: {  	[smem:$0x3FAF] =	sst s0;
	s0 =	simm.s32 @!p1 $0x0  }
0x14: {  	s2 =	sld [smem:$0x3F93];
	s0 =	simm.s32 @p1 $0x1  }
0x15: {  	[smem:$0x3FB0] =	sst s0;
	s0 =	simm.s32 @!p2 $0x0  }
0x16: {  	s3 =	sld [smem:$0x3FDB];
	s0 =	simm.s32 @p2 $0x1  }
0x17: {  	s4 =	simm.s32 $0x1BF5;
	[smem:$0x3FB2] =	sst s0  }
0x18: {  	s0 =	sld [smem:$0x3F95];
	_ =	swait.ge [sflag:s4], $0x0  }
0x19: {  	s7 =	sld [smem:$0x3F96]  }
0x1a: {  	s8 =	sadd.s32 $0xFFFFE003, lr  }
0x1b: {  	s9 =	sadd.s32 $0xFFFFFEF7, lr;
	s5 =	simm.s32 $0xFFFFFFFF;
	p2 =	slt.u32 s8, $0xFFFFF086  }
0x1c: {  	p1 =	slt.u32 s9, $0xF7A;
	s5 =	simm.s32 @!p2 $0x0  }
0x1d: {  	s5 =	simm.s32 @p1 $0x1;
	p0 =	seq.s32 s7, s2  }
0x1e: {  	s7 =	smul.u32 @!p0 $0xF7A, s2;
	p2 =	seq.s32 @!p0 s5, $0x0  }
0x1f: {  	s9 =	smul.u32 $0xF7A, s1;
	s8 =	simm.s32 @!p0 $0x1BF5;
	p2 =	por !p2, p0  }
0x20: {  	[sflag:s8] =	ssyncset.s32 @!p0 $0xFFFFF086;
	s6 =	sadd.s32 @!p0 s3, s7;
	s7 =	simm.s32 @!p0 $0x108  }
0x21: {  	s3 =	sadd.s32 s3, s9;
	s6 =	sadd.s32 @!p0 $0x88, s6;
	s7 =	simm.s32 @p2 $0x1082  }
0x22: {  	[simem:s7], [sflag:s8] =	dma.local @!p0 [hbm:s6], $0xF7A  }
0x23: {  	s9 =	sor.u32 $0xD0000000, s2;
	s6 =	simm.s32 $0x108;
	_ =	swait.ge @!p0 [sflag:s8], $0x0  }
0x24: {  	s3 =	sadd.s32 $0x88, s3;
	s6 =	simm.s32 @!p1 $0x1082;
	[sflag:s4] =	ssyncset.s32 $0xFFFFF086  }
0x25: {  	[simem:s6], [sflag:s4] =	dma.local [hbm:s3], $0xF7A  }
0x26: {  	[smem:$0x3F96] =	sst s1;
	(tag) =	ssettag s2;
	_ =	strace s9  }
0x27: {  	s1 =	sld [smem:$0x3FA6]  }
0x28: {  	s2 =	sld [smem:$0x3FA7]  }
0x29: {  	s4 =	sld [smem:$0x3FA9]  }
0x2a: {  	p0 =	seq.s32 s5, $0x0;
	s5 =	sld [smem:$0x3FAA]  }
0x2b: {  	s6 =	sld [smem:$0x3FAB]  }
0x2c: {  	s7 =	sld [smem:$0x3FAC]  }
0x2d: {  	s3 =	simm.s32 $0x108;
	s8 =	sld [smem:$0x3FAD]  }
0x2e: {  	s3 =	simm.s32 @!p0 $0x1082;
	s9 =	sld [smem:$0x3FAE]  }
0x2f: {  	lr =	sadd.s32 s0, s3;
	s0 =	sld [smem:$0x3FA5]  }
0x30: {  	s3 =	sld [smem:$0x3FA8]  }
0x31: {  	[smem:$0x3FB1] =	sst s10  }
0x32: {  	s10 =	sld [smem:$0x3FAF];
	_ =	sdelay $0x3  }
0x33: {  	p0 =	seq.s32 s10, $0x1;
	s10 =	sld [smem:$0x3FB1];
	_ =	sdelay $0x3  }
0x34: {  	[smem:$0x3FB1] =	sst s10  }
0x35: {  	s10 =	sld [smem:$0x3FB0];
	_ =	sdelay $0x3  }
0x36: {  	p1 =	seq.s32 s10, $0x1;
	s10 =	sld [smem:$0x3FB1];
	_ =	sdelay $0x3  }
0x37: {  	[smem:$0x3FB1] =	sst s10  }
0x38: {  	s10 =	sld [smem:$0x3FB2]  }
0x39: {  	_ = 	snop;
	(pc) =	sbr.ind lr, $3  }
0x3a: {  	_ = 	snop  }
0x3b: {  	_ = 	snop  }
0x3c: {  	p2 =	seq.s32 s10, $0x1;
	s10 =	sld [smem:$0x3FB1]  }
0x3d: {  	_ =	shalt  }
0x3e: {  	_ =	shalt  }
0x3f: {  	_ =	shalt  }
0x40: {  	_ =	shalt  }
0x41: {  	_ =	shalt  }
0x42: {  	_ =	shalt  }
0x43: {  	_ =	shalt  }
0x44: {  	_ =	shalt  }
0x45: {  	_ =	shalt  }
0x46: {  	_ =	shalt  }
0x47: {  	_ =	shalt  }
0x48: {  	_ =	shalt  }
0x49: {  	_ =	shalt  }
0x4a: {  	_ =	shalt  }
0x4b: {  	_ =	shalt  }
0x4c: {  	_ =	shalt  }
0x4d: {  	_ =	shalt  }
0x4e: {  	_ =	shalt  }
0x4f: {  	_ =	shalt  }
0x50: {  	_ =	shalt  }
0x51: {  	_ =	shalt  }
0x52: {  	_ =	shalt  }
0x53: {  	_ =	shalt  }
0x54: {  	_ =	shalt  }
0x55: {  	_ =	shalt  }
0x56: {  	_ =	shalt  }
0x57: {  	_ =	shalt  }
0x58: {  	_ =	shalt  }
0x59: {  	_ =	shalt  }
0x5a: {  	_ =	shalt  }
0x5b: {  	_ =	shalt  }
0x5c: {  	_ =	shalt  }
0x5d: {  	_ =	shalt  }
0x5e: {  	_ =	shalt  }
0x5f: {  	_ =	shalt  }
0x60: {  	_ =	shalt  }
0x61: {  	_ =	shalt  }
0x62: {  	_ =	shalt  }
0x63: {  	_ =	shalt  }
0x64: {  	_ =	shalt  }
0x65: {  	_ =	shalt  }
0x66: {  	_ =	shalt  }
0x67: {  	_ =	shalt  }
0x68: {  	_ =	shalt  }
0x69: {  	_ =	shalt  }
0x6a: {  	_ =	shalt  }
0x6b: {  	_ =	shalt  }
0x6c: {  	_ =	shalt  }
0x6d: {  	_ =	shalt  }
0x6e: {  	_ =	shalt  }
0x6f: {  	_ =	shalt  }
0x70: {  	_ =	shalt  }
0x71: {  	_ =	shalt  }
0x72: {  	_ =	shalt  }
0x73: {  	_ =	shalt  }
0x74: {  	_ =	shalt  }
0x75: {  	_ =	shalt  }
0x76: {  	_ =	shalt  }
0x77: {  	_ =	shalt  }
0x78: {  	_ =	shalt  }
0x79: {  	_ =	shalt  }
0x7a: {  	_ =	shalt  }
0x7b: {  	_ =	shalt  }
0x7c: {  	_ =	shalt  }
0x7d: {  	_ =	shalt  }
0x7e: {  	_ =	shalt  }
0x7f: {  	_ =	shalt  }
0x80: {  	_ =	shalt  }
0x81: {  	_ =	shalt  }
0x82: {  	_ =	shalt  }
0x83: {  	_ =	shalt  }
0x84: {  	_ =	shalt  }
0x85: {  	_ =	shalt  }
0x86: {  	_ =	shalt  }
0x87: {  	_ =	shalt  }
.Lfunc_end0:
.L_simem_size_0:
called_computation.6_lowered:
.L_overlay_start_0:
0x88: {  	s2 =	sld [smem:$0x3FD9]  }
0x89: {  	s3 =	sld [smem:$0x3FFE];
	_ =	sdelay $0x1  }
0x8a: {  	s1 =	srdreg.scid  }
0x8b: {  	s0 =	sand.u32 $0x1, s1  }
0x8c: {  	s14 =	sshll.u32 s0, $0xA;
	s2 =	sadd.s32 s3, s2  }
0x8d: {  	s2 =	sadd.s32 s2, s14  }
0x8e: {  	[smem:$0x3FBD] =	sst s2  }
0x8f: {  	_ = 	snop  }
0x90: {  	s2 =	sld [smem:$0x3FD0];
	_ =	sdelay $0x2  }
0x91: {  	s15 =	simm.s32 $0xB;
	s4 =	simm.s32 $0x10  }
0x92: {  	[smem:s4], [sflag:s15] =	dma.local [hbm:s2], $0x1  }
0x93: {  	_ =	swait.eq [sflag:s15], $0x1  }
0x94: {  	[sflag:s15] =	ssyncset.done $0x0  }
0x95: {  	[sflag:s15] =	ssyncadd.s32 $0xFFFFFFFF  }
0x96: {  	s16 =	sld [smem:$0x12];
	(tm) =	ssettm $0x1  }
0x97: {  	s17 =	sld [smem:$0x3FFB];
	_ =	sdelay $0x3  }
0x98: {  	_ =	strace s17  }
0x99: {  	s3 =	sld [smem:$0x3FFC];
	_ =	sdelay $0x3  }
0x9a: {  	_ =	strace s3  }
0x9b: {  	s3 =	sld [smem:$0x3FFD];
	_ =	sdelay $0x3  }
0x9c: {  	_ =	strace s3  }
0x9d: {  	_ =	strace $0x8FFFFFFF  }
0x9e: {  	s18 =	sld [smem:$0x3FDB];
	_ =	sdelay $0x1  }
0x9f: {  	s19 =	simm.s32 $_scs_section_size  }
0xa0: {  	s5 =	simm.s32 $_size__tile_overlayer_lowered;
	s6 =	simm.s32 $_tile_overlayer_lowered  }
0xa1: {  	s22 =	simm.s32 $0x1BFF;
	s21 =	sshll.u32 s6, $0x1;
	s3 =	sadd.s32 s19, s18  }
0xa2: {  	s7 =	simm.s32 $0x0;
	s20 =	sshll.u32 s5, $0x1;
	s5 =	sadd.s32 s21, s3  }
0xa3: {  	[timem:s7], [sflag:s22] =	dma.local [hbm:s5], s20  }
0xa4: {  	_ =	swait.ge [sflag:s22], s20  }
0xa5: {  	s4 =	ssub.s32 $0x0, s20;
	[sflag:s22] =	ssyncset.done $0x0  }
0xa6: {  	[sflag:s22] =	ssyncadd.s32 s4;
	_ =	sdelay $0x1  }
0xa7: {  	s23 =	simm.s32 $0x1B8B  }
0xa8: {  	_ =	swait.ge [sflag:s23], $0x1  }
0xa9: {  	[sflag:s23] =	ssyncset.done $0x0  }
0xaa: {  	s25 =	simm.s32 $0x1B8E;
	s24 =	sld [smem:$0x3FFE];
	[sflag:s23] =	ssyncadd.s32 $0xFFFFFFFF  }
0xab: {  	s26 =	simm.s32 $execute0_lowered;
	[smem:$0x3FD2] =	sst s25  }
0xac: {  	s5 =	sshll.u32 s26, $0x1;
	_ =	strace $0x8000004C;
	[dreg:$0x1] =	wrdreg $0xFFFFFFFF  }
0xad: {  	s28 =	simm.s32 $_size_execute0_lowered;
	s3 =	sadd.s32 s3, s5;
	[dreg:$0x0] =	wrdreg $0x0  }
0xae: {  	s5 =	sshll.u32 s28, $0x1;
	[dreg:$0x2] =	wrdreg s3  }
0xaf: {  	[dreg:$0x3] =	wrdreg s5  }
0xb0: {  	[dreg:$0x4] =	wrdreg $0xC0  }
0xb1: {  	_ =	task [dreg:s7], $0x5FFFF  }
0xb2: {  	[dreg:$0x1] =	wrdreg $0xFFFFFFFF  }
0xb3: {  	[dreg:$0x0] =	wrdreg $0x60  }
0xb4: {  	[dreg:$0x2] =	wrdreg s16  }
0xb5: {  	[dreg:$0x3] =	wrdreg s24  }
0xb6: {  	[dreg:$0x4] =	wrdreg $0x9  }
0xb7: {  	_ =	task.clear_ibuf [dreg:s7], $0x5FFFF;
	_ =	strace $0x9000004C  }
0xb8: {  	s29 =	simm.s32 $0x9;
	_ =	strace $0x8000004E  }
0xb9: {  	_ =	swait.ge [sflag:s29], $0x1  }
0xba: {  	[sflag:s29] =	ssyncadd.s32 $0xFFFFFFFF  }
0xbb: {  	_ =	strace $0x9000004E  }
0xbc: {  	_ =	sfence  }
0xbd: {  	s30 =	sld [smem:$0x0];
	_ =	sdelay $0x2  }
0xbe: {  	s31 =	sshll.u32 s1, $0xD;
	s1 =	sshrl.u32 s1, $0x2  }
0xbf: {  	s3 =	sand.u32 $0x4000, s31;
	s1 =	sadd.s32 s1, s30  }
0xc0: {  	s0 =	sor.u32 s3, s0;
	s1 =	sshll.u32 s1, $0x11  }
0xc1: {  	s0 =	sor.u32 s1, s0  }
0xc2: {  	s0 =	sadd.s32 $0x8F2B, s0  }
0xc3: {  	[sflag:s0] =	ssyncadd.remote.s32 $0x1  }
0xc4: {  	_ =	sfence.sel $0xFFFF  }
0xc5: {  	[dreg:$0x0] =	wrdreg $0xFFFFFFFF;
	(pc) =	sbr.abs _section_cstart, $3  }
0xc6: {  	[dreg:$0x1] =	wrdreg $0xFFFFFFFF  }
0xc7: {  	_ =	task.clear_ibuf [dreg:s7], $0x2FFFF;
	_ =	strace $0x9FFFFFFF  }
0xc8: {  	(tm) =	ssettm $0x7FFFFFFF  }
0xc9: {  	_ =	shalt  }
tec
execute0_lowered:
.L_overlay_start_1:
0x0: {  	(tag) =	ssettag $0x1  }
0x1: {  	s1 =	srdreg.scid  }
0x2: {  	s0 =	stileid.u32;
	s2 =	rddreg [dreg:$0x0]  }
0x3: {  	s4 =	rddreg [dreg:$0x1];
	s3 =	simm.s32 $0x0;
	s16 =	simm.s32 $0x2  }
0x4: {  	s17 =	simm.s32 $0x2700;
	s18 =	simm.s32 $0x0;
	s11 =	smul.u32 $0x4E200, s0  }
0x5: {  	s6 =	sand.u32 $0x1, s1;
	s1 =	rddreg [dreg:$0x2];
	s14 =	smul.u32 $0x271000, s0  }
0x6: {  	s25 =	sshll.u32 s0, $0x1;
	[smem:$0x7FF] =	sst s3;
	s12 =	smul.u32 $0x27100, s6  }
0x7: {  	s10 =	sadd.s32 $0x13C00, s4;
	s5 =	sor.u32 s6, s25;
	s15 =	smul.u32 $0x138800, s6  }
0x8: {  	_ =	strace $0x8000004D;
	s26 =	ssub.s32 $0x2, s6;
	s7 =	smul.u32 $0x4E2, s5  }
0x9: {  	s8 =	smul.u32 $0x138800, s5;
	s28 =	sshrl.u32 s26, $0x1;
	s29 =	sadd.s32 s11, s10  }
0xa: {  	s9 =	smul.u32 $0x27100, s5;
	s13 =	ssub.s32 s26, s28;
	s11 =	sadd.s32 s12, s29  }
0xb: {  	s30 =	sadd.s32 s15, s14;
	s12 =	simm.s32 $0x80;
	s14 =	simm.s32 $0x6780  }
0xc: {  	s15 =	simm.s32 $0x1;
	s7 =	sadd.s32 s7, s4;
	s8 =	sshrl.u32 s8, $0x3  }
0xd: {  	s6 =	smax.u32 s13, $0x1;
	s9 =	sadd.s32 s9, s10;
	s31 =	sshrl.u32 s30, $0x3  }
0xe: {  	s13 =	simm.s32 $0x2780;
	s8 =	sadd.s32 s10, s8;
	s4 =	sadd.s32 $0x9E00, s7  }
0xf: {  	s10 =	sadd.s32 s31, s10;
	s5 =	sadd.s32 $0x27000, s8;
	s7 =	sadd.s32 $0x26000, s8  }
0x10: {  	s8 =	sadd.s32 $0x26800, s9;
	s9 =	sadd.s32 $0x800, s11;
	s11 =	simm.s32 $0x3  }
.LBB2_1:
0x11: {  	[tilespmem:s3], [sflag:$0x3] =	stream.linear.gather [hbm4b:s4+s3], $0x2780, $0x38;
	[tilespmem:$0xA780] =	vst v63  }
0x12: {  	_ =	swait.ge [sflag:s11], $0x2780  }
0x13: {  	[sflag:s11] =	ssyncset.done $0x0  }
0x14: {  	[sflag:s11] =	ssyncadd.s32 $0xFFFFD880  }
0x15: {  	[tilespmem:s13], [sflag:$0x1] =	stream.indirect.gather [hbm4b:s2+s12], $0x80, s3, s12, $0xb8;
	[tilespmem:$0xA780] =	vst v63  }
0x16: {  	_ = 	snop  }
0x17: {  	[tilespmem:s14], [sflag:$0x2] =	stream.indirect.gather [hbm4b:s2+s12], $0x80, s12, s12, $0xb8;
	[tilespmem:$0xA780] =	vst v63  }
0x18: {  	_ =	swait.ge [sflag:s15], $0x4000  }
0x19: {  	[sflag:s15] =	ssyncset.done $0x0  }
0x1a: {  	s19 =	sadd.s32 $0x0, s10;
	[sflag:s15] =	ssyncadd.s32 $0xFFFFC000  }
0x1b: {  	[hbm4b:s19+s3] =	stream.linear.scatter [tilespmem:s13], [sflag:$0x3], $0x4000, $0x38;
	[tilespmem:$0xA780] =	vst v63  }
0x1c: {  	_ =	swait.ge [sflag:s11], $0x4000  }
0x1d: {  	[sflag:s11] =	ssyncset.done $0x0  }
0x1e: {  	s30 =	simm.s32 $0x100;
	[sflag:s11] =	ssyncadd.s32 $0xFFFFC000  }
0x1f: {  	[tilespmem:s13], [sflag:$0x1] =	stream.indirect.gather [hbm4b:s2+s12], $0x80, s30, s12, $0xb8;
	[tilespmem:$0xA780] =	vst v63  }
0x20: {  	_ =	swait.ge [sflag:s16], $0x4000  }
0x21: {  	[sflag:s16] =	ssyncset.done $0x0  }
0x22: {  	s31 =	sadd.s32 $0x0, s9;
	[sflag:s16] =	ssyncadd.s32 $0xFFFFC000  }
0x23: {  	[hbm4b:s31+s3] =	stream.linear.scatter [tilespmem:s14], [sflag:$0x3], $0x4000, $0x38;
	[tilespmem:$0xA780] =	vst v63  }
0x24: {  	_ =	swait.ge [sflag:s11], $0x4000  }
0x25: {  	s20 =	simm.s32 $0x1000;
	[sflag:s11] =	ssyncset.done $0x0  }
0x26: {  	s21 =	simm.s32 $0x280;
	s19 =	simm.s32 $0x180;
	[sflag:s11] =	ssyncadd.s32 $0xFFFFC000  }
.LBB2_2:
0x27: {  	[tilespmem:s14], [sflag:$0x2] =	stream.indirect.gather [hbm4b:s2+s12], $0x80, s19, s12, $0xb8;
	[tilespmem:$0xA780] =	vst v63  }
0x28: {  	s22 =	smov.u32 s20;
	s19 =	smov.u32 s21  }
0x29: {  	p0 =	sne.s32 s20, $0x25000;
	s20 =	sadd.s32 $0x1000, s20;
	_ =	swait.ge [sflag:s15], $0x4000  }
0x2a: {  	[sflag:s15] =	ssyncset.done $0x0  }
0x2b: {  	s23 =	sadd.s32 s22, s10;
	[sflag:s15] =	ssyncadd.s32 $0xFFFFC000  }
0x2c: {  	[hbm4b:s23+s3] =	stream.linear.scatter [tilespmem:s13], [sflag:$0x3], $0x4000, $0x38;
	[tilespmem:$0xA780] =	vst v63  }
0x2d: {  	_ =	swait.ge [sflag:s11], $0x4000  }
0x2e: {  	[sflag:s11] =	ssyncset.done $0x0  }
0x2f: {  	s23 =	sadd.s32 $0xFFFFFF80, s21;
	[sflag:s11] =	ssyncadd.s32 $0xFFFFC000  }
0x30: {  	[tilespmem:s13], [sflag:$0x1] =	stream.indirect.gather [hbm4b:s2+s12], $0x80, s23, s12, $0xb8;
	[tilespmem:$0xA780] =	vst v63  }
0x31: {  	_ =	swait.ge [sflag:s16], $0x4000  }
0x32: {  	[sflag:s16] =	ssyncset.done $0x0  }
.Ltmp0:
0x33: {  	s22 =	sadd.s32 s22, s9;
	[sflag:s16] =	ssyncadd.s32 $0xFFFFC000;
	(pc) =	sbr.rel @p0 .LBB2_2-.Ltmp0, $4  }
0x34: {  	[hbm4b:s22+s3] =	stream.linear.scatter [tilespmem:s14], [sflag:$0x3], $0x4000, $0x38;
	[tilespmem:$0xA780] =	vst v63  }
0x35: {  	_ =	swait.ge [sflag:s11], $0x4000  }
0x36: {  	[sflag:s11] =	ssyncset.done $0x0  }
0x37: {  	s21 =	sadd.s32 $0x100, s21;
	[sflag:s11] =	ssyncadd.s32 $0xFFFFC000  }
0x38: {  	[tilespmem:s14], [sflag:$0x2] =	stream.indirect.gather [hbm4b:s2+s12], $0x80, s19, s12, $0xb8;
	[tilespmem:$0xA780] =	vst v63  }
0x39: {  	_ =	swait.ge [sflag:s15], $0x4000  }
0x3a: {  	[sflag:s15] =	ssyncset.done $0x0  }
0x3b: {  	[sflag:s15] =	ssyncadd.s32 $0xFFFFC000  }
0x3c: {  	[hbm4b:s7+s3] =	stream.linear.scatter [tilespmem:s13], [sflag:$0x3], $0x4000, $0x38;
	[tilespmem:$0xA780] =	vst v63  }
0x3d: {  	_ =	swait.ge [sflag:s11], $0x4000  }
0x3e: {  	[sflag:s11] =	ssyncset.done $0x0  }
0x3f: {  	[sflag:s11] =	ssyncadd.s32 $0xFFFFC000  }
0x40: {  	_ =	swait.ge [sflag:s16], $0x4000  }
0x41: {  	[sflag:s16] =	ssyncset.done $0x0  }
0x42: {  	[sflag:s16] =	ssyncadd.s32 $0xFFFFC000  }
0x43: {  	[hbm4b:s8+s3] =	stream.linear.scatter [tilespmem:s14], [sflag:$0x3], $0x4000, $0x38;
	[tilespmem:$0xA780] =	vst v63  }
0x44: {  	_ =	swait.ge [sflag:s11], $0x4000  }
0x45: {  	[sflag:s11] =	ssyncset.done $0x0  }
0x46: {  	[sflag:s11] =	ssyncadd.s32 $0xFFFFC000  }
0x47: {  	[tilespmem:s13], [sflag:$0x1] =	stream.indirect.gather [hbm4b:s2+s12], $0x80, s17, s12, $0xb8;
	[tilespmem:$0xA780] =	vst v63  }
0x48: {  	s18 =	sadd.s32 $0x1, s18;
	_ =	swait.ge [sflag:s15], $0x4000  }
0x49: {  	p0 =	sne.s32 s18, s6;
	[sflag:s15] =	ssyncset.done $0x0  }
.Ltmp1:
0x4a: {  	[sflag:s15] =	ssyncadd.s32 $0xFFFFC000;
	(pc) =	sbr.rel @p0 .LBB2_1-.Ltmp1, $4  }
0x4b: {  	[hbm4b:s5+s3] =	stream.linear.scatter [tilespmem:s13], [sflag:$0x3], $0x800, $0x38;
	[tilespmem:$0xA780] =	vst v63  }
0x4c: {  	_ =	swait.ge [sflag:s11], $0x800  }
0x4d: {  	[sflag:s11] =	ssyncset.done $0x0  }
0x4e: {  	[sflag:s11] =	ssyncadd.s32 $0xFFFFF800  }
0x4f: {  	_ =	sfence.sel $0x180000  }
0x50: {  	[bflag:$0x0] =	sbarrier.arrive $0xFFFF  }
0x51: {  	p0 =	sne.s32 s0, $0x0;
	_ =	strace $0x9000004D  }
0x52: {  	s0 =	sadd.s32 @!p0 $0x100000, s1;
	[bflag:$0x2] =	sbarrier.arrive $0xFFFF  }
0x53: {  	[sflag:s0] =	ssyncadd.tile.s32 @!p0 $0x1;
	_ =	shalt  }
.Lfunc_end2:
_tile_overlayer_lowered:
.L_overlay_start_2:
0x54: {  	(tag) =	ssettag $0x2  }
0x55: {  	s0 =	rddreg [dreg:$0x0];
	s2 =	stileid.u32  }
0x56: {  	s1 =	rddreg [dreg:$0x1];
	p0 =	sne.s32 s2, $0x0  }
0x57: {  	s3 =	rddreg [dreg:$0x2];
	[bflag:$0x3] =	sbarrier.arrive $0xFFFF;
	s2 =	simm.s32 @!p0 $0x1C03  }
0x58: {  	[timem:s3], [sflag:s2] =	dma.local @!p0 [hbm:s0], s1  }
0x59: {  	s0 =	simm.s32 @!p0 $0x3  }
0x5a: {  	_ =	swait.ge @!p0 [sflag:s0], s1  }
0x5b: {  	s1 =	ssub.s32 @!p0 $0x0, s1;
	[sflag:s0] =	ssyncset.done @!p0 $0x0  }
0x5c: {  	[sflag:s0] =	ssyncadd.s32 @!p0 s1  }
0x5d: {  	[bflag:$0x3] =	sbarrier.arrive $0xFFFF  }
0x5e: {  	_ =	shalt  }

// kernel: kernel.14.cloned.1.call-start
scs
__scs_entry_jumppad:
0x0: {  	(pc) =	sbr.rel $0x88, $3  }
0x1: {  	(tag) =	ssettag $0x0;
	lr =	simm.s32 $0x1  }
0x2: {  	[smem:$0x3F96] =	sst lr;
	_ =	strace $0xD0000000  }
0x3: {  	_ = 	snop  }
0x4: {  	_ = 	snop  }
0x5: {  	_ = 	snop  }
0x6: {  	_ = 	snop  }
0x7: {  	_ = 	snop  }
__scs_overlays_trampoline_lowered:
0x8: {  	[smem:$0x3FA5] =	sst s0  }
0x9: {  	[smem:$0x3FA6] =	sst s1  }
0xa: {  	[smem:$0x3FA7] =	sst s2  }
0xb: {  	[smem:$0x3FA8] =	sst s3  }
0xc: {  	[smem:$0x3FA9] =	sst s4  }
0xd: {  	[smem:$0x3FAA] =	sst s5  }
0xe: {  	[smem:$0x3FAB] =	sst s6  }
0xf: {  	[smem:$0x3FAC] =	sst s7  }
0x10: {  	[smem:$0x3FAD] =	sst s8  }
0x11: {  	[smem:$0x3FAE] =	sst s9;
	s0 =	simm.s32 @!p0 $0x0  }
0x12: {  	s1 =	sld [smem:$0x3F94];
	s0 =	simm.s32 @p0 $0x1  }
0x13: {  	[smem:$0x3FAF] =	sst s0;
	s0 =	simm.s32 @!p1 $0x0  }
0x14: {  	s2 =	sld [smem:$0x3F93];
	s0 =	simm.s32 @p1 $0x1  }
0x15: {  	[smem:$0x3FB0] =	sst s0;
	s0 =	simm.s32 @!p2 $0x0  }
0x16: {  	s3 =	sld [smem:$0x3FDB];
	s0 =	simm.s32 @p2 $0x1  }
0x17: {  	s4 =	simm.s32 $0x1BF5;
	[smem:$0x3FB2] =	sst s0  }
0x18: {  	s0 =	sld [smem:$0x3F95];
	_ =	swait.ge [sflag:s4], $0x0  }
0x19: {  	s7 =	sld [smem:$0x3F96]  }
0x1a: {  	s8 =	sadd.s32 $0xFFFFE003, lr  }
0x1b: {  	s9 =	sadd.s32 $0xFFFFFEF7, lr;
	s5 =	simm.s32 $0xFFFFFFFF;
	p2 =	slt.u32 s8, $0xFFFFF086  }
0x1c: {  	p1 =	slt.u32 s9, $0xF7A;
	s5 =	simm.s32 @!p2 $0x0  }
0x1d: {  	s5 =	simm.s32 @p1 $0x1;
	p0 =	seq.s32 s7, s2  }
0x1e: {  	s7 =	smul.u32 @!p0 $0xF7A, s2;
	p2 =	seq.s32 @!p0 s5, $0x0  }
0x1f: {  	s9 =	smul.u32 $0xF7A, s1;
	s8 =	simm.s32 @!p0 $0x1BF5;
	p2 =	por !p2, p0  }
0x20: {  	[sflag:s8] =	ssyncset.s32 @!p0 $0xFFFFF086;
	s6 =	sadd.s32 @!p0 s3, s7;
	s7 =	simm.s32 @!p0 $0x108  }
0x21: {  	s3 =	sadd.s32 s3, s9;
	s6 =	sadd.s32 @!p0 $0x88, s6;
	s7 =	simm.s32 @p2 $0x1082  }
0x22: {  	[simem:s7], [sflag:s8] =	dma.local @!p0 [hbm:s6], $0xF7A  }
0x23: {  	s9 =	sor.u32 $0xD0000000, s2;
	s6 =	simm.s32 $0x108;
	_ =	swait.ge @!p0 [sflag:s8], $0x0  }
0x24: {  	s3 =	sadd.s32 $0x88, s3;
	s6 =	simm.s32 @!p1 $0x1082;
	[sflag:s4] =	ssyncset.s32 $0xFFFFF086  }
0x25: {  	[simem:s6], [sflag:s4] =	dma.local [hbm:s3], $0xF7A  }
0x26: {  	[smem:$0x3F96] =	sst s1;
	(tag) =	ssettag s2;
	_ =	strace s9  }
0x27: {  	s1 =	sld [smem:$0x3FA6]  }
0x28: {  	s2 =	sld [smem:$0x3FA7]  }
0x29: {  	s4 =	sld [smem:$0x3FA9]  }
0x2a: {  	p0 =	seq.s32 s5, $0x0;
	s5 =	sld [smem:$0x3FAA]  }
0x2b: {  	s6 =	sld [smem:$0x3FAB]  }
0x2c: {  	s7 =	sld [smem:$0x3FAC]  }
0x2d: {  	s3 =	simm.s32 $0x108;
	s8 =	sld [smem:$0x3FAD]  }
0x2e: {  	s3 =	simm.s32 @!p0 $0x1082;
	s9 =	sld [smem:$0x3FAE]  }
0x2f: {  	lr =	sadd.s32 s0, s3;
	s0 =	sld [smem:$0x3FA5]  }
0x30: {  	s3 =	sld [smem:$0x3FA8]  }
0x31: {  	[smem:$0x3FB1] =	sst s10  }
0x32: {  	s10 =	sld [smem:$0x3FAF];
	_ =	sdelay $0x3  }
0x33: {  	p0 =	seq.s32 s10, $0x1;
	s10 =	sld [smem:$0x3FB1];
	_ =	sdelay $0x3  }
0x34: {  	[smem:$0x3FB1] =	sst s10  }
0x35: {  	s10 =	sld [smem:$0x3FB0];
	_ =	sdelay $0x3  }
0x36: {  	p1 =	seq.s32 s10, $0x1;
	s10 =	sld [smem:$0x3FB1];
	_ =	sdelay $0x3  }
0x37: {  	[smem:$0x3FB1] =	sst s10  }
0x38: {  	s10 =	sld [smem:$0x3FB2]  }
0x39: {  	_ = 	snop;
	(pc) =	sbr.ind lr, $3  }
0x3a: {  	_ = 	snop  }
0x3b: {  	_ = 	snop  }
0x3c: {  	p2 =	seq.s32 s10, $0x1;
	s10 =	sld [smem:$0x3FB1]  }
0x3d: {  	_ =	shalt  }
0x3e: {  	_ =	shalt  }
0x3f: {  	_ =	shalt  }
0x40: {  	_ =	shalt  }
0x41: {  	_ =	shalt  }
0x42: {  	_ =	shalt  }
0x43: {  	_ =	shalt  }
0x44: {  	_ =	shalt  }
0x45: {  	_ =	shalt  }
0x46: {  	_ =	shalt  }
0x47: {  	_ =	shalt  }
0x48: {  	_ =	shalt  }
0x49: {  	_ =	shalt  }
0x4a: {  	_ =	shalt  }
0x4b: {  	_ =	shalt  }
0x4c: {  	_ =	shalt  }
0x4d: {  	_ =	shalt  }
0x4e: {  	_ =	shalt  }
0x4f: {  	_ =	shalt  }
0x50: {  	_ =	shalt  }
0x51: {  	_ =	shalt  }
0x52: {  	_ =	shalt  }
0x53: {  	_ =	shalt  }
0x54: {  	_ =	shalt  }
0x55: {  	_ =	shalt  }
0x56: {  	_ =	shalt  }
0x57: {  	_ =	shalt  }
0x58: {  	_ =	shalt  }
0x59: {  	_ =	shalt  }
0x5a: {  	_ =	shalt  }
0x5b: {  	_ =	shalt  }
0x5c: {  	_ =	shalt  }
0x5d: {  	_ =	shalt  }
0x5e: {  	_ =	shalt  }
0x5f: {  	_ =	shalt  }
0x60: {  	_ =	shalt  }
0x61: {  	_ =	shalt  }
0x62: {  	_ =	shalt  }
0x63: {  	_ =	shalt  }
0x64: {  	_ =	shalt  }
0x65: {  	_ =	shalt  }
0x66: {  	_ =	shalt  }
0x67: {  	_ =	shalt  }
0x68: {  	_ =	shalt  }
0x69: {  	_ =	shalt  }
0x6a: {  	_ =	shalt  }
0x6b: {  	_ =	shalt  }
0x6c: {  	_ =	shalt  }
0x6d: {  	_ =	shalt  }
0x6e: {  	_ =	shalt  }
0x6f: {  	_ =	shalt  }
0x70: {  	_ =	shalt  }
0x71: {  	_ =	shalt  }
0x72: {  	_ =	shalt  }
0x73: {  	_ =	shalt  }
0x74: {  	_ =	shalt  }
0x75: {  	_ =	shalt  }
0x76: {  	_ =	shalt  }
0x77: {  	_ =	shalt  }
0x78: {  	_ =	shalt  }
0x79: {  	_ =	shalt  }
0x7a: {  	_ =	shalt  }
0x7b: {  	_ =	shalt  }
0x7c: {  	_ =	shalt  }
0x7d: {  	_ =	shalt  }
0x7e: {  	_ =	shalt  }
0x7f: {  	_ =	shalt  }
0x80: {  	_ =	shalt  }
0x81: {  	_ =	shalt  }
0x82: {  	_ =	shalt  }
0x83: {  	_ =	shalt  }
0x84: {  	_ =	shalt  }
0x85: {  	_ =	shalt  }
0x86: {  	_ =	shalt  }
0x87: {  	_ =	shalt  }
.Lfunc_end0:
.L_simem_size_0:
called_computation.7_lowered:
.L_overlay_start_0:
0x88: {  	s2 =	sld [smem:$0x3FD9]  }
0x89: {  	s3 =	sld [smem:$0x3FFE];
	_ =	sdelay $0x1  }
0x8a: {  	s1 =	srdreg.scid  }
0x8b: {  	s0 =	sand.u32 $0x1, s1  }
0x8c: {  	s14 =	sshll.u32 s0, $0xA;
	s2 =	sadd.s32 s3, s2  }
0x8d: {  	s2 =	sadd.s32 s2, s14  }
0x8e: {  	[smem:$0x3FBD] =	sst s2  }
0x8f: {  	_ = 	snop  }
0x90: {  	s2 =	sld [smem:$0x3FD0];
	_ =	sdelay $0x2  }
0x91: {  	s15 =	simm.s32 $0xB;
	s4 =	simm.s32 $0x10  }
0x92: {  	[smem:s4], [sflag:s15] =	dma.local [hbm:s2], $0x1  }
0x93: {  	_ =	swait.eq [sflag:s15], $0x1  }
0x94: {  	[sflag:s15] =	ssyncset.done $0x0  }
0x95: {  	[sflag:s15] =	ssyncadd.s32 $0xFFFFFFFF  }
0x96: {  	s16 =	sld [smem:$0x12];
	(tm) =	ssettm $0x1  }
0x97: {  	s17 =	sld [smem:$0x3FFB];
	_ =	sdelay $0x3  }
0x98: {  	_ =	strace s17  }
0x99: {  	s3 =	sld [smem:$0x3FFC];
	_ =	sdelay $0x3  }
0x9a: {  	_ =	strace s3  }
0x9b: {  	s3 =	sld [smem:$0x3FFD];
	_ =	sdelay $0x3  }
0x9c: {  	_ =	strace s3  }
0x9d: {  	_ =	strace $0x8FFFFFFF  }
0x9e: {  	s18 =	sld [smem:$0x3FDB];
	_ =	sdelay $0x1  }
0x9f: {  	s19 =	simm.s32 $_scs_section_size  }
0xa0: {  	s5 =	simm.s32 $_size__tile_overlayer_lowered;
	s6 =	simm.s32 $_tile_overlayer_lowered  }
0xa1: {  	s22 =	simm.s32 $0x1BFF;
	s21 =	sshll.u32 s6, $0x1;
	s3 =	sadd.s32 s19, s18  }
0xa2: {  	s7 =	simm.s32 $0x0;
	s20 =	sshll.u32 s5, $0x1;
	s5 =	sadd.s32 s21, s3  }
0xa3: {  	[timem:s7], [sflag:s22] =	dma.local [hbm:s5], s20  }
0xa4: {  	_ =	swait.ge [sflag:s22], s20  }
0xa5: {  	s4 =	ssub.s32 $0x0, s20;
	[sflag:s22] =	ssyncset.done $0x0  }
0xa6: {  	[sflag:s22] =	ssyncadd.s32 s4;
	_ =	sdelay $0x1  }
0xa7: {  	s23 =	simm.s32 $0x1B8B  }
0xa8: {  	_ =	swait.ge [sflag:s23], $0x1  }
0xa9: {  	[sflag:s23] =	ssyncset.done $0x0  }
0xaa: {  	s25 =	simm.s32 $0x1B8E;
	s24 =	sld [smem:$0x3FFE];
	[sflag:s23] =	ssyncadd.s32 $0xFFFFFFFF  }
0xab: {  	s26 =	simm.s32 $execute0_lowered;
	[smem:$0x3FD2] =	sst s25  }
0xac: {  	s5 =	sshll.u32 s26, $0x1;
	_ =	strace $0x80000052;
	[dreg:$0x1] =	wrdreg $0xFFFFFFFF  }
0xad: {  	s28 =	simm.s32 $_size_execute0_lowered;
	s3 =	sadd.s32 s3, s5;
	[dreg:$0x0] =	wrdreg $0x0  }
0xae: {  	s5 =	sshll.u32 s28, $0x1;
	[dreg:$0x2] =	wrdreg s3  }
0xaf: {  	[dreg:$0x3] =	wrdreg s5  }
0xb0: {  	[dreg:$0x4] =	wrdreg $0xC0  }
0xb1: {  	_ =	task [dreg:s7], $0x5FFFF  }
0xb2: {  	[dreg:$0x1] =	wrdreg $0xFFFFFFFF  }
0xb3: {  	[dreg:$0x0] =	wrdreg $0x60  }
0xb4: {  	[dreg:$0x2] =	wrdreg s16  }
0xb5: {  	[dreg:$0x3] =	wrdreg s24  }
0xb6: {  	[dreg:$0x4] =	wrdreg $0x9  }
0xb7: {  	_ =	task.clear_ibuf [dreg:s7], $0x5FFFF;
	_ =	strace $0x90000052  }
0xb8: {  	s29 =	simm.s32 $0x9;
	_ =	strace $0x80000054  }
0xb9: {  	_ =	swait.ge [sflag:s29], $0x1  }
0xba: {  	[sflag:s29] =	ssyncadd.s32 $0xFFFFFFFF  }
0xbb: {  	_ =	strace $0x90000054  }
0xbc: {  	_ =	sfence  }
0xbd: {  	s30 =	sld [smem:$0x0];
	_ =	sdelay $0x2  }
0xbe: {  	s31 =	sshll.u32 s1, $0xD;
	s1 =	sshrl.u32 s1, $0x2  }
0xbf: {  	s3 =	sand.u32 $0x4000, s31;
	s1 =	sadd.s32 s1, s30  }
0xc0: {  	s0 =	sor.u32 s3, s0;
	s1 =	sshll.u32 s1, $0x11  }
0xc1: {  	s0 =	sor.u32 s1, s0  }
0xc2: {  	s0 =	sadd.s32 $0x8F2B, s0  }
0xc3: {  	[sflag:s0] =	ssyncadd.remote.s32 $0x1  }
0xc4: {  	_ =	sfence.sel $0xFFFF  }
0xc5: {  	[dreg:$0x0] =	wrdreg $0xFFFFFFFF;
	(pc) =	sbr.abs _section_cstart, $3  }
0xc6: {  	[dreg:$0x1] =	wrdreg $0xFFFFFFFF  }
0xc7: {  	_ =	task.clear_ibuf [dreg:s7], $0x2FFFF;
	_ =	strace $0x9FFFFFFF  }
0xc8: {  	(tm) =	ssettm $0x7FFFFFFF  }
0xc9: {  	_ =	shalt  }
tec
execute0_lowered:
.L_overlay_start_1:
0x0: {  	(tag) =	ssettag $0x1  }
0x1: {  	s1 =	srdreg.scid  }
0x2: {  	s0 =	stileid.u32;
	s2 =	rddreg [dreg:$0x0]  }
0x3: {  	s4 =	rddreg [dreg:$0x1];
	s3 =	simm.s32 $0x0;
	s16 =	simm.s32 $0x2  }
0x4: {  	s17 =	simm.s32 $0x2700;
	s18 =	simm.s32 $0x0;
	s11 =	smul.u32 $0x4E200, s0  }
0x5: {  	s6 =	sand.u32 $0x1, s1;
	s1 =	rddreg [dreg:$0x2];
	s14 =	smul.u32 $0x271000, s0  }
0x6: {  	s25 =	sshll.u32 s0, $0x1;
	[smem:$0x7FF] =	sst s3;
	s12 =	smul.u32 $0x27100, s6  }
0x7: {  	s10 =	sadd.s32 $0x13C00, s4;
	s5 =	sor.u32 s6, s25;
	s15 =	smul.u32 $0x138800, s6  }
0x8: {  	_ =	strace $0x80000053;
	s26 =	ssub.s32 $0x2, s6;
	s7 =	smul.u32 $0x4E2, s5  }
0x9: {  	s8 =	smul.u32 $0x138800, s5;
	s28 =	sshrl.u32 s26, $0x1;
	s29 =	sadd.s32 s11, s10  }
0xa: {  	s9 =	smul.u32 $0x27100, s5;
	s13 =	ssub.s32 s26, s28;
	s11 =	sadd.s32 s12, s29  }
0xb: {  	s30 =	sadd.s32 s15, s14;
	s12 =	simm.s32 $0x80;
	s14 =	simm.s32 $0x6780  }
0xc: {  	s15 =	simm.s32 $0x1;
	s7 =	sadd.s32 s7, s4;
	s8 =	sshrl.u32 s8, $0x3  }
0xd: {  	s6 =	smax.u32 s13, $0x1;
	s9 =	sadd.s32 s9, s10;
	s31 =	sshrl.u32 s30, $0x3  }
0xe: {  	s13 =	simm.s32 $0x2780;
	s8 =	sadd.s32 s10, s8;
	s4 =	sadd.s32 $0x9E00, s7  }
0xf: {  	s10 =	sadd.s32 s31, s10;
	s5 =	sadd.s32 $0x27000, s8;
	s7 =	sadd.s32 $0x26000, s8  }
0x10: {  	s8 =	sadd.s32 $0x26800, s9;
	s9 =	sadd.s32 $0x800, s11;
	s11 =	simm.s32 $0x3  }
.LBB2_1:
0x11: {  	[tilespmem:s3], [sflag:$0x3] =	stream.linear.gather [hbm4b:s4+s3], $0x2780, $0x38;
	[tilespmem:$0xA780] =	vst v63  }
0x12: {  	_ =	swait.ge [sflag:s11], $0x2780  }
0x13: {  	[sflag:s11] =	ssyncset.done $0x0  }
0x14: {  	[sflag:s11] =	ssyncadd.s32 $0xFFFFD880  }
0x15: {  	[tilespmem:s13], [sflag:$0x1] =	stream.indirect.gather [hbm4b:s2+s12], $0x80, s3, s12, $0xb8;
	[tilespmem:$0xA780] =	vst v63  }
0x16: {  	_ = 	snop  }
0x17: {  	[tilespmem:s14], [sflag:$0x2] =	stream.indirect.gather [hbm4b:s2+s12], $0x80, s12, s12, $0xb8;
	[tilespmem:$0xA780] =	vst v63  }
0x18: {  	_ =	swait.ge [sflag:s15], $0x4000  }
0x19: {  	[sflag:s15] =	ssyncset.done $0x0  }
0x1a: {  	s19 =	sadd.s32 $0x0, s10;
	[sflag:s15] =	ssyncadd.s32 $0xFFFFC000  }
0x1b: {  	[hbm4b:s19+s3] =	stream.linear.scatter [tilespmem:s13], [sflag:$0x3], $0x4000, $0x38;
	[tilespmem:$0xA780] =	vst v63  }
0x1c: {  	_ =	swait.ge [sflag:s11], $0x4000  }
0x1d: {  	[sflag:s11] =	ssyncset.done $0x0  }
0x1e: {  	s30 =	simm.s32 $0x100;
	[sflag:s11] =	ssyncadd.s32 $0xFFFFC000  }
0x1f: {  	[tilespmem:s13], [sflag:$0x1] =	stream.indirect.gather [hbm4b:s2+s12], $0x80, s30, s12, $0xb8;
	[tilespmem:$0xA780] =	vst v63  }
0x20: {  	_ =	swait.ge [sflag:s16], $0x4000  }
0x21: {  	[sflag:s16] =	ssyncset.done $0x0  }
0x22: {  	s31 =	sadd.s32 $0x0, s9;
	[sflag:s16] =	ssyncadd.s32 $0xFFFFC000  }
0x23: {  	[hbm4b:s31+s3] =	stream.linear.scatter [tilespmem:s14], [sflag:$0x3], $0x4000, $0x38;
	[tilespmem:$0xA780] =	vst v63  }
0x24: {  	_ =	swait.ge [sflag:s11], $0x4000  }
0x25: {  	s20 =	simm.s32 $0x1000;
	[sflag:s11] =	ssyncset.done $0x0  }
0x26: {  	s21 =	simm.s32 $0x280;
	s19 =	simm.s32 $0x180;
	[sflag:s11] =	ssyncadd.s32 $0xFFFFC000  }
.LBB2_2:
0x27: {  	[tilespmem:s14], [sflag:$0x2] =	stream.indirect.gather [hbm4b:s2+s12], $0x80, s19, s12, $0xb8;
	[tilespmem:$0xA780] =	vst v63  }
0x28: {  	s22 =	smov.u32 s20;
	s19 =	smov.u32 s21  }
0x29: {  	p0 =	sne.s32 s20, $0x25000;
	s20 =	sadd.s32 $0x1000, s20;
	_ =	swait.ge [sflag:s15], $0x4000  }
0x2a: {  	[sflag:s15] =	ssyncset.done $0x0  }
0x2b: {  	s23 =	sadd.s32 s22, s10;
	[sflag:s15] =	ssyncadd.s32 $0xFFFFC000  }
0x2c: {  	[hbm4b:s23+s3] =	stream.linear.scatter [tilespmem:s13], [sflag:$0x3], $0x4000, $0x38;
	[tilespmem:$0xA780] =	vst v63  }
0x2d: {  	_ =	swait.ge [sflag:s11], $0x4000  }
0x2e: {  	[sflag:s11] =	ssyncset.done $0x0  }
0x2f: {  	s23 =	sadd.s32 $0xFFFFFF80, s21;
	[sflag:s11] =	ssyncadd.s32 $0xFFFFC000  }
0x30: {  	[tilespmem:s13], [sflag:$0x1] =	stream.indirect.gather [hbm4b:s2+s12], $0x80, s23, s12, $0xb8;
	[tilespmem:$0xA780] =	vst v63  }
0x31: {  	_ =	swait.ge [sflag:s16], $0x4000  }
0x32: {  	[sflag:s16] =	ssyncset.done $0x0  }
.Ltmp0:
0x33: {  	s22 =	sadd.s32 s22, s9;
	[sflag:s16] =	ssyncadd.s32 $0xFFFFC000;
	(pc) =	sbr.rel @p0 .LBB2_2-.Ltmp0, $4  }
0x34: {  	[hbm4b:s22+s3] =	stream.linear.scatter [tilespmem:s14], [sflag:$0x3], $0x4000, $0x38;
	[tilespmem:$0xA780] =	vst v63  }
0x35: {  	_ =	swait.ge [sflag:s11], $0x4000  }
0x36: {  	[sflag:s11] =	ssyncset.done $0x0  }
0x37: {  	s21 =	sadd.s32 $0x100, s21;
	[sflag:s11] =	ssyncadd.s32 $0xFFFFC000  }
0x38: {  	[tilespmem:s14], [sflag:$0x2] =	stream.indirect.gather [hbm4b:s2+s12], $0x80, s19, s12, $0xb8;
	[tilespmem:$0xA780] =	vst v63  }
0x39: {  	_ =	swait.ge [sflag:s15], $0x4000  }
0x3a: {  	[sflag:s15] =	ssyncset.done $0x0  }
0x3b: {  	[sflag:s15] =	ssyncadd.s32 $0xFFFFC000  }
0x3c: {  	[hbm4b:s7+s3] =	stream.linear.scatter [tilespmem:s13], [sflag:$0x3], $0x4000, $0x38;
	[tilespmem:$0xA780] =	vst v63  }
0x3d: {  	_ =	swait.ge [sflag:s11], $0x4000  }
0x3e: {  	[sflag:s11] =	ssyncset.done $0x0  }
0x3f: {  	[sflag:s11] =	ssyncadd.s32 $0xFFFFC000  }
0x40: {  	_ =	swait.ge [sflag:s16], $0x4000  }
0x41: {  	[sflag:s16] =	ssyncset.done $0x0  }
0x42: {  	[sflag:s16] =	ssyncadd.s32 $0xFFFFC000  }
0x43: {  	[hbm4b:s8+s3] =	stream.linear.scatter [tilespmem:s14], [sflag:$0x3], $0x4000, $0x38;
	[tilespmem:$0xA780] =	vst v63  }
0x44: {  	_ =	swait.ge [sflag:s11], $0x4000  }
0x45: {  	[sflag:s11] =	ssyncset.done $0x0  }
0x46: {  	[sflag:s11] =	ssyncadd.s32 $0xFFFFC000  }
0x47: {  	[tilespmem:s13], [sflag:$0x1] =	stream.indirect.gather [hbm4b:s2+s12], $0x80, s17, s12, $0xb8;
	[tilespmem:$0xA780] =	vst v63  }
0x48: {  	s18 =	sadd.s32 $0x1, s18;
	_ =	swait.ge [sflag:s15], $0x4000  }
0x49: {  	p0 =	sne.s32 s18, s6;
	[sflag:s15] =	ssyncset.done $0x0  }
.Ltmp1:
0x4a: {  	[sflag:s15] =	ssyncadd.s32 $0xFFFFC000;
	(pc) =	sbr.rel @p0 .LBB2_1-.Ltmp1, $4  }
0x4b: {  	[hbm4b:s5+s3] =	stream.linear.scatter [tilespmem:s13], [sflag:$0x3], $0x800, $0x38;
	[tilespmem:$0xA780] =	vst v63  }
0x4c: {  	_ =	swait.ge [sflag:s11], $0x800  }
0x4d: {  	[sflag:s11] =	ssyncset.done $0x0  }
0x4e: {  	[sflag:s11] =	ssyncadd.s32 $0xFFFFF800  }
0x4f: {  	_ =	sfence.sel $0x180000  }
0x50: {  	[bflag:$0x0] =	sbarrier.arrive $0xFFFF  }
0x51: {  	p0 =	sne.s32 s0, $0x0;
	_ =	strace $0x90000053  }
0x52: {  	s0 =	sadd.s32 @!p0 $0x100000, s1;
	[bflag:$0x2] =	sbarrier.arrive $0xFFFF  }
0x53: {  	[sflag:s0] =	ssyncadd.tile.s32 @!p0 $0x1;
	_ =	shalt  }
.Lfunc_end2:
_tile_overlayer_lowered:
.L_overlay_start_2:
0x54: {  	(tag) =	ssettag $0x2  }
0x55: {  	s0 =	rddreg [dreg:$0x0];
	s2 =	stileid.u32  }
0x56: {  	s1 =	rddreg [dreg:$0x1];
	p0 =	sne.s32 s2, $0x0  }
0x57: {  	s3 =	rddreg [dreg:$0x2];
	[bflag:$0x3] =	sbarrier.arrive $0xFFFF;
	s2 =	simm.s32 @!p0 $0x1C03  }
0x58: {  	[timem:s3], [sflag:s2] =	dma.local @!p0 [hbm:s0], s1  }
0x59: {  	s0 =	simm.s32 @!p0 $0x3  }
0x5a: {  	_ =	swait.ge @!p0 [sflag:s0], s1  }
0x5b: {  	s1 =	ssub.s32 @!p0 $0x0, s1;
	[sflag:s0] =	ssyncset.done @!p0 $0x0  }
0x5c: {  	[sflag:s0] =	ssyncadd.s32 @!p0 s1  }
0x5d: {  	[bflag:$0x3] =	sbarrier.arrive $0xFFFF  }
0x5e: {  	_ =	shalt  }

// kernel: kernel.8.cloned.1.call-start
scs
__scs_entry_jumppad:
0x0: {  	(pc) =	sbr.rel $0x88, $3  }
0x1: {  	(tag) =	ssettag $0x0;
	lr =	simm.s32 $0x1  }
0x2: {  	[smem:$0x3F96] =	sst lr;
	_ =	strace $0xD0000000  }
0x3: {  	_ = 	snop  }
0x4: {  	_ = 	snop  }
0x5: {  	_ = 	snop  }
0x6: {  	_ = 	snop  }
0x7: {  	_ = 	snop  }
__scs_overlays_trampoline_lowered:
0x8: {  	[smem:$0x3FA5] =	sst s0  }
0x9: {  	[smem:$0x3FA6] =	sst s1  }
0xa: {  	[smem:$0x3FA7] =	sst s2  }
0xb: {  	[smem:$0x3FA8] =	sst s3  }
0xc: {  	[smem:$0x3FA9] =	sst s4  }
0xd: {  	[smem:$0x3FAA] =	sst s5  }
0xe: {  	[smem:$0x3FAB] =	sst s6  }
0xf: {  	[smem:$0x3FAC] =	sst s7  }
0x10: {  	[smem:$0x3FAD] =	sst s8  }
0x11: {  	[smem:$0x3FAE] =	sst s9;
	s0 =	simm.s32 @!p0 $0x0  }
0x12: {  	s1 =	sld [smem:$0x3F94];
	s0 =	simm.s32 @p0 $0x1  }
0x13: {  	[smem:$0x3FAF] =	sst s0;
	s0 =	simm.s32 @!p1 $0x0  }
0x14: {  	s2 =	sld [smem:$0x3F93];
	s0 =	simm.s32 @p1 $0x1  }
0x15: {  	[smem:$0x3FB0] =	sst s0;
	s0 =	simm.s32 @!p2 $0x0  }
0x16: {  	s3 =	sld [smem:$0x3FDB];
	s0 =	simm.s32 @p2 $0x1  }
0x17: {  	s4 =	simm.s32 $0x1BF5;
	[smem:$0x3FB2] =	sst s0  }
0x18: {  	s0 =	sld [smem:$0x3F95];
	_ =	swait.ge [sflag:s4], $0x0  }
0x19: {  	s7 =	sld [smem:$0x3F96]  }
0x1a: {  	s8 =	sadd.s32 $0xFFFFE003, lr  }
0x1b: {  	s9 =	sadd.s32 $0xFFFFFEF7, lr;
	s5 =	simm.s32 $0xFFFFFFFF;
	p2 =	slt.u32 s8, $0xFFFFF086  }
0x1c: {  	p1 =	slt.u32 s9, $0xF7A;
	s5 =	simm.s32 @!p2 $0x0  }
0x1d: {  	s5 =	simm.s32 @p1 $0x1;
	p0 =	seq.s32 s7, s2  }
0x1e: {  	s7 =	smul.u32 @!p0 $0xF7A, s2;
	p2 =	seq.s32 @!p0 s5, $0x0  }
0x1f: {  	s9 =	smul.u32 $0xF7A, s1;
	s8 =	simm.s32 @!p0 $0x1BF5;
	p2 =	por !p2, p0  }
0x20: {  	[sflag:s8] =	ssyncset.s32 @!p0 $0xFFFFF086;
	s6 =	sadd.s32 @!p0 s3, s7;
	s7 =	simm.s32 @!p0 $0x108  }
0x21: {  	s3 =	sadd.s32 s3, s9;
	s6 =	sadd.s32 @!p0 $0x88, s6;
	s7 =	simm.s32 @p2 $0x1082  }
0x22: {  	[simem:s7], [sflag:s8] =	dma.local @!p0 [hbm:s6], $0xF7A  }
0x23: {  	s9 =	sor.u32 $0xD0000000, s2;
	s6 =	simm.s32 $0x108;
	_ =	swait.ge @!p0 [sflag:s8], $0x0  }
0x24: {  	s3 =	sadd.s32 $0x88, s3;
	s6 =	simm.s32 @!p1 $0x1082;
	[sflag:s4] =	ssyncset.s32 $0xFFFFF086  }
0x25: {  	[simem:s6], [sflag:s4] =	dma.local [hbm:s3], $0xF7A  }
0x26: {  	[smem:$0x3F96] =	sst s1;
	(tag) =	ssettag s2;
	_ =	strace s9  }
0x27: {  	s1 =	sld [smem:$0x3FA6]  }
0x28: {  	s2 =	sld [smem:$0x3FA7]  }
0x29: {  	s4 =	sld [smem:$0x3FA9]  }
0x2a: {  	p0 =	seq.s32 s5, $0x0;
	s5 =	sld [smem:$0x3FAA]  }
0x2b: {  	s6 =	sld [smem:$0x3FAB]  }
0x2c: {  	s7 =	sld [smem:$0x3FAC]  }
0x2d: {  	s3 =	simm.s32 $0x108;
	s8 =	sld [smem:$0x3FAD]  }
0x2e: {  	s3 =	simm.s32 @!p0 $0x1082;
	s9 =	sld [smem:$0x3FAE]  }
0x2f: {  	lr =	sadd.s32 s0, s3;
	s0 =	sld [smem:$0x3FA5]  }
0x30: {  	s3 =	sld [smem:$0x3FA8]  }
0x31: {  	[smem:$0x3FB1] =	sst s10  }
0x32: {  	s10 =	sld [smem:$0x3FAF];
	_ =	sdelay $0x3  }
0x33: {  	p0 =	seq.s32 s10, $0x1;
	s10 =	sld [smem:$0x3FB1];
	_ =	sdelay $0x3  }
0x34: {  	[smem:$0x3FB1] =	sst s10  }
0x35: {  	s10 =	sld [smem:$0x3FB0];
	_ =	sdelay $0x3  }
0x36: {  	p1 =	seq.s32 s10, $0x1;
	s10 =	sld [smem:$0x3FB1];
	_ =	sdelay $0x3  }
0x37: {  	[smem:$0x3FB1] =	sst s10  }
0x38: {  	s10 =	sld [smem:$0x3FB2]  }
0x39: {  	_ = 	snop;
	(pc) =	sbr.ind lr, $3  }
0x3a: {  	_ = 	snop  }
0x3b: {  	_ = 	snop  }
0x3c: {  	p2 =	seq.s32 s10, $0x1;
	s10 =	sld [smem:$0x3FB1]  }
0x3d: {  	_ =	shalt  }
0x3e: {  	_ =	shalt  }
0x3f: {  	_ =	shalt  }
0x40: {  	_ =	shalt  }
0x41: {  	_ =	shalt  }
0x42: {  	_ =	shalt  }
0x43: {  	_ =	shalt  }
0x44: {  	_ =	shalt  }
0x45: {  	_ =	shalt  }
0x46: {  	_ =	shalt  }
0x47: {  	_ =	shalt  }
0x48: {  	_ =	shalt  }
0x49: {  	_ =	shalt  }
0x4a: {  	_ =	shalt  }
0x4b: {  	_ =	shalt  }
0x4c: {  	_ =	shalt  }
0x4d: {  	_ =	shalt  }
0x4e: {  	_ =	shalt  }
0x4f: {  	_ =	shalt  }
0x50: {  	_ =	shalt  }
0x51: {  	_ =	shalt  }
0x52: {  	_ =	shalt  }
0x53: {  	_ =	shalt  }
0x54: {  	_ =	shalt  }
0x55: {  	_ =	shalt  }
0x56: {  	_ =	shalt  }
0x57: {  	_ =	shalt  }
0x58: {  	_ =	shalt  }
0x59: {  	_ =	shalt  }
0x5a: {  	_ =	shalt  }
0x5b: {  	_ =	shalt  }
0x5c: {  	_ =	shalt  }
0x5d: {  	_ =	shalt  }
0x5e: {  	_ =	shalt  }
0x5f: {  	_ =	shalt  }
0x60: {  	_ =	shalt  }
0x61: {  	_ =	shalt  }
0x62: {  	_ =	shalt  }
0x63: {  	_ =	shalt  }
0x64: {  	_ =	shalt  }
0x65: {  	_ =	shalt  }
0x66: {  	_ =	shalt  }
0x67: {  	_ =	shalt  }
0x68: {  	_ =	shalt  }
0x69: {  	_ =	shalt  }
0x6a: {  	_ =	shalt  }
0x6b: {  	_ =	shalt  }
0x6c: {  	_ =	shalt  }
0x6d: {  	_ =	shalt  }
0x6e: {  	_ =	shalt  }
0x6f: {  	_ =	shalt  }
0x70: {  	_ =	shalt  }
0x71: {  	_ =	shalt  }
0x72: {  	_ =	shalt  }
0x73: {  	_ =	shalt  }
0x74: {  	_ =	shalt  }
0x75: {  	_ =	shalt  }
0x76: {  	_ =	shalt  }
0x77: {  	_ =	shalt  }
0x78: {  	_ =	shalt  }
0x79: {  	_ =	shalt  }
0x7a: {  	_ =	shalt  }
0x7b: {  	_ =	shalt  }
0x7c: {  	_ =	shalt  }
0x7d: {  	_ =	shalt  }
0x7e: {  	_ =	shalt  }
0x7f: {  	_ =	shalt  }
0x80: {  	_ =	shalt  }
0x81: {  	_ =	shalt  }
0x82: {  	_ =	shalt  }
0x83: {  	_ =	shalt  }
0x84: {  	_ =	shalt  }
0x85: {  	_ =	shalt  }
0x86: {  	_ =	shalt  }
0x87: {  	_ =	shalt  }
.Lfunc_end0:
.L_simem_size_0:
called_computation.5_lowered:
.L_overlay_start_0:
0x88: {  	s2 =	sld [smem:$0x3FD9]  }
0x89: {  	s3 =	sld [smem:$0x3FFE];
	_ =	sdelay $0x1  }
0x8a: {  	s1 =	srdreg.scid  }
0x8b: {  	s0 =	sand.u32 $0x1, s1  }
0x8c: {  	s14 =	sshll.u32 s0, $0xA;
	s2 =	sadd.s32 s3, s2  }
0x8d: {  	s2 =	sadd.s32 s2, s14  }
0x8e: {  	[smem:$0x3FBD] =	sst s2  }
0x8f: {  	_ = 	snop  }
0x90: {  	s2 =	sld [smem:$0x3FD0];
	_ =	sdelay $0x2  }
0x91: {  	s15 =	simm.s32 $0xB;
	s4 =	simm.s32 $0x10  }
0x92: {  	[smem:s4], [sflag:s15] =	dma.local [hbm:s2], $0x1  }
0x93: {  	_ =	swait.eq [sflag:s15], $0x1  }
0x94: {  	[sflag:s15] =	ssyncset.done $0x0  }
0x95: {  	[sflag:s15] =	ssyncadd.s32 $0xFFFFFFFF  }
0x96: {  	s16 =	sld [smem:$0x12];
	(tm) =	ssettm $0x1  }
0x97: {  	s17 =	sld [smem:$0x3FFB];
	_ =	sdelay $0x3  }
0x98: {  	_ =	strace s17  }
0x99: {  	s3 =	sld [smem:$0x3FFC];
	_ =	sdelay $0x3  }
0x9a: {  	_ =	strace s3  }
0x9b: {  	s3 =	sld [smem:$0x3FFD];
	_ =	sdelay $0x3  }
0x9c: {  	_ =	strace s3  }
0x9d: {  	_ =	strace $0x8FFFFFFF  }
0x9e: {  	s18 =	sld [smem:$0x3FDB];
	_ =	sdelay $0x1  }
0x9f: {  	s19 =	simm.s32 $_scs_section_size  }
0xa0: {  	s5 =	simm.s32 $_size__tile_overlayer_lowered;
	s6 =	simm.s32 $_tile_overlayer_lowered  }
0xa1: {  	s22 =	simm.s32 $0x1BFF;
	s21 =	sshll.u32 s6, $0x1;
	s3 =	sadd.s32 s19, s18  }
0xa2: {  	s7 =	simm.s32 $0x0;
	s20 =	sshll.u32 s5, $0x1;
	s5 =	sadd.s32 s21, s3  }
0xa3: {  	[timem:s7], [sflag:s22] =	dma.local [hbm:s5], s20  }
0xa4: {  	_ =	swait.ge [sflag:s22], s20  }
0xa5: {  	s4 =	ssub.s32 $0x0, s20;
	[sflag:s22] =	ssyncset.done $0x0  }
0xa6: {  	[sflag:s22] =	ssyncadd.s32 s4;
	_ =	sdelay $0x1  }
0xa7: {  	s23 =	simm.s32 $0x1B8B  }
0xa8: {  	_ =	swait.ge [sflag:s23], $0x1  }
0xa9: {  	[sflag:s23] =	ssyncset.done $0x0  }
0xaa: {  	s25 =	simm.s32 $0x1B8E;
	s24 =	sld [smem:$0x3FFE];
	[sflag:s23] =	ssyncadd.s32 $0xFFFFFFFF  }
0xab: {  	s26 =	simm.s32 $execute0_lowered;
	[smem:$0x3FD2] =	sst s25  }
0xac: {  	s5 =	sshll.u32 s26, $0x1;
	_ =	strace $0x80000046;
	[dreg:$0x1] =	wrdreg $0xFFFFFFFF  }
0xad: {  	s28 =	simm.s32 $_size_execute0_lowered;
	s3 =	sadd.s32 s3, s5;
	[dreg:$0x0] =	wrdreg $0x0  }
0xae: {  	s5 =	sshll.u32 s28, $0x1;
	[dreg:$0x2] =	wrdreg s3  }
0xaf: {  	[dreg:$0x3] =	wrdreg s5  }
0xb0: {  	[dreg:$0x4] =	wrdreg $0xC0  }
0xb1: {  	_ =	task [dreg:s7], $0x5FFFF  }
0xb2: {  	[dreg:$0x1] =	wrdreg $0xFFFFFFFF  }
0xb3: {  	[dreg:$0x0] =	wrdreg $0x60  }
0xb4: {  	[dreg:$0x2] =	wrdreg s16  }
0xb5: {  	[dreg:$0x3] =	wrdreg s24  }
0xb6: {  	[dreg:$0x4] =	wrdreg $0x9  }
0xb7: {  	_ =	task.clear_ibuf [dreg:s7], $0x5FFFF;
	_ =	strace $0x90000046  }
0xb8: {  	s29 =	simm.s32 $0x9;
	_ =	strace $0x80000048  }
0xb9: {  	_ =	swait.ge [sflag:s29], $0x1  }
0xba: {  	[sflag:s29] =	ssyncadd.s32 $0xFFFFFFFF  }
0xbb: {  	_ =	strace $0x90000048  }
0xbc: {  	_ =	sfence  }
0xbd: {  	s30 =	sld [smem:$0x0];
	_ =	sdelay $0x2  }
0xbe: {  	s31 =	sshll.u32 s1, $0xD;
	s1 =	sshrl.u32 s1, $0x2  }
0xbf: {  	s3 =	sand.u32 $0x4000, s31;
	s1 =	sadd.s32 s1, s30  }
0xc0: {  	s0 =	sor.u32 s3, s0;
	s1 =	sshll.u32 s1, $0x11  }
0xc1: {  	s0 =	sor.u32 s1, s0  }
0xc2: {  	s0 =	sadd.s32 $0x8F2B, s0  }
0xc3: {  	[sflag:s0] =	ssyncadd.remote.s32 $0x1  }
0xc4: {  	_ =	sfence.sel $0xFFFF  }
0xc5: {  	[dreg:$0x0] =	wrdreg $0xFFFFFFFF;
	(pc) =	sbr.abs _section_cstart, $3  }
0xc6: {  	[dreg:$0x1] =	wrdreg $0xFFFFFFFF  }
0xc7: {  	_ =	task.clear_ibuf [dreg:s7], $0x2FFFF;
	_ =	strace $0x9FFFFFFF  }
0xc8: {  	(tm) =	ssettm $0x7FFFFFFF  }
0xc9: {  	_ =	shalt  }
tec
execute0_lowered:
.L_overlay_start_1:
0x0: {  	(tag) =	ssettag $0x1  }
0x1: {  	s1 =	srdreg.scid  }
0x2: {  	s0 =	stileid.u32;
	s2 =	rddreg [dreg:$0x0]  }
0x3: {  	s4 =	rddreg [dreg:$0x1];
	s3 =	simm.s32 $0x0;
	s16 =	simm.s32 $0x2  }
0x4: {  	s17 =	simm.s32 $0x2700;
	s18 =	simm.s32 $0x0;
	s11 =	smul.u32 $0x4E200, s0  }
0x5: {  	s6 =	sand.u32 $0x1, s1;
	s1 =	rddreg [dreg:$0x2];
	s14 =	smul.u32 $0x271000, s0  }
0x6: {  	s25 =	sshll.u32 s0, $0x1;
	[smem:$0x7FF] =	sst s3;
	s12 =	smul.u32 $0x27100, s6  }
0x7: {  	s10 =	sadd.s32 $0x13C00, s4;
	s5 =	sor.u32 s6, s25;
	s15 =	smul.u32 $0x138800, s6  }
0x8: {  	_ =	strace $0x80000047;
	s26 =	ssub.s32 $0x2, s6;
	s7 =	smul.u32 $0x4E2, s5  }
0x9: {  	s8 =	smul.u32 $0x138800, s5;
	s28 =	sshrl.u32 s26, $0x1;
	s29 =	sadd.s32 s11, s10  }
0xa: {  	s9 =	smul.u32 $0x27100, s5;
	s13 =	ssub.s32 s26, s28;
	s11 =	sadd.s32 s12, s29  }
0xb: {  	s30 =	sadd.s32 s15, s14;
	s12 =	simm.s32 $0x80;
	s14 =	simm.s32 $0x6780  }
0xc: {  	s15 =	simm.s32 $0x1;
	s7 =	sadd.s32 s7, s4;
	s8 =	sshrl.u32 s8, $0x3  }
0xd: {  	s6 =	smax.u32 s13, $0x1;
	s9 =	sadd.s32 s9, s10;
	s31 =	sshrl.u32 s30, $0x3  }
0xe: {  	s13 =	simm.s32 $0x2780;
	s8 =	sadd.s32 s10, s8;
	s4 =	sadd.s32 $0x9E00, s7  }
0xf: {  	s10 =	sadd.s32 s31, s10;
	s5 =	sadd.s32 $0x27000, s8;
	s7 =	sadd.s32 $0x26000, s8  }
0x10: {  	s8 =	sadd.s32 $0x26800, s9;
	s9 =	sadd.s32 $0x800, s11;
	s11 =	simm.s32 $0x3  }
.LBB2_1:
0x11: {  	[tilespmem:s3], [sflag:$0x3] =	stream.linear.gather [hbm4b:s4+s3], $0x2780, $0x38;
	[tilespmem:$0xA780] =	vst v63  }
0x12: {  	_ =	swait.ge [sflag:s11], $0x2780  }
0x13: {  	[sflag:s11] =	ssyncset.done $0x0  }
0x14: {  	[sflag:s11] =	ssyncadd.s32 $0xFFFFD880  }
0x15: {  	[tilespmem:s13], [sflag:$0x1] =	stream.indirect.gather [hbm4b:s2+s12], $0x80, s3, s12, $0xb8;
	[tilespmem:$0xA780] =	vst v63  }
0x16: {  	_ = 	snop  }
0x17: {  	[tilespmem:s14], [sflag:$0x2] =	stream.indirect.gather [hbm4b:s2+s12], $0x80, s12, s12, $0xb8;
	[tilespmem:$0xA780] =	vst v63  }
0x18: {  	_ =	swait.ge [sflag:s15], $0x4000  }
0x19: {  	[sflag:s15] =	ssyncset.done $0x0  }
0x1a: {  	s19 =	sadd.s32 $0x0, s10;
	[sflag:s15] =	ssyncadd.s32 $0xFFFFC000  }
0x1b: {  	[hbm4b:s19+s3] =	stream.linear.scatter [tilespmem:s13], [sflag:$0x3], $0x4000, $0x38;
	[tilespmem:$0xA780] =	vst v63  }
0x1c: {  	_ =	swait.ge [sflag:s11], $0x4000  }
0x1d: {  	[sflag:s11] =	ssyncset.done $0x0  }
0x1e: {  	s30 =	simm.s32 $0x100;
	[sflag:s11] =	ssyncadd.s32 $0xFFFFC000  }
0x1f: {  	[tilespmem:s13], [sflag:$0x1] =	stream.indirect.gather [hbm4b:s2+s12], $0x80, s30, s12, $0xb8;
	[tilespmem:$0xA780] =	vst v63  }
0x20: {  	_ =	swait.ge [sflag:s16], $0x4000  }
0x21: {  	[sflag:s16] =	ssyncset.done $0x0  }
0x22: {  	s31 =	sadd.s32 $0x0, s9;
	[sflag:s16] =	ssyncadd.s32 $0xFFFFC000  }
0x23: {  	[hbm4b:s31+s3] =	stream.linear.scatter [tilespmem:s14], [sflag:$0x3], $0x4000, $0x38;
	[tilespmem:$0xA780] =	vst v63  }
0x24: {  	_ =	swait.ge [sflag:s11], $0x4000  }
0x25: {  	s20 =	simm.s32 $0x1000;
	[sflag:s11] =	ssyncset.done $0x0  }
0x26: {  	s21 =	simm.s32 $0x280;
	s19 =	simm.s32 $0x180;
	[sflag:s11] =	ssyncadd.s32 $0xFFFFC000  }
.LBB2_2:
0x27: {  	[tilespmem:s14], [sflag:$0x2] =	stream.indirect.gather [hbm4b:s2+s12], $0x80, s19, s12, $0xb8;
	[tilespmem:$0xA780] =	vst v63  }
0x28: {  	s22 =	smov.u32 s20;
	s19 =	smov.u32 s21  }
0x29: {  	p0 =	sne.s32 s20, $0x25000;
	s20 =	sadd.s32 $0x1000, s20;
	_ =	swait.ge [sflag:s15], $0x4000  }
0x2a: {  	[sflag:s15] =	ssyncset.done $0x0  }
0x2b: {  	s23 =	sadd.s32 s22, s10;
	[sflag:s15] =	ssyncadd.s32 $0xFFFFC000  }
0x2c: {  	[hbm4b:s23+s3] =	stream.linear.scatter [tilespmem:s13], [sflag:$0x3], $0x4000, $0x38;
	[tilespmem:$0xA780] =	vst v63  }
0x2d: {  	_ =	swait.ge [sflag:s11], $0x4000  }
0x2e: {  	[sflag:s11] =	ssyncset.done $0x0  }
0x2f: {  	s23 =	sadd.s32 $0xFFFFFF80, s21;
	[sflag:s11] =	ssyncadd.s32 $0xFFFFC000  }
0x30: {  	[tilespmem:s13], [sflag:$0x1] =	stream.indirect.gather [hbm4b:s2+s12], $0x80, s23, s12, $0xb8;
	[tilespmem:$0xA780] =	vst v63  }
0x31: {  	_ =	swait.ge [sflag:s16], $0x4000  }
0x32: {  	[sflag:s16] =	ssyncset.done $0x0  }
.Ltmp0:
0x33: {  	s22 =	sadd.s32 s22, s9;
	[sflag:s16] =	ssyncadd.s32 $0xFFFFC000;
	(pc) =	sbr.rel @p0 .LBB2_2-.Ltmp0, $4  }
0x34: {  	[hbm4b:s22+s3] =	stream.linear.scatter [tilespmem:s14], [sflag:$0x3], $0x4000, $0x38;
	[tilespmem:$0xA780] =	vst v63  }
0x35: {  	_ =	swait.ge [sflag:s11], $0x4000  }
0x36: {  	[sflag:s11] =	ssyncset.done $0x0  }
0x37: {  	s21 =	sadd.s32 $0x100, s21;
	[sflag:s11] =	ssyncadd.s32 $0xFFFFC000  }
0x38: {  	[tilespmem:s14], [sflag:$0x2] =	stream.indirect.gather [hbm4b:s2+s12], $0x80, s19, s12, $0xb8;
	[tilespmem:$0xA780] =	vst v63  }
0x39: {  	_ =	swait.ge [sflag:s15], $0x4000  }
0x3a: {  	[sflag:s15] =	ssyncset.done $0x0  }
0x3b: {  	[sflag:s15] =	ssyncadd.s32 $0xFFFFC000  }
0x3c: {  	[hbm4b:s7+s3] =	stream.linear.scatter [tilespmem:s13], [sflag:$0x3], $0x4000, $0x38;
	[tilespmem:$0xA780] =	vst v63  }
0x3d: {  	_ =	swait.ge [sflag:s11], $0x4000  }
0x3e: {  	[sflag:s11] =	ssyncset.done $0x0  }
0x3f: {  	[sflag:s11] =	ssyncadd.s32 $0xFFFFC000  }
0x40: {  	_ =	swait.ge [sflag:s16], $0x4000  }
0x41: {  	[sflag:s16] =	ssyncset.done $0x0  }
0x42: {  	[sflag:s16] =	ssyncadd.s32 $0xFFFFC000  }
0x43: {  	[hbm4b:s8+s3] =	stream.linear.scatter [tilespmem:s14], [sflag:$0x3], $0x4000, $0x38;
	[tilespmem:$0xA780] =	vst v63  }
0x44: {  	_ =	swait.ge [sflag:s11], $0x4000  }
0x45: {  	[sflag:s11] =	ssyncset.done $0x0  }
0x46: {  	[sflag:s11] =	ssyncadd.s32 $0xFFFFC000  }
0x47: {  	[tilespmem:s13], [sflag:$0x1] =	stream.indirect.gather [hbm4b:s2+s12], $0x80, s17, s12, $0xb8;
	[tilespmem:$0xA780] =	vst v63  }
0x48: {  	s18 =	sadd.s32 $0x1, s18;
	_ =	swait.ge [sflag:s15], $0x4000  }
0x49: {  	p0 =	sne.s32 s18, s6;
	[sflag:s15] =	ssyncset.done $0x0  }
.Ltmp1:
0x4a: {  	[sflag:s15] =	ssyncadd.s32 $0xFFFFC000;
	(pc) =	sbr.rel @p0 .LBB2_1-.Ltmp1, $4  }
0x4b: {  	[hbm4b:s5+s3] =	stream.linear.scatter [tilespmem:s13], [sflag:$0x3], $0x800, $0x38;
	[tilespmem:$0xA780] =	vst v63  }
0x4c: {  	_ =	swait.ge [sflag:s11], $0x800  }
0x4d: {  	[sflag:s11] =	ssyncset.done $0x0  }
0x4e: {  	[sflag:s11] =	ssyncadd.s32 $0xFFFFF800  }
0x4f: {  	_ =	sfence.sel $0x180000  }
0x50: {  	[bflag:$0x0] =	sbarrier.arrive $0xFFFF  }
0x51: {  	p0 =	sne.s32 s0, $0x0;
	_ =	strace $0x90000047  }
0x52: {  	s0 =	sadd.s32 @!p0 $0x100000, s1;
	[bflag:$0x2] =	sbarrier.arrive $0xFFFF  }
0x53: {  	[sflag:s0] =	ssyncadd.tile.s32 @!p0 $0x1;
	_ =	shalt  }
.Lfunc_end2:
_tile_overlayer_lowered:
.L_overlay_start_2:
0x54: {  	(tag) =	ssettag $0x2  }
0x55: {  	s0 =	rddreg [dreg:$0x0];
	s2 =	stileid.u32  }
0x56: {  	s1 =	rddreg [dreg:$0x1];
	p0 =	sne.s32 s2, $0x0  }
0x57: {  	s3 =	rddreg [dreg:$0x2];
	[bflag:$0x3] =	sbarrier.arrive $0xFFFF;
	s2 =	simm.s32 @!p0 $0x1C03  }
0x58: {  	[timem:s3], [sflag:s2] =	dma.local @!p0 [hbm:s0], s1  }
0x59: {  	s0 =	simm.s32 @!p0 $0x3  }
0x5a: {  	_ =	swait.ge @!p0 [sflag:s0], s1  }
0x5b: {  	s1 =	ssub.s32 @!p0 $0x0, s1;
	[sflag:s0] =	ssyncset.done @!p0 $0x0  }
0x5c: {  	[sflag:s0] =	ssyncadd.s32 @!p0 s1  }
0x5d: {  	[bflag:$0x3] =	sbarrier.arrive $0xFFFF  }
0x5e: {  	_ =	shalt  }

// kernel: scatter_offload_async_start.1
scs
__scs_entry_jumppad:
0x0: {  	(pc) =	sbr.rel $0x88, $3  }
0x1: {  	(tag) =	ssettag $0x0;
	lr =	simm.s32 $0x1  }
0x2: {  	[smem:$0x3F96] =	sst lr;
	_ =	strace $0xD0000000  }
0x3: {  	_ = 	snop  }
0x4: {  	_ = 	snop  }
0x5: {  	_ = 	snop  }
0x6: {  	_ = 	snop  }
0x7: {  	_ = 	snop  }
__scs_overlays_trampoline_lowered:
0x8: {  	[smem:$0x3FA5] =	sst s0  }
0x9: {  	[smem:$0x3FA6] =	sst s1  }
0xa: {  	[smem:$0x3FA7] =	sst s2  }
0xb: {  	[smem:$0x3FA8] =	sst s3  }
0xc: {  	[smem:$0x3FA9] =	sst s4  }
0xd: {  	[smem:$0x3FAA] =	sst s5  }
0xe: {  	[smem:$0x3FAB] =	sst s6  }
0xf: {  	[smem:$0x3FAC] =	sst s7  }
0x10: {  	[smem:$0x3FAD] =	sst s8  }
0x11: {  	[smem:$0x3FAE] =	sst s9;
	s0 =	simm.s32 @!p0 $0x0  }
0x12: {  	s1 =	sld [smem:$0x3F94];
	s0 =	simm.s32 @p0 $0x1  }
0x13: {  	[smem:$0x3FAF] =	sst s0;
	s0 =	simm.s32 @!p1 $0x0  }
0x14: {  	s2 =	sld [smem:$0x3F93];
	s0 =	simm.s32 @p1 $0x1  }
0x15: {  	[smem:$0x3FB0] =	sst s0;
	s0 =	simm.s32 @!p2 $0x0  }
0x16: {  	s3 =	sld [smem:$0x3FDB];
	s0 =	simm.s32 @p2 $0x1  }
0x17: {  	s4 =	simm.s32 $0x1BF5;
	[smem:$0x3FB2] =	sst s0  }
0x18: {  	s0 =	sld [smem:$0x3F95];
	_ =	swait.ge [sflag:s4], $0x0  }
0x19: {  	s7 =	sld [smem:$0x3F96]  }
0x1a: {  	s8 =	sadd.s32 $0xFFFFE003, lr  }
0x1b: {  	s9 =	sadd.s32 $0xFFFFFEF7, lr;
	s5 =	simm.s32 $0xFFFFFFFF;
	p2 =	slt.u32 s8, $0xFFFFF086  }
0x1c: {  	p1 =	slt.u32 s9, $0xF7A;
	s5 =	simm.s32 @!p2 $0x0  }
0x1d: {  	s5 =	simm.s32 @p1 $0x1;
	p0 =	seq.s32 s7, s2  }
0x1e: {  	s7 =	smul.u32 @!p0 $0xF7A, s2;
	p2 =	seq.s32 @!p0 s5, $0x0  }
0x1f: {  	s9 =	smul.u32 $0xF7A, s1;
	s8 =	simm.s32 @!p0 $0x1BF5;
	p2 =	por !p2, p0  }
0x20: {  	[sflag:s8] =	ssyncset.s32 @!p0 $0xFFFFF086;
	s6 =	sadd.s32 @!p0 s3, s7;
	s7 =	simm.s32 @!p0 $0x108  }
0x21: {  	s3 =	sadd.s32 s3, s9;
	s6 =	sadd.s32 @!p0 $0x88, s6;
	s7 =	simm.s32 @p2 $0x1082  }
0x22: {  	[simem:s7], [sflag:s8] =	dma.local @!p0 [hbm:s6], $0xF7A  }
0x23: {  	s9 =	sor.u32 $0xD0000000, s2;
	s6 =	simm.s32 $0x108;
	_ =	swait.ge @!p0 [sflag:s8], $0x0  }
0x24: {  	s3 =	sadd.s32 $0x88, s3;
	s6 =	simm.s32 @!p1 $0x1082;
	[sflag:s4] =	ssyncset.s32 $0xFFFFF086  }
0x25: {  	[simem:s6], [sflag:s4] =	dma.local [hbm:s3], $0xF7A  }
0x26: {  	[smem:$0x3F96] =	sst s1;
	(tag) =	ssettag s2;
	_ =	strace s9  }
0x27: {  	s1 =	sld [smem:$0x3FA6]  }
0x28: {  	s2 =	sld [smem:$0x3FA7]  }
0x29: {  	s4 =	sld [smem:$0x3FA9]  }
0x2a: {  	p0 =	seq.s32 s5, $0x0;
	s5 =	sld [smem:$0x3FAA]  }
0x2b: {  	s6 =	sld [smem:$0x3FAB]  }
0x2c: {  	s7 =	sld [smem:$0x3FAC]  }
0x2d: {  	s3 =	simm.s32 $0x108;
	s8 =	sld [smem:$0x3FAD]  }
0x2e: {  	s3 =	simm.s32 @!p0 $0x1082;
	s9 =	sld [smem:$0x3FAE]  }
0x2f: {  	lr =	sadd.s32 s0, s3;
	s0 =	sld [smem:$0x3FA5]  }
0x30: {  	s3 =	sld [smem:$0x3FA8]  }
0x31: {  	[smem:$0x3FB1] =	sst s10  }
0x32: {  	s10 =	sld [smem:$0x3FAF];
	_ =	sdelay $0x3  }
0x33: {  	p0 =	seq.s32 s10, $0x1;
	s10 =	sld [smem:$0x3FB1];
	_ =	sdelay $0x3  }
0x34: {  	[smem:$0x3FB1] =	sst s10  }
0x35: {  	s10 =	sld [smem:$0x3FB0];
	_ =	sdelay $0x3  }
0x36: {  	p1 =	seq.s32 s10, $0x1;
	s10 =	sld [smem:$0x3FB1];
	_ =	sdelay $0x3  }
0x37: {  	[smem:$0x3FB1] =	sst s10  }
0x38: {  	s10 =	sld [smem:$0x3FB2]  }
0x39: {  	_ = 	snop;
	(pc) =	sbr.ind lr, $3  }
0x3a: {  	_ = 	snop  }
0x3b: {  	_ = 	snop  }
0x3c: {  	p2 =	seq.s32 s10, $0x1;
	s10 =	sld [smem:$0x3FB1]  }
0x3d: {  	_ =	shalt  }
0x3e: {  	_ =	shalt  }
0x3f: {  	_ =	shalt  }
0x40: {  	_ =	shalt  }
0x41: {  	_ =	shalt  }
0x42: {  	_ =	shalt  }
0x43: {  	_ =	shalt  }
0x44: {  	_ =	shalt  }
0x45: {  	_ =	shalt  }
0x46: {  	_ =	shalt  }
0x47: {  	_ =	shalt  }
0x48: {  	_ =	shalt  }
0x49: {  	_ =	shalt  }
0x4a: {  	_ =	shalt  }
0x4b: {  	_ =	shalt  }
0x4c: {  	_ =	shalt  }
0x4d: {  	_ =	shalt  }
0x4e: {  	_ =	shalt  }
0x4f: {  	_ =	shalt  }
0x50: {  	_ =	shalt  }
0x51: {  	_ =	shalt  }
0x52: {  	_ =	shalt  }
0x53: {  	_ =	shalt  }
0x54: {  	_ =	shalt  }
0x55: {  	_ =	shalt  }
0x56: {  	_ =	shalt  }
0x57: {  	_ =	shalt  }
0x58: {  	_ =	shalt  }
0x59: {  	_ =	shalt  }
0x5a: {  	_ =	shalt  }
0x5b: {  	_ =	shalt  }
0x5c: {  	_ =	shalt  }
0x5d: {  	_ =	shalt  }
0x5e: {  	_ =	shalt  }
0x5f: {  	_ =	shalt  }
0x60: {  	_ =	shalt  }
0x61: {  	_ =	shalt  }
0x62: {  	_ =	shalt  }
0x63: {  	_ =	shalt  }
0x64: {  	_ =	shalt  }
0x65: {  	_ =	shalt  }
0x66: {  	_ =	shalt  }
0x67: {  	_ =	shalt  }
0x68: {  	_ =	shalt  }
0x69: {  	_ =	shalt  }
0x6a: {  	_ =	shalt  }
0x6b: {  	_ =	shalt  }
0x6c: {  	_ =	shalt  }
0x6d: {  	_ =	shalt  }
0x6e: {  	_ =	shalt  }
0x6f: {  	_ =	shalt  }
0x70: {  	_ =	shalt  }
0x71: {  	_ =	shalt  }
0x72: {  	_ =	shalt  }
0x73: {  	_ =	shalt  }
0x74: {  	_ =	shalt  }
0x75: {  	_ =	shalt  }
0x76: {  	_ =	shalt  }
0x77: {  	_ =	shalt  }
0x78: {  	_ =	shalt  }
0x79: {  	_ =	shalt  }
0x7a: {  	_ =	shalt  }
0x7b: {  	_ =	shalt  }
0x7c: {  	_ =	shalt  }
0x7d: {  	_ =	shalt  }
0x7e: {  	_ =	shalt  }
0x7f: {  	_ =	shalt  }
0x80: {  	_ =	shalt  }
0x81: {  	_ =	shalt  }
0x82: {  	_ =	shalt  }
0x83: {  	_ =	shalt  }
0x84: {  	_ =	shalt  }
0x85: {  	_ =	shalt  }
0x86: {  	_ =	shalt  }
0x87: {  	_ =	shalt  }
.Lfunc_end0:
.L_simem_size_0:
called_computation.1_lowered:
.L_overlay_start_0:
0x88: {  	s2 =	sld [smem:$0x3FD9]  }
0x89: {  	s3 =	sld [smem:$0x3FFE];
	_ =	sdelay $0x1  }
0x8a: {  	s1 =	srdreg.scid  }
0x8b: {  	s0 =	sand.u32 $0x1, s1  }
0x8c: {  	s13 =	sshll.u32 s0, $0xA;
	s2 =	sadd.s32 s3, s2  }
0x8d: {  	s2 =	sadd.s32 s2, s13  }
0x8e: {  	[smem:$0x3FBD] =	sst s2  }
0x8f: {  	_ = 	snop  }
0x90: {  	s2 =	sld [smem:$0x3FD0];
	_ =	sdelay $0x2  }
0x91: {  	s14 =	simm.s32 $0xB;
	s4 =	simm.s32 $0x10  }
0x92: {  	[smem:s4], [sflag:s14] =	dma.local [hbm:s2], $0x1  }
0x93: {  	_ =	swait.eq [sflag:s14], $0x1  }
0x94: {  	[sflag:s14] =	ssyncset.done $0x0  }
0x95: {  	[sflag:s14] =	ssyncadd.s32 $0xFFFFFFFF  }
0x96: {  	s15 =	sld [smem:$0x12];
	(tm) =	ssettm $0x1  }
0x97: {  	s16 =	sld [smem:$0x3FFB];
	_ =	sdelay $0x3  }
0x98: {  	_ =	strace s16  }
0x99: {  	s3 =	sld [smem:$0x3FFC];
	_ =	sdelay $0x3  }
0x9a: {  	_ =	strace s3  }
0x9b: {  	s3 =	sld [smem:$0x3FFD];
	_ =	sdelay $0x3  }
0x9c: {  	_ =	strace s3  }
0x9d: {  	_ =	strace $0x8FFFFFFF  }
0x9e: {  	s17 =	sld [smem:$0x3FDB];
	_ =	sdelay $0x1  }
0x9f: {  	s18 =	simm.s32 $_scs_section_size  }
0xa0: {  	s5 =	simm.s32 $_size__tile_overlayer_lowered;
	s6 =	simm.s32 $_tile_overlayer_lowered  }
0xa1: {  	s21 =	simm.s32 $0x1BFF;
	s20 =	sshll.u32 s6, $0x1;
	s3 =	sadd.s32 s18, s17  }
0xa2: {  	s7 =	simm.s32 $0x0;
	s19 =	sshll.u32 s5, $0x1;
	s5 =	sadd.s32 s20, s3  }
0xa3: {  	[timem:s7], [sflag:s21] =	dma.local [hbm:s5], s19  }
0xa4: {  	_ =	swait.ge [sflag:s21], s19  }
0xa5: {  	s4 =	ssub.s32 $0x0, s19;
	[sflag:s21] =	ssyncset.done $0x0  }
0xa6: {  	[sflag:s21] =	ssyncadd.s32 s4;
	_ =	sdelay $0x1  }
0xa7: {  	s22 =	simm.s32 $0x1B8B  }
0xa8: {  	_ =	swait.ge [sflag:s22], $0x1  }
0xa9: {  	[sflag:s22] =	ssyncset.done $0x0  }
0xaa: {  	s23 =	sld [smem:$0x3FFE];
	[sflag:s22] =	ssyncadd.s32 $0xFFFFFFFF  }
0xab: {  	s25 =	simm.s32 $0x1B8E;
	s24 =	sld [smem:$0x0]  }
0xac: {  	s26 =	simm.s32 $execute0_lowered;
	[smem:$0x3FD2] =	sst s25  }
0xad: {  	s6 =	sshll.u32 s26, $0x1;
	_ =	strace $0x8000004F;
	[dreg:$0x1] =	wrdreg $0xFFFFFFFF  }
0xae: {  	s28 =	simm.s32 $_size_execute0_lowered;
	s3 =	sadd.s32 s3, s6;
	[dreg:$0x0] =	wrdreg $0x0  }
0xaf: {  	s6 =	sshll.u32 s28, $0x1;
	[dreg:$0x2] =	wrdreg s3  }
0xb0: {  	[dreg:$0x3] =	wrdreg s6  }
0xb1: {  	[dreg:$0x4] =	wrdreg $0xC0  }
0xb2: {  	_ =	task [dreg:s7], $0x5FFFF  }
0xb3: {  	[dreg:$0x1] =	wrdreg $0xFFFFFFFF  }
0xb4: {  	[dreg:$0x0] =	wrdreg $0x60  }
0xb5: {  	[dreg:$0x2] =	wrdreg s15  }
0xb6: {  	[dreg:$0x3] =	wrdreg s23  }
0xb7: {  	[dreg:$0x4] =	wrdreg s1  }
0xb8: {  	[dreg:$0x5] =	wrdreg s24  }
0xb9: {  	[dreg:$0x6] =	wrdreg $0x9  }
0xba: {  	_ =	task.clear_ibuf [dreg:s7], $0x7FFFF;
	_ =	strace $0x9000004F  }
0xbb: {  	s29 =	simm.s32 $0x9;
	_ =	strace $0x80000051  }
0xbc: {  	_ =	swait.ge [sflag:s29], $0x1  }
0xbd: {  	[sflag:s29] =	ssyncadd.s32 $0xFFFFFFFF  }
0xbe: {  	_ =	strace $0x90000051  }
0xbf: {  	_ =	sfence  }
0xc0: {  	s30 =	sld [smem:$0x0];
	_ =	sdelay $0x2  }
0xc1: {  	s31 =	sshll.u32 s1, $0xD;
	s1 =	sshrl.u32 s1, $0x2  }
0xc2: {  	s3 =	sand.u32 $0x4000, s31;
	s1 =	sadd.s32 s1, s30  }
0xc3: {  	s0 =	sor.u32 s3, s0;
	s1 =	sshll.u32 s1, $0x11  }
0xc4: {  	s0 =	sor.u32 s1, s0  }
0xc5: {  	s0 =	sadd.s32 $0x8F2B, s0  }
0xc6: {  	[sflag:s0] =	ssyncadd.remote.s32 $0x1  }
0xc7: {  	_ =	sfence.sel $0xFFFF  }
0xc8: {  	[dreg:$0x0] =	wrdreg $0xFFFFFFFF;
	(pc) =	sbr.abs _section_cstart, $3  }
0xc9: {  	[dreg:$0x1] =	wrdreg $0xFFFFFFFF  }
0xca: {  	_ =	task.clear_ibuf [dreg:s7], $0x2FFFF;
	_ =	strace $0x9FFFFFFF  }
0xcb: {  	(tm) =	ssettm $0x7FFFFFFF  }
tec
execute0_lowered:
.L_overlay_start_1:
0x0: {  	(tag) =	ssettag $0x1  }
0x1: {  	s1 =	rddreg [dreg:$0x0]  }
0x2: {  	s15 =	rddreg [dreg:$0x1]  }
0x3: {  	s2 =	rddreg [dreg:$0x2];
	_ =	strace $0x80000050;
	s0 =	simm.s32 $0x1  }
0x4: {  	v0 =	vimm.s32 $0x0;
	[sflag:s0] =	ssyncpa.u1 $0x0;
	s0 =	simm.s32 $0x108  }
0x5: {  	[tilespmem:s0+$0x70] =	vst v0  }
0x6: {  	[tilespmem:s0+$0x60] =	vst v0  }
0x7: {  	[tilespmem:s0+$0x50] =	vst v0  }
0x8: {  	[tilespmem:s0+$0x40] =	vst v0  }
0x9: {  	[tilespmem:s0+$0x30] =	vst v0  }
0xa: {  	s3 =	simm.s32 $0x40;
	[tilespmem:s0+$0x20] =	vst v0  }
0xb: {  	s6 =	sadd.s32 $0x13C00, s15;
	s14 =	sadd.s32 $0x4F5C00, s15;
	s5 =	sand.u32 $0x1, s2;
	[tilespmem:s0+$0x10] =	vst v0  }
.LBB2_1:
0xc: {  	s3 =	sadd.s32 $0x40, s3;
	[tilespmem:s0+$0x0] =	vst v0;
	s0 =	sadd.s32 $0x80, s0  }
0xd: {  	p0 =	slt.u32 s3, $0x3C40;
	[tilespmem:s0+$0x70] =	vst v0  }
0xe: {  	[tilespmem:s0+$0x60] =	vst v0  }
.Ltmp0:
0xf: {  	[tilespmem:s0+$0x50] =	vst v0;
	(pc) =	sbr.rel @p0 .LBB2_1-.Ltmp0, $4  }
0x10: {  	[tilespmem:s0+$0x40] =	vst v0  }
0x11: {  	[tilespmem:s0+$0x30] =	vst v0  }
0x12: {  	[tilespmem:s0+$0x20] =	vst v0  }
0x13: {  	[tilespmem:s0+$0x10] =	vst v0  }
0x14: {  	s9 =	stileid.u32  }
0x15: {  	s2 =	smul.u32 $0x29, s9  }
0x16: {  	s3 =	smin.u32 s9, $0xB  }
0x17: {  	s2 =	sadd.s32 s3, s2  }
0x18: {  	p0 =	slt.u32 s9, $0xB;
	s7 =	smul.u32 $0xF0, s2;
	s2 =	simm.s32 $0x2760  }
0x19: {  	s2 =	simm.s32 @!p0 $0x2670  }
0x1a: {  	s2 =	sadd.s32 s2, s7  }
0x1b: {  	s8 =	smin.u32 s2, $0x27100  }
0x1c: {  	s2 =	ssub.s32 s8, s7  }
0x1d: {  	p0 =	sgt.s32 s2, $0x0  }
0x1e: {  	s29 =	simm.s32 $0x2;
	s10 =	simm.s32 $0x9;
	s2 =	simm.s32 @!p0 $0x0  }
0x1f: {  	s4 =	simm.s32 $0xA;
	s11 =	simm.s32 $0xB;
	s28 =	smulhi.u32 $0x88888889, s2  }
0x20: {  	[dreg:$0x5] =	wrdreg s5;
	s31 =	smul.u32 $0x4E20, s5;
	s12 =	simm.s32 $0x1  }
0x21: {  	s22 =	simm.s32 $0x0;
	s18 =	simm.s32 $0xC;
	s30 =	sshrl.u32 s28, $0x7  }
0x22: {  	s20 =	simm.s32 $0x0;
	s21 =	simm.s32 $0x0;
	s3 =	smul.u32 $0xF0, s30  }
.Ltmp1:
0x23: {  	[tilespmem:s0+$0x0] =	vst v0;
	v0 =	vimm.s32 $0xFFFFFFFF;
	[sflag:s29] =	ssyncpa.u1 $0x0;
	s16 =	sshll.u32 s9, $0x8;
	(pc) =	sbr.rel .LBB2_3-.Ltmp1, $4  }
0x24: {  	[tilespmem:$0xF208] =	vst v0;
	[sflag:s10] =	ssyncpa.u1 $0x0;
	p0 =	sne.s32 s2, s3;
	s2 =	simm.s32 $0x1  }
0x25: {  	s14 =	sadd.s32 s31, s14;
	[sflag:s4] =	ssyncpa.u1 $0x0;
	s2 =	simm.s32 @!p0 $0x0  }
0x26: {  	s15 =	sadd.s32 s31, s15;
	[sflag:s11] =	ssyncpa.u1 $0x0;
	s13 =	sadd.s32 s2, s30  }
0x27: {  	v0 =	vlaneseq.u32;
	s19 =	smov.u32 s7;
	p0 =	por $0x0, $0x0;
	s17 =	sadd.s32 $0x1, s13  }
.LBB2_18:
0x28: {  	s0 =	sshrl.u32 s31, $0x2  }
.LBB2_20:
0x29: {  	_ =	swait.ge [sflag:s18], s0  }
0x2a: {  	s31 =	ssub.s32 $0x0, s0;
	v1 =	vmov s24;
	vm0 =	veq.s32 v0, $0x0;
	[sflag:s18] =	ssyncset.done $0x0  }
0x2b: {  	vm15 =	veq.s32 v0, $0x2;
	v1 =	vsel vm0, s30, v1;
	[sflag:s18] =	ssyncadd.s32 s31  }
0x2c: {  	v1 =	vsel vm15, s22, v1;
	[sflag:s18] =	ssyncpa.u1 $0x1  }
0x2d: {  	[tilespmem:$0xF208] =	vst v1  }
.LBB2_21:
0x2e: {  	s0 =	sadd.s32 $0xF0, s19  }
0x2f: {  	s2 =	smov.u32 s7;
	p1 =	slt.s32 s0, s8  }
0x30: {  	s2 =	smov.u32 @p1 s0;
	p1 =	sne.s32 s21, s17  }
.Ltmp2:
0x31: {  	_ = 	snop;
	(pc) =	sbr.rel @!p1 .LBB2_22-.Ltmp2, $3  }
0x32: {  	_ =	sdelay $0x1  }
0x33: {  	s22 =	smov.u32 s20;
	s31 =	sadd.s32 $0x1, s21;
	s20 =	smov.u32 s19  }
0x34: {  	p0 =	por !p0, !p0;
	s21 =	smov.u32 s31;
	s19 =	smov.u32 s2  }
.LBB2_3:
0x35: {  	p1 =	sge.u32 s21, s13  }
0x36: {  	s0 =	smulhi.u32 @!p1 $0xAAAAAAAB, s21  }
0x37: {  	s2 =	smov.u32 s19;
	p2 =	sgt.s32 @!p1 s19, $0x27010  }
0x38: {  	s3 =	sshra.s32 @!p1 s19, $0x1F;
	p2 =	por !p2, p1;
	s0 =	sshrl.u32 @!p1 s0, $0x1  }
0x39: {  	s3 =	sand.u32 @!p1 s3, s19;
	s2 =	simm.s32 @p2 $0x27010;
	s0 =	smul.u32 @!p1 $0x3, s0  }
0x3a: {  	s2 =	ssub.s32 @!p1 s2, s3  }
0x3b: {  	s2 =	sadd.s32 @!p1 $0xFFFD8FF0, s2;
	s0 =	ssub.s32 @!p1 s21, s0  }
0x3c: {  	s3 =	sshll.u32 @!p1 s2, $0x2;
	p2 =	sgt.s32 @!p1 s2, $0xEF;
	s0 =	smul.u32 @!p1 $0x3C0, s0  }
0x3d: {  	s4 =	sand.u32 @!p1 $0x7, s19;
	s2 =	ssub.s32 @!p1 $0x3C0, s3;
	p2 =	por !p2, p1  }
0x3e: {  	s3 =	sshrl.u32 @!p1 s19, $0x3;
	s2 =	sshrl.u32 @!p1 s2, $0x2;
	s0 =	sshrl.u32 @!p1 s0, $0x2  }
0x3f: {  	s3 =	sadd.s32 @!p1 s3, s14;
	s2 =	simm.s32 @!p2 $0x0;
	s0 =	sadd.s32 @!p1 $0x10248, s0  }
0x40: {  	[tilespmem:s0], [sflag:$0xA] =	stream.linear.gather @!p1 [hbm4b:s3+s4], s2, $0x38;
	[tilespmem:$0x1F6F8] =	vst v63  }
0x41: {  	s0 =	sadd.s32 $0xFFFFFFFF, s21  }
0x42: {  	p1 =	sge.u32 s0, s13  }
0x43: {  	p2 =	sgt.s32 @!p1 s20, $0x27010  }
0x44: {  	s2 =	smov.u32 s20;
	s3 =	sshra.s32 @!p1 s20, $0x1F;
	p2 =	por !p2, p1  }
0x45: {  	s3 =	sand.u32 @!p1 s3, s20;
	s2 =	simm.s32 @p2 $0x27010  }
0x46: {  	s2 =	ssub.s32 @!p1 s2, s3  }
0x47: {  	s2 =	sadd.s32 @!p1 $0xFFFD8FF0, s2  }
0x48: {  	s4 =	sand.u32 @!p1 $0x1, s0;
	s3 =	sshll.u32 @!p1 s2, $0x2  }
0x49: {  	p2 =	sgt.s32 @!p1 s2, $0xEF;
	s2 =	ssub.s32 @!p1 $0x3C0, s3;
	s3 =	smulhi.u32 @!p1 $0xAAAAAAAB, s0  }
0x4a: {  	s23 =	smul.u32 @!p1 $0x3C0, s4;
	p2 =	por !p2, p1;
	s2 =	sshrl.u32 @!p1 s2, $0x2  }
0x4b: {  	s5 =	simm.s32 @!p1 $0xA;
	s2 =	simm.s32 @!p2 $0x0;
	s3 =	sshrl.u32 @!p1 s3, $0x1  }
0x4c: {  	s23 =	sshrl.u32 @!p1 s23, $0x2;
	_ =	swait.ge @!p1 [sflag:s5], s2;
	s3 =	smul.u32 @!p1 $0x3, s3  }
0x4d: {  	s23 =	sadd.s32 @!p1 $0x10518, s23;
	s24 =	ssub.s32 @!p1 $0x0, s2;
	[sflag:s5] =	ssyncset.done @!p1 $0x0  }
0x4e: {  	[sflag:s5] =	ssyncadd.s32 @!p1 s24;
	s5 =	sshrl.u32 @!p1 s20, $0x3;
	s0 =	ssub.s32 @!p1 s0, s3  }
0x4f: {  	s24 =	sand.u32 @!p1 $0x7, s20;
	s5 =	sadd.s32 @!p1 s5, s15;
	s0 =	smul.u32 @!p1 $0x3C0, s0  }
0x50: {  	[tilespmem:s23], [sflag:$0xB] =	stream.linear.gather @!p1 [hbm4b:s5+s24], s2, $0x38;
	[tilespmem:$0x1F6F8] =	vst v63  }
0x51: {  	s3 =	ssub.s32 @!p1 $0x27100, s20;
	s2 =	smul.u32 @!p1 $0x1E000, s4  }
0x52: {  	p2 =	slt.s32 @!p1 s3, $0xF0  }
0x53: {  	p2 =	por !p2, p1;
	s0 =	sshrl.u32 @!p1 s0, $0x2;
	s2 =	sshrl.u32 @!p1 s2, $0x2  }
0x54: {  	s3 =	simm.s32 @p2 $0xF0;
	s0 =	sadd.s32 @!p1 $0x10248, s0;
	s2 =	sor.u32 @!p1 $0x106F8, s2  }
0x55: {  	[tilespmem:s2], [sflag:$0x9] =	stream.indirect.gather @!p1 [hbm4b:s6+s3], $0x80, s0, s3, $0xb8;
	[tilespmem:$0x1F6F8] =	vst v63  }
0x56: {  	p1 =	slt.u32 s21, $0x2  }
.Ltmp3:
0x57: {  	_ = 	snop;
	(pc) =	sbr.rel @p1 .LBB2_21-.Ltmp3, $1  }
0x58: {  	_ =	sdelay $0x3  }
0x59: {  	p1 =	sgt.s32 s22, $0x27010  }
0x5a: {  	s0 =	smov.u32 s22;
	s2 =	sshra.s32 s22, $0x1F;
	s3 =	ssub.s32 $0x27100, s22  }
0x5b: {  	s0 =	simm.s32 @!p1 $0x27010;
	s2 =	sand.u32 s2, s22;
	p1 =	slt.s32 s3, $0xF0  }
0x5c: {  	s0 =	ssub.s32 s0, s2;
	s3 =	simm.s32 @!p1 $0xF0  }
0x5d: {  	s0 =	sadd.s32 $0xFFFD8FF0, s0;
	s25 =	sshll.u32 s3, $0x7  }
0x5e: {  	s26 =	sshll.u32 s0, $0x2;
	s2 =	sand.u32 $0x3FFFFF80, s25  }
0x5f: {  	p1 =	sgt.s32 s0, $0xEF;
	s29 =	ssub.s32 $0x3C0, s26;
	_ =	swait.ge [sflag:s10], s2  }
0x60: {  	s2 =	ssub.s32 $0x0, s2;
	[sflag:s10] =	ssyncset.done $0x0;
	s0 =	sshrl.u32 s29, $0x2  }
0x61: {  	[sflag:s10] =	ssyncadd.s32 s2;
	s0 =	simm.s32 @p1 $0x0  }
0x62: {  	_ =	swait.ge [sflag:s11], s0  }
0x63: {  	s0 =	ssub.s32 $0x0, s0;
	[sflag:s11] =	ssyncset.done $0x0  }
0x64: {  	[sflag:s11] =	ssyncadd.s32 s0  }
0x65: {  	v1 =	vld [tilespmem:$0xF208];
	_ =	sdelay $0x4  }
0x66: {  	(v2sf) =	vpush v1, $0x0  }
0x67: {  	(v2sf) =	vpush v1, $0x1  }
0x68: {  	(v2sf) =	vpush v1, $0x2;
	_ =	sdelay $0x3  }
0x69: {  	s0 =	sadd.s32 $0xF0, s22  }
0x6a: {  	s2 =	ssub.s32 $0x4E200, s22;
	p1 =	slt.s32 s8, s0  }
0x6b: {  	s0 =	smov.u32 @p1 s8;
	p1 =	sgt.s32 s2, $0x0  }
0x6c: {  	s26 =	ssub.s32 s0, s22;
	s2 =	simm.s32 @!p1 $0x0  }
0x6d: {  	p1 =	slt.s32 s2, s26  }
0x6e: {  	s26 =	smov.u32 @p1 s2  }
0x6f: {  	s25 =	simm.s32 $0x1;
	p1 =	slt.s32 s26, $0x1  }
.Ltmp4:
0x70: {  	s25 =	simm.s32 @!p0 $0x0;
	(pc) =	sbr.rel @p1 .LBB2_8-.Ltmp4, $4  }
0x71: {  	s31 =	smul.u32 $0x3C0, s25  }
0x72: {  	s28 =	spop (v2sf)  }
0x73: {  	s0 =	sshrl.u32 s31, $0x2;
	s30 =	spop (v2sf)  }
0x74: {  	s23 =	sadd.s32 $0x10518, s0;
	s22 =	spop (v2sf)  }
0x75: {  	s0 =	smin.u32 s26, $0x10  }
0x76: {  	v1 =	vmov s0  }
0x77: {  	p2 =	sgt.s32 s26, $0x10;
	vm1 =	vgt.u32 v1, v0  }
.Ltmp5:
0x78: {  	_ = 	snop;
	(pc) =	sbr.rel @!p2 .LBB2_7-.Ltmp5, $2  }
0x79: {  	_ =	sdelay $0x2  }
0x7a: {  	s4 =	simm.s32 $0x10;
	s24 =	sadd.s32 $0xFFFFFFF0, s26;
	s0 =	smov.u32 s23;
	vm0 =	vmmov vm1  }
.LBB2_6:
0x7b: {  	s2 =	smin.u32 s24, $0x10;
	s4 =	sadd.s32 $0x10, s4;
	v1 =	vld.msk [tilespmem:s0+$0x0 ss:$0x1], vm1  }
0x7c: {  	v2 =	vmov s2;
	p2 =	slt.s32 s4, s26  }
0x7d: {  	vm1 =	vgt.u32 v2, v0  }
.Ltmp6:
0x7e: {  	(pc) =	sbr.rel @p2 .LBB2_6-.Ltmp6, $3  }
0x7f: {  	_ =	sdelay $0x1  }
0x80: {  	v1 =	vshll.u32 v1, $0x4  }
0x81: {  	s24 =	sadd.s32 $0xFFFFFFF0, s24;
	[tilespmem:s0+$0x0] =	vst.msk vm0, v1;
	s0 =	sadd.s32 $0x10, s0;
	vm0 =	vmmov vm1  }
.LBB2_7:
0x82: {  	_ =	sdelay $0x4  }
0x83: {  	v1 =	vld.msk [tilespmem:s0+$0x0 ss:$0x1], vm1;
	_ =	sdelay $0x4  }
0x84: {  	v1 =	vshll.u32 v1, $0x4  }
0x85: {  	[tilespmem:s0+$0x0] =	vst.msk vm0, v1  }
.LBB2_8:
0x86: {  	s0 =	sand.u32 $0x1, s21  }
0x87: {  	s0 =	smul.u32 $0xF0, s0  }
0x88: {  	p2 =	sne.s32 s30, $0xFFFFFFFF  }
0x89: {  	v1 =	vld.msk @!p2 [tilespmem:s0+$0x10518], $0x1;
	_ =	sdelay $0x4  }
0x8a: {  	(v2sf) =	vpush @!p2 v1, $0x0;
	_ =	sdelay $0xc  }
.Ltmp7:
0x8b: {  	_ = 	snop;
	(pc) =	sbr.rel @p1 .LBB2_19-.Ltmp7, $4  }
0x8c: {  	_ = 	snop  }
0x8d: {  	s29 =	spop @!p2 (v2sf)  }
0x8e: {  	s22 =	simm.s32 @!p2 $0x0;
	s24 =	smov.u32 s29  }
0x8f: {  	[sflag:s18] =	ssyncpa.u1 $0x0;
	s29 =	smov.u32 @p2 s28;
	s24 =	smov.u32 @p2 s30  }
0x90: {  	v1 =	vld.msk [tilespmem:s23+$0x0], $0x1;
	_ =	sdelay $0x4  }
0x91: {  	(v2sf) =	vpush v1, $0x0;
	_ =	sdelay $0xe  }
0x92: {  	s2 =	smul.u32 $0x1E000, s25;
	s0 =	spop (v2sf)  }
0x93: {  	s26 =	ssub.s32 $0x0, s26;
	p1 =	seq.s32 s29, s0  }
0x94: {  	s30 =	sadd.s32 $0x1, s26;
	s2 =	sshrl.u32 s2, $0x2;
	p2 =	sgt.s32 @!p1 s29, $0x0  }
0x95: {  	s25 =	sor.u32 $0x10738, s2;
	s2 =	smov.u32 s29;
	p2 =	por !p2, p1  }
0x96: {  	s2 =	simm.s32 @p2 $0x0;
	p2 =	seq.s32 s30, $0x0  }
.Ltmp8:
0x97: {  	_ = 	snop;
	(pc) =	sbr.rel @p2 .LBB2_11-.Ltmp8, $4  }
0x98: {  	_ = 	snop  }
0x99: {  	s28 =	simm.s32 $0x0;
	s31 =	sadd.s32 $0x1, s23;
	s2 =	smin.u32 @!p1 s2, $0x270F0  }
0x9a: {  	s4 =	simm.s32 @!p1 $0x1;
	s5 =	simm.s32 @!p1 $0x7988;
	s3 =	sand.u32 @!p1 $0x3FFF8, s2  }
0x9b: {  	s4 =	smov.u32 @p1 s28;
	s2 =	sand.u32 @!p1 $0x7, s2;
	s3 =	sadd.s32 @!p1 s1, s3  }
.LBB2_10:
0x9c: {  	s9 =	smov.u32 s4  }
0x9d: {  	[tilespmem:s5], [sflag:$0x2] =	stream.linear.gather @!p1 [hbm4b:s3+s2], $0x80, $0x38;
	[tilespmem:$0x1F6F8] =	vst v63  }
0x9e: {  	s30 =	sadd.s32 $0x1, s30;
	s2 =	smov.u32 s0;
	v1 =	vld.msk [tilespmem:s31+$0x0], $0x1  }
0x9f: {  	p2 =	seq.s32 s30, $0x0;
	_ =	sdelay $0x3  }
0xa0: {  	(v2sf) =	vpush v1, $0x0;
	_ =	sdelay $0xe  }
0xa1: {  	s0 =	spop (v2sf)  }
0xa2: {  	p1 =	seq.s32 s2, s0  }
0xa3: {  	p3 =	sgt.s32 @!p1 s2, $0x0;
	s3 =	sshll.u32 @!p1 s4, $0x9;
	s4 =	sadd.s32 @!p1 $0x1, s4  }
.Ltmp9:
0xa4: {  	p3 =	por !p3, p1;
	s3 =	sshra.s32 @!p1 s3, $0x2;
	(pc) =	sbr.rel @!p2 .LBB2_10-.Ltmp9, $4  }
0xa5: {  	s4 =	smov.u32 @p1 s9;
	s2 =	simm.s32 @p3 $0x0;
	s5 =	sadd.s32 @!p1 $0x7988, s3  }
0xa6: {  	s2 =	smin.u32 @!p1 s2, $0x270F0  }
0xa7: {  	s3 =	sand.u32 @!p1 $0x3FFF8, s2;
	s2 =	sand.u32 @!p1 $0x7, s2  }
0xa8: {  	s31 =	sadd.s32 $0x1, s31;
	s3 =	sadd.s32 @!p1 s1, s3  }
.LBB2_11:
0xa9: {  	[tilespmem:s5], [sflag:$0x2] =	stream.linear.gather @!p1 [hbm4b:s3+s2], $0x80, $0x38;
	[tilespmem:$0x1F6F8] =	vst v63  }
.Ltmp10:
0xaa: {  	s0 =	sshll.u32 s4, $0x7;
	(pc) =	sbr.rel .LBB2_12-.Ltmp10, $4  }
0xab: {  	s30 =	simm.s32 $0x2;
	s0 =	sand.u32 $0x3FFFFF80, s0  }
0xac: {  	_ =	swait.ge [sflag:s30], s0  }
0xad: {  	s0 =	ssub.s32 $0x0, s0;
	[sflag:s30] =	ssyncset.done $0x0  }
0xae: {  	s31 =	simm.s32 $0x0;
	[sflag:s30] =	ssyncadd.s32 s0  }
.LBB2_13:
0xaf: {  	v1 =	vld [tilespmem:s25+$0xFFFFFFC0];
	_ =	sdelay $0x3  }
0xb0: {  	s0 =	sshra.s32 s0, $0x2  }
0xb1: {  	[tilespmem:s0+$0x108] =	vst.add.f32.msk $0xffff, v1  }
0xb2: {  	v1 =	vld [tilespmem:s25+$0xFFFFFFD0];
	_ =	sdelay $0x4  }
0xb3: {  	[tilespmem:s0+$0x118] =	vst.add.f32.msk $0xffff, v1  }
0xb4: {  	v1 =	vld [tilespmem:s25+$0xFFFFFFE0];
	_ =	sdelay $0x4  }
0xb5: {  	[tilespmem:s0+$0x128] =	vst.add.f32.msk $0xffff, v1  }
0xb6: {  	v1 =	vld [tilespmem:s25+$0xFFFFFFF0];
	_ =	sdelay $0x4  }
0xb7: {  	[tilespmem:s0+$0x138] =	vst.add.f32.msk $0xffff, v1  }
0xb8: {  	v1 =	vld [tilespmem:s25+$0x0];
	_ =	sdelay $0x4  }
0xb9: {  	[tilespmem:s0+$0x148] =	vst.add.f32.msk $0xffff, v1  }
0xba: {  	v1 =	vld [tilespmem:s25+$0x10];
	_ =	sdelay $0x4  }
0xbb: {  	[tilespmem:s0+$0x158] =	vst.add.f32.msk $0xffff, v1  }
0xbc: {  	v1 =	vld [tilespmem:s25+$0x20];
	_ =	sdelay $0x4  }
0xbd: {  	[tilespmem:s0+$0x168] =	vst.add.f32.msk $0xffff, v1  }
0xbe: {  	v1 =	vld [tilespmem:s25+$0x30];
	_ =	sdelay $0x4  }
0xbf: {  	[tilespmem:s0+$0x178] =	vst.add.f32.msk $0xffff, v1  }
.LBB2_17:
0xc0: {  	s26 =	sadd.s32 $0x1, s26  }
0xc1: {  	p1 =	seq.s32 s26, $0x0  }
.Ltmp11:
0xc2: {  	_ = 	snop;
	(pc) =	sbr.rel @p1 .LBB2_18-.Ltmp11, $2  }
0xc3: {  	_ =	sdelay $0x2  }
0xc4: {  	s23 =	sadd.s32 $0x1, s23;
	s25 =	sadd.s32 $0x80, s25;
	s29 =	smov.u32 s30  }
.LBB2_12:
0xc5: {  	v1 =	vld.msk [tilespmem:s23+$0x0], $0x1;
	_ =	sdelay $0x4  }
0xc6: {  	(v2sf) =	vpush v1, $0x0;
	_ =	sdelay $0xe  }
0xc7: {  	s30 =	spop (v2sf)  }
0xc8: {  	p1 =	sne.s32 s29, s30  }
.Ltmp12:
0xc9: {  	_ = 	snop;
	(pc) =	sbr.rel @!p1 .LBB2_13-.Ltmp12, $2  }
0xca: {  	_ =	sdelay $0x2  }
0xcb: {  	s0 =	sshll.u32 s22, $0x9  }
0xcc: {  	p1 =	seq.s32 s29, s24  }
.Ltmp13:
0xcd: {  	_ = 	snop;
	(pc) =	sbr.rel @!p1 .LBB2_15-.Ltmp13, $1  }
0xce: {  	_ =	sdelay $0x3  }
0xcf: {  	s0 =	sshra.s32 s0, $0x2  }
.Ltmp14:
0xd0: {  	s0 =	sadd.s32 $0x108, s0;
	(pc) =	sbr.rel .LBB2_16-.Ltmp14, $4  }
0xd1: {  	[spmem:s16] =	stream.linear.scatter [tilespmem:s0], [sflag:$0x1], $0x80, $0x38;
	[tilespmem:$0x1F6F8] =	vst v63  }
0xd2: {  	_ =	swait.ge [sflag:s12], $0x80  }
0xd3: {  	[sflag:s12] =	ssyncset.done $0x0  }
0xd4: {  	[sflag:s12] =	ssyncadd.s32 $0xFFFFFF80  }
.LBB2_15:
0xd5: {  	s2 =	sshll.u32 s28, $0x9  }
0xd6: {  	s2 =	sshra.s32 s2, $0x2  }
0xd7: {  	v1 =	vld [tilespmem:s2+$0x7988];
	_ =	sdelay $0x3  }
0xd8: {  	s0 =	sshra.s32 s0, $0x2  }
0xd9: {  	[tilespmem:s0+$0x108] =	vst.add.f32.msk $0xffff, v1  }
0xda: {  	v1 =	vld [tilespmem:s2+$0x7998];
	_ =	sdelay $0x4  }
0xdb: {  	[tilespmem:s0+$0x118] =	vst.add.f32.msk $0xffff, v1  }
0xdc: {  	v1 =	vld [tilespmem:s2+$0x79A8];
	_ =	sdelay $0x4  }
0xdd: {  	[tilespmem:s0+$0x128] =	vst.add.f32.msk $0xffff, v1  }
0xde: {  	v1 =	vld [tilespmem:s2+$0x79B8];
	_ =	sdelay $0x4  }
0xdf: {  	[tilespmem:s0+$0x138] =	vst.add.f32.msk $0xffff, v1  }
0xe0: {  	v1 =	vld [tilespmem:s2+$0x79C8];
	_ =	sdelay $0x4  }
0xe1: {  	[tilespmem:s0+$0x148] =	vst.add.f32.msk $0xffff, v1  }
0xe2: {  	v1 =	vld [tilespmem:s2+$0x79D8];
	_ =	sdelay $0x4  }
0xe3: {  	[tilespmem:s0+$0x158] =	vst.add.f32.msk $0xffff, v1  }
0xe4: {  	v1 =	vld [tilespmem:s2+$0x79E8];
	_ =	sdelay $0x4  }
0xe5: {  	[tilespmem:s0+$0x168] =	vst.add.f32.msk $0xffff, v1  }
0xe6: {  	v1 =	vld [tilespmem:s2+$0x79F8];
	_ =	sdelay $0x2  }
0xe7: {  	p1 =	sgt.u32 s29, $0x270F0  }
0xe8: {  	s2 =	sand.u32 @!p1 $0x3FFF8, s29  }
0xe9: {  	s3 =	sadd.s32 $0x108, s0;
	[tilespmem:s0+$0x178] =	vst.add.f32.msk $0xffff, v1;
	s0 =	sadd.s32 @!p1 s1, s2;
	s2 =	sand.u32 @!p1 $0x7, s29  }
0xea: {  	[hbm4b:s0+s2] =	stream.linear.scatter @!p1 [tilespmem:s3], [sflag:$0xC], $0x80, $0x38;
	[tilespmem:$0x1F6F8] =	vst v63  }
0xeb: {  	s0 =	simm.s32 $0x0  }
0xec: {  	s0 =	simm.s32 @!p1 $0x200  }
0xed: {  	s31 =	sadd.s32 s0, s31  }
.LBB2_16:
0xee: {  	s0 =	sadd.s32 $0x1, s22  }
0xef: {  	s2 =	smulhi.u32 $0x88888889, s0;
	_ =	sdelay $0x1  }
0xf0: {  	v1 =	vld [tilespmem:s25+$0xFFFFFFC0];
	s2 =	sshrl.u32 s2, $0x7  }
0xf1: {  	s2 =	smul.u32 $0xF0, s2;
	_ =	sdelay $0x1  }
0xf2: {  	s22 =	ssub.s32 s0, s2  }
0xf3: {  	s0 =	sshll.u32 s22, $0x7  }
0xf4: {  	[tilespmem:s0+$0x108] =	vst v1  }
0xf5: {  	v1 =	vld [tilespmem:s25+$0xFFFFFFD0];
	_ =	sdelay $0x4  }
0xf6: {  	[tilespmem:s0+$0x118] =	vst v1  }
0xf7: {  	v1 =	vld [tilespmem:s25+$0xFFFFFFE0];
	_ =	sdelay $0x4  }
0xf8: {  	[tilespmem:s0+$0x128] =	vst v1  }
0xf9: {  	v1 =	vld [tilespmem:s25+$0xFFFFFFF0];
	_ =	sdelay $0x4  }
0xfa: {  	[tilespmem:s0+$0x138] =	vst v1  }
0xfb: {  	v1 =	vld [tilespmem:s25+$0x0];
	_ =	sdelay $0x4  }
0xfc: {  	[tilespmem:s0+$0x148] =	vst v1  }
0xfd: {  	v1 =	vld [tilespmem:s25+$0x10];
	_ =	sdelay $0x4  }
0xfe: {  	[tilespmem:s0+$0x158] =	vst v1  }
0xff: {  	v1 =	vld [tilespmem:s25+$0x20];
	_ =	sdelay $0x4  }
0x100: {  	[tilespmem:s0+$0x168] =	vst v1  }
0x101: {  	v1 =	vld [tilespmem:s25+$0x30]  }
.Ltmp15:
0x102: {  	_ = 	snop;
	(pc) =	sbr.rel .LBB2_17-.Ltmp15, $2  }
0x103: {  	_ =	sdelay $0x2  }
0x104: {  	s28 =	sadd.s32 $0x1, s28;
	[tilespmem:s0+$0x178] =	vst v1  }
.LBB2_19:
.Ltmp16:
0x105: {  	(pc) =	sbr.rel .LBB2_20-.Ltmp16, $4  }
0x106: {  	_ = 	snop  }
0x107: {  	s0 =	simm.s32 $0x2  }
0x108: {  	_ =	swait.ge [sflag:s0], $0x0  }
0x109: {  	s30 =	smov.u32 s29;
	[sflag:s0] =	ssyncset.done $0x0;
	s0 =	simm.s32 $0x0  }
.LBB2_22:
0x10a: {  	_ =	sfence.sel $0x180000  }
0x10b: {  	s0 =	simm.s32 $0x9;
	[bflag:$0x0] =	sbarrier.arrive $0xFFFF  }
0x10c: {  	s24 =	simm.s32 $0xA;
	[sflag:s0] =	ssyncpa.u1 $0x1  }
0x10d: {  	s25 =	simm.s32 $0xB;
	[sflag:s24] =	ssyncpa.u1 $0x1  }
0x10e: {  	s26 =	simm.s32 $0x2;
	[sflag:s25] =	ssyncpa.u1 $0x1  }
0x10f: {  	[sflag:s26] =	ssyncpa.u1 $0x1  }
0x110: {  	v0 =	vld [tilespmem:$0xF208];
	_ =	sdelay $0x4  }
0x111: {  	(v2sf) =	vpush v0, $0x0  }
0x112: {  	(v2sf) =	vpush v0, $0x1;
	_ =	sdelay $0x1  }
0x113: {  	(v2sf) =	vpush v0, $0x2;
	_ =	sdelay $0xb  }
0x114: {  	s0 =	spop (v2sf)  }
0x115: {  	s2 =	spop (v2sf)  }
0x116: {  	s3 =	smov.u32 s0;
	p0 =	sne.s32 s0, s2  }
0x117: {  	s4 =	spop (v2sf);
	s3 =	simm.s32 @!p0 $0xFFFFFFFF  }
0x118: {  	v2 =	vimm.s32 $0x1;
	v3 =	vlaneseq.u32;
	p0 =	seq.s32 s4, $0xFFFFFFFF;
	v1 =	vmov s3  }
0x119: {  	s16 =	stileid.u32;
	v0 =	vperm.xlane v0, v2;
	p1 =	sne.s32 @!p0 s0, s2;
	v1 =	vperm.xlane v1, v3  }
0x11a: {  	vm0 =	vcmask $0x3F04;
	s6 =	simm.s32 $0xF208;
	s0 =	simm.s32 @!p0 $0x1;
	p1 =	por !p1, p0  }
0x11b: {  	s3 =	sshll.u32 s16, $0x1;
	s2 =	sshll.u32 @!p0 s4, $0x9;
	s0 =	simm.s32 @p1 $0x0;
	v0 =	vsel vm0, v1, v0  }
0x11c: {  	s5 =	sor.u32 $0x1000, s3;
	s2 =	sshra.s32 @!p0 s2, $0x2;
	s0 =	sor.u32 @!p0 s0, s3;
	[tilespmem:$0xF208] =	vst v0  }
0x11d: {  	[spmem:s5] =	stream.linear.scatter [tilespmem:s6], [sflag:$0x1], $0x2, $0x38;
	[tilespmem:$0x1F6F8] =	vst v63  }
0x11e: {  	s2 =	sadd.s32 @!p0 $0x108, s2;
	s0 =	sshll.u32 @!p0 s0, $0x7  }
0x11f: {  	[spmem:s0] =	stream.linear.scatter @!p0 [tilespmem:s2], [sflag:$0x1], $0x80, $0x38;
	[tilespmem:$0x1F6F8] =	vst v63  }
0x120: {  	s0 =	simm.s32 @!p0 $0x82  }
0x121: {  	s28 =	simm.s32 $0x1;
	s0 =	simm.s32 @p0 $0x2  }
0x122: {  	_ =	swait.ge [sflag:s28], s0  }
0x123: {  	s0 =	ssub.s32 $0x0, s0;
	[sflag:s28] =	ssyncset.done $0x0  }
0x124: {  	p0 =	sne.s32 s16, $0x0;
	[sflag:s28] =	ssyncadd.s32 s0  }
.Ltmp17:
0x125: {  	_ =	sfence.stream.spmem;
	(pc) =	sbr.rel @p0 .LBB2_39-.Ltmp17, $4  }
0x126: {  	s29 =	simm.s32 $0x3;
	[bflag:$0x0] =	sbarrier.arrive $0xFFFF  }
0x127: {  	s30 =	simm.s32 $0x4;
	[sflag:s29] =	ssyncpa.u1 $0x1  }
0x128: {  	s31 =	simm.s32 $0x3C;
	[sflag:s30] =	ssyncpa.u1 $0x1  }
0x129: {  	s15 =	rddreg [dreg:$0x5];
	[sflag:s31] =	ssyncpa.u1 $0x1  }
0x12a: {  	_ =	sfence.stream.spmem;
	s0 =	simm.s32 $0x5  }
0x12b: {  	s2 =	simm.s32 $0x1000;
	s3 =	simm.s32 $0xF218;
	[sflag:s0] =	ssyncpa.u1 $0x0  }
0x12c: {  	[tilespmem:s3], [sflag:$0x5] =	stream.linear.gather [spmem:s2], $0x20, $0x38;
	[tilespmem:$0x1F6F8] =	vst v63  }
0x12d: {  	s26 =	simm.s32 $0x0;
	s28 =	simm.s32 $0xF238  }
0x12e: {  	[tilespmem:s28], [sflag:$0x5] =	stream.linear.gather [spmem:s26], $0x1000, $0x38;
	[tilespmem:$0x1F6F8] =	vst v63  }
0x12f: {  	_ =	swait.ge [sflag:s0], $0x1020  }
0x130: {  	[sflag:s0] =	ssyncset.done $0x0  }
0x131: {  	s29 =	simm.s32 $0x0;
	[sflag:s0] =	ssyncadd.s32 $0xFFFFEFE0  }
0x132: {  	v0 =	vld.msk [tilespmem:s29+$0xF218], $0x1;
	_ =	sdelay $0x1  }
0x133: {  	s30 =	simm.s32 $0x1  }
0x134: {  	v1 =	vld.msk [tilespmem:s30+$0xF218], $0x1;
	_ =	sdelay $0x1  }
0x135: {  	(v2sf) =	vpush v0, $0x0;
	_ =	sdelay $0x2  }
0x136: {  	(v2sf) =	vpush v1, $0x0;
	_ =	sdelay $0x2  }
0x137: {  	s31 =	simm.s32 $0x2  }
0x138: {  	v0 =	vld.msk [tilespmem:s31+$0xF218], $0x1;
	_ =	sdelay $0x2  }
0x139: {  	s4 =	simm.s32 $0xFFFFFFFF;
	s5 =	simm.s32 $0xFFFFFFFF;
	s0 =	simm.s32 $0xC  }
.LBB2_24:
0x13a: {  	s2 =	smov.u32 s5;
	s3 =	smov.u32 s4  }
0x13b: {  	s4 =	sshra.s32 s0, $0x2;
	p1 =	sne.s32 s0, $0x7C;
	s0 =	sadd.s32 $0x4, s0;
	(v2sf) =	vpush v0, $0x0  }
0x13c: {  	v0 =	vld.msk [tilespmem:s4+$0xF218], $0x1  }
.Ltmp18:
0x13d: {  	(pc) =	sbr.rel @p1 .LBB2_24-.Ltmp18, $4  }
0x13e: {  	s5 =	spop (v2sf)  }
0x13f: {  	p2 =	sne.s32 s3, $0xFFFFFFFF;
	s4 =	smov.u32 s5  }
0x140: {  	p3 =	seq.s32 s5, $0xFFFFFFFF;
	s4 =	smov.u32 @p2 s3  }
0x141: {  	s5 =	smov.u32 @p3 s2;
	s4 =	smov.u32 @p3 s3  }
0x142: {  	(v2sf) =	vpush v0, $0x0;
	_ =	sdelay $0x8  }
0x143: {  	s0 =	spop (v2sf)  }
0x144: {  	p1 =	sne.s32 s4, $0xFFFFFFFF;
	s2 =	smov.u32 s0  }
0x145: {  	s9 =	simm.s32 $0x6;
	p2 =	seq.s32 s0, $0xFFFFFFFF;
	s2 =	smov.u32 @p1 s4  }
0x146: {  	s6 =	simm.s32 $0x0;
	s2 =	smov.u32 @p2 s4;
	s3 =	spop (v2sf)  }
0x147: {  	s0 =	smov.u32 @p2 s5;
	p1 =	sne.s32 s2, $0xFFFFFFFF;
	s4 =	smov.u32 s3  }
.Ltmp19:
0x148: {  	p2 =	seq.s32 s3, $0xFFFFFFFF;
	s4 =	smov.u32 @p1 s2;
	(pc) =	sbr.rel .LBB2_26-.Ltmp19, $4  }
0x149: {  	s10 =	simm.s32 $0xF188;
	s4 =	smov.u32 @p2 s2;
	s7 =	spop (v2sf)  }
0x14a: {  	s11 =	simm.s32 $0x0;
	p1 =	sne.s32 s4, $0xFFFFFFFF;
	s8 =	smov.u32 s7  }
0x14b: {  	s3 =	smov.u32 @p2 s0;
	p2 =	seq.s32 s7, $0xFFFFFFFF;
	s8 =	smov.u32 @p1 s4  }
0x14c: {  	[sflag:s9] =	ssyncpa.u1 $0x0;
	s7 =	smov.u32 @p2 s3;
	s8 =	smov.u32 @p2 s4  }
.LBB2_32:
0x14d: {  	p1 =	sgt.u32 s12, $0x270F0  }
0x14e: {  	p2 =	seq.s32 @!p1 s12, s8  }
0x14f: {  	p1 =	por p1, p2  }
0x150: {  	p2 =	sne.s32 @!p1 s12, s7  }
0x151: {  	p1 =	por p1, !p2  }
0x152: {  	s0 =	sshll.u32 @p1 s11, $0x9  }
0x153: {  	s0 =	sand.u32 @!p1 $0x3FFF8, s12  }
0x154: {  	s2 =	sand.u32 @!p1 $0x7, s12;
	s0 =	sadd.s32 @!p1 s1, s0  }
0x155: {  	[tilespmem:s10], [sflag:$0x6] =	stream.linear.gather @!p1 [hbm4b:s0+s2], $0x80, $0x38;
	[tilespmem:$0x1F6F8] =	vst v63  }
0x156: {  	_ =	swait.ge @!p1 [sflag:s9], $0x80  }
0x157: {  	[sflag:s9] =	ssyncset.done @!p1 $0x0  }
0x158: {  	[sflag:s9] =	ssyncadd.s32 @!p1 $0xFFFFFF80  }
0x159: {  	v1 =	vld @!p1 [tilespmem:$0xF188];
	_ =	sdelay $0x2  }
0x15a: {  	s0 =	sshll.u32 @!p1 s11, $0x9  }
0x15b: {  	s2 =	sshrl.u32 @!p1 s0, $0x2  }
0x15c: {  	[tilespmem:s2+$0xF238] =	vst.add.f32.msk @!p1 $0xffff, v1  }
0x15d: {  	v1 =	vld @!p1 [tilespmem:$0xF198];
	_ =	sdelay $0x4  }
0x15e: {  	[tilespmem:s2+$0xF248] =	vst.add.f32.msk @!p1 $0xffff, v1  }
0x15f: {  	v1 =	vld @!p1 [tilespmem:$0xF1A8];
	_ =	sdelay $0x4  }
0x160: {  	[tilespmem:s2+$0xF258] =	vst.add.f32.msk @!p1 $0xffff, v1  }
0x161: {  	v1 =	vld @!p1 [tilespmem:$0xF1B8];
	_ =	sdelay $0x4  }
0x162: {  	[tilespmem:s2+$0xF268] =	vst.add.f32.msk @!p1 $0xffff, v1  }
0x163: {  	v1 =	vld @!p1 [tilespmem:$0xF1C8];
	_ =	sdelay $0x4  }
0x164: {  	[tilespmem:s2+$0xF278] =	vst.add.f32.msk @!p1 $0xffff, v1  }
0x165: {  	v1 =	vld @!p1 [tilespmem:$0xF1D8];
	_ =	sdelay $0x4  }
0x166: {  	[tilespmem:s2+$0xF288] =	vst.add.f32.msk @!p1 $0xffff, v1  }
0x167: {  	v1 =	vld @!p1 [tilespmem:$0xF1E8];
	_ =	sdelay $0x4  }
0x168: {  	[tilespmem:s2+$0xF298] =	vst.add.f32.msk @!p1 $0xffff, v1  }
0x169: {  	v1 =	vld @!p1 [tilespmem:$0xF1F8];
	_ =	sdelay $0x4  }
0x16a: {  	[tilespmem:s2+$0xF2A8] =	vst.add.f32.msk @!p1 $0xffff, v1  }
0x16b: {  	s0 =	sshrl.u32 s0, $0x2;
	[tilespmem:s6+$0xF218] =	vst.msk $0x1, v0  }
0x16c: {  	v0 =	vld [tilespmem:s0+$0xF238];
	_ =	sdelay $0x2  }
0x16d: {  	s31 =	sshll.u32 s6, $0x9  }
0x16e: {  	s2 =	sshra.s32 s31, $0x2  }
0x16f: {  	[tilespmem:s2+$0xF238] =	vst v0  }
0x170: {  	v0 =	vld [tilespmem:s0+$0xF248];
	_ =	sdelay $0x4  }
0x171: {  	[tilespmem:s2+$0xF248] =	vst v0  }
0x172: {  	v0 =	vld [tilespmem:s0+$0xF258];
	_ =	sdelay $0x4  }
0x173: {  	[tilespmem:s2+$0xF258] =	vst v0  }
0x174: {  	v0 =	vld [tilespmem:s0+$0xF268];
	_ =	sdelay $0x4  }
0x175: {  	[tilespmem:s2+$0xF268] =	vst v0  }
0x176: {  	v0 =	vld [tilespmem:s0+$0xF278];
	_ =	sdelay $0x4  }
0x177: {  	[tilespmem:s2+$0xF278] =	vst v0  }
0x178: {  	v0 =	vld [tilespmem:s0+$0xF288];
	_ =	sdelay $0x4  }
0x179: {  	[tilespmem:s2+$0xF288] =	vst v0  }
0x17a: {  	v0 =	vld [tilespmem:s0+$0xF298];
	_ =	sdelay $0x4  }
0x17b: {  	[tilespmem:s2+$0xF298] =	vst v0  }
0x17c: {  	v0 =	vld [tilespmem:s0+$0xF2A8];
	_ =	sdelay $0x4  }
0x17d: {  	s6 =	sadd.s32 $0x1, s6;
	[tilespmem:s2+$0xF2A8] =	vst v0  }
.LBB2_33:
0x17e: {  	s11 =	sadd.s32 $0x1, s11  }
0x17f: {  	p1 =	sne.s32 s11, $0x20  }
.Ltmp20:
0x180: {  	_ = 	snop;
	(pc) =	sbr.rel @!p1 .LBB2_34-.Ltmp20, $1  }
0x181: {  	_ =	sdelay $0x3  }
.LBB2_26:
0x182: {  	v0 =	vld.msk [tilespmem:s11+$0xF218], $0x1;
	_ =	sdelay $0x4  }
0x183: {  	(v2sf) =	vpush v0, $0x0;
	_ =	sdelay $0xe  }
0x184: {  	s12 =	spop (v2sf)  }
0x185: {  	p1 =	seq.s32 s12, $0xFFFFFFFF  }
.Ltmp21:
0x186: {  	_ = 	snop;
	(pc) =	sbr.rel @p1 .LBB2_33-.Ltmp21, $1  }
0x187: {  	_ =	sdelay $0x3  }
0x188: {  	p1 =	slt.s32 s6, $0x1  }
.Ltmp22:
0x189: {  	_ = 	snop;
	(pc) =	sbr.rel @p1 .LBB2_32-.Ltmp22, $1  }
0x18a: {  	_ =	sdelay $0x3  }
0x18b: {  	s13 =	simm.s32 $0xF218;
	p1 =	por $0x0, $0x0  }
0x18c: {  	v1 =	vld.msk @!p1 [tilespmem:s13+$0x0], $0x1;
	_ =	sdelay $0x4  }
0x18d: {  	(v2sf) =	vpush @!p1 v1, $0x0;
	_ =	sdelay $0xd  }
0x18e: {  	p3 =	sne.s32 s6, $0x1  }
.Ltmp23:
0x18f: {  	s0 =	spop @!p1 (v2sf);
	(pc) =	sbr.rel @!p3 .LBB2_30-.Ltmp23, $4  }
0x190: {  	p2 =	seq.s32 @!p1 s12, s0  }
0x191: {  	s14 =	simm.s32 $0x0;
	p2 =	por !p2, p1  }
0x192: {  	s2 =	simm.s32 $0xFFFFFFFF;
	s14 =	simm.s32 @p2 $0xFFFFFFFF  }
0x193: {  	s0 =	simm.s32 $0x1;
	s14 =	smov.u32 @p1 s2  }
.LBB2_29:
0x194: {  	s2 =	smov.u32 s14;
	p1 =	sne.s32 s14, $0xFFFFFFFF  }
0x195: {  	s13 =	sadd.s32 $0x1, s13;
	s14 =	smov.u32 s0;
	s0 =	sadd.s32 $0x1, s0  }
0x196: {  	p2 =	sne.s32 s6, s0;
	v1 =	vld.msk @!p1 [tilespmem:s13+$0x0], $0x1;
	_ =	sdelay $0x4  }
0x197: {  	(v2sf) =	vpush @!p1 v1, $0x0;
	_ =	sdelay $0xe  }
.Ltmp24:
0x198: {  	s3 =	spop @!p1 (v2sf);
	(pc) =	sbr.rel @p2 .LBB2_29-.Ltmp24, $4  }
0x199: {  	p3 =	seq.s32 @!p1 s12, s3  }
0x19a: {  	p3 =	por !p3, p1  }
0x19b: {  	s14 =	simm.s32 @p3 $0xFFFFFFFF  }
0x19c: {  	s14 =	smov.u32 @p1 s2  }
.LBB2_30:
0x19d: {  	p1 =	seq.s32 s14, $0xFFFFFFFF  }
.Ltmp25:
0x19e: {  	_ = 	snop;
	(pc) =	sbr.rel @p1 .LBB2_32-.Ltmp25, $1  }
0x19f: {  	_ =	sdelay $0x3  }
0x1a0: {  	s0 =	sshll.u32 s11, $0x7  }
0x1a1: {  	s0 =	sand.u32 $0x3FFFFF80, s0  }
0x1a2: {  	v0 =	vld [tilespmem:s0+$0xF238];
	_ =	sdelay $0x2  }
0x1a3: {  	s2 =	sshll.u32 s14, $0x9  }
0x1a4: {  	s2 =	sshra.s32 s2, $0x2  }
0x1a5: {  	[tilespmem:s2+$0xF238] =	vst.add.f32.msk $0xffff, v0  }
0x1a6: {  	v0 =	vld [tilespmem:s0+$0xF248];
	_ =	sdelay $0x4  }
0x1a7: {  	[tilespmem:s2+$0xF248] =	vst.add.f32.msk $0xffff, v0  }
0x1a8: {  	v0 =	vld [tilespmem:s0+$0xF258];
	_ =	sdelay $0x4  }
0x1a9: {  	[tilespmem:s2+$0xF258] =	vst.add.f32.msk $0xffff, v0  }
0x1aa: {  	v0 =	vld [tilespmem:s0+$0xF268];
	_ =	sdelay $0x4  }
0x1ab: {  	[tilespmem:s2+$0xF268] =	vst.add.f32.msk $0xffff, v0  }
0x1ac: {  	v0 =	vld [tilespmem:s0+$0xF278];
	_ =	sdelay $0x4  }
0x1ad: {  	[tilespmem:s2+$0xF278] =	vst.add.f32.msk $0xffff, v0  }
0x1ae: {  	v0 =	vld [tilespmem:s0+$0xF288];
	_ =	sdelay $0x4  }
0x1af: {  	[tilespmem:s2+$0xF288] =	vst.add.f32.msk $0xffff, v0  }
0x1b0: {  	v0 =	vld [tilespmem:s0+$0xF298];
	_ =	sdelay $0x4  }
0x1b1: {  	[tilespmem:s2+$0xF298] =	vst.add.f32.msk $0xffff, v0  }
0x1b2: {  	v0 =	vld [tilespmem:s0+$0xF2A8]  }
.Ltmp26:
0x1b3: {  	_ = 	snop;
	(pc) =	sbr.rel .LBB2_33-.Ltmp26, $2  }
0x1b4: {  	_ =	sdelay $0x2  }
0x1b5: {  	[tilespmem:s2+$0xF2A8] =	vst.add.f32.msk $0xffff, v0  }
.LBB2_34:
0x1b6: {  	s0 =	simm.s32 $0x6;
	p1 =	seq.s32 s6, $0x0  }
0x1b7: {  	[sflag:s0] =	ssyncpa.u1 $0x1;
	v0 =	vimm.s32 @p1 $0xFFFFFFFF  }
0x1b8: {  	s9 =	sadd.s32 $0xFFFFFFFF, s6;
	[tilespmem:$0x10238] =	vst @p1 v0  }
0x1b9: {  	v0 =	vld.msk @!p1 [tilespmem:s9+$0xF218], $0x1;
	_ =	sdelay $0x1  }
0x1ba: {  	v1 =	vld.msk @!p1 [tilespmem:$0xF218], $0x1;
	_ =	sdelay $0x2  }
0x1bb: {  	p2 =	seq.s32 @!p1 s9, $0x0;
	v0 =	vbroadcast @!p1 v0, $0x0  }
0x1bc: {  	vm0 =	vmmov @!p1 $0x1;
	p2 =	por !p2, p1  }
0x1bd: {  	v1 =	vnsel @!p1 vm0, $0xFFFFFFFF, v1;
	vm0 =	vcmask @!p1 $0x308;
	v0 =	vpsel !p2, $0xFFFFFFFF, v0  }
0x1be: {  	p2 =	sne.s32 @!p1 s8, s7;
	v0 =	vsel @!p1 vm0, v1, v0  }
0x1bf: {  	s0 =	simm.s32 @!p1 $0xF238;
	s2 =	simm.s32 @!p1 $0x0;
	p3 =	por !p2, p1;
	[tilespmem:$0x10238] =	vst @!p1 v0  }
0x1c0: {  	[spmem:s2] =	stream.linear.scatter @!p1 [tilespmem:s0], [sflag:$0x1], $0x80, $0x38;
	[tilespmem:$0x1F6F8] =	vst v63  }
0x1c1: {  	s0 =	sshll.u32 @!p3 s9, $0x9  }
0x1c2: {  	s0 =	sshra.s32 @!p3 s0, $0x2  }
0x1c3: {  	s2 =	simm.s32 @!p3 $0x80;
	s0 =	sadd.s32 @!p3 $0xF238, s0  }
0x1c4: {  	[spmem:s2] =	stream.linear.scatter @!p3 [tilespmem:s0], [sflag:$0x1], $0x80, $0x38;
	[tilespmem:$0x1F6F8] =	vst v63  }
0x1c5: {  	s0 =	simm.s32 @!p3 $0x1  }
0x1c6: {  	_ =	swait.ge @!p3 [sflag:s0], $0x100  }
0x1c7: {  	p1 =	por p2, p1;
	[sflag:s0] =	ssyncset.done @!p3 $0x0  }
0x1c8: {  	[sflag:s0] =	ssyncadd.s32 @!p3 $0xFFFFFF00;
	s0 =	simm.s32 @!p1 $0x1  }
0x1c9: {  	_ =	swait.ge @!p1 [sflag:s0], $0x80  }
0x1ca: {  	s29 =	simm.s32 $0x10238;
	[sflag:s0] =	ssyncset.done @!p1 $0x0  }
0x1cb: {  	s30 =	simm.s32 $0x1000;
	s31 =	simm.s32 $0x1;
	[sflag:s0] =	ssyncadd.s32 @!p1 $0xFFFFFF80  }
0x1cc: {  	[spmem:s30] =	stream.linear.scatter [tilespmem:s29], [sflag:$0x1], $0x10, $0x38;
	[tilespmem:$0x1F6F8] =	vst v63  }
0x1cd: {  	_ =	swait.ge [sflag:s31], $0x10  }
0x1ce: {  	[sflag:s31] =	ssyncset.done $0x0  }
0x1cf: {  	p1 =	seq.s32 s15, $0x0;
	s8 =	rddreg [dreg:$0x2];
	[sflag:s31] =	ssyncadd.s32 $0xFFFFFFF0  }
0x1d0: {  	s2 =	sshll.u32 @p1 s8, $0xE;
	s7 =	rddreg [dreg:$0x3]  }
0x1d1: {  	s0 =	sadd.s32 @p1 $0x15C3C, s2;
	s2 =	sshll.u32 @p1 s7, $0x11  }
0x1d2: {  	_ =	sfence.stream.spmem;
	s0 =	sor.u32 @p1 s2, s0  }
0x1d3: {  	[sflag:s0] =	ssyncadd.remote.s32 @p1 $0x1;
	s0 =	simm.s32 @p1 $0x4  }
0x1d4: {  	s3 =	simm.s32 @!p1 $0x3C;
	s2 =	sand.u32 $0xFFFFFFFE, s8;
	_ =	swait.ge @p1 [sflag:s0], $0x22  }
0x1d5: {  	s4 =	simm.s32 @!p1 $0x0;
	s2 =	sadd.s32 @!p1 $0x4, s2;
	[sflag:s0] =	ssyncset.done @p1 $0x0  }
0x1d6: {  	s5 =	simm.s32 @!p1 $0x100;
	[sflag:s0] =	ssyncadd.s32 @p1 $0xFFFFFFDE;
	s0 =	sshll.u32 @!p1 s2, $0x1A  }
0x1d7: {  	s2 =	sshll.u32 @!p1 s2, $0xD;
	s0 =	sor.u32 @!p1 s0, s7;
	_ =	swait.eq @!p1 [sflag:s3], $0x1  }
0x1d8: {  	s2 =	sor.u32 @!p1 $0x1C04, s2;
	s3 =	simm.s32 @!p1 $0x1C03;
	s0 =	sor.u32 @!p1 $0x80004000, s0  }
0x1d9: {  	[spmem:s5], [sflag:s2] =	dma.general @!p1 [spmem:s4], [sflag:s3], length:$0x20, [dreg:$0x0], stride_count:$0x0, ici_dest:s0, dma_misc:DstOpCode:WRITE  }
0x1da: {  	p2 =	slt.s32 s9, $0x2;
	s4 =	simm.s32 @!p1 $0x200;
	s5 =	simm.s32 @!p1 $0x202  }
0x1db: {  	[spmem:s5], [sflag:s2] =	dma.general @!p1 [spmem:s4], [sflag:s3], length:$0x2, [dreg:$0x0], stride_count:$0x0, ici_dest:s0, dma_misc:DstOpCode:WRITE  }
.Ltmp27:
0x1dc: {  	s0 =	simm.s32 @!p1 $0x3;
	(pc) =	sbr.rel @p2 .LBB2_38-.Ltmp27, $4  }
0x1dd: {  	s2 =	sshll.u32 @!p1 s8, $0xE;
	_ =	swait.ge @!p1 [sflag:s0], $0x22  }
0x1de: {  	s3 =	sshll.u32 @!p1 s7, $0x11;
	s2 =	sadd.s32 @!p1 $0x11C3C, s2;
	[sflag:s0] =	ssyncset.done @!p1 $0x0  }
0x1df: {  	[sflag:s0] =	ssyncadd.s32 @!p1 $0xFFFFFFDE;
	s0 =	sor.u32 @!p1 s3, s2  }
0x1e0: {  	[sflag:s0] =	ssyncadd.remote.s32 @!p1 $0xFFFFFFFF;
	s0 =	simm.s32 $0x0  }
0x1e1: {  	s0 =	simm.s32 $0xF219  }
0x1e2: {  	v0 =	vld.msk [tilespmem:s0+$0x0], $0x1;
	_ =	sdelay $0x4  }
0x1e3: {  	(v2sf) =	vpush v0, $0x0;
	_ =	sdelay $0xb  }
0x1e4: {  	s31 =	sadd.s32 $0xFFFFFFFE, s6  }
0x1e5: {  	s0 =	sadd.s32 $0xFFFFFFFF, s31  }
0x1e6: {  	p2 =	sne.s32 s0, $0x0  }
.Ltmp28:
0x1e7: {  	s2 =	spop (v2sf);
	(pc) =	sbr.rel @!p2 .LBB2_37-.Ltmp28, $4  }
0x1e8: {  	s4 =	simm.s32 $0xF2B8;
	s7 =	simm.s32 $0x0;
	p1 =	sgt.u32 s2, $0x270F0  }
0x1e9: {  	s5 =	simm.s32 $0x0;
	s6 =	simm.s32 $0xF21A;
	s3 =	sand.u32 @!p1 $0x3FFF8, s2  }
0x1ea: {  	s2 =	sand.u32 @!p1 $0x7, s2;
	s7 =	simm.s32 @!p1 $0x200;
	s3 =	sadd.s32 @!p1 s1, s3  }
0x1eb: {  	[hbm4b:s3+s2] =	stream.linear.scatter @!p1 [tilespmem:s4], [sflag:$0x5], $0x80, $0x38;
	[tilespmem:$0x1F6F8] =	vst v63  }
.LBB2_36:
0x1ec: {  	v0 =	vld.msk [tilespmem:s6+$0x0], $0x1;
	s0 =	sadd.s32 $0xFFFFFFFF, s0;
	s5 =	sadd.s32 s5, s7  }
0x1ed: {  	p1 =	sne.s32 s0, $0x0;
	_ =	sdelay $0x3  }
0x1ee: {  	(v2sf) =	vpush v0, $0x0;
	_ =	sdelay $0xe  }
.Ltmp29:
0x1ef: {  	s2 =	spop (v2sf);
	(pc) =	sbr.rel @p1 .LBB2_36-.Ltmp29, $4  }
0x1f0: {  	s7 =	simm.s32 $0x0;
	p2 =	sgt.u32 s2, $0x270F0  }
0x1f1: {  	s4 =	sadd.s32 $0x80, s4;
	s7 =	simm.s32 @!p2 $0x200;
	s3 =	sand.u32 @!p2 $0x3FFF8, s2  }
0x1f2: {  	s6 =	sadd.s32 $0x1, s6;
	s2 =	sand.u32 @!p2 $0x7, s2;
	s3 =	sadd.s32 @!p2 s1, s3  }
0x1f3: {  	[hbm4b:s3+s2] =	stream.linear.scatter @!p2 [tilespmem:s4], [sflag:$0x5], $0x80, $0x38;
	[tilespmem:$0x1F6F8] =	vst v63  }
.LBB2_37:
0x1f4: {  	s0 =	sadd.s32 s5, s7  }
0x1f5: {  	s0 =	sshrl.u32 s0, $0x2  }
.LBB2_38:
0x1f6: {  	s2 =	simm.s32 $0x5  }
0x1f7: {  	_ =	swait.ge [sflag:s2], s0  }
0x1f8: {  	s31 =	ssub.s32 $0x0, s0;
	[sflag:s2] =	ssyncset.done $0x0  }
0x1f9: {  	[sflag:s2] =	ssyncadd.s32 s31  }
0x1fa: {  	[sflag:s2] =	ssyncpa.u1 $0x1  }
.LBB2_39:
0x1fb: {  	s0 =	sor.u32 s15, s16  }
0x1fc: {  	p1 =	sne.s32 s0, $0x0  }
.Ltmp30:
0x1fd: {  	_ = 	snop;
	(pc) =	sbr.rel @p1 .LBB2_54-.Ltmp30, $3  }
0x1fe: {  	_ =	sdelay $0x1  }
0x1ff: {  	[bflag:$0x0] =	sbarrier.arrive $0xFFFF  }
0x200: {  	_ =	sfence  }
0x201: {  	s0 =	simm.s32 $0x7  }
0x202: {  	s2 =	simm.s32 $0x1000;
	s3 =	simm.s32 $0xF218;
	[sflag:s0] =	ssyncpa.u1 $0x0  }
0x203: {  	[tilespmem:s3], [sflag:$0x7] =	stream.linear.gather [spmem:s2], $0x20, $0x38;
	[tilespmem:$0x1F6F8] =	vst v63  }
0x204: {  	s30 =	simm.s32 $0xF238;
	s2 =	simm.s32 $0x0  }
0x205: {  	[tilespmem:s30], [sflag:$0x7] =	stream.linear.gather [spmem:s2], $0x1000, $0x38;
	[tilespmem:$0x1F6F8] =	vst v63  }
.Ltmp31:
0x206: {  	_ = 	snop;
	(pc) =	sbr.rel .LBB2_41-.Ltmp31, $4  }
0x207: {  	_ =	swait.ge [sflag:s0], $0x1020  }
0x208: {  	[sflag:s0] =	ssyncset.done $0x0  }
0x209: {  	s31 =	simm.s32 $0x8;
	[sflag:s0] =	ssyncadd.s32 $0xFFFFEFE0  }
0x20a: {  	s3 =	simm.s32 $0x0;
	[sflag:s31] =	ssyncpa.u1 $0x0  }
.LBB2_47:
0x20b: {  	p1 =	slt.u32 s4, $0x270F1  }
0x20c: {  	s0 =	sand.u32 @p1 $0x3FFF8, s4  }
0x20d: {  	s4 =	sand.u32 @p1 $0x7, s4;
	s5 =	simm.s32 @p1 $0xF188;
	s0 =	sadd.s32 @p1 s1, s0  }
0x20e: {  	[tilespmem:s5], [sflag:$0x8] =	stream.linear.gather @p1 [hbm4b:s0+s4], $0x80, $0x38;
	[tilespmem:$0x1F6F8] =	vst v63  }
0x20f: {  	s0 =	simm.s32 @p1 $0x8  }
0x210: {  	_ =	swait.ge @p1 [sflag:s0], $0x80  }
0x211: {  	[sflag:s0] =	ssyncset.done @p1 $0x0  }
0x212: {  	[sflag:s0] =	ssyncadd.s32 @p1 $0xFFFFFF80  }
0x213: {  	v1 =	vld @p1 [tilespmem:$0xF188];
	_ =	sdelay $0x2  }
0x214: {  	s0 =	sshll.u32 @p1 s3, $0x9  }
0x215: {  	s4 =	sshrl.u32 @p1 s0, $0x2  }
0x216: {  	[tilespmem:s4+$0xF238] =	vst.add.f32.msk @p1 $0xffff, v1  }
0x217: {  	v1 =	vld @p1 [tilespmem:$0xF198];
	_ =	sdelay $0x4  }
0x218: {  	[tilespmem:s4+$0xF248] =	vst.add.f32.msk @p1 $0xffff, v1  }
0x219: {  	v1 =	vld @p1 [tilespmem:$0xF1A8];
	_ =	sdelay $0x4  }
0x21a: {  	[tilespmem:s4+$0xF258] =	vst.add.f32.msk @p1 $0xffff, v1  }
0x21b: {  	v1 =	vld @p1 [tilespmem:$0xF1B8];
	_ =	sdelay $0x4  }
0x21c: {  	[tilespmem:s4+$0xF268] =	vst.add.f32.msk @p1 $0xffff, v1  }
0x21d: {  	v1 =	vld @p1 [tilespmem:$0xF1C8];
	_ =	sdelay $0x4  }
0x21e: {  	[tilespmem:s4+$0xF278] =	vst.add.f32.msk @p1 $0xffff, v1  }
0x21f: {  	v1 =	vld @p1 [tilespmem:$0xF1D8];
	_ =	sdelay $0x4  }
0x220: {  	[tilespmem:s4+$0xF288] =	vst.add.f32.msk @p1 $0xffff, v1  }
0x221: {  	v1 =	vld @p1 [tilespmem:$0xF1E8];
	_ =	sdelay $0x4  }
0x222: {  	[tilespmem:s4+$0xF298] =	vst.add.f32.msk @p1 $0xffff, v1  }
0x223: {  	v1 =	vld @p1 [tilespmem:$0xF1F8];
	_ =	sdelay $0x3  }
0x224: {  	s5 =	sshll.u32 @!p1 s3, $0x9  }
0x225: {  	s5 =	smov.u32 @p1 s0;
	[tilespmem:s4+$0xF2A8] =	vst.add.f32.msk @p1 $0xffff, v1  }
0x226: {  	s0 =	sshrl.u32 s5, $0x2;
	[tilespmem:s2+$0xF218] =	vst.msk $0x1, v0  }
0x227: {  	v0 =	vld [tilespmem:s0+$0xF238];
	_ =	sdelay $0x2  }
0x228: {  	s31 =	sshll.u32 s2, $0x9  }
0x229: {  	s4 =	sshra.s32 s31, $0x2  }
0x22a: {  	[tilespmem:s4+$0xF238] =	vst v0  }
0x22b: {  	v0 =	vld [tilespmem:s0+$0xF248];
	_ =	sdelay $0x4  }
0x22c: {  	[tilespmem:s4+$0xF248] =	vst v0  }
0x22d: {  	v0 =	vld [tilespmem:s0+$0xF258];
	_ =	sdelay $0x4  }
0x22e: {  	[tilespmem:s4+$0xF258] =	vst v0  }
0x22f: {  	v0 =	vld [tilespmem:s0+$0xF268];
	_ =	sdelay $0x4  }
0x230: {  	[tilespmem:s4+$0xF268] =	vst v0  }
0x231: {  	v0 =	vld [tilespmem:s0+$0xF278];
	_ =	sdelay $0x4  }
0x232: {  	[tilespmem:s4+$0xF278] =	vst v0  }
0x233: {  	v0 =	vld [tilespmem:s0+$0xF288];
	_ =	sdelay $0x4  }
0x234: {  	[tilespmem:s4+$0xF288] =	vst v0  }
0x235: {  	v0 =	vld [tilespmem:s0+$0xF298];
	_ =	sdelay $0x4  }
0x236: {  	[tilespmem:s4+$0xF298] =	vst v0  }
0x237: {  	v0 =	vld [tilespmem:s0+$0xF2A8];
	_ =	sdelay $0x4  }
0x238: {  	s2 =	sadd.s32 $0x1, s2;
	[tilespmem:s4+$0xF2A8] =	vst v0  }
.LBB2_48:
0x239: {  	s3 =	sadd.s32 $0x1, s3  }
0x23a: {  	p1 =	sne.s32 s3, $0x20  }
.Ltmp32:
0x23b: {  	_ = 	snop;
	(pc) =	sbr.rel @!p1 .LBB2_49-.Ltmp32, $1  }
0x23c: {  	_ =	sdelay $0x3  }
.LBB2_41:
0x23d: {  	v0 =	vld.msk [tilespmem:s3+$0xF218], $0x1;
	_ =	sdelay $0x4  }
0x23e: {  	(v2sf) =	vpush v0, $0x0;
	_ =	sdelay $0xe  }
0x23f: {  	s4 =	spop (v2sf)  }
0x240: {  	p1 =	seq.s32 s4, $0xFFFFFFFF  }
.Ltmp33:
0x241: {  	_ = 	snop;
	(pc) =	sbr.rel @p1 .LBB2_48-.Ltmp33, $1  }
0x242: {  	_ =	sdelay $0x3  }
0x243: {  	p1 =	slt.s32 s2, $0x1  }
.Ltmp34:
0x244: {  	_ = 	snop;
	(pc) =	sbr.rel @p1 .LBB2_47-.Ltmp34, $1  }
0x245: {  	_ =	sdelay $0x3  }
0x246: {  	s5 =	simm.s32 $0xF218;
	p1 =	por $0x0, $0x0  }
0x247: {  	v1 =	vld.msk @!p1 [tilespmem:s5+$0x0], $0x1;
	_ =	sdelay $0x4  }
0x248: {  	(v2sf) =	vpush @!p1 v1, $0x0;
	_ =	sdelay $0xd  }
0x249: {  	p3 =	sne.s32 s2, $0x1  }
.Ltmp35:
0x24a: {  	s0 =	spop @!p1 (v2sf);
	(pc) =	sbr.rel @!p3 .LBB2_45-.Ltmp35, $4  }
0x24b: {  	p2 =	seq.s32 @!p1 s4, s0  }
0x24c: {  	s6 =	simm.s32 $0x0;
	p2 =	por !p2, p1  }
0x24d: {  	s7 =	simm.s32 $0xFFFFFFFF;
	s6 =	simm.s32 @p2 $0xFFFFFFFF  }
0x24e: {  	s0 =	simm.s32 $0x1;
	s6 =	smov.u32 @p1 s7  }
.LBB2_44:
0x24f: {  	s7 =	smov.u32 s6;
	p1 =	sne.s32 s6, $0xFFFFFFFF  }
0x250: {  	s5 =	sadd.s32 $0x1, s5;
	s6 =	smov.u32 s0;
	s0 =	sadd.s32 $0x1, s0  }
0x251: {  	p2 =	sne.s32 s2, s0;
	v1 =	vld.msk @!p1 [tilespmem:s5+$0x0], $0x1;
	_ =	sdelay $0x4  }
0x252: {  	(v2sf) =	vpush @!p1 v1, $0x0;
	_ =	sdelay $0xe  }
.Ltmp36:
0x253: {  	s8 =	spop @!p1 (v2sf);
	(pc) =	sbr.rel @p2 .LBB2_44-.Ltmp36, $4  }
0x254: {  	p3 =	seq.s32 @!p1 s4, s8  }
0x255: {  	p3 =	por !p3, p1  }
0x256: {  	s6 =	simm.s32 @p3 $0xFFFFFFFF  }
0x257: {  	s6 =	smov.u32 @p1 s7  }
.LBB2_45:
0x258: {  	p1 =	seq.s32 s6, $0xFFFFFFFF  }
.Ltmp37:
0x259: {  	_ = 	snop;
	(pc) =	sbr.rel @p1 .LBB2_47-.Ltmp37, $1  }
0x25a: {  	_ =	sdelay $0x3  }
0x25b: {  	s0 =	sshll.u32 s3, $0x7  }
0x25c: {  	s0 =	sand.u32 $0x3FFFFF80, s0  }
0x25d: {  	v0 =	vld [tilespmem:s0+$0xF238];
	_ =	sdelay $0x2  }
0x25e: {  	s4 =	sshll.u32 s6, $0x9  }
0x25f: {  	s4 =	sshra.s32 s4, $0x2  }
0x260: {  	[tilespmem:s4+$0xF238] =	vst.add.f32.msk $0xffff, v0  }
0x261: {  	v0 =	vld [tilespmem:s0+$0xF248];
	_ =	sdelay $0x4  }
0x262: {  	[tilespmem:s4+$0xF248] =	vst.add.f32.msk $0xffff, v0  }
0x263: {  	v0 =	vld [tilespmem:s0+$0xF258];
	_ =	sdelay $0x4  }
0x264: {  	[tilespmem:s4+$0xF258] =	vst.add.f32.msk $0xffff, v0  }
0x265: {  	v0 =	vld [tilespmem:s0+$0xF268];
	_ =	sdelay $0x4  }
0x266: {  	[tilespmem:s4+$0xF268] =	vst.add.f32.msk $0xffff, v0  }
0x267: {  	v0 =	vld [tilespmem:s0+$0xF278];
	_ =	sdelay $0x4  }
0x268: {  	[tilespmem:s4+$0xF278] =	vst.add.f32.msk $0xffff, v0  }
0x269: {  	v0 =	vld [tilespmem:s0+$0xF288];
	_ =	sdelay $0x4  }
0x26a: {  	[tilespmem:s4+$0xF288] =	vst.add.f32.msk $0xffff, v0  }
0x26b: {  	v0 =	vld [tilespmem:s0+$0xF298];
	_ =	sdelay $0x4  }
0x26c: {  	[tilespmem:s4+$0xF298] =	vst.add.f32.msk $0xffff, v0  }
0x26d: {  	v0 =	vld [tilespmem:s0+$0xF2A8]  }
.Ltmp38:
0x26e: {  	_ = 	snop;
	(pc) =	sbr.rel .LBB2_48-.Ltmp38, $2  }
0x26f: {  	_ =	sdelay $0x2  }
0x270: {  	[tilespmem:s4+$0xF2A8] =	vst.add.f32.msk $0xffff, v0  }
.LBB2_49:
0x271: {  	p1 =	slt.s32 s2, $0x1  }
.Ltmp39:
0x272: {  	_ = 	snop;
	(pc) =	sbr.rel @p1 .LBB2_53-.Ltmp39, $3  }
0x273: {  	_ =	sdelay $0x1  }
0x274: {  	s0 =	simm.s32 $0x8  }
0x275: {  	s3 =	simm.s32 $0x0;
	[sflag:s0] =	ssyncpa.u1 $0x1  }
0x276: {  	s0 =	simm.s32 $0xF218  }
0x277: {  	v0 =	vld.msk [tilespmem:s0+$0x0], $0x1;
	_ =	sdelay $0x4  }
0x278: {  	(v2sf) =	vpush v0, $0x0;
	_ =	sdelay $0xe  }
0x279: {  	s0 =	sadd.s32 $0xFFFFFFFF, s2;
	s5 =	spop (v2sf)  }
0x27a: {  	p2 =	sne.s32 s0, $0x0;
	p1 =	sgt.u32 s5, $0x270F0  }
.Ltmp40:
0x27b: {  	s6 =	sand.u32 @!p1 $0x3FFF8, s5;
	(pc) =	sbr.rel @!p2 .LBB2_52-.Ltmp40, $4  }
0x27c: {  	s4 =	simm.s32 $0xF238;
	s5 =	sand.u32 @!p1 $0x7, s5;
	s2 =	sadd.s32 @!p1 s1, s6  }
0x27d: {  	[hbm4b:s2+s5] =	stream.linear.scatter @!p1 [tilespmem:s4], [sflag:$0x7], $0x80, $0x38;
	[tilespmem:$0x1F6F8] =	vst v63  }
0x27e: {  	s5 =	simm.s32 $0x0  }
0x27f: {  	s2 =	simm.s32 $0xF219;
	s5 =	simm.s32 @!p1 $0x200  }
.LBB2_51:
0x280: {  	v0 =	vld.msk [tilespmem:s2+$0x0], $0x1;
	s0 =	sadd.s32 $0xFFFFFFFF, s0;
	s3 =	sadd.s32 s3, s5  }
0x281: {  	p1 =	sne.s32 s0, $0x0;
	_ =	sdelay $0x3  }
0x282: {  	(v2sf) =	vpush v0, $0x0;
	_ =	sdelay $0xe  }
.Ltmp41:
0x283: {  	s6 =	spop (v2sf);
	(pc) =	sbr.rel @p1 .LBB2_51-.Ltmp41, $4  }
0x284: {  	s5 =	simm.s32 $0x0;
	p2 =	sgt.u32 s6, $0x270F0  }
0x285: {  	s4 =	sadd.s32 $0x80, s4;
	s5 =	simm.s32 @!p2 $0x200;
	s7 =	sand.u32 @!p2 $0x3FFF8, s6  }
0x286: {  	s2 =	sadd.s32 $0x1, s2;
	s6 =	sand.u32 @!p2 $0x7, s6;
	s7 =	sadd.s32 @!p2 s1, s7  }
0x287: {  	[hbm4b:s7+s6] =	stream.linear.scatter @!p2 [tilespmem:s4], [sflag:$0x7], $0x80, $0x38;
	[tilespmem:$0x1F6F8] =	vst v63  }
.LBB2_52:
0x288: {  	s0 =	sadd.s32 s3, s5  }
0x289: {  	s3 =	sshrl.u32 s0, $0x2  }
.LBB2_53:
0x28a: {  	s0 =	simm.s32 $0x7  }
0x28b: {  	_ =	swait.ge [sflag:s0], s3  }
0x28c: {  	s1 =	ssub.s32 $0x0, s3;
	[sflag:s0] =	ssyncset.done $0x0  }
0x28d: {  	[sflag:s0] =	ssyncadd.s32 s1  }
0x28e: {  	[sflag:s0] =	ssyncpa.u1 $0x1  }
.LBB2_54:
0x28f: {  	_ =	sfence;
	s0 =	simm.s32 $0x1  }
0x290: {  	[sflag:s0] =	ssyncpa.u1 $0x1  }
0x291: {  	_ =	strace $0x90000050  }
0x292: {  	[bflag:$0x2] =	sbarrier.arrive $0xFFFF  }
0x293: {  	s0 =	rddreg [dreg:$0x4]  }
0x294: {  	s0 =	sadd.s32 @!p0 $0x100000, s0  }
0x295: {  	[sflag:s0] =	ssyncadd.tile.s32 @!p0 $0x1;
	_ =	shalt  }
.Lfunc_end2:
_tile_overlayer_lowered:
.L_overlay_start_2:
0x296: {  	(tag) =	ssettag $0x2  }
0x297: {  	s0 =	rddreg [dreg:$0x0];
	s2 =	stileid.u32  }
0x298: {  	s1 =	rddreg [dreg:$0x1];
	p0 =	sne.s32 s2, $0x0  }
0x299: {  	s3 =	rddreg [dreg:$0x2];
	[bflag:$0x3] =	sbarrier.arrive $0xFFFF;
	s2 =	simm.s32 @!p0 $0x1C01  }
0x29a: {  	[timem:s3], [sflag:s2] =	dma.local @!p0 [hbm:s0], s1  }
0x29b: {  	s0 =	simm.s32 @!p0 $0x1  }
0x29c: {  	_ =	swait.ge @!p0 [sflag:s0], s1  }
0x29d: {  	s1 =	ssub.s32 @!p0 $0x0, s1;
	[sflag:s0] =	ssyncset.done @!p0 $0x0  }
0x29e: {  	[sflag:s0] =	ssyncadd.s32 @!p0 s1  }
0x29f: {  	[bflag:$0x3] =	sbarrier.arrive $0xFFFF  }
0x2a0: {  	_ =	shalt  }

// kernel: scatter_offload_async_start.2
scs
__scs_entry_jumppad:
0x0: {  	(pc) =	sbr.rel $0x88, $3  }
0x1: {  	(tag) =	ssettag $0x0;
	lr =	simm.s32 $0x1  }
0x2: {  	[smem:$0x3F96] =	sst lr;
	_ =	strace $0xD0000000  }
0x3: {  	_ = 	snop  }
0x4: {  	_ = 	snop  }
0x5: {  	_ = 	snop  }
0x6: {  	_ = 	snop  }
0x7: {  	_ = 	snop  }
__scs_overlays_trampoline_lowered:
0x8: {  	[smem:$0x3FA5] =	sst s0  }
0x9: {  	[smem:$0x3FA6] =	sst s1  }
0xa: {  	[smem:$0x3FA7] =	sst s2  }
0xb: {  	[smem:$0x3FA8] =	sst s3  }
0xc: {  	[smem:$0x3FA9] =	sst s4  }
0xd: {  	[smem:$0x3FAA] =	sst s5  }
0xe: {  	[smem:$0x3FAB] =	sst s6  }
0xf: {  	[smem:$0x3FAC] =	sst s7  }
0x10: {  	[smem:$0x3FAD] =	sst s8  }
0x11: {  	[smem:$0x3FAE] =	sst s9;
	s0 =	simm.s32 @!p0 $0x0  }
0x12: {  	s1 =	sld [smem:$0x3F94];
	s0 =	simm.s32 @p0 $0x1  }
0x13: {  	[smem:$0x3FAF] =	sst s0;
	s0 =	simm.s32 @!p1 $0x0  }
0x14: {  	s2 =	sld [smem:$0x3F93];
	s0 =	simm.s32 @p1 $0x1  }
0x15: {  	[smem:$0x3FB0] =	sst s0;
	s0 =	simm.s32 @!p2 $0x0  }
0x16: {  	s3 =	sld [smem:$0x3FDB];
	s0 =	simm.s32 @p2 $0x1  }
0x17: {  	s4 =	simm.s32 $0x1BF5;
	[smem:$0x3FB2] =	sst s0  }
0x18: {  	s0 =	sld [smem:$0x3F95];
	_ =	swait.ge [sflag:s4], $0x0  }
0x19: {  	s7 =	sld [smem:$0x3F96]  }
0x1a: {  	s8 =	sadd.s32 $0xFFFFE003, lr  }
0x1b: {  	s9 =	sadd.s32 $0xFFFFFEF7, lr;
	s5 =	simm.s32 $0xFFFFFFFF;
	p2 =	slt.u32 s8, $0xFFFFF086  }
0x1c: {  	p1 =	slt.u32 s9, $0xF7A;
	s5 =	simm.s32 @!p2 $0x0  }
0x1d: {  	s5 =	simm.s32 @p1 $0x1;
	p0 =	seq.s32 s7, s2  }
0x1e: {  	s7 =	smul.u32 @!p0 $0xF7A, s2;
	p2 =	seq.s32 @!p0 s5, $0x0  }
0x1f: {  	s9 =	smul.u32 $0xF7A, s1;
	s8 =	simm.s32 @!p0 $0x1BF5;
	p2 =	por !p2, p0  }
0x20: {  	[sflag:s8] =	ssyncset.s32 @!p0 $0xFFFFF086;
	s6 =	sadd.s32 @!p0 s3, s7;
	s7 =	simm.s32 @!p0 $0x108  }
0x21: {  	s3 =	sadd.s32 s3, s9;
	s6 =	sadd.s32 @!p0 $0x88, s6;
	s7 =	simm.s32 @p2 $0x1082  }
0x22: {  	[simem:s7], [sflag:s8] =	dma.local @!p0 [hbm:s6], $0xF7A  }
0x23: {  	s9 =	sor.u32 $0xD0000000, s2;
	s6 =	simm.s32 $0x108;
	_ =	swait.ge @!p0 [sflag:s8], $0x0  }
0x24: {  	s3 =	sadd.s32 $0x88, s3;
	s6 =	simm.s32 @!p1 $0x1082;
	[sflag:s4] =	ssyncset.s32 $0xFFFFF086  }
0x25: {  	[simem:s6], [sflag:s4] =	dma.local [hbm:s3], $0xF7A  }
0x26: {  	[smem:$0x3F96] =	sst s1;
	(tag) =	ssettag s2;
	_ =	strace s9  }
0x27: {  	s1 =	sld [smem:$0x3FA6]  }
0x28: {  	s2 =	sld [smem:$0x3FA7]  }
0x29: {  	s4 =	sld [smem:$0x3FA9]  }
0x2a: {  	p0 =	seq.s32 s5, $0x0;
	s5 =	sld [smem:$0x3FAA]  }
0x2b: {  	s6 =	sld [smem:$0x3FAB]  }
0x2c: {  	s7 =	sld [smem:$0x3FAC]  }
0x2d: {  	s3 =	simm.s32 $0x108;
	s8 =	sld [smem:$0x3FAD]  }
0x2e: {  	s3 =	simm.s32 @!p0 $0x1082;
	s9 =	sld [smem:$0x3FAE]  }
0x2f: {  	lr =	sadd.s32 s0, s3;
	s0 =	sld [smem:$0x3FA5]  }
0x30: {  	s3 =	sld [smem:$0x3FA8]  }
0x31: {  	[smem:$0x3FB1] =	sst s10  }
0x32: {  	s10 =	sld [smem:$0x3FAF];
	_ =	sdelay $0x3  }
0x33: {  	p0 =	seq.s32 s10, $0x1;
	s10 =	sld [smem:$0x3FB1];
	_ =	sdelay $0x3  }
0x34: {  	[smem:$0x3FB1] =	sst s10  }
0x35: {  	s10 =	sld [smem:$0x3FB0];
	_ =	sdelay $0x3  }
0x36: {  	p1 =	seq.s32 s10, $0x1;
	s10 =	sld [smem:$0x3FB1];
	_ =	sdelay $0x3  }
0x37: {  	[smem:$0x3FB1] =	sst s10  }
0x38: {  	s10 =	sld [smem:$0x3FB2]  }
0x39: {  	_ = 	snop;
	(pc) =	sbr.ind lr, $3  }
0x3a: {  	_ = 	snop  }
0x3b: {  	_ = 	snop  }
0x3c: {  	p2 =	seq.s32 s10, $0x1;
	s10 =	sld [smem:$0x3FB1]  }
0x3d: {  	_ =	shalt  }
0x3e: {  	_ =	shalt  }
0x3f: {  	_ =	shalt  }
0x40: {  	_ =	shalt  }
0x41: {  	_ =	shalt  }
0x42: {  	_ =	shalt  }
0x43: {  	_ =	shalt  }
0x44: {  	_ =	shalt  }
0x45: {  	_ =	shalt  }
0x46: {  	_ =	shalt  }
0x47: {  	_ =	shalt  }
0x48: {  	_ =	shalt  }
0x49: {  	_ =	shalt  }
0x4a: {  	_ =	shalt  }
0x4b: {  	_ =	shalt  }
0x4c: {  	_ =	shalt  }
0x4d: {  	_ =	shalt  }
0x4e: {  	_ =	shalt  }
0x4f: {  	_ =	shalt  }
0x50: {  	_ =	shalt  }
0x51: {  	_ =	shalt  }
0x52: {  	_ =	shalt  }
0x53: {  	_ =	shalt  }
0x54: {  	_ =	shalt  }
0x55: {  	_ =	shalt  }
0x56: {  	_ =	shalt  }
0x57: {  	_ =	shalt  }
0x58: {  	_ =	shalt  }
0x59: {  	_ =	shalt  }
0x5a: {  	_ =	shalt  }
0x5b: {  	_ =	shalt  }
0x5c: {  	_ =	shalt  }
0x5d: {  	_ =	shalt  }
0x5e: {  	_ =	shalt  }
0x5f: {  	_ =	shalt  }
0x60: {  	_ =	shalt  }
0x61: {  	_ =	shalt  }
0x62: {  	_ =	shalt  }
0x63: {  	_ =	shalt  }
0x64: {  	_ =	shalt  }
0x65: {  	_ =	shalt  }
0x66: {  	_ =	shalt  }
0x67: {  	_ =	shalt  }
0x68: {  	_ =	shalt  }
0x69: {  	_ =	shalt  }
0x6a: {  	_ =	shalt  }
0x6b: {  	_ =	shalt  }
0x6c: {  	_ =	shalt  }
0x6d: {  	_ =	shalt  }
0x6e: {  	_ =	shalt  }
0x6f: {  	_ =	shalt  }
0x70: {  	_ =	shalt  }
0x71: {  	_ =	shalt  }
0x72: {  	_ =	shalt  }
0x73: {  	_ =	shalt  }
0x74: {  	_ =	shalt  }
0x75: {  	_ =	shalt  }
0x76: {  	_ =	shalt  }
0x77: {  	_ =	shalt  }
0x78: {  	_ =	shalt  }
0x79: {  	_ =	shalt  }
0x7a: {  	_ =	shalt  }
0x7b: {  	_ =	shalt  }
0x7c: {  	_ =	shalt  }
0x7d: {  	_ =	shalt  }
0x7e: {  	_ =	shalt  }
0x7f: {  	_ =	shalt  }
0x80: {  	_ =	shalt  }
0x81: {  	_ =	shalt  }
0x82: {  	_ =	shalt  }
0x83: {  	_ =	shalt  }
0x84: {  	_ =	shalt  }
0x85: {  	_ =	shalt  }
0x86: {  	_ =	shalt  }
0x87: {  	_ =	shalt  }
.Lfunc_end0:
.L_simem_size_0:
called_computation.2_lowered:
.L_overlay_start_0:
0x88: {  	s2 =	sld [smem:$0x3FD9]  }
0x89: {  	s3 =	sld [smem:$0x3FFE];
	_ =	sdelay $0x1  }
0x8a: {  	s1 =	srdreg.scid  }
0x8b: {  	s0 =	sand.u32 $0x1, s1  }
0x8c: {  	s13 =	sshll.u32 s0, $0xA;
	s2 =	sadd.s32 s3, s2  }
0x8d: {  	s2 =	sadd.s32 s2, s13  }
0x8e: {  	[smem:$0x3FBD] =	sst s2  }
0x8f: {  	_ = 	snop  }
0x90: {  	s2 =	sld [smem:$0x3FD0];
	_ =	sdelay $0x2  }
0x91: {  	s14 =	simm.s32 $0xB;
	s4 =	simm.s32 $0x10  }
0x92: {  	[smem:s4], [sflag:s14] =	dma.local [hbm:s2], $0x1  }
0x93: {  	_ =	swait.eq [sflag:s14], $0x1  }
0x94: {  	[sflag:s14] =	ssyncset.done $0x0  }
0x95: {  	[sflag:s14] =	ssyncadd.s32 $0xFFFFFFFF  }
0x96: {  	s15 =	sld [smem:$0x12];
	(tm) =	ssettm $0x1  }
0x97: {  	s16 =	sld [smem:$0x3FFB];
	_ =	sdelay $0x3  }
0x98: {  	_ =	strace s16  }
0x99: {  	s3 =	sld [smem:$0x3FFC];
	_ =	sdelay $0x3  }
0x9a: {  	_ =	strace s3  }
0x9b: {  	s3 =	sld [smem:$0x3FFD];
	_ =	sdelay $0x3  }
0x9c: {  	_ =	strace s3  }
0x9d: {  	_ =	strace $0x8FFFFFFF  }
0x9e: {  	s17 =	sld [smem:$0x3FDB];
	_ =	sdelay $0x1  }
0x9f: {  	s18 =	simm.s32 $_scs_section_size  }
0xa0: {  	s5 =	simm.s32 $_size__tile_overlayer_lowered;
	s6 =	simm.s32 $_tile_overlayer_lowered  }
0xa1: {  	s21 =	simm.s32 $0x1BFF;
	s20 =	sshll.u32 s6, $0x1;
	s3 =	sadd.s32 s18, s17  }
0xa2: {  	s7 =	simm.s32 $0x0;
	s19 =	sshll.u32 s5, $0x1;
	s5 =	sadd.s32 s20, s3  }
0xa3: {  	[timem:s7], [sflag:s21] =	dma.local [hbm:s5], s19  }
0xa4: {  	_ =	swait.ge [sflag:s21], s19  }
0xa5: {  	s4 =	ssub.s32 $0x0, s19;
	[sflag:s21] =	ssyncset.done $0x0  }
0xa6: {  	[sflag:s21] =	ssyncadd.s32 s4;
	_ =	sdelay $0x1  }
0xa7: {  	s22 =	simm.s32 $0x1B8B  }
0xa8: {  	_ =	swait.ge [sflag:s22], $0x1  }
0xa9: {  	[sflag:s22] =	ssyncset.done $0x0  }
0xaa: {  	s23 =	sld [smem:$0x3FFE];
	[sflag:s22] =	ssyncadd.s32 $0xFFFFFFFF  }
0xab: {  	s25 =	simm.s32 $0x1B8E;
	s24 =	sld [smem:$0x0]  }
0xac: {  	s26 =	simm.s32 $execute0_lowered;
	[smem:$0x3FD2] =	sst s25  }
0xad: {  	s6 =	sshll.u32 s26, $0x1;
	_ =	strace $0x80000055;
	[dreg:$0x1] =	wrdreg $0xFFFFFFFF  }
0xae: {  	s28 =	simm.s32 $_size_execute0_lowered;
	s3 =	sadd.s32 s3, s6;
	[dreg:$0x0] =	wrdreg $0x0  }
0xaf: {  	s6 =	sshll.u32 s28, $0x1;
	[dreg:$0x2] =	wrdreg s3  }
0xb0: {  	[dreg:$0x3] =	wrdreg s6  }
0xb1: {  	[dreg:$0x4] =	wrdreg $0xC0  }
0xb2: {  	_ =	task [dreg:s7], $0x5FFFF  }
0xb3: {  	[dreg:$0x1] =	wrdreg $0xFFFFFFFF  }
0xb4: {  	[dreg:$0x0] =	wrdreg $0x60  }
0xb5: {  	[dreg:$0x2] =	wrdreg s15  }
0xb6: {  	[dreg:$0x3] =	wrdreg s23  }
0xb7: {  	[dreg:$0x4] =	wrdreg s1  }
0xb8: {  	[dreg:$0x5] =	wrdreg s24  }
0xb9: {  	[dreg:$0x6] =	wrdreg $0x9  }
0xba: {  	_ =	task.clear_ibuf [dreg:s7], $0x7FFFF;
	_ =	strace $0x90000055  }
0xbb: {  	s29 =	simm.s32 $0x9;
	_ =	strace $0x80000057  }
0xbc: {  	_ =	swait.ge [sflag:s29], $0x1  }
0xbd: {  	[sflag:s29] =	ssyncadd.s32 $0xFFFFFFFF  }
0xbe: {  	_ =	strace $0x90000057  }
0xbf: {  	_ =	sfence  }
0xc0: {  	s30 =	sld [smem:$0x0];
	_ =	sdelay $0x2  }
0xc1: {  	s31 =	sshll.u32 s1, $0xD;
	s1 =	sshrl.u32 s1, $0x2  }
0xc2: {  	s3 =	sand.u32 $0x4000, s31;
	s1 =	sadd.s32 s1, s30  }
0xc3: {  	s0 =	sor.u32 s3, s0;
	s1 =	sshll.u32 s1, $0x11  }
0xc4: {  	s0 =	sor.u32 s1, s0  }
0xc5: {  	s0 =	sadd.s32 $0x8F2B, s0  }
0xc6: {  	[sflag:s0] =	ssyncadd.remote.s32 $0x1  }
0xc7: {  	_ =	sfence.sel $0xFFFF  }
0xc8: {  	[dreg:$0x0] =	wrdreg $0xFFFFFFFF;
	(pc) =	sbr.abs _section_cstart, $3  }
0xc9: {  	[dreg:$0x1] =	wrdreg $0xFFFFFFFF  }
0xca: {  	_ =	task.clear_ibuf [dreg:s7], $0x2FFFF;
	_ =	strace $0x9FFFFFFF  }
0xcb: {  	(tm) =	ssettm $0x7FFFFFFF  }
tec
execute0_lowered:
.L_overlay_start_1:
0x0: {  	(tag) =	ssettag $0x1  }
0x1: {  	s1 =	rddreg [dreg:$0x0]  }
0x2: {  	s15 =	rddreg [dreg:$0x1]  }
0x3: {  	s2 =	rddreg [dreg:$0x2];
	_ =	strace $0x80000056;
	s0 =	simm.s32 $0x1  }
0x4: {  	v0 =	vimm.s32 $0x0;
	[sflag:s0] =	ssyncpa.u1 $0x0;
	s0 =	simm.s32 $0x108  }
0x5: {  	[tilespmem:s0+$0x70] =	vst v0  }
0x6: {  	[tilespmem:s0+$0x60] =	vst v0  }
0x7: {  	[tilespmem:s0+$0x50] =	vst v0  }
0x8: {  	[tilespmem:s0+$0x40] =	vst v0  }
0x9: {  	[tilespmem:s0+$0x30] =	vst v0  }
0xa: {  	s3 =	simm.s32 $0x40;
	[tilespmem:s0+$0x20] =	vst v0  }
0xb: {  	s6 =	sadd.s32 $0x13C00, s15;
	s14 =	sadd.s32 $0x4F5C00, s15;
	s5 =	sand.u32 $0x1, s2;
	[tilespmem:s0+$0x10] =	vst v0  }
.LBB2_1:
0xc: {  	s3 =	sadd.s32 $0x40, s3;
	[tilespmem:s0+$0x0] =	vst v0;
	s0 =	sadd.s32 $0x80, s0  }
0xd: {  	p0 =	slt.u32 s3, $0x3C40;
	[tilespmem:s0+$0x70] =	vst v0  }
0xe: {  	[tilespmem:s0+$0x60] =	vst v0  }
.Ltmp0:
0xf: {  	[tilespmem:s0+$0x50] =	vst v0;
	(pc) =	sbr.rel @p0 .LBB2_1-.Ltmp0, $4  }
0x10: {  	[tilespmem:s0+$0x40] =	vst v0  }
0x11: {  	[tilespmem:s0+$0x30] =	vst v0  }
0x12: {  	[tilespmem:s0+$0x20] =	vst v0  }
0x13: {  	[tilespmem:s0+$0x10] =	vst v0  }
0x14: {  	s9 =	stileid.u32  }
0x15: {  	s2 =	smul.u32 $0x29, s9  }
0x16: {  	s3 =	smin.u32 s9, $0xB  }
0x17: {  	s2 =	sadd.s32 s3, s2  }
0x18: {  	p0 =	slt.u32 s9, $0xB;
	s7 =	smul.u32 $0xF0, s2;
	s2 =	simm.s32 $0x2760  }
0x19: {  	s2 =	simm.s32 @!p0 $0x2670  }
0x1a: {  	s2 =	sadd.s32 s2, s7  }
0x1b: {  	s8 =	smin.u32 s2, $0x27100  }
0x1c: {  	s2 =	ssub.s32 s8, s7  }
0x1d: {  	p0 =	sgt.s32 s2, $0x0  }
0x1e: {  	s29 =	simm.s32 $0x2;
	s10 =	simm.s32 $0x9;
	s2 =	simm.s32 @!p0 $0x0  }
0x1f: {  	s4 =	simm.s32 $0xA;
	s11 =	simm.s32 $0xB;
	s28 =	smulhi.u32 $0x88888889, s2  }
0x20: {  	[dreg:$0x5] =	wrdreg s5;
	s31 =	smul.u32 $0x4E20, s5;
	s12 =	simm.s32 $0x1  }
0x21: {  	s22 =	simm.s32 $0x0;
	s18 =	simm.s32 $0xC;
	s30 =	sshrl.u32 s28, $0x7  }
0x22: {  	s20 =	simm.s32 $0x0;
	s21 =	simm.s32 $0x0;
	s3 =	smul.u32 $0xF0, s30  }
.Ltmp1:
0x23: {  	[tilespmem:s0+$0x0] =	vst v0;
	v0 =	vimm.s32 $0xFFFFFFFF;
	[sflag:s29] =	ssyncpa.u1 $0x0;
	s16 =	sshll.u32 s9, $0x8;
	(pc) =	sbr.rel .LBB2_3-.Ltmp1, $4  }
0x24: {  	[tilespmem:$0xF208] =	vst v0;
	[sflag:s10] =	ssyncpa.u1 $0x0;
	p0 =	sne.s32 s2, s3;
	s2 =	simm.s32 $0x1  }
0x25: {  	s14 =	sadd.s32 s31, s14;
	[sflag:s4] =	ssyncpa.u1 $0x0;
	s2 =	simm.s32 @!p0 $0x0  }
0x26: {  	s15 =	sadd.s32 s31, s15;
	[sflag:s11] =	ssyncpa.u1 $0x0;
	s13 =	sadd.s32 s2, s30  }
0x27: {  	v0 =	vlaneseq.u32;
	s19 =	smov.u32 s7;
	p0 =	por $0x0, $0x0;
	s17 =	sadd.s32 $0x1, s13  }
.LBB2_18:
0x28: {  	s0 =	sshrl.u32 s31, $0x2  }
.LBB2_20:
0x29: {  	_ =	swait.ge [sflag:s18], s0  }
0x2a: {  	s31 =	ssub.s32 $0x0, s0;
	v1 =	vmov s24;
	vm0 =	veq.s32 v0, $0x0;
	[sflag:s18] =	ssyncset.done $0x0  }
0x2b: {  	vm15 =	veq.s32 v0, $0x2;
	v1 =	vsel vm0, s30, v1;
	[sflag:s18] =	ssyncadd.s32 s31  }
0x2c: {  	v1 =	vsel vm15, s22, v1;
	[sflag:s18] =	ssyncpa.u1 $0x1  }
0x2d: {  	[tilespmem:$0xF208] =	vst v1  }
.LBB2_21:
0x2e: {  	s0 =	sadd.s32 $0xF0, s19  }
0x2f: {  	s2 =	smov.u32 s7;
	p1 =	slt.s32 s0, s8  }
0x30: {  	s2 =	smov.u32 @p1 s0;
	p1 =	sne.s32 s21, s17  }
.Ltmp2:
0x31: {  	_ = 	snop;
	(pc) =	sbr.rel @!p1 .LBB2_22-.Ltmp2, $3  }
0x32: {  	_ =	sdelay $0x1  }
0x33: {  	s22 =	smov.u32 s20;
	s31 =	sadd.s32 $0x1, s21;
	s20 =	smov.u32 s19  }
0x34: {  	p0 =	por !p0, !p0;
	s21 =	smov.u32 s31;
	s19 =	smov.u32 s2  }
.LBB2_3:
0x35: {  	p1 =	sge.u32 s21, s13  }
0x36: {  	s0 =	smulhi.u32 @!p1 $0xAAAAAAAB, s21  }
0x37: {  	s2 =	smov.u32 s19;
	p2 =	sgt.s32 @!p1 s19, $0x27010  }
0x38: {  	s3 =	sshra.s32 @!p1 s19, $0x1F;
	p2 =	por !p2, p1;
	s0 =	sshrl.u32 @!p1 s0, $0x1  }
0x39: {  	s3 =	sand.u32 @!p1 s3, s19;
	s2 =	simm.s32 @p2 $0x27010;
	s0 =	smul.u32 @!p1 $0x3, s0  }
0x3a: {  	s2 =	ssub.s32 @!p1 s2, s3  }
0x3b: {  	s2 =	sadd.s32 @!p1 $0xFFFD8FF0, s2;
	s0 =	ssub.s32 @!p1 s21, s0  }
0x3c: {  	s3 =	sshll.u32 @!p1 s2, $0x2;
	p2 =	sgt.s32 @!p1 s2, $0xEF;
	s0 =	smul.u32 @!p1 $0x3C0, s0  }
0x3d: {  	s4 =	sand.u32 @!p1 $0x7, s19;
	s2 =	ssub.s32 @!p1 $0x3C0, s3;
	p2 =	por !p2, p1  }
0x3e: {  	s3 =	sshrl.u32 @!p1 s19, $0x3;
	s2 =	sshrl.u32 @!p1 s2, $0x2;
	s0 =	sshrl.u32 @!p1 s0, $0x2  }
0x3f: {  	s3 =	sadd.s32 @!p1 s3, s14;
	s2 =	simm.s32 @!p2 $0x0;
	s0 =	sadd.s32 @!p1 $0x10248, s0  }
0x40: {  	[tilespmem:s0], [sflag:$0xA] =	stream.linear.gather @!p1 [hbm4b:s3+s4], s2, $0x38;
	[tilespmem:$0x1F6F8] =	vst v63  }
0x41: {  	s0 =	sadd.s32 $0xFFFFFFFF, s21  }
0x42: {  	p1 =	sge.u32 s0, s13  }
0x43: {  	p2 =	sgt.s32 @!p1 s20, $0x27010  }
0x44: {  	s2 =	smov.u32 s20;
	s3 =	sshra.s32 @!p1 s20, $0x1F;
	p2 =	por !p2, p1  }
0x45: {  	s3 =	sand.u32 @!p1 s3, s20;
	s2 =	simm.s32 @p2 $0x27010  }
0x46: {  	s2 =	ssub.s32 @!p1 s2, s3  }
0x47: {  	s2 =	sadd.s32 @!p1 $0xFFFD8FF0, s2  }
0x48: {  	s4 =	sand.u32 @!p1 $0x1, s0;
	s3 =	sshll.u32 @!p1 s2, $0x2  }
0x49: {  	p2 =	sgt.s32 @!p1 s2, $0xEF;
	s2 =	ssub.s32 @!p1 $0x3C0, s3;
	s3 =	smulhi.u32 @!p1 $0xAAAAAAAB, s0  }
0x4a: {  	s23 =	smul.u32 @!p1 $0x3C0, s4;
	p2 =	por !p2, p1;
	s2 =	sshrl.u32 @!p1 s2, $0x2  }
0x4b: {  	s5 =	simm.s32 @!p1 $0xA;
	s2 =	simm.s32 @!p2 $0x0;
	s3 =	sshrl.u32 @!p1 s3, $0x1  }
0x4c: {  	s23 =	sshrl.u32 @!p1 s23, $0x2;
	_ =	swait.ge @!p1 [sflag:s5], s2;
	s3 =	smul.u32 @!p1 $0x3, s3  }
0x4d: {  	s23 =	sadd.s32 @!p1 $0x10518, s23;
	s24 =	ssub.s32 @!p1 $0x0, s2;
	[sflag:s5] =	ssyncset.done @!p1 $0x0  }
0x4e: {  	[sflag:s5] =	ssyncadd.s32 @!p1 s24;
	s5 =	sshrl.u32 @!p1 s20, $0x3;
	s0 =	ssub.s32 @!p1 s0, s3  }
0x4f: {  	s24 =	sand.u32 @!p1 $0x7, s20;
	s5 =	sadd.s32 @!p1 s5, s15;
	s0 =	smul.u32 @!p1 $0x3C0, s0  }
0x50: {  	[tilespmem:s23], [sflag:$0xB] =	stream.linear.gather @!p1 [hbm4b:s5+s24], s2, $0x38;
	[tilespmem:$0x1F6F8] =	vst v63  }
0x51: {  	s3 =	ssub.s32 @!p1 $0x27100, s20;
	s2 =	smul.u32 @!p1 $0x1E000, s4  }
0x52: {  	p2 =	slt.s32 @!p1 s3, $0xF0  }
0x53: {  	p2 =	por !p2, p1;
	s0 =	sshrl.u32 @!p1 s0, $0x2;
	s2 =	sshrl.u32 @!p1 s2, $0x2  }
0x54: {  	s3 =	simm.s32 @p2 $0xF0;
	s0 =	sadd.s32 @!p1 $0x10248, s0;
	s2 =	sor.u32 @!p1 $0x106F8, s2  }
0x55: {  	[tilespmem:s2], [sflag:$0x9] =	stream.indirect.gather @!p1 [hbm4b:s6+s3], $0x80, s0, s3, $0xb8;
	[tilespmem:$0x1F6F8] =	vst v63  }
0x56: {  	p1 =	slt.u32 s21, $0x2  }
.Ltmp3:
0x57: {  	_ = 	snop;
	(pc) =	sbr.rel @p1 .LBB2_21-.Ltmp3, $1  }
0x58: {  	_ =	sdelay $0x3  }
0x59: {  	p1 =	sgt.s32 s22, $0x27010  }
0x5a: {  	s0 =	smov.u32 s22;
	s2 =	sshra.s32 s22, $0x1F;
	s3 =	ssub.s32 $0x27100, s22  }
0x5b: {  	s0 =	simm.s32 @!p1 $0x27010;
	s2 =	sand.u32 s2, s22;
	p1 =	slt.s32 s3, $0xF0  }
0x5c: {  	s0 =	ssub.s32 s0, s2;
	s3 =	simm.s32 @!p1 $0xF0  }
0x5d: {  	s0 =	sadd.s32 $0xFFFD8FF0, s0;
	s25 =	sshll.u32 s3, $0x7  }
0x5e: {  	s26 =	sshll.u32 s0, $0x2;
	s2 =	sand.u32 $0x3FFFFF80, s25  }
0x5f: {  	p1 =	sgt.s32 s0, $0xEF;
	s29 =	ssub.s32 $0x3C0, s26;
	_ =	swait.ge [sflag:s10], s2  }
0x60: {  	s2 =	ssub.s32 $0x0, s2;
	[sflag:s10] =	ssyncset.done $0x0;
	s0 =	sshrl.u32 s29, $0x2  }
0x61: {  	[sflag:s10] =	ssyncadd.s32 s2;
	s0 =	simm.s32 @p1 $0x0  }
0x62: {  	_ =	swait.ge [sflag:s11], s0  }
0x63: {  	s0 =	ssub.s32 $0x0, s0;
	[sflag:s11] =	ssyncset.done $0x0  }
0x64: {  	[sflag:s11] =	ssyncadd.s32 s0  }
0x65: {  	v1 =	vld [tilespmem:$0xF208];
	_ =	sdelay $0x4  }
0x66: {  	(v2sf) =	vpush v1, $0x0  }
0x67: {  	(v2sf) =	vpush v1, $0x1  }
0x68: {  	(v2sf) =	vpush v1, $0x2;
	_ =	sdelay $0x3  }
0x69: {  	s0 =	sadd.s32 $0xF0, s22  }
0x6a: {  	s2 =	ssub.s32 $0x4E200, s22;
	p1 =	slt.s32 s8, s0  }
0x6b: {  	s0 =	smov.u32 @p1 s8;
	p1 =	sgt.s32 s2, $0x0  }
0x6c: {  	s26 =	ssub.s32 s0, s22;
	s2 =	simm.s32 @!p1 $0x0  }
0x6d: {  	p1 =	slt.s32 s2, s26  }
0x6e: {  	s26 =	smov.u32 @p1 s2  }
0x6f: {  	s25 =	simm.s32 $0x1;
	p1 =	slt.s32 s26, $0x1  }
.Ltmp4:
0x70: {  	s25 =	simm.s32 @!p0 $0x0;
	(pc) =	sbr.rel @p1 .LBB2_8-.Ltmp4, $4  }
0x71: {  	s31 =	smul.u32 $0x3C0, s25  }
0x72: {  	s28 =	spop (v2sf)  }
0x73: {  	s0 =	sshrl.u32 s31, $0x2;
	s30 =	spop (v2sf)  }
0x74: {  	s23 =	sadd.s32 $0x10518, s0;
	s22 =	spop (v2sf)  }
0x75: {  	s0 =	smin.u32 s26, $0x10  }
0x76: {  	v1 =	vmov s0  }
0x77: {  	p2 =	sgt.s32 s26, $0x10;
	vm1 =	vgt.u32 v1, v0  }
.Ltmp5:
0x78: {  	_ = 	snop;
	(pc) =	sbr.rel @!p2 .LBB2_7-.Ltmp5, $2  }
0x79: {  	_ =	sdelay $0x2  }
0x7a: {  	s4 =	simm.s32 $0x10;
	s24 =	sadd.s32 $0xFFFFFFF0, s26;
	s0 =	smov.u32 s23;
	vm0 =	vmmov vm1  }
.LBB2_6:
0x7b: {  	s2 =	smin.u32 s24, $0x10;
	s4 =	sadd.s32 $0x10, s4;
	v1 =	vld.msk [tilespmem:s0+$0x0 ss:$0x1], vm1  }
0x7c: {  	v2 =	vmov s2;
	p2 =	slt.s32 s4, s26  }
0x7d: {  	vm1 =	vgt.u32 v2, v0  }
.Ltmp6:
0x7e: {  	(pc) =	sbr.rel @p2 .LBB2_6-.Ltmp6, $3  }
0x7f: {  	_ =	sdelay $0x1  }
0x80: {  	v1 =	vshll.u32 v1, $0x4  }
0x81: {  	s24 =	sadd.s32 $0xFFFFFFF0, s24;
	[tilespmem:s0+$0x0] =	vst.msk vm0, v1;
	s0 =	sadd.s32 $0x10, s0;
	vm0 =	vmmov vm1  }
.LBB2_7:
0x82: {  	_ =	sdelay $0x4  }
0x83: {  	v1 =	vld.msk [tilespmem:s0+$0x0 ss:$0x1], vm1;
	_ =	sdelay $0x4  }
0x84: {  	v1 =	vshll.u32 v1, $0x4  }
0x85: {  	[tilespmem:s0+$0x0] =	vst.msk vm0, v1  }
.LBB2_8:
0x86: {  	s0 =	sand.u32 $0x1, s21  }
0x87: {  	s0 =	smul.u32 $0xF0, s0  }
0x88: {  	p2 =	sne.s32 s30, $0xFFFFFFFF  }
0x89: {  	v1 =	vld.msk @!p2 [tilespmem:s0+$0x10518], $0x1;
	_ =	sdelay $0x4  }
0x8a: {  	(v2sf) =	vpush @!p2 v1, $0x0;
	_ =	sdelay $0xc  }
.Ltmp7:
0x8b: {  	_ = 	snop;
	(pc) =	sbr.rel @p1 .LBB2_19-.Ltmp7, $4  }
0x8c: {  	_ = 	snop  }
0x8d: {  	s29 =	spop @!p2 (v2sf)  }
0x8e: {  	s22 =	simm.s32 @!p2 $0x0;
	s24 =	smov.u32 s29  }
0x8f: {  	[sflag:s18] =	ssyncpa.u1 $0x0;
	s29 =	smov.u32 @p2 s28;
	s24 =	smov.u32 @p2 s30  }
0x90: {  	v1 =	vld.msk [tilespmem:s23+$0x0], $0x1;
	_ =	sdelay $0x4  }
0x91: {  	(v2sf) =	vpush v1, $0x0;
	_ =	sdelay $0xe  }
0x92: {  	s2 =	smul.u32 $0x1E000, s25;
	s0 =	spop (v2sf)  }
0x93: {  	s26 =	ssub.s32 $0x0, s26;
	p1 =	seq.s32 s29, s0  }
0x94: {  	s30 =	sadd.s32 $0x1, s26;
	s2 =	sshrl.u32 s2, $0x2;
	p2 =	sgt.s32 @!p1 s29, $0x0  }
0x95: {  	s25 =	sor.u32 $0x10738, s2;
	s2 =	smov.u32 s29;
	p2 =	por !p2, p1  }
0x96: {  	s2 =	simm.s32 @p2 $0x0;
	p2 =	seq.s32 s30, $0x0  }
.Ltmp8:
0x97: {  	_ = 	snop;
	(pc) =	sbr.rel @p2 .LBB2_11-.Ltmp8, $4  }
0x98: {  	_ = 	snop  }
0x99: {  	s28 =	simm.s32 $0x0;
	s31 =	sadd.s32 $0x1, s23;
	s2 =	smin.u32 @!p1 s2, $0x270F0  }
0x9a: {  	s4 =	simm.s32 @!p1 $0x1;
	s5 =	simm.s32 @!p1 $0x7988;
	s3 =	sand.u32 @!p1 $0x3FFF8, s2  }
0x9b: {  	s4 =	smov.u32 @p1 s28;
	s2 =	sand.u32 @!p1 $0x7, s2;
	s3 =	sadd.s32 @!p1 s1, s3  }
.LBB2_10:
0x9c: {  	s9 =	smov.u32 s4  }
0x9d: {  	[tilespmem:s5], [sflag:$0x2] =	stream.linear.gather @!p1 [hbm4b:s3+s2], $0x80, $0x38;
	[tilespmem:$0x1F6F8] =	vst v63  }
0x9e: {  	s30 =	sadd.s32 $0x1, s30;
	s2 =	smov.u32 s0;
	v1 =	vld.msk [tilespmem:s31+$0x0], $0x1  }
0x9f: {  	p2 =	seq.s32 s30, $0x0;
	_ =	sdelay $0x3  }
0xa0: {  	(v2sf) =	vpush v1, $0x0;
	_ =	sdelay $0xe  }
0xa1: {  	s0 =	spop (v2sf)  }
0xa2: {  	p1 =	seq.s32 s2, s0  }
0xa3: {  	p3 =	sgt.s32 @!p1 s2, $0x0;
	s3 =	sshll.u32 @!p1 s4, $0x9;
	s4 =	sadd.s32 @!p1 $0x1, s4  }
.Ltmp9:
0xa4: {  	p3 =	por !p3, p1;
	s3 =	sshra.s32 @!p1 s3, $0x2;
	(pc) =	sbr.rel @!p2 .LBB2_10-.Ltmp9, $4  }
0xa5: {  	s4 =	smov.u32 @p1 s9;
	s2 =	simm.s32 @p3 $0x0;
	s5 =	sadd.s32 @!p1 $0x7988, s3  }
0xa6: {  	s2 =	smin.u32 @!p1 s2, $0x270F0  }
0xa7: {  	s3 =	sand.u32 @!p1 $0x3FFF8, s2;
	s2 =	sand.u32 @!p1 $0x7, s2  }
0xa8: {  	s31 =	sadd.s32 $0x1, s31;
	s3 =	sadd.s32 @!p1 s1, s3  }
.LBB2_11:
0xa9: {  	[tilespmem:s5], [sflag:$0x2] =	stream.linear.gather @!p1 [hbm4b:s3+s2], $0x80, $0x38;
	[tilespmem:$0x1F6F8] =	vst v63  }
.Ltmp10:
0xaa: {  	s0 =	sshll.u32 s4, $0x7;
	(pc) =	sbr.rel .LBB2_12-.Ltmp10, $4  }
0xab: {  	s30 =	simm.s32 $0x2;
	s0 =	sand.u32 $0x3FFFFF80, s0  }
0xac: {  	_ =	swait.ge [sflag:s30], s0  }
0xad: {  	s0 =	ssub.s32 $0x0, s0;
	[sflag:s30] =	ssyncset.done $0x0  }
0xae: {  	s31 =	simm.s32 $0x0;
	[sflag:s30] =	ssyncadd.s32 s0  }
.LBB2_13:
0xaf: {  	v1 =	vld [tilespmem:s25+$0xFFFFFFC0];
	_ =	sdelay $0x3  }
0xb0: {  	s0 =	sshra.s32 s0, $0x2  }
0xb1: {  	[tilespmem:s0+$0x108] =	vst.add.f32.msk $0xffff, v1  }
0xb2: {  	v1 =	vld [tilespmem:s25+$0xFFFFFFD0];
	_ =	sdelay $0x4  }
0xb3: {  	[tilespmem:s0+$0x118] =	vst.add.f32.msk $0xffff, v1  }
0xb4: {  	v1 =	vld [tilespmem:s25+$0xFFFFFFE0];
	_ =	sdelay $0x4  }
0xb5: {  	[tilespmem:s0+$0x128] =	vst.add.f32.msk $0xffff, v1  }
0xb6: {  	v1 =	vld [tilespmem:s25+$0xFFFFFFF0];
	_ =	sdelay $0x4  }
0xb7: {  	[tilespmem:s0+$0x138] =	vst.add.f32.msk $0xffff, v1  }
0xb8: {  	v1 =	vld [tilespmem:s25+$0x0];
	_ =	sdelay $0x4  }
0xb9: {  	[tilespmem:s0+$0x148] =	vst.add.f32.msk $0xffff, v1  }
0xba: {  	v1 =	vld [tilespmem:s25+$0x10];
	_ =	sdelay $0x4  }
0xbb: {  	[tilespmem:s0+$0x158] =	vst.add.f32.msk $0xffff, v1  }
0xbc: {  	v1 =	vld [tilespmem:s25+$0x20];
	_ =	sdelay $0x4  }
0xbd: {  	[tilespmem:s0+$0x168] =	vst.add.f32.msk $0xffff, v1  }
0xbe: {  	v1 =	vld [tilespmem:s25+$0x30];
	_ =	sdelay $0x4  }
0xbf: {  	[tilespmem:s0+$0x178] =	vst.add.f32.msk $0xffff, v1  }
.LBB2_17:
0xc0: {  	s26 =	sadd.s32 $0x1, s26  }
0xc1: {  	p1 =	seq.s32 s26, $0x0  }
.Ltmp11:
0xc2: {  	_ = 	snop;
	(pc) =	sbr.rel @p1 .LBB2_18-.Ltmp11, $2  }
0xc3: {  	_ =	sdelay $0x2  }
0xc4: {  	s23 =	sadd.s32 $0x1, s23;
	s25 =	sadd.s32 $0x80, s25;
	s29 =	smov.u32 s30  }
.LBB2_12:
0xc5: {  	v1 =	vld.msk [tilespmem:s23+$0x0], $0x1;
	_ =	sdelay $0x4  }
0xc6: {  	(v2sf) =	vpush v1, $0x0;
	_ =	sdelay $0xe  }
0xc7: {  	s30 =	spop (v2sf)  }
0xc8: {  	p1 =	sne.s32 s29, s30  }
.Ltmp12:
0xc9: {  	_ = 	snop;
	(pc) =	sbr.rel @!p1 .LBB2_13-.Ltmp12, $2  }
0xca: {  	_ =	sdelay $0x2  }
0xcb: {  	s0 =	sshll.u32 s22, $0x9  }
0xcc: {  	p1 =	seq.s32 s29, s24  }
.Ltmp13:
0xcd: {  	_ = 	snop;
	(pc) =	sbr.rel @!p1 .LBB2_15-.Ltmp13, $1  }
0xce: {  	_ =	sdelay $0x3  }
0xcf: {  	s0 =	sshra.s32 s0, $0x2  }
.Ltmp14:
0xd0: {  	s0 =	sadd.s32 $0x108, s0;
	(pc) =	sbr.rel .LBB2_16-.Ltmp14, $4  }
0xd1: {  	[spmem:s16] =	stream.linear.scatter [tilespmem:s0], [sflag:$0x1], $0x80, $0x38;
	[tilespmem:$0x1F6F8] =	vst v63  }
0xd2: {  	_ =	swait.ge [sflag:s12], $0x80  }
0xd3: {  	[sflag:s12] =	ssyncset.done $0x0  }
0xd4: {  	[sflag:s12] =	ssyncadd.s32 $0xFFFFFF80  }
.LBB2_15:
0xd5: {  	s2 =	sshll.u32 s28, $0x9  }
0xd6: {  	s2 =	sshra.s32 s2, $0x2  }
0xd7: {  	v1 =	vld [tilespmem:s2+$0x7988];
	_ =	sdelay $0x3  }
0xd8: {  	s0 =	sshra.s32 s0, $0x2  }
0xd9: {  	[tilespmem:s0+$0x108] =	vst.add.f32.msk $0xffff, v1  }
0xda: {  	v1 =	vld [tilespmem:s2+$0x7998];
	_ =	sdelay $0x4  }
0xdb: {  	[tilespmem:s0+$0x118] =	vst.add.f32.msk $0xffff, v1  }
0xdc: {  	v1 =	vld [tilespmem:s2+$0x79A8];
	_ =	sdelay $0x4  }
0xdd: {  	[tilespmem:s0+$0x128] =	vst.add.f32.msk $0xffff, v1  }
0xde: {  	v1 =	vld [tilespmem:s2+$0x79B8];
	_ =	sdelay $0x4  }
0xdf: {  	[tilespmem:s0+$0x138] =	vst.add.f32.msk $0xffff, v1  }
0xe0: {  	v1 =	vld [tilespmem:s2+$0x79C8];
	_ =	sdelay $0x4  }
0xe1: {  	[tilespmem:s0+$0x148] =	vst.add.f32.msk $0xffff, v1  }
0xe2: {  	v1 =	vld [tilespmem:s2+$0x79D8];
	_ =	sdelay $0x4  }
0xe3: {  	[tilespmem:s0+$0x158] =	vst.add.f32.msk $0xffff, v1  }
0xe4: {  	v1 =	vld [tilespmem:s2+$0x79E8];
	_ =	sdelay $0x4  }
0xe5: {  	[tilespmem:s0+$0x168] =	vst.add.f32.msk $0xffff, v1  }
0xe6: {  	v1 =	vld [tilespmem:s2+$0x79F8];
	_ =	sdelay $0x2  }
0xe7: {  	p1 =	sgt.u32 s29, $0x270F0  }
0xe8: {  	s2 =	sand.u32 @!p1 $0x3FFF8, s29  }
0xe9: {  	s3 =	sadd.s32 $0x108, s0;
	[tilespmem:s0+$0x178] =	vst.add.f32.msk $0xffff, v1;
	s0 =	sadd.s32 @!p1 s1, s2;
	s2 =	sand.u32 @!p1 $0x7, s29  }
0xea: {  	[hbm4b:s0+s2] =	stream.linear.scatter @!p1 [tilespmem:s3], [sflag:$0xC], $0x80, $0x38;
	[tilespmem:$0x1F6F8] =	vst v63  }
0xeb: {  	s0 =	simm.s32 $0x0  }
0xec: {  	s0 =	simm.s32 @!p1 $0x200  }
0xed: {  	s31 =	sadd.s32 s0, s31  }
.LBB2_16:
0xee: {  	s0 =	sadd.s32 $0x1, s22  }
0xef: {  	s2 =	smulhi.u32 $0x88888889, s0;
	_ =	sdelay $0x1  }
0xf0: {  	v1 =	vld [tilespmem:s25+$0xFFFFFFC0];
	s2 =	sshrl.u32 s2, $0x7  }
0xf1: {  	s2 =	smul.u32 $0xF0, s2;
	_ =	sdelay $0x1  }
0xf2: {  	s22 =	ssub.s32 s0, s2  }
0xf3: {  	s0 =	sshll.u32 s22, $0x7  }
0xf4: {  	[tilespmem:s0+$0x108] =	vst v1  }
0xf5: {  	v1 =	vld [tilespmem:s25+$0xFFFFFFD0];
	_ =	sdelay $0x4  }
0xf6: {  	[tilespmem:s0+$0x118] =	vst v1  }
0xf7: {  	v1 =	vld [tilespmem:s25+$0xFFFFFFE0];
	_ =	sdelay $0x4  }
0xf8: {  	[tilespmem:s0+$0x128] =	vst v1  }
0xf9: {  	v1 =	vld [tilespmem:s25+$0xFFFFFFF0];
	_ =	sdelay $0x4  }
0xfa: {  	[tilespmem:s0+$0x138] =	vst v1  }
0xfb: {  	v1 =	vld [tilespmem:s25+$0x0];
	_ =	sdelay $0x4  }
0xfc: {  	[tilespmem:s0+$0x148] =	vst v1  }
0xfd: {  	v1 =	vld [tilespmem:s25+$0x10];
	_ =	sdelay $0x4  }
0xfe: {  	[tilespmem:s0+$0x158] =	vst v1  }
0xff: {  	v1 =	vld [tilespmem:s25+$0x20];
	_ =	sdelay $0x4  }
0x100: {  	[tilespmem:s0+$0x168] =	vst v1  }
0x101: {  	v1 =	vld [tilespmem:s25+$0x30]  }
.Ltmp15:
0x102: {  	_ = 	snop;
	(pc) =	sbr.rel .LBB2_17-.Ltmp15, $2  }
0x103: {  	_ =	sdelay $0x2  }
0x104: {  	s28 =	sadd.s32 $0x1, s28;
	[tilespmem:s0+$0x178] =	vst v1  }
.LBB2_19:
.Ltmp16:
0x105: {  	(pc) =	sbr.rel .LBB2_20-.Ltmp16, $4  }
0x106: {  	_ = 	snop  }
0x107: {  	s0 =	simm.s32 $0x2  }
0x108: {  	_ =	swait.ge [sflag:s0], $0x0  }
0x109: {  	s30 =	smov.u32 s29;
	[sflag:s0] =	ssyncset.done $0x0;
	s0 =	simm.s32 $0x0  }
.LBB2_22:
0x10a: {  	_ =	sfence.sel $0x180000  }
0x10b: {  	s0 =	simm.s32 $0x9;
	[bflag:$0x0] =	sbarrier.arrive $0xFFFF  }
0x10c: {  	s24 =	simm.s32 $0xA;
	[sflag:s0] =	ssyncpa.u1 $0x1  }
0x10d: {  	s25 =	simm.s32 $0xB;
	[sflag:s24] =	ssyncpa.u1 $0x1  }
0x10e: {  	s26 =	simm.s32 $0x2;
	[sflag:s25] =	ssyncpa.u1 $0x1  }
0x10f: {  	[sflag:s26] =	ssyncpa.u1 $0x1  }
0x110: {  	v0 =	vld [tilespmem:$0xF208];
	_ =	sdelay $0x4  }
0x111: {  	(v2sf) =	vpush v0, $0x0  }
0x112: {  	(v2sf) =	vpush v0, $0x1;
	_ =	sdelay $0x1  }
0x113: {  	(v2sf) =	vpush v0, $0x2;
	_ =	sdelay $0xb  }
0x114: {  	s0 =	spop (v2sf)  }
0x115: {  	s2 =	spop (v2sf)  }
0x116: {  	s3 =	smov.u32 s0;
	p0 =	sne.s32 s0, s2  }
0x117: {  	s4 =	spop (v2sf);
	s3 =	simm.s32 @!p0 $0xFFFFFFFF  }
0x118: {  	v2 =	vimm.s32 $0x1;
	v3 =	vlaneseq.u32;
	p0 =	seq.s32 s4, $0xFFFFFFFF;
	v1 =	vmov s3  }
0x119: {  	s16 =	stileid.u32;
	v0 =	vperm.xlane v0, v2;
	p1 =	sne.s32 @!p0 s0, s2;
	v1 =	vperm.xlane v1, v3  }
0x11a: {  	vm0 =	vcmask $0x3F04;
	s6 =	simm.s32 $0xF208;
	s0 =	simm.s32 @!p0 $0x1;
	p1 =	por !p1, p0  }
0x11b: {  	s3 =	sshll.u32 s16, $0x1;
	s2 =	sshll.u32 @!p0 s4, $0x9;
	s0 =	simm.s32 @p1 $0x0;
	v0 =	vsel vm0, v1, v0  }
0x11c: {  	s5 =	sor.u32 $0x1000, s3;
	s2 =	sshra.s32 @!p0 s2, $0x2;
	s0 =	sor.u32 @!p0 s0, s3;
	[tilespmem:$0xF208] =	vst v0  }
0x11d: {  	[spmem:s5] =	stream.linear.scatter [tilespmem:s6], [sflag:$0x1], $0x2, $0x38;
	[tilespmem:$0x1F6F8] =	vst v63  }
0x11e: {  	s2 =	sadd.s32 @!p0 $0x108, s2;
	s0 =	sshll.u32 @!p0 s0, $0x7  }
0x11f: {  	[spmem:s0] =	stream.linear.scatter @!p0 [tilespmem:s2], [sflag:$0x1], $0x80, $0x38;
	[tilespmem:$0x1F6F8] =	vst v63  }
0x120: {  	s0 =	simm.s32 @!p0 $0x82  }
0x121: {  	s28 =	simm.s32 $0x1;
	s0 =	simm.s32 @p0 $0x2  }
0x122: {  	_ =	swait.ge [sflag:s28], s0  }
0x123: {  	s0 =	ssub.s32 $0x0, s0;
	[sflag:s28] =	ssyncset.done $0x0  }
0x124: {  	p0 =	sne.s32 s16, $0x0;
	[sflag:s28] =	ssyncadd.s32 s0  }
.Ltmp17:
0x125: {  	_ =	sfence.stream.spmem;
	(pc) =	sbr.rel @p0 .LBB2_39-.Ltmp17, $4  }
0x126: {  	s29 =	simm.s32 $0x3;
	[bflag:$0x0] =	sbarrier.arrive $0xFFFF  }
0x127: {  	s30 =	simm.s32 $0x4;
	[sflag:s29] =	ssyncpa.u1 $0x1  }
0x128: {  	s31 =	simm.s32 $0x3C;
	[sflag:s30] =	ssyncpa.u1 $0x1  }
0x129: {  	s15 =	rddreg [dreg:$0x5];
	[sflag:s31] =	ssyncpa.u1 $0x1  }
0x12a: {  	_ =	sfence.stream.spmem;
	s0 =	simm.s32 $0x5  }
0x12b: {  	s2 =	simm.s32 $0x1000;
	s3 =	simm.s32 $0xF218;
	[sflag:s0] =	ssyncpa.u1 $0x0  }
0x12c: {  	[tilespmem:s3], [sflag:$0x5] =	stream.linear.gather [spmem:s2], $0x20, $0x38;
	[tilespmem:$0x1F6F8] =	vst v63  }
0x12d: {  	s26 =	simm.s32 $0x0;
	s28 =	simm.s32 $0xF238  }
0x12e: {  	[tilespmem:s28], [sflag:$0x5] =	stream.linear.gather [spmem:s26], $0x1000, $0x38;
	[tilespmem:$0x1F6F8] =	vst v63  }
0x12f: {  	_ =	swait.ge [sflag:s0], $0x1020  }
0x130: {  	[sflag:s0] =	ssyncset.done $0x0  }
0x131: {  	s29 =	simm.s32 $0x0;
	[sflag:s0] =	ssyncadd.s32 $0xFFFFEFE0  }
0x132: {  	v0 =	vld.msk [tilespmem:s29+$0xF218], $0x1;
	_ =	sdelay $0x1  }
0x133: {  	s30 =	simm.s32 $0x1  }
0x134: {  	v1 =	vld.msk [tilespmem:s30+$0xF218], $0x1;
	_ =	sdelay $0x1  }
0x135: {  	(v2sf) =	vpush v0, $0x0;
	_ =	sdelay $0x2  }
0x136: {  	(v2sf) =	vpush v1, $0x0;
	_ =	sdelay $0x2  }
0x137: {  	s31 =	simm.s32 $0x2  }
0x138: {  	v0 =	vld.msk [tilespmem:s31+$0xF218], $0x1;
	_ =	sdelay $0x2  }
0x139: {  	s4 =	simm.s32 $0xFFFFFFFF;
	s5 =	simm.s32 $0xFFFFFFFF;
	s0 =	simm.s32 $0xC  }
.LBB2_24:
0x13a: {  	s2 =	smov.u32 s5;
	s3 =	smov.u32 s4  }
0x13b: {  	s4 =	sshra.s32 s0, $0x2;
	p1 =	sne.s32 s0, $0x7C;
	s0 =	sadd.s32 $0x4, s0;
	(v2sf) =	vpush v0, $0x0  }
0x13c: {  	v0 =	vld.msk [tilespmem:s4+$0xF218], $0x1  }
.Ltmp18:
0x13d: {  	(pc) =	sbr.rel @p1 .LBB2_24-.Ltmp18, $4  }
0x13e: {  	s5 =	spop (v2sf)  }
0x13f: {  	p2 =	sne.s32 s3, $0xFFFFFFFF;
	s4 =	smov.u32 s5  }
0x140: {  	p3 =	seq.s32 s5, $0xFFFFFFFF;
	s4 =	smov.u32 @p2 s3  }
0x141: {  	s5 =	smov.u32 @p3 s2;
	s4 =	smov.u32 @p3 s3  }
0x142: {  	(v2sf) =	vpush v0, $0x0;
	_ =	sdelay $0x8  }
0x143: {  	s0 =	spop (v2sf)  }
0x144: {  	p1 =	sne.s32 s4, $0xFFFFFFFF;
	s2 =	smov.u32 s0  }
0x145: {  	s9 =	simm.s32 $0x6;
	p2 =	seq.s32 s0, $0xFFFFFFFF;
	s2 =	smov.u32 @p1 s4  }
0x146: {  	s6 =	simm.s32 $0x0;
	s2 =	smov.u32 @p2 s4;
	s3 =	spop (v2sf)  }
0x147: {  	s0 =	smov.u32 @p2 s5;
	p1 =	sne.s32 s2, $0xFFFFFFFF;
	s4 =	smov.u32 s3  }
.Ltmp19:
0x148: {  	p2 =	seq.s32 s3, $0xFFFFFFFF;
	s4 =	smov.u32 @p1 s2;
	(pc) =	sbr.rel .LBB2_26-.Ltmp19, $4  }
0x149: {  	s10 =	simm.s32 $0xF188;
	s4 =	smov.u32 @p2 s2;
	s7 =	spop (v2sf)  }
0x14a: {  	s11 =	simm.s32 $0x0;
	p1 =	sne.s32 s4, $0xFFFFFFFF;
	s8 =	smov.u32 s7  }
0x14b: {  	s3 =	smov.u32 @p2 s0;
	p2 =	seq.s32 s7, $0xFFFFFFFF;
	s8 =	smov.u32 @p1 s4  }
0x14c: {  	[sflag:s9] =	ssyncpa.u1 $0x0;
	s7 =	smov.u32 @p2 s3;
	s8 =	smov.u32 @p2 s4  }
.LBB2_32:
0x14d: {  	p1 =	sgt.u32 s12, $0x270F0  }
0x14e: {  	p2 =	seq.s32 @!p1 s12, s8  }
0x14f: {  	p1 =	por p1, p2  }
0x150: {  	p2 =	sne.s32 @!p1 s12, s7  }
0x151: {  	p1 =	por p1, !p2  }
0x152: {  	s0 =	sshll.u32 @p1 s11, $0x9  }
0x153: {  	s0 =	sand.u32 @!p1 $0x3FFF8, s12  }
0x154: {  	s2 =	sand.u32 @!p1 $0x7, s12;
	s0 =	sadd.s32 @!p1 s1, s0  }
0x155: {  	[tilespmem:s10], [sflag:$0x6] =	stream.linear.gather @!p1 [hbm4b:s0+s2], $0x80, $0x38;
	[tilespmem:$0x1F6F8] =	vst v63  }
0x156: {  	_ =	swait.ge @!p1 [sflag:s9], $0x80  }
0x157: {  	[sflag:s9] =	ssyncset.done @!p1 $0x0  }
0x158: {  	[sflag:s9] =	ssyncadd.s32 @!p1 $0xFFFFFF80  }
0x159: {  	v1 =	vld @!p1 [tilespmem:$0xF188];
	_ =	sdelay $0x2  }
0x15a: {  	s0 =	sshll.u32 @!p1 s11, $0x9  }
0x15b: {  	s2 =	sshrl.u32 @!p1 s0, $0x2  }
0x15c: {  	[tilespmem:s2+$0xF238] =	vst.add.f32.msk @!p1 $0xffff, v1  }
0x15d: {  	v1 =	vld @!p1 [tilespmem:$0xF198];
	_ =	sdelay $0x4  }
0x15e: {  	[tilespmem:s2+$0xF248] =	vst.add.f32.msk @!p1 $0xffff, v1  }
0x15f: {  	v1 =	vld @!p1 [tilespmem:$0xF1A8];
	_ =	sdelay $0x4  }
0x160: {  	[tilespmem:s2+$0xF258] =	vst.add.f32.msk @!p1 $0xffff, v1  }
0x161: {  	v1 =	vld @!p1 [tilespmem:$0xF1B8];
	_ =	sdelay $0x4  }
0x162: {  	[tilespmem:s2+$0xF268] =	vst.add.f32.msk @!p1 $0xffff, v1  }
0x163: {  	v1 =	vld @!p1 [tilespmem:$0xF1C8];
	_ =	sdelay $0x4  }
0x164: {  	[tilespmem:s2+$0xF278] =	vst.add.f32.msk @!p1 $0xffff, v1  }
0x165: {  	v1 =	vld @!p1 [tilespmem:$0xF1D8];
	_ =	sdelay $0x4  }
0x166: {  	[tilespmem:s2+$0xF288] =	vst.add.f32.msk @!p1 $0xffff, v1  }
0x167: {  	v1 =	vld @!p1 [tilespmem:$0xF1E8];
	_ =	sdelay $0x4  }
0x168: {  	[tilespmem:s2+$0xF298] =	vst.add.f32.msk @!p1 $0xffff, v1  }
0x169: {  	v1 =	vld @!p1 [tilespmem:$0xF1F8];
	_ =	sdelay $0x4  }
0x16a: {  	[tilespmem:s2+$0xF2A8] =	vst.add.f32.msk @!p1 $0xffff, v1  }
0x16b: {  	s0 =	sshrl.u32 s0, $0x2;
	[tilespmem:s6+$0xF218] =	vst.msk $0x1, v0  }
0x16c: {  	v0 =	vld [tilespmem:s0+$0xF238];
	_ =	sdelay $0x2  }
0x16d: {  	s31 =	sshll.u32 s6, $0x9  }
0x16e: {  	s2 =	sshra.s32 s31, $0x2  }
0x16f: {  	[tilespmem:s2+$0xF238] =	vst v0  }
0x170: {  	v0 =	vld [tilespmem:s0+$0xF248];
	_ =	sdelay $0x4  }
0x171: {  	[tilespmem:s2+$0xF248] =	vst v0  }
0x172: {  	v0 =	vld [tilespmem:s0+$0xF258];
	_ =	sdelay $0x4  }
0x173: {  	[tilespmem:s2+$0xF258] =	vst v0  }
0x174: {  	v0 =	vld [tilespmem:s0+$0xF268];
	_ =	sdelay $0x4  }
0x175: {  	[tilespmem:s2+$0xF268] =	vst v0  }
0x176: {  	v0 =	vld [tilespmem:s0+$0xF278];
	_ =	sdelay $0x4  }
0x177: {  	[tilespmem:s2+$0xF278] =	vst v0  }
0x178: {  	v0 =	vld [tilespmem:s0+$0xF288];
	_ =	sdelay $0x4  }
0x179: {  	[tilespmem:s2+$0xF288] =	vst v0  }
0x17a: {  	v0 =	vld [tilespmem:s0+$0xF298];
	_ =	sdelay $0x4  }
0x17b: {  	[tilespmem:s2+$0xF298] =	vst v0  }
0x17c: {  	v0 =	vld [tilespmem:s0+$0xF2A8];
	_ =	sdelay $0x4  }
0x17d: {  	s6 =	sadd.s32 $0x1, s6;
	[tilespmem:s2+$0xF2A8] =	vst v0  }
.LBB2_33:
0x17e: {  	s11 =	sadd.s32 $0x1, s11  }
0x17f: {  	p1 =	sne.s32 s11, $0x20  }
.Ltmp20:
0x180: {  	_ = 	snop;
	(pc) =	sbr.rel @!p1 .LBB2_34-.Ltmp20, $1  }
0x181: {  	_ =	sdelay $0x3  }
.LBB2_26:
0x182: {  	v0 =	vld.msk [tilespmem:s11+$0xF218], $0x1;
	_ =	sdelay $0x4  }
0x183: {  	(v2sf) =	vpush v0, $0x0;
	_ =	sdelay $0xe  }
0x184: {  	s12 =	spop (v2sf)  }
0x185: {  	p1 =	seq.s32 s12, $0xFFFFFFFF  }
.Ltmp21:
0x186: {  	_ = 	snop;
	(pc) =	sbr.rel @p1 .LBB2_33-.Ltmp21, $1  }
0x187: {  	_ =	sdelay $0x3  }
0x188: {  	p1 =	slt.s32 s6, $0x1  }
.Ltmp22:
0x189: {  	_ = 	snop;
	(pc) =	sbr.rel @p1 .LBB2_32-.Ltmp22, $1  }
0x18a: {  	_ =	sdelay $0x3  }
0x18b: {  	s13 =	simm.s32 $0xF218;
	p1 =	por $0x0, $0x0  }
0x18c: {  	v1 =	vld.msk @!p1 [tilespmem:s13+$0x0], $0x1;
	_ =	sdelay $0x4  }
0x18d: {  	(v2sf) =	vpush @!p1 v1, $0x0;
	_ =	sdelay $0xd  }
0x18e: {  	p3 =	sne.s32 s6, $0x1  }
.Ltmp23:
0x18f: {  	s0 =	spop @!p1 (v2sf);
	(pc) =	sbr.rel @!p3 .LBB2_30-.Ltmp23, $4  }
0x190: {  	p2 =	seq.s32 @!p1 s12, s0  }
0x191: {  	s14 =	simm.s32 $0x0;
	p2 =	por !p2, p1  }
0x192: {  	s2 =	simm.s32 $0xFFFFFFFF;
	s14 =	simm.s32 @p2 $0xFFFFFFFF  }
0x193: {  	s0 =	simm.s32 $0x1;
	s14 =	smov.u32 @p1 s2  }
.LBB2_29:
0x194: {  	s2 =	smov.u32 s14;
	p1 =	sne.s32 s14, $0xFFFFFFFF  }
0x195: {  	s13 =	sadd.s32 $0x1, s13;
	s14 =	smov.u32 s0;
	s0 =	sadd.s32 $0x1, s0  }
0x196: {  	p2 =	sne.s32 s6, s0;
	v1 =	vld.msk @!p1 [tilespmem:s13+$0x0], $0x1;
	_ =	sdelay $0x4  }
0x197: {  	(v2sf) =	vpush @!p1 v1, $0x0;
	_ =	sdelay $0xe  }
.Ltmp24:
0x198: {  	s3 =	spop @!p1 (v2sf);
	(pc) =	sbr.rel @p2 .LBB2_29-.Ltmp24, $4  }
0x199: {  	p3 =	seq.s32 @!p1 s12, s3  }
0x19a: {  	p3 =	por !p3, p1  }
0x19b: {  	s14 =	simm.s32 @p3 $0xFFFFFFFF  }
0x19c: {  	s14 =	smov.u32 @p1 s2  }
.LBB2_30:
0x19d: {  	p1 =	seq.s32 s14, $0xFFFFFFFF  }
.Ltmp25:
0x19e: {  	_ = 	snop;
	(pc) =	sbr.rel @p1 .LBB2_32-.Ltmp25, $1  }
0x19f: {  	_ =	sdelay $0x3  }
0x1a0: {  	s0 =	sshll.u32 s11, $0x7  }
0x1a1: {  	s0 =	sand.u32 $0x3FFFFF80, s0  }
0x1a2: {  	v0 =	vld [tilespmem:s0+$0xF238];
	_ =	sdelay $0x2  }
0x1a3: {  	s2 =	sshll.u32 s14, $0x9  }
0x1a4: {  	s2 =	sshra.s32 s2, $0x2  }
0x1a5: {  	[tilespmem:s2+$0xF238] =	vst.add.f32.msk $0xffff, v0  }
0x1a6: {  	v0 =	vld [tilespmem:s0+$0xF248];
	_ =	sdelay $0x4  }
0x1a7: {  	[tilespmem:s2+$0xF248] =	vst.add.f32.msk $0xffff, v0  }
0x1a8: {  	v0 =	vld [tilespmem:s0+$0xF258];
	_ =	sdelay $0x4  }
0x1a9: {  	[tilespmem:s2+$0xF258] =	vst.add.f32.msk $0xffff, v0  }
0x1aa: {  	v0 =	vld [tilespmem:s0+$0xF268];
	_ =	sdelay $0x4  }
0x1ab: {  	[tilespmem:s2+$0xF268] =	vst.add.f32.msk $0xffff, v0  }
0x1ac: {  	v0 =	vld [tilespmem:s0+$0xF278];
	_ =	sdelay $0x4  }
0x1ad: {  	[tilespmem:s2+$0xF278] =	vst.add.f32.msk $0xffff, v0  }
0x1ae: {  	v0 =	vld [tilespmem:s0+$0xF288];
	_ =	sdelay $0x4  }
0x1af: {  	[tilespmem:s2+$0xF288] =	vst.add.f32.msk $0xffff, v0  }
0x1b0: {  	v0 =	vld [tilespmem:s0+$0xF298];
	_ =	sdelay $0x4  }
0x1b1: {  	[tilespmem:s2+$0xF298] =	vst.add.f32.msk $0xffff, v0  }
0x1b2: {  	v0 =	vld [tilespmem:s0+$0xF2A8]  }
.Ltmp26:
0x1b3: {  	_ = 	snop;
	(pc) =	sbr.rel .LBB2_33-.Ltmp26, $2  }
0x1b4: {  	_ =	sdelay $0x2  }
0x1b5: {  	[tilespmem:s2+$0xF2A8] =	vst.add.f32.msk $0xffff, v0  }
.LBB2_34:
0x1b6: {  	s0 =	simm.s32 $0x6;
	p1 =	seq.s32 s6, $0x0  }
0x1b7: {  	[sflag:s0] =	ssyncpa.u1 $0x1;
	v0 =	vimm.s32 @p1 $0xFFFFFFFF  }
0x1b8: {  	s9 =	sadd.s32 $0xFFFFFFFF, s6;
	[tilespmem:$0x10238] =	vst @p1 v0  }
0x1b9: {  	v0 =	vld.msk @!p1 [tilespmem:s9+$0xF218], $0x1;
	_ =	sdelay $0x1  }
0x1ba: {  	v1 =	vld.msk @!p1 [tilespmem:$0xF218], $0x1;
	_ =	sdelay $0x2  }
0x1bb: {  	p2 =	seq.s32 @!p1 s9, $0x0;
	v0 =	vbroadcast @!p1 v0, $0x0  }
0x1bc: {  	vm0 =	vmmov @!p1 $0x1;
	p2 =	por !p2, p1  }
0x1bd: {  	v1 =	vnsel @!p1 vm0, $0xFFFFFFFF, v1;
	vm0 =	vcmask @!p1 $0x308;
	v0 =	vpsel !p2, $0xFFFFFFFF, v0  }
0x1be: {  	p2 =	sne.s32 @!p1 s8, s7;
	v0 =	vsel @!p1 vm0, v1, v0  }
0x1bf: {  	s0 =	simm.s32 @!p1 $0xF238;
	s2 =	simm.s32 @!p1 $0x0;
	p3 =	por !p2, p1;
	[tilespmem:$0x10238] =	vst @!p1 v0  }
0x1c0: {  	[spmem:s2] =	stream.linear.scatter @!p1 [tilespmem:s0], [sflag:$0x1], $0x80, $0x38;
	[tilespmem:$0x1F6F8] =	vst v63  }
0x1c1: {  	s0 =	sshll.u32 @!p3 s9, $0x9  }
0x1c2: {  	s0 =	sshra.s32 @!p3 s0, $0x2  }
0x1c3: {  	s2 =	simm.s32 @!p3 $0x80;
	s0 =	sadd.s32 @!p3 $0xF238, s0  }
0x1c4: {  	[spmem:s2] =	stream.linear.scatter @!p3 [tilespmem:s0], [sflag:$0x1], $0x80, $0x38;
	[tilespmem:$0x1F6F8] =	vst v63  }
0x1c5: {  	s0 =	simm.s32 @!p3 $0x1  }
0x1c6: {  	_ =	swait.ge @!p3 [sflag:s0], $0x100  }
0x1c7: {  	p1 =	por p2, p1;
	[sflag:s0] =	ssyncset.done @!p3 $0x0  }
0x1c8: {  	[sflag:s0] =	ssyncadd.s32 @!p3 $0xFFFFFF00;
	s0 =	simm.s32 @!p1 $0x1  }
0x1c9: {  	_ =	swait.ge @!p1 [sflag:s0], $0x80  }
0x1ca: {  	s29 =	simm.s32 $0x10238;
	[sflag:s0] =	ssyncset.done @!p1 $0x0  }
0x1cb: {  	s30 =	simm.s32 $0x1000;
	s31 =	simm.s32 $0x1;
	[sflag:s0] =	ssyncadd.s32 @!p1 $0xFFFFFF80  }
0x1cc: {  	[spmem:s30] =	stream.linear.scatter [tilespmem:s29], [sflag:$0x1], $0x10, $0x38;
	[tilespmem:$0x1F6F8] =	vst v63  }
0x1cd: {  	_ =	swait.ge [sflag:s31], $0x10  }
0x1ce: {  	[sflag:s31] =	ssyncset.done $0x0  }
0x1cf: {  	p1 =	seq.s32 s15, $0x0;
	s8 =	rddreg [dreg:$0x2];
	[sflag:s31] =	ssyncadd.s32 $0xFFFFFFF0  }
0x1d0: {  	s2 =	sshll.u32 @p1 s8, $0xE;
	s7 =	rddreg [dreg:$0x3]  }
0x1d1: {  	s0 =	sadd.s32 @p1 $0x15C3C, s2;
	s2 =	sshll.u32 @p1 s7, $0x11  }
0x1d2: {  	_ =	sfence.stream.spmem;
	s0 =	sor.u32 @p1 s2, s0  }
0x1d3: {  	[sflag:s0] =	ssyncadd.remote.s32 @p1 $0x1;
	s0 =	simm.s32 @p1 $0x4  }
0x1d4: {  	s3 =	simm.s32 @!p1 $0x3C;
	s2 =	sand.u32 $0xFFFFFFFE, s8;
	_ =	swait.ge @p1 [sflag:s0], $0x22  }
0x1d5: {  	s4 =	simm.s32 @!p1 $0x0;
	s2 =	sadd.s32 @!p1 $0x4, s2;
	[sflag:s0] =	ssyncset.done @p1 $0x0  }
0x1d6: {  	s5 =	simm.s32 @!p1 $0x100;
	[sflag:s0] =	ssyncadd.s32 @p1 $0xFFFFFFDE;
	s0 =	sshll.u32 @!p1 s2, $0x1A  }
0x1d7: {  	s2 =	sshll.u32 @!p1 s2, $0xD;
	s0 =	sor.u32 @!p1 s0, s7;
	_ =	swait.eq @!p1 [sflag:s3], $0x1  }
0x1d8: {  	s2 =	sor.u32 @!p1 $0x1C04, s2;
	s3 =	simm.s32 @!p1 $0x1C03;
	s0 =	sor.u32 @!p1 $0x80004000, s0  }
0x1d9: {  	[spmem:s5], [sflag:s2] =	dma.general @!p1 [spmem:s4], [sflag:s3], length:$0x20, [dreg:$0x0], stride_count:$0x0, ici_dest:s0, dma_misc:DstOpCode:WRITE  }
0x1da: {  	p2 =	slt.s32 s9, $0x2;
	s4 =	simm.s32 @!p1 $0x200;
	s5 =	simm.s32 @!p1 $0x202  }
0x1db: {  	[spmem:s5], [sflag:s2] =	dma.general @!p1 [spmem:s4], [sflag:s3], length:$0x2, [dreg:$0x0], stride_count:$0x0, ici_dest:s0, dma_misc:DstOpCode:WRITE  }
.Ltmp27:
0x1dc: {  	s0 =	simm.s32 @!p1 $0x3;
	(pc) =	sbr.rel @p2 .LBB2_38-.Ltmp27, $4  }
0x1dd: {  	s2 =	sshll.u32 @!p1 s8, $0xE;
	_ =	swait.ge @!p1 [sflag:s0], $0x22  }
0x1de: {  	s3 =	sshll.u32 @!p1 s7, $0x11;
	s2 =	sadd.s32 @!p1 $0x11C3C, s2;
	[sflag:s0] =	ssyncset.done @!p1 $0x0  }
0x1df: {  	[sflag:s0] =	ssyncadd.s32 @!p1 $0xFFFFFFDE;
	s0 =	sor.u32 @!p1 s3, s2  }
0x1e0: {  	[sflag:s0] =	ssyncadd.remote.s32 @!p1 $0xFFFFFFFF;
	s0 =	simm.s32 $0x0  }
0x1e1: {  	s0 =	simm.s32 $0xF219  }
0x1e2: {  	v0 =	vld.msk [tilespmem:s0+$0x0], $0x1;
	_ =	sdelay $0x4  }
0x1e3: {  	(v2sf) =	vpush v0, $0x0;
	_ =	sdelay $0xb  }
0x1e4: {  	s31 =	sadd.s32 $0xFFFFFFFE, s6  }
0x1e5: {  	s0 =	sadd.s32 $0xFFFFFFFF, s31  }
0x1e6: {  	p2 =	sne.s32 s0, $0x0  }
.Ltmp28:
0x1e7: {  	s2 =	spop (v2sf);
	(pc) =	sbr.rel @!p2 .LBB2_37-.Ltmp28, $4  }
0x1e8: {  	s4 =	simm.s32 $0xF2B8;
	s7 =	simm.s32 $0x0;
	p1 =	sgt.u32 s2, $0x270F0  }
0x1e9: {  	s5 =	simm.s32 $0x0;
	s6 =	simm.s32 $0xF21A;
	s3 =	sand.u32 @!p1 $0x3FFF8, s2  }
0x1ea: {  	s2 =	sand.u32 @!p1 $0x7, s2;
	s7 =	simm.s32 @!p1 $0x200;
	s3 =	sadd.s32 @!p1 s1, s3  }
0x1eb: {  	[hbm4b:s3+s2] =	stream.linear.scatter @!p1 [tilespmem:s4], [sflag:$0x5], $0x80, $0x38;
	[tilespmem:$0x1F6F8] =	vst v63  }
.LBB2_36:
0x1ec: {  	v0 =	vld.msk [tilespmem:s6+$0x0], $0x1;
	s0 =	sadd.s32 $0xFFFFFFFF, s0;
	s5 =	sadd.s32 s5, s7  }
0x1ed: {  	p1 =	sne.s32 s0, $0x0;
	_ =	sdelay $0x3  }
0x1ee: {  	(v2sf) =	vpush v0, $0x0;
	_ =	sdelay $0xe  }
.Ltmp29:
0x1ef: {  	s2 =	spop (v2sf);
	(pc) =	sbr.rel @p1 .LBB2_36-.Ltmp29, $4  }
0x1f0: {  	s7 =	simm.s32 $0x0;
	p2 =	sgt.u32 s2, $0x270F0  }
0x1f1: {  	s4 =	sadd.s32 $0x80, s4;
	s7 =	simm.s32 @!p2 $0x200;
	s3 =	sand.u32 @!p2 $0x3FFF8, s2  }
0x1f2: {  	s6 =	sadd.s32 $0x1, s6;
	s2 =	sand.u32 @!p2 $0x7, s2;
	s3 =	sadd.s32 @!p2 s1, s3  }
0x1f3: {  	[hbm4b:s3+s2] =	stream.linear.scatter @!p2 [tilespmem:s4], [sflag:$0x5], $0x80, $0x38;
	[tilespmem:$0x1F6F8] =	vst v63  }
.LBB2_37:
0x1f4: {  	s0 =	sadd.s32 s5, s7  }
0x1f5: {  	s0 =	sshrl.u32 s0, $0x2  }
.LBB2_38:
0x1f6: {  	s2 =	simm.s32 $0x5  }
0x1f7: {  	_ =	swait.ge [sflag:s2], s0  }
0x1f8: {  	s31 =	ssub.s32 $0x0, s0;
	[sflag:s2] =	ssyncset.done $0x0  }
0x1f9: {  	[sflag:s2] =	ssyncadd.s32 s31  }
0x1fa: {  	[sflag:s2] =	ssyncpa.u1 $0x1  }
.LBB2_39:
0x1fb: {  	s0 =	sor.u32 s15, s16  }
0x1fc: {  	p1 =	sne.s32 s0, $0x0  }
.Ltmp30:
0x1fd: {  	_ = 	snop;
	(pc) =	sbr.rel @p1 .LBB2_54-.Ltmp30, $3  }
0x1fe: {  	_ =	sdelay $0x1  }
0x1ff: {  	[bflag:$0x0] =	sbarrier.arrive $0xFFFF  }
0x200: {  	_ =	sfence  }
0x201: {  	s0 =	simm.s32 $0x7  }
0x202: {  	s2 =	simm.s32 $0x1000;
	s3 =	simm.s32 $0xF218;
	[sflag:s0] =	ssyncpa.u1 $0x0  }
0x203: {  	[tilespmem:s3], [sflag:$0x7] =	stream.linear.gather [spmem:s2], $0x20, $0x38;
	[tilespmem:$0x1F6F8] =	vst v63  }
0x204: {  	s30 =	simm.s32 $0xF238;
	s2 =	simm.s32 $0x0  }
0x205: {  	[tilespmem:s30], [sflag:$0x7] =	stream.linear.gather [spmem:s2], $0x1000, $0x38;
	[tilespmem:$0x1F6F8] =	vst v63  }
.Ltmp31:
0x206: {  	_ = 	snop;
	(pc) =	sbr.rel .LBB2_41-.Ltmp31, $4  }
0x207: {  	_ =	swait.ge [sflag:s0], $0x1020  }
0x208: {  	[sflag:s0] =	ssyncset.done $0x0  }
0x209: {  	s31 =	simm.s32 $0x8;
	[sflag:s0] =	ssyncadd.s32 $0xFFFFEFE0  }
0x20a: {  	s3 =	simm.s32 $0x0;
	[sflag:s31] =	ssyncpa.u1 $0x0  }
.LBB2_47:
0x20b: {  	p1 =	slt.u32 s4, $0x270F1  }
0x20c: {  	s0 =	sand.u32 @p1 $0x3FFF8, s4  }
0x20d: {  	s4 =	sand.u32 @p1 $0x7, s4;
	s5 =	simm.s32 @p1 $0xF188;
	s0 =	sadd.s32 @p1 s1, s0  }
0x20e: {  	[tilespmem:s5], [sflag:$0x8] =	stream.linear.gather @p1 [hbm4b:s0+s4], $0x80, $0x38;
	[tilespmem:$0x1F6F8] =	vst v63  }
0x20f: {  	s0 =	simm.s32 @p1 $0x8  }
0x210: {  	_ =	swait.ge @p1 [sflag:s0], $0x80  }
0x211: {  	[sflag:s0] =	ssyncset.done @p1 $0x0  }
0x212: {  	[sflag:s0] =	ssyncadd.s32 @p1 $0xFFFFFF80  }
0x213: {  	v1 =	vld @p1 [tilespmem:$0xF188];
	_ =	sdelay $0x2  }
0x214: {  	s0 =	sshll.u32 @p1 s3, $0x9  }
0x215: {  	s4 =	sshrl.u32 @p1 s0, $0x2  }
0x216: {  	[tilespmem:s4+$0xF238] =	vst.add.f32.msk @p1 $0xffff, v1  }
0x217: {  	v1 =	vld @p1 [tilespmem:$0xF198];
	_ =	sdelay $0x4  }
0x218: {  	[tilespmem:s4+$0xF248] =	vst.add.f32.msk @p1 $0xffff, v1  }
0x219: {  	v1 =	vld @p1 [tilespmem:$0xF1A8];
	_ =	sdelay $0x4  }
0x21a: {  	[tilespmem:s4+$0xF258] =	vst.add.f32.msk @p1 $0xffff, v1  }
0x21b: {  	v1 =	vld @p1 [tilespmem:$0xF1B8];
	_ =	sdelay $0x4  }
0x21c: {  	[tilespmem:s4+$0xF268] =	vst.add.f32.msk @p1 $0xffff, v1  }
0x21d: {  	v1 =	vld @p1 [tilespmem:$0xF1C8];
	_ =	sdelay $0x4  }
0x21e: {  	[tilespmem:s4+$0xF278] =	vst.add.f32.msk @p1 $0xffff, v1  }
0x21f: {  	v1 =	vld @p1 [tilespmem:$0xF1D8];
	_ =	sdelay $0x4  }
0x220: {  	[tilespmem:s4+$0xF288] =	vst.add.f32.msk @p1 $0xffff, v1  }
0x221: {  	v1 =	vld @p1 [tilespmem:$0xF1E8];
	_ =	sdelay $0x4  }
0x222: {  	[tilespmem:s4+$0xF298] =	vst.add.f32.msk @p1 $0xffff, v1  }
0x223: {  	v1 =	vld @p1 [tilespmem:$0xF1F8];
	_ =	sdelay $0x3  }
0x224: {  	s5 =	sshll.u32 @!p1 s3, $0x9  }
0x225: {  	s5 =	smov.u32 @p1 s0;
	[tilespmem:s4+$0xF2A8] =	vst.add.f32.msk @p1 $0xffff, v1  }
0x226: {  	s0 =	sshrl.u32 s5, $0x2;
	[tilespmem:s2+$0xF218] =	vst.msk $0x1, v0  }
0x227: {  	v0 =	vld [tilespmem:s0+$0xF238];
	_ =	sdelay $0x2  }
0x228: {  	s31 =	sshll.u32 s2, $0x9  }
0x229: {  	s4 =	sshra.s32 s31, $0x2  }
0x22a: {  	[tilespmem:s4+$0xF238] =	vst v0  }
0x22b: {  	v0 =	vld [tilespmem:s0+$0xF248];
	_ =	sdelay $0x4  }
0x22c: {  	[tilespmem:s4+$0xF248] =	vst v0  }
0x22d: {  	v0 =	vld [tilespmem:s0+$0xF258];
	_ =	sdelay $0x4  }
0x22e: {  	[tilespmem:s4+$0xF258] =	vst v0  }
0x22f: {  	v0 =	vld [tilespmem:s0+$0xF268];
	_ =	sdelay $0x4  }
0x230: {  	[tilespmem:s4+$0xF268] =	vst v0  }
0x231: {  	v0 =	vld [tilespmem:s0+$0xF278];
	_ =	sdelay $0x4  }
0x232: {  	[tilespmem:s4+$0xF278] =	vst v0  }
0x233: {  	v0 =	vld [tilespmem:s0+$0xF288];
	_ =	sdelay $0x4  }
0x234: {  	[tilespmem:s4+$0xF288] =	vst v0  }
0x235: {  	v0 =	vld [tilespmem:s0+$0xF298];
	_ =	sdelay $0x4  }
0x236: {  	[tilespmem:s4+$0xF298] =	vst v0  }
0x237: {  	v0 =	vld [tilespmem:s0+$0xF2A8];
	_ =	sdelay $0x4  }
0x238: {  	s2 =	sadd.s32 $0x1, s2;
	[tilespmem:s4+$0xF2A8] =	vst v0  }
.LBB2_48:
0x239: {  	s3 =	sadd.s32 $0x1, s3  }
0x23a: {  	p1 =	sne.s32 s3, $0x20  }
.Ltmp32:
0x23b: {  	_ = 	snop;
	(pc) =	sbr.rel @!p1 .LBB2_49-.Ltmp32, $1  }
0x23c: {  	_ =	sdelay $0x3  }
.LBB2_41:
0x23d: {  	v0 =	vld.msk [tilespmem:s3+$0xF218], $0x1;
	_ =	sdelay $0x4  }
0x23e: {  	(v2sf) =	vpush v0, $0x0;
	_ =	sdelay $0xe  }
0x23f: {  	s4 =	spop (v2sf)  }
0x240: {  	p1 =	seq.s32 s4, $0xFFFFFFFF  }
.Ltmp33:
0x241: {  	_ = 	snop;
	(pc) =	sbr.rel @p1 .LBB2_48-.Ltmp33, $1  }
0x242: {  	_ =	sdelay $0x3  }
0x243: {  	p1 =	slt.s32 s2, $0x1  }
.Ltmp34:
0x244: {  	_ = 	snop;
	(pc) =	sbr.rel @p1 .LBB2_47-.Ltmp34, $1  }
0x245: {  	_ =	sdelay $0x3  }
0x246: {  	s5 =	simm.s32 $0xF218;
	p1 =	por $0x0, $0x0  }
0x247: {  	v1 =	vld.msk @!p1 [tilespmem:s5+$0x0], $0x1;
	_ =	sdelay $0x4  }
0x248: {  	(v2sf) =	vpush @!p1 v1, $0x0;
	_ =	sdelay $0xd  }
0x249: {  	p3 =	sne.s32 s2, $0x1  }
.Ltmp35:
0x24a: {  	s0 =	spop @!p1 (v2sf);
	(pc) =	sbr.rel @!p3 .LBB2_45-.Ltmp35, $4  }
0x24b: {  	p2 =	seq.s32 @!p1 s4, s0  }
0x24c: {  	s6 =	simm.s32 $0x0;
	p2 =	por !p2, p1  }
0x24d: {  	s7 =	simm.s32 $0xFFFFFFFF;
	s6 =	simm.s32 @p2 $0xFFFFFFFF  }
0x24e: {  	s0 =	simm.s32 $0x1;
	s6 =	smov.u32 @p1 s7  }
.LBB2_44:
0x24f: {  	s7 =	smov.u32 s6;
	p1 =	sne.s32 s6, $0xFFFFFFFF  }
0x250: {  	s5 =	sadd.s32 $0x1, s5;
	s6 =	smov.u32 s0;
	s0 =	sadd.s32 $0x1, s0  }
0x251: {  	p2 =	sne.s32 s2, s0;
	v1 =	vld.msk @!p1 [tilespmem:s5+$0x0], $0x1;
	_ =	sdelay $0x4  }
0x252: {  	(v2sf) =	vpush @!p1 v1, $0x0;
	_ =	sdelay $0xe  }
.Ltmp36:
0x253: {  	s8 =	spop @!p1 (v2sf);
	(pc) =	sbr.rel @p2 .LBB2_44-.Ltmp36, $4  }
0x254: {  	p3 =	seq.s32 @!p1 s4, s8  }
0x255: {  	p3 =	por !p3, p1  }
0x256: {  	s6 =	simm.s32 @p3 $0xFFFFFFFF  }
0x257: {  	s6 =	smov.u32 @p1 s7  }
.LBB2_45:
0x258: {  	p1 =	seq.s32 s6, $0xFFFFFFFF  }
.Ltmp37:
0x259: {  	_ = 	snop;
	(pc) =	sbr.rel @p1 .LBB2_47-.Ltmp37, $1  }
0x25a: {  	_ =	sdelay $0x3  }
0x25b: {  	s0 =	sshll.u32 s3, $0x7  }
0x25c: {  	s0 =	sand.u32 $0x3FFFFF80, s0  }
0x25d: {  	v0 =	vld [tilespmem:s0+$0xF238];
	_ =	sdelay $0x2  }
0x25e: {  	s4 =	sshll.u32 s6, $0x9  }
0x25f: {  	s4 =	sshra.s32 s4, $0x2  }
0x260: {  	[tilespmem:s4+$0xF238] =	vst.add.f32.msk $0xffff, v0  }
0x261: {  	v0 =	vld [tilespmem:s0+$0xF248];
	_ =	sdelay $0x4  }
0x262: {  	[tilespmem:s4+$0xF248] =	vst.add.f32.msk $0xffff, v0  }
0x263: {  	v0 =	vld [tilespmem:s0+$0xF258];
	_ =	sdelay $0x4  }
0x264: {  	[tilespmem:s4+$0xF258] =	vst.add.f32.msk $0xffff, v0  }
0x265: {  	v0 =	vld [tilespmem:s0+$0xF268];
	_ =	sdelay $0x4  }
0x266: {  	[tilespmem:s4+$0xF268] =	vst.add.f32.msk $0xffff, v0  }
0x267: {  	v0 =	vld [tilespmem:s0+$0xF278];
	_ =	sdelay $0x4  }
0x268: {  	[tilespmem:s4+$0xF278] =	vst.add.f32.msk $0xffff, v0  }
0x269: {  	v0 =	vld [tilespmem:s0+$0xF288];
	_ =	sdelay $0x4  }
0x26a: {  	[tilespmem:s4+$0xF288] =	vst.add.f32.msk $0xffff, v0  }
0x26b: {  	v0 =	vld [tilespmem:s0+$0xF298];
	_ =	sdelay $0x4  }
0x26c: {  	[tilespmem:s4+$0xF298] =	vst.add.f32.msk $0xffff, v0  }
0x26d: {  	v0 =	vld [tilespmem:s0+$0xF2A8]  }
.Ltmp38:
0x26e: {  	_ = 	snop;
	(pc) =	sbr.rel .LBB2_48-.Ltmp38, $2  }
0x26f: {  	_ =	sdelay $0x2  }
0x270: {  	[tilespmem:s4+$0xF2A8] =	vst.add.f32.msk $0xffff, v0  }
.LBB2_49:
0x271: {  	p1 =	slt.s32 s2, $0x1  }
.Ltmp39:
0x272: {  	_ = 	snop;
	(pc) =	sbr.rel @p1 .LBB2_53-.Ltmp39, $3  }
0x273: {  	_ =	sdelay $0x1  }
0x274: {  	s0 =	simm.s32 $0x8  }
0x275: {  	s3 =	simm.s32 $0x0;
	[sflag:s0] =	ssyncpa.u1 $0x1  }
0x276: {  	s0 =	simm.s32 $0xF218  }
0x277: {  	v0 =	vld.msk [tilespmem:s0+$0x0], $0x1;
	_ =	sdelay $0x4  }
0x278: {  	(v2sf) =	vpush v0, $0x0;
	_ =	sdelay $0xe  }
0x279: {  	s0 =	sadd.s32 $0xFFFFFFFF, s2;
	s5 =	spop (v2sf)  }
0x27a: {  	p2 =	sne.s32 s0, $0x0;
	p1 =	sgt.u32 s5, $0x270F0  }
.Ltmp40:
0x27b: {  	s6 =	sand.u32 @!p1 $0x3FFF8, s5;
	(pc) =	sbr.rel @!p2 .LBB2_52-.Ltmp40, $4  }
0x27c: {  	s4 =	simm.s32 $0xF238;
	s5 =	sand.u32 @!p1 $0x7, s5;
	s2 =	sadd.s32 @!p1 s1, s6  }
0x27d: {  	[hbm4b:s2+s5] =	stream.linear.scatter @!p1 [tilespmem:s4], [sflag:$0x7], $0x80, $0x38;
	[tilespmem:$0x1F6F8] =	vst v63  }
0x27e: {  	s5 =	simm.s32 $0x0  }
0x27f: {  	s2 =	simm.s32 $0xF219;
	s5 =	simm.s32 @!p1 $0x200  }
.LBB2_51:
0x280: {  	v0 =	vld.msk [tilespmem:s2+$0x0], $0x1;
	s0 =	sadd.s32 $0xFFFFFFFF, s0;
	s3 =	sadd.s32 s3, s5  }
0x281: {  	p1 =	sne.s32 s0, $0x0;
	_ =	sdelay $0x3  }
0x282: {  	(v2sf) =	vpush v0, $0x0;
	_ =	sdelay $0xe  }
.Ltmp41:
0x283: {  	s6 =	spop (v2sf);
	(pc) =	sbr.rel @p1 .LBB2_51-.Ltmp41, $4  }
0x284: {  	s5 =	simm.s32 $0x0;
	p2 =	sgt.u32 s6, $0x270F0  }
0x285: {  	s4 =	sadd.s32 $0x80, s4;
	s5 =	simm.s32 @!p2 $0x200;
	s7 =	sand.u32 @!p2 $0x3FFF8, s6  }
0x286: {  	s2 =	sadd.s32 $0x1, s2;
	s6 =	sand.u32 @!p2 $0x7, s6;
	s7 =	sadd.s32 @!p2 s1, s7  }
0x287: {  	[hbm4b:s7+s6] =	stream.linear.scatter @!p2 [tilespmem:s4], [sflag:$0x7], $0x80, $0x38;
	[tilespmem:$0x1F6F8] =	vst v63  }
.LBB2_52:
0x288: {  	s0 =	sadd.s32 s3, s5  }
0x289: {  	s3 =	sshrl.u32 s0, $0x2  }
.LBB2_53:
0x28a: {  	s0 =	simm.s32 $0x7  }
0x28b: {  	_ =	swait.ge [sflag:s0], s3  }
0x28c: {  	s1 =	ssub.s32 $0x0, s3;
	[sflag:s0] =	ssyncset.done $0x0  }
0x28d: {  	[sflag:s0] =	ssyncadd.s32 s1  }
0x28e: {  	[sflag:s0] =	ssyncpa.u1 $0x1  }
.LBB2_54:
0x28f: {  	_ =	sfence;
	s0 =	simm.s32 $0x1  }
0x290: {  	[sflag:s0] =	ssyncpa.u1 $0x1  }
0x291: {  	_ =	strace $0x90000056  }
0x292: {  	[bflag:$0x2] =	sbarrier.arrive $0xFFFF  }
0x293: {  	s0 =	rddreg [dreg:$0x4]  }
0x294: {  	s0 =	sadd.s32 @!p0 $0x100000, s0  }
0x295: {  	[sflag:s0] =	ssyncadd.tile.s32 @!p0 $0x1;
	_ =	shalt  }
.Lfunc_end2:
_tile_overlayer_lowered:
.L_overlay_start_2:
0x296: {  	(tag) =	ssettag $0x2  }
0x297: {  	s0 =	rddreg [dreg:$0x0];
	s2 =	stileid.u32  }
0x298: {  	s1 =	rddreg [dreg:$0x1];
	p0 =	sne.s32 s2, $0x0  }
0x299: {  	s3 =	rddreg [dreg:$0x2];
	[bflag:$0x3] =	sbarrier.arrive $0xFFFF;
	s2 =	simm.s32 @!p0 $0x1C01  }
0x29a: {  	[timem:s3], [sflag:s2] =	dma.local @!p0 [hbm:s0], s1  }
0x29b: {  	s0 =	simm.s32 @!p0 $0x1  }
0x29c: {  	_ =	swait.ge @!p0 [sflag:s0], s1  }
0x29d: {  	s1 =	ssub.s32 @!p0 $0x0, s1;
	[sflag:s0] =	ssyncset.done @!p0 $0x0  }
0x29e: {  	[sflag:s0] =	ssyncadd.s32 @!p0 s1  }
0x29f: {  	[bflag:$0x3] =	sbarrier.arrive $0xFFFF  }
0x2a0: {  	_ =	shalt  }

// kernel: scatter_offload_async_start.3
scs
__scs_entry_jumppad:
0x0: {  	(pc) =	sbr.rel $0x88, $3  }
0x1: {  	(tag) =	ssettag $0x0;
	lr =	simm.s32 $0x1  }
0x2: {  	[smem:$0x3F96] =	sst lr;
	_ =	strace $0xD0000000  }
0x3: {  	_ = 	snop  }
0x4: {  	_ = 	snop  }
0x5: {  	_ = 	snop  }
0x6: {  	_ = 	snop  }
0x7: {  	_ = 	snop  }
__scs_overlays_trampoline_lowered:
0x8: {  	[smem:$0x3FA5] =	sst s0  }
0x9: {  	[smem:$0x3FA6] =	sst s1  }
0xa: {  	[smem:$0x3FA7] =	sst s2  }
0xb: {  	[smem:$0x3FA8] =	sst s3  }
0xc: {  	[smem:$0x3FA9] =	sst s4  }
0xd: {  	[smem:$0x3FAA] =	sst s5  }
0xe: {  	[smem:$0x3FAB] =	sst s6  }
0xf: {  	[smem:$0x3FAC] =	sst s7  }
0x10: {  	[smem:$0x3FAD] =	sst s8  }
0x11: {  	[smem:$0x3FAE] =	sst s9;
	s0 =	simm.s32 @!p0 $0x0  }
0x12: {  	s1 =	sld [smem:$0x3F94];
	s0 =	simm.s32 @p0 $0x1  }
0x13: {  	[smem:$0x3FAF] =	sst s0;
	s0 =	simm.s32 @!p1 $0x0  }
0x14: {  	s2 =	sld [smem:$0x3F93];
	s0 =	simm.s32 @p1 $0x1  }
0x15: {  	[smem:$0x3FB0] =	sst s0;
	s0 =	simm.s32 @!p2 $0x0  }
0x16: {  	s3 =	sld [smem:$0x3FDB];
	s0 =	simm.s32 @p2 $0x1  }
0x17: {  	s4 =	simm.s32 $0x1BF5;
	[smem:$0x3FB2] =	sst s0  }
0x18: {  	s0 =	sld [smem:$0x3F95];
	_ =	swait.ge [sflag:s4], $0x0  }
0x19: {  	s7 =	sld [smem:$0x3F96]  }
0x1a: {  	s8 =	sadd.s32 $0xFFFFE003, lr  }
0x1b: {  	s9 =	sadd.s32 $0xFFFFFEF7, lr;
	s5 =	simm.s32 $0xFFFFFFFF;
	p2 =	slt.u32 s8, $0xFFFFF086  }
0x1c: {  	p1 =	slt.u32 s9, $0xF7A;
	s5 =	simm.s32 @!p2 $0x0  }
0x1d: {  	s5 =	simm.s32 @p1 $0x1;
	p0 =	seq.s32 s7, s2  }
0x1e: {  	s7 =	smul.u32 @!p0 $0xF7A, s2;
	p2 =	seq.s32 @!p0 s5, $0x0  }
0x1f: {  	s9 =	smul.u32 $0xF7A, s1;
	s8 =	simm.s32 @!p0 $0x1BF5;
	p2 =	por !p2, p0  }
0x20: {  	[sflag:s8] =	ssyncset.s32 @!p0 $0xFFFFF086;
	s6 =	sadd.s32 @!p0 s3, s7;
	s7 =	simm.s32 @!p0 $0x108  }
0x21: {  	s3 =	sadd.s32 s3, s9;
	s6 =	sadd.s32 @!p0 $0x88, s6;
	s7 =	simm.s32 @p2 $0x1082  }
0x22: {  	[simem:s7], [sflag:s8] =	dma.local @!p0 [hbm:s6], $0xF7A  }
0x23: {  	s9 =	sor.u32 $0xD0000000, s2;
	s6 =	simm.s32 $0x108;
	_ =	swait.ge @!p0 [sflag:s8], $0x0  }
0x24: {  	s3 =	sadd.s32 $0x88, s3;
	s6 =	simm.s32 @!p1 $0x1082;
	[sflag:s4] =	ssyncset.s32 $0xFFFFF086  }
0x25: {  	[simem:s6], [sflag:s4] =	dma.local [hbm:s3], $0xF7A  }
0x26: {  	[smem:$0x3F96] =	sst s1;
	(tag) =	ssettag s2;
	_ =	strace s9  }
0x27: {  	s1 =	sld [smem:$0x3FA6]  }
0x28: {  	s2 =	sld [smem:$0x3FA7]  }
0x29: {  	s4 =	sld [smem:$0x3FA9]  }
0x2a: {  	p0 =	seq.s32 s5, $0x0;
	s5 =	sld [smem:$0x3FAA]  }
0x2b: {  	s6 =	sld [smem:$0x3FAB]  }
0x2c: {  	s7 =	sld [smem:$0x3FAC]  }
0x2d: {  	s3 =	simm.s32 $0x108;
	s8 =	sld [smem:$0x3FAD]  }
0x2e: {  	s3 =	simm.s32 @!p0 $0x1082;
	s9 =	sld [smem:$0x3FAE]  }
0x2f: {  	lr =	sadd.s32 s0, s3;
	s0 =	sld [smem:$0x3FA5]  }
0x30: {  	s3 =	sld [smem:$0x3FA8]  }
0x31: {  	[smem:$0x3FB1] =	sst s10  }
0x32: {  	s10 =	sld [smem:$0x3FAF];
	_ =	sdelay $0x3  }
0x33: {  	p0 =	seq.s32 s10, $0x1;
	s10 =	sld [smem:$0x3FB1];
	_ =	sdelay $0x3  }
0x34: {  	[smem:$0x3FB1] =	sst s10  }
0x35: {  	s10 =	sld [smem:$0x3FB0];
	_ =	sdelay $0x3  }
0x36: {  	p1 =	seq.s32 s10, $0x1;
	s10 =	sld [smem:$0x3FB1];
	_ =	sdelay $0x3  }
0x37: {  	[smem:$0x3FB1] =	sst s10  }
0x38: {  	s10 =	sld [smem:$0x3FB2]  }
0x39: {  	_ = 	snop;
	(pc) =	sbr.ind lr, $3  }
0x3a: {  	_ = 	snop  }
0x3b: {  	_ = 	snop  }
0x3c: {  	p2 =	seq.s32 s10, $0x1;
	s10 =	sld [smem:$0x3FB1]  }
0x3d: {  	_ =	shalt  }
0x3e: {  	_ =	shalt  }
0x3f: {  	_ =	shalt  }
0x40: {  	_ =	shalt  }
0x41: {  	_ =	shalt  }
0x42: {  	_ =	shalt  }
0x43: {  	_ =	shalt  }
0x44: {  	_ =	shalt  }
0x45: {  	_ =	shalt  }
0x46: {  	_ =	shalt  }
0x47: {  	_ =	shalt  }
0x48: {  	_ =	shalt  }
0x49: {  	_ =	shalt  }
0x4a: {  	_ =	shalt  }
0x4b: {  	_ =	shalt  }
0x4c: {  	_ =	shalt  }
0x4d: {  	_ =	shalt  }
0x4e: {  	_ =	shalt  }
0x4f: {  	_ =	shalt  }
0x50: {  	_ =	shalt  }
0x51: {  	_ =	shalt  }
0x52: {  	_ =	shalt  }
0x53: {  	_ =	shalt  }
0x54: {  	_ =	shalt  }
0x55: {  	_ =	shalt  }
0x56: {  	_ =	shalt  }
0x57: {  	_ =	shalt  }
0x58: {  	_ =	shalt  }
0x59: {  	_ =	shalt  }
0x5a: {  	_ =	shalt  }
0x5b: {  	_ =	shalt  }
0x5c: {  	_ =	shalt  }
0x5d: {  	_ =	shalt  }
0x5e: {  	_ =	shalt  }
0x5f: {  	_ =	shalt  }
0x60: {  	_ =	shalt  }
0x61: {  	_ =	shalt  }
0x62: {  	_ =	shalt  }
0x63: {  	_ =	shalt  }
0x64: {  	_ =	shalt  }
0x65: {  	_ =	shalt  }
0x66: {  	_ =	shalt  }
0x67: {  	_ =	shalt  }
0x68: {  	_ =	shalt  }
0x69: {  	_ =	shalt  }
0x6a: {  	_ =	shalt  }
0x6b: {  	_ =	shalt  }
0x6c: {  	_ =	shalt  }
0x6d: {  	_ =	shalt  }
0x6e: {  	_ =	shalt  }
0x6f: {  	_ =	shalt  }
0x70: {  	_ =	shalt  }
0x71: {  	_ =	shalt  }
0x72: {  	_ =	shalt  }
0x73: {  	_ =	shalt  }
0x74: {  	_ =	shalt  }
0x75: {  	_ =	shalt  }
0x76: {  	_ =	shalt  }
0x77: {  	_ =	shalt  }
0x78: {  	_ =	shalt  }
0x79: {  	_ =	shalt  }
0x7a: {  	_ =	shalt  }
0x7b: {  	_ =	shalt  }
0x7c: {  	_ =	shalt  }
0x7d: {  	_ =	shalt  }
0x7e: {  	_ =	shalt  }
0x7f: {  	_ =	shalt  }
0x80: {  	_ =	shalt  }
0x81: {  	_ =	shalt  }
0x82: {  	_ =	shalt  }
0x83: {  	_ =	shalt  }
0x84: {  	_ =	shalt  }
0x85: {  	_ =	shalt  }
0x86: {  	_ =	shalt  }
0x87: {  	_ =	shalt  }
.Lfunc_end0:
.L_simem_size_0:
called_computation.3_lowered:
.L_overlay_start_0:
0x88: {  	s0 =	sld [smem:$0x3FD9]  }
0x89: {  	s1 =	sld [smem:$0x3FFE];
	_ =	sdelay $0x3  }
0x8a: {  	s0 =	sadd.s32 s1, s0  }
0x8b: {  	[smem:$0x3FBD] =	sst s0  }
0x8c: {  	_ = 	snop  }
0x8d: {  	s0 =	sld [smem:$0x3FD0];
	_ =	sdelay $0x2  }
0x8e: {  	s13 =	simm.s32 $0xB;
	s2 =	simm.s32 $0x10  }
0x8f: {  	[smem:s2], [sflag:s13] =	dma.local [hbm:s0], $0x1  }
0x90: {  	_ =	swait.eq [sflag:s13], $0x1  }
0x91: {  	[sflag:s13] =	ssyncset.done $0x0  }
0x92: {  	[sflag:s13] =	ssyncadd.s32 $0xFFFFFFFF  }
0x93: {  	s14 =	sld [smem:$0x11];
	(tm) =	ssettm $0x1  }
0x94: {  	s15 =	sld [smem:$0x3FFB];
	_ =	sdelay $0x3  }
0x95: {  	_ =	strace s15  }
0x96: {  	s1 =	sld [smem:$0x3FFC];
	_ =	sdelay $0x3  }
0x97: {  	_ =	strace s1  }
0x98: {  	s1 =	sld [smem:$0x3FFD];
	_ =	sdelay $0x3  }
0x99: {  	_ =	strace s1  }
0x9a: {  	_ =	strace $0x8FFFFFFF  }
0x9b: {  	s16 =	sld [smem:$0x3FDB];
	_ =	sdelay $0x1  }
0x9c: {  	s17 =	simm.s32 $_scs_section_size  }
0x9d: {  	s3 =	simm.s32 $_size__tile_overlayer_lowered;
	s4 =	simm.s32 $_tile_overlayer_lowered  }
0x9e: {  	s20 =	simm.s32 $0x1BFF;
	s19 =	sshll.u32 s4, $0x1;
	s1 =	sadd.s32 s17, s16  }
0x9f: {  	s5 =	simm.s32 $0x0;
	s18 =	sshll.u32 s3, $0x1;
	s3 =	sadd.s32 s19, s1  }
0xa0: {  	[timem:s5], [sflag:s20] =	dma.local [hbm:s3], s18  }
0xa1: {  	_ =	swait.ge [sflag:s20], s18  }
0xa2: {  	s2 =	ssub.s32 $0x0, s18;
	[sflag:s20] =	ssyncset.done $0x0  }
0xa3: {  	[sflag:s20] =	ssyncadd.s32 s2;
	_ =	sdelay $0x1  }
0xa4: {  	s21 =	simm.s32 $0x1B8B  }
0xa5: {  	_ =	swait.ge [sflag:s21], $0x1  }
0xa6: {  	[sflag:s21] =	ssyncset.done $0x0  }
0xa7: {  	s23 =	simm.s32 $0x1B8E;
	s22 =	sld [smem:$0x3FFE];
	[sflag:s21] =	ssyncadd.s32 $0xFFFFFFFF  }
0xa8: {  	s24 =	simm.s32 $execute0_lowered;
	[smem:$0x3FD2] =	sst s23  }
0xa9: {  	s3 =	sshll.u32 s24, $0x1;
	_ =	strace $0x80000058;
	[dreg:$0x1] =	wrdreg $0xFFFFFFFF  }
0xaa: {  	s25 =	simm.s32 $_size_execute0_lowered;
	s1 =	sadd.s32 s1, s3;
	[dreg:$0x0] =	wrdreg $0x0  }
0xab: {  	s3 =	sshll.u32 s25, $0x1;
	[dreg:$0x2] =	wrdreg s1  }
0xac: {  	[dreg:$0x3] =	wrdreg s3  }
0xad: {  	[dreg:$0x4] =	wrdreg $0xC0  }
0xae: {  	_ =	task [dreg:s5], $0x5FFFF  }
0xaf: {  	[dreg:$0x1] =	wrdreg $0xFFFFFFFF  }
0xb0: {  	[dreg:$0x0] =	wrdreg $0x60  }
0xb1: {  	[dreg:$0x2] =	wrdreg s14  }
0xb2: {  	[dreg:$0x3] =	wrdreg s22  }
0xb3: {  	[dreg:$0x4] =	wrdreg $0x9  }
0xb4: {  	_ =	task.clear_ibuf [dreg:s5], $0x5FFFF;
	_ =	strace $0x90000058  }
0xb5: {  	s26 =	simm.s32 $0x9;
	_ =	strace $0x8000005A  }
0xb6: {  	_ =	swait.ge [sflag:s26], $0x1  }
0xb7: {  	[sflag:s26] =	ssyncadd.s32 $0xFFFFFFFF  }
0xb8: {  	_ =	strace $0x9000005A  }
0xb9: {  	_ =	sfence  }
0xba: {  	s28 =	sld [smem:$0x0];
	_ =	sdelay $0x1  }
0xbb: {  	s29 =	srdreg.scid  }
0xbc: {  	s30 =	sshll.u32 s29, $0xD;
	s31 =	sshrl.u32 s29, $0x2  }
0xbd: {  	s2 =	sand.u32 $0x4000, s30;
	s1 =	sand.u32 $0x1, s29;
	s0 =	sadd.s32 s31, s28  }
0xbe: {  	s1 =	sor.u32 s2, s1;
	s0 =	sshll.u32 s0, $0x11  }
0xbf: {  	s0 =	sor.u32 s0, s1  }
0xc0: {  	s0 =	sadd.s32 $0x8F2B, s0  }
0xc1: {  	[sflag:s0] =	ssyncadd.remote.s32 $0x1  }
0xc2: {  	_ =	sfence.sel $0xFFFF  }
0xc3: {  	[dreg:$0x0] =	wrdreg $0xFFFFFFFF;
	(pc) =	sbr.abs _section_cstart, $3  }
0xc4: {  	[dreg:$0x1] =	wrdreg $0xFFFFFFFF  }
0xc5: {  	_ =	task.clear_ibuf [dreg:s5], $0x2FFFF;
	_ =	strace $0x9FFFFFFF  }
0xc6: {  	(tm) =	ssettm $0x7FFFFFFF  }
0xc7: {  	_ =	shalt  }
tec
execute0_lowered:
.L_overlay_start_1:
0x0: {  	(tag) =	ssettag $0x1  }
0x1: {  	s1 =	rddreg [dreg:$0x0];
	s6 =	stileid.u32  }
0x2: {  	s0 =	rddreg [dreg:$0x1];
	_ =	strace $0x80000059;
	s2 =	smin.u32 s6, $0x9  }
0x3: {  	s9 =	simm.s32 $0x1;
	p0 =	slt.u32 s6, $0x9;
	s2 =	sadd.s32 s6, s2  }
0x4: {  	v1 =	vimm.s32 $0xFFFFFFFF;
	[sflag:s9] =	ssyncpa.u1 $0x0;
	s3 =	smul.u32 $0x190, s2;
	s2 =	simm.s32 $0x320  }
0x5: {  	[tilespmem:$0x10] =	vst v1;
	s2 =	simm.s32 @!p0 $0x190  }
0x6: {  	v0 =	vimm.f32 $0.0e+00;
	[tilespmem:$0x20] =	vst v1;
	s2 =	sadd.s32 s2, s3  }
0x7: {  	[tilespmem:$0x30] =	vst v0;
	s4 =	smin.u32 s2, $0x2710  }
0x8: {  	[tilespmem:$0x40] =	vst v0;
	s2 =	ssub.s32 s4, s3  }
0x9: {  	[tilespmem:$0x50] =	vst v0;
	p0 =	sgt.s32 s2, $0x0  }
0xa: {  	[tilespmem:$0x60] =	vst v1;
	s2 =	simm.s32 @!p0 $0x0  }
0xb: {  	s7 =	simm.s32 $0x2;
	s8 =	simm.s32 $0x8;
	[tilespmem:$0x70] =	vst v1;
	s5 =	sand.u32 $0xFFF0, s2  }
0xc: {  	s31 =	simm.s32 $0x9;
	s16 =	simm.s32 $0x0;
	[tilespmem:$0x80] =	vst v1;
	s5 =	sshrl.u32 s5, $0x4  }
0xd: {  	s17 =	simm.s32 $0xF0;
	s18 =	simm.s32 $0xFFFFFFFF;
	v1 =	vimm.s32 $0x0;
	[tilespmem:$0xB0] =	vst v0;
	s5 =	smul.u32 $0xA3E, s5  }
0xe: {  	s19 =	simm.s32 $0xFFFFFDE0;
	s20 =	simm.s32 $0xFFFFFFFE;
	s21 =	simm.s32 $0xF;
	[tilespmem:$0x90] =	vst v1  }
0xf: {  	[tilespmem:$0xA0] =	vst v1;
	[sflag:s7] =	ssyncpa.u1 $0x0;
	s7 =	simm.s32 $0x7;
	s10 =	sshrl.u32 s5, $0x10  }
0x10: {  	s25 =	simm.s32 $0x0;
	[sflag:s7] =	ssyncpa.u1 $0x0;
	s11 =	smul.u32 $0x190, s10  }
0x11: {  	s24 =	simm.s32 $0x0;
	s14 =	sshllo.u32 s6, $0x1;
	[sflag:s8] =	ssyncpa.u1 $0x0  }
.Ltmp0:
0x12: {  	s23 =	smov.u32 s3;
	p0 =	sne.s32 s2, s11;
	(pc) =	sbr.rel .LBB2_1-.Ltmp0, $4  }
0x13: {  	s5 =	sadd.s32 $0xAA00, s0;
	s0 =	sadd.s32 $0xB000, s0;
	s9 =	simm.s32 @!p0 $0x0  }
0x14: {  	[sflag:s31] =	ssyncpa.u1 $0x0;
	[dreg:$0x3] =	wrdreg s0;
	s9 =	sadd.s32 s10, s9  }
0x15: {  	vm0 =	vmmov $0xffff;
	v2 =	vlaneseq.u32;
	p0 =	por $0x0, $0x0;
	s10 =	sshll.u32 s6, $0x1;
	s11 =	sadd.s32 $0x1, s9  }
0x16: {  	vm1 =	vmxor vm1, vm1;
	vm2 =	vmmov $0x1;
	vm3 =	vcmask $0x3F3C;
	s12 =	sadd.s32 $0x2, s9;
	s13 =	sor.u32 $0x81, s10;
	s15 =	sor.u32 $0x80, s10  }
.LBB2_9:
0x17: {  	p1 =	slt.u32 s24, $0x3  }
0x18: {  	s0 =	simm.s32 @!p1 $0x2  }
0x19: {  	_ =	swait.ge @!p1 [sflag:s0], $0x190  }
0x1a: {  	[sflag:s0] =	ssyncset.done @!p1 $0x0  }
0x1b: {  	[sflag:s0] =	ssyncadd.s32 @!p1 $0xFFFFFE70;
	s0 =	simm.s32 @!p1 $0x9  }
0x1c: {  	_ =	swait.ge @!p1 [sflag:s0], $0x10  }
0x1d: {  	[sflag:s0] =	ssyncset.done @!p1 $0x0  }
0x1e: {  	[sflag:s0] =	ssyncadd.s32 @!p1 $0xFFFFFFF0;
	p1 =	sne.s32 s24, s12  }
.Ltmp1:
0x1f: {  	s2 =	sadd.s32 $0x190, s23;
	(pc) =	sbr.rel @!p1 .LBB2_10-.Ltmp1, $4  }
0x20: {  	s6 =	smov.u32 s3;
	s31 =	sadd.s32 $0x1, s24;
	s17 =	sadd.s32 $0x190, s17  }
0x21: {  	s18 =	sadd.s32 $0x1, s18;
	s25 =	smov.u32 s23;
	p2 =	slt.s32 s2, s4  }
0x22: {  	p0 =	por !p0, !p0;
	s19 =	sadd.s32 $0x190, s19;
	s6 =	smov.u32 @p2 s2  }
0x23: {  	s20 =	sadd.s32 $0x1, s20;
	s23 =	smov.u32 s6;
	s24 =	smov.u32 s31  }
.LBB2_1:
0x24: {  	p1 =	sge.u32 s24, s9  }
0x25: {  	s0 =	smulhi.u32 @!p1 $0xAAAAAAAB, s24;
	_ =	sdelay $0x1  }
0x26: {  	s0 =	sshrl.u32 @!p1 s0, $0x1  }
0x27: {  	s0 =	smul.u32 @!p1 $0x3, s0;
	_ =	sdelay $0x1  }
0x28: {  	s0 =	ssub.s32 @!p1 s24, s0  }
0x29: {  	s0 =	smul.u32 @!p1 $0x640, s0;
	_ =	sdelay $0x1  }
0x2a: {  	s2 =	sshrl.u32 @!p1 s23, $0x3;
	s0 =	sshrl.u32 @!p1 s0, $0x2  }
0x2b: {  	s22 =	sand.u32 @!p1 $0x7, s23;
	s2 =	sadd.s32 @!p1 s5, s2;
	s0 =	sadd.s32 @!p1 $0x100, s0  }
0x2c: {  	[tilespmem:s0], [sflag:$0x7] =	stream.linear.gather @!p1 [hbm4b:s2+s22], $0x190, $0x38;
	[tilespmem:$0xF30] =	vst v63  }
0x2d: {  	s0 =	sadd.s32 $0xFFFFFFFF, s24  }
0x2e: {  	p1 =	sge.u32 s0, s9  }
.Ltmp2:
0x2f: {  	_ = 	snop;
	(pc) =	sbr.rel @p1 .LBB2_5-.Ltmp2, $1  }
0x30: {  	_ =	sdelay $0x3  }
0x31: {  	s2 =	smulhi.u32 $0xAAAAAAAB, s0;
	_ =	sdelay $0x1  }
0x32: {  	s2 =	sshrl.u32 s2, $0x1  }
0x33: {  	s2 =	smul.u32 $0x3, s2;
	_ =	sdelay $0x1  }
0x34: {  	s2 =	ssub.s32 s0, s2  }
0x35: {  	s2 =	smul.u32 $0x640, s2  }
0x36: {  	_ =	swait.ge [sflag:s7], $0x190  }
0x37: {  	[sflag:s7] =	ssyncset.done $0x0;
	s2 =	sshrl.u32 s2, $0x2  }
0x38: {  	[sflag:s7] =	ssyncadd.s32 $0xFFFFFE70;
	(ifvalue) =	ssetifvalue $0xFFFFFFFF;
	v3 =	vld.msk [tilespmem:s2+$0x100 ss:$0x1], $0xffff;
	_ =	sdelay $0x2  }
0x39: {  	s30 =	smulhi.u32 $0xAAAAAAAB, s18;
	p1 =	sne.s32 s24, $0x1  }
0x3a: {  	v4 =	vimm.s32 @!p1 $0x0  }
0x3b: {  	s2 =	sshrl.u32 s30, $0x1;
	v4 =	vperm.xlane @!p1 v3, v4  }
0x3c: {  	s22 =	sshll.u32 s24, $0x4;
	s2 =	smul.u32 $0xFFFFED40, s2;
	vm4 =	vlt.u32 v3, $0x80  }
0x3d: {  	s22 =	sand.u32 $0x10, s22;
	v3 =	vnsel vm4, $0xFFFFFFFE, v3;
	vm4 =	vlt.u32 @!p1 v4, $0x80  }
0x3e: {  	s2 =	sshra.s32 s2, $0x2;
	[tilespmem:s22+$0x60] =	vst v3;
	v3 =	vnsel @!p1 vm4, $0xFFFFFFFE, v4  }
0x3f: {  	s28 =	sadd.s32 s2, s17;
	[tilespmem:$0x80] =	vst @!p1 v3  }
0x40: {  	v3 =	vld.msk [tilespmem:s28+$0x0 ss:$0x1], $0xffff;
	_ =	sdelay $0x4  }
0x41: {  	(xrf1) =	vunique.msk.u32 $0xffff, v3;
	_ =	sdelay $0xd  }
0x42: {  	v4 =	vimm.s32 $0xFFFFFFFF;
	v5, _, _ =	vpop (xrf1)  }
0x43: {  	vm5 =	vne.s32 v3, v4;
	vm4 =	veq.s32 v5, v2  }
0x44: {  	vm6 =	vlt.u32 v3, $0x80;
	vm4 =	vmand vm5, vm4  }
0x45: {  	vm4 =	vmand vm6, vm4  }
0x46: {  	v4 =	vnsel vm4, $0xFFFFFFFF, v3  }
0x47: {  	s31 =	sand.u32 $0x1, s0  }
0x48: {  	s0 =	simm.s32 $0x190;
	p1 =	seq.s32 s31, $0x1  }
0x49: {  	s0 =	simm.s32 @!p1 $0x0  }
0x4a: {  	s26 =	sadd.s32 $0x730, s0;
	(ifvalue) =	ssetifvalue $0xFFFFFFFF  }
0x4b: {  	v3 =	vperm.xlane v3, v1;
	[tilespmem:s26], [sflag:$0x8] =	stream.indirect_vreg.gather [hbm4b:s1+s16], $0x1, v4, vm0, $0x4038;
	v4 =	vnsel vm6, $0xFFFFFFFE, v4;
	[tilespmem:$0xF30] =	vst v63  }
0x4c: {  	s2 =	simm.s32 $0x0;
	s22 =	sadd.s32 $0xFFFFFFF0, s28;
	[tilespmem:s28+$0x0] =	vst v4  }
.LBB2_3:
0x4d: {  	v4 =	vld.msk [tilespmem:s22+$0x0 ss:$0x1], $0xffff;
	s2 =	sadd.s32 $0x10, s2;
	v5 =	vmov v3;
	s28 =	smov.u32 s22  }
0x4e: {  	p1 =	slt.u32 s2, $0x180;
	_ =	sdelay $0x4  }
0x4f: {  	v3 =	vperm.xlane v4, v1;
	(xrf1) =	vunique.msk.u32 $0xffff, v4;
	_ =	sdelay $0xd  }
0x50: {  	v6, _, _ =	vpop (xrf1)  }
0x51: {  	vm5 =	vne.s32 v4, v5;
	vm4 =	veq.s32 v6, v2  }
0x52: {  	vm6 =	vlt.u32 v4, $0x80;
	vm4 =	vmand vm5, vm4  }
0x53: {  	vm4 =	vmand vm6, vm4  }
0x54: {  	v4 =	vnsel vm4, $0xFFFFFFFF, v4  }
.Ltmp3:
0x55: {  	v5 =	vnsel vm6, $0xFFFFFFFE, v4;
	(pc) =	sbr.rel @p1 .LBB2_3-.Ltmp3, $3  }
0x56: {  	_ =	sdelay $0x1  }
0x57: {  	s22 =	sadd.s32 $0xFFFFFFF0, s22;
	s26 =	sadd.s32 $0xFFFFFFF0, s26;
	(ifvalue) =	ssetifvalue $0xFFFFFFFF  }
0x58: {  	[tilespmem:s26], [sflag:$0x8] =	stream.indirect_vreg.gather [hbm4b:s1+s16], $0x1, v4, vm0, $0x4038;
	[tilespmem:s28+$0x0] =	vst v5  }
0x59: {  	s2 =	sshrl.u32 s25, $0x3;
	s6 =	rddreg [dreg:$0x3]  }
0x5a: {  	s0 =	sadd.s32 $0x8D0, s0;
	s2 =	sadd.s32 s6, s2  }
0x5b: {  	[tilespmem:s0], [sflag:$0x8] =	stream.linear.gather [hbm:s2], $0x190, $0x38;
	[tilespmem:$0xF30] =	vst v63  }
.LBB2_5:
0x5c: {  	p1 =	slt.u32 s24, $0x2  }
0x5d: {  	p2 =	sge.u32 @!p1 s24, s12  }
0x5e: {  	p1 =	por p1, p2  }
.Ltmp4:
0x5f: {  	_ = 	snop;
	(pc) =	sbr.rel @p1 .LBB2_9-.Ltmp4, $1  }
0x60: {  	_ =	sdelay $0x3  }
0x61: {  	s0 =	sadd.s32 $0xFFFFFFFE, s24  }
0x62: {  	s2 =	smulhi.u32 $0xAAAAAAAB, s0;
	_ =	sdelay $0x1  }
0x63: {  	s2 =	sshrl.u32 s2, $0x1  }
0x64: {  	s2 =	smul.u32 $0x3, s2;
	_ =	sdelay $0x1  }
0x65: {  	s0 =	ssub.s32 s0, s2  }
0x66: {  	_ =	swait.ge [sflag:s8], $0x320;
	s0 =	smul.u32 $0x190, s0  }
0x67: {  	p1 =	sne.s32 s24, s11;
	[sflag:s8] =	ssyncset.done $0x0  }
0x68: {  	[sflag:s8] =	ssyncadd.s32 $0xFFFFFCE0;
	s2 =	sadd.s32 @!p1 $0x28F, s0  }
0x69: {  	[spmem:s13] =	stream.linear.scatter @!p1 [tilespmem:s2], [sflag:$0x1], $0x1, $0x38;
	[tilespmem:$0xF30] =	vst v63  }
0x6a: {  	s2 =	simm.s32 @!p1 $0x1  }
0x6b: {  	_ =	swait.ge @!p1 [sflag:s2], $0x1  }
0x6c: {  	s22 =	sshll.u32 s24, $0x4;
	[sflag:s2] =	ssyncset.done @!p1 $0x0  }
0x6d: {  	s25 =	sand.u32 $0x10, s22;
	[sflag:s2] =	ssyncadd.s32 @!p1 $0xFFFFFFFF  }
0x6e: {  	s2 =	sxor.u32 $0x10, s25;
	v4 =	vld [tilespmem:s25+$0x10]  }
0x6f: {  	v5 =	vld [tilespmem:s2+$0x60]  }
0x70: {  	v3 =	vld [tilespmem:$0x80];
	_ =	sdelay $0x2  }
0x71: {  	(v2sf) =	vpush v4, $0x0  }
0x72: {  	(v2sf) =	vpush v5, $0x0  }
0x73: {  	(v2sf) =	vpush v3, $0x0;
	_ =	sdelay $0xc  }
0x74: {  	s6 =	spop (v2sf)  }
0x75: {  	s28 =	spop (v2sf)  }
0x76: {  	s26 =	spop (v2sf)  }
0x77: {  	p2 =	seq.s32 s6, s28;
	p3 =	seq.s32 s26, s6  }
0x78: {  	p3 =	por p2, p3  }
0x79: {  	s6 =	sand.u32 $0x1, s24;
	v4 =	vpsel p3, $0xFFFFFFFF, v4  }
0x7a: {  	s28 =	smul.u32 $0x190, s6;
	[tilespmem:s25+$0x10] =	vst.msk $0x1, v4  }
0x7b: {  	v4 =	vld [tilespmem:$0x30]  }
0x7c: {  	v5 =	vld [tilespmem:s28+$0x8D0]  }
0x7d: {  	v6 =	vld [tilespmem:s25+$0x40];
	_ =	sdelay $0x3  }
0x7e: {  	vm4 =	vmmov vm1;
	v5 =	vadd.f32 v5, v4  }
0x7f: {  	vm5 =	vmmov vm2;
	vm4 =	vmmov @p2 vm2;
	v4 =	vadd.f32 v6, v4  }
0x80: {  	s22 =	sshll.u32 s6, $0x4;
	vm5 =	vmmov @p3 vm1;
	[tilespmem:s28+$0x8D0] =	vst.msk vm4, v5  }
0x81: {  	[tilespmem:s22+$0xF10] =	vst.msk vm5, v4  }
0x82: {  	v4 =	vld [tilespmem:s28+$0x730];
	_ =	sdelay $0x3  }
0x83: {  	v5 =	vimm.f32 $0.0e+00  }
0x84: {  	v4 =	vshift.insert v4, v5, s21  }
0x85: {  	s29 =	sor.u32 $0x40, s2  }
0x86: {  	[tilespmem:s29+$0x0] =	vst.msk $0x1, v4  }
0x87: {  	[tilespmem:s28+$0x73F] =	vst.msk $0x1, v5  }
0x88: {  	v4 =	vld [tilespmem:s0+$0x280];
	_ =	sdelay $0x1  }
0x89: {  	s29 =	smulhi.u32 $0xAAAAAAAB, s20;
	s0 =	simm.s32 $0x1  }
0x8a: {  	s0 =	simm.s32 @!p0 $0x0  }
0x8b: {  	s29 =	sshrl.u32 s29, $0x1;
	s0 =	smul.u32 $0x640, s0  }
0x8c: {  	s29 =	smul.u32 $0xFFFFED40, s29;
	v4 =	vshift.insert v4, v1, s21  }
0x8d: {  	s0 =	sshrl.u32 s0, $0x2  }
0x8e: {  	s29 =	sshra.s32 s29, $0x2;
	s30 =	sadd.s32 $0x8D0, s0;
	[tilespmem:s2+$0x10] =	vst.msk $0x1, v4  }
0x8f: {  	s6 =	sadd.s32 s29, s19;
	v6 =	vld [tilespmem:s30+$0x0]  }
0x90: {  	v7 =	vld [tilespmem:s6+$0x0];
	_ =	sdelay $0x3  }
0x91: {  	v5 =	vadd.f32 v6, v5  }
0x92: {  	vm4 =	vne.s32 v7, $0xFFFFFFFF  }
0x93: {  	(xrf2) =	vadd.seg.scan.f32 vm4, v5;
	_ =	sdelay $0x3  }
0x94: {  	s31 =	sadd.s32 $0x5B0, s0;
	v5 =	vperm.xlane v4, v1  }
0x95: {  	v6 =	vld [tilespmem:s31+$0x0]  }
0x96: {  	vm5 =	veq.s32 v7, v3;
	vm6 =	veq.s32 v7, v5  }
0x97: {  	vm7 =	vgt.u32 v7, $0xFFFFFFFD;
	vm6 =	vmor vm6, vm5  }
0x98: {  	vm6 =	vmor vm6, vm7  }
0x99: {  	v9 =	vld [tilespmem:$0xA0];
	v7 =	vsel vm6, $0xFFFFFFFF, v7  }
0x9a: {  	v10 =	vld [tilespmem:$0x90];
	v6 =	vsel vm5, $0x0, v6;
	v8, _, _ =	vpop (xrf2)  }
0x9b: {  	v6 =	vadd.f32 v8, v6  }
0x9c: {  	s0 =	sadd.s32 $0xBF0, s0  }
0x9d: {  	vm4 =	vmand vm4, vm3;
	[tilespmem:s0+$0x0] =	vst v6;
	(ifvalue) =	ssetifvalue $0xFFFFFFFF  }
0x9e: {  	vm6 =	veq.s32 v9, $0x1;
	[hbm4b:s1+s16] =	stream.indirect_vreg.scatter [tilespmem:s0], [sflag:$0x2], $0x1, v7, vm0, $0x4038;
	v7 =	vsel vm4, $0x0, v8;
	[tilespmem:$0xF30] =	vst v63  }
0x9f: {  	s29 =	sadd.s32 $0xF10, s22;
	s22 =	sadd.s32 $0x10, s6;
	s2 =	simm.s32 $0x0;
	vm4 =	vmor vm6, vm5;
	v6 =	vsel vm5, v8, v10;
	v7 =	vshift.insert v7, v0, s21  }
.LBB2_7:
0xa0: {  	v8 =	vld [tilespmem:s22+$0x0];
	s30 =	sadd.s32 $0x10, s30  }
0xa1: {  	s31 =	sadd.s32 $0x10, s31;
	v9 =	vld [tilespmem:s30+$0x0]  }
0xa2: {  	s2 =	sadd.s32 $0x10, s2;
	v10 =	vld [tilespmem:s31+$0x0]  }
0xa3: {  	p2 =	slt.u32 s2, $0x180;
	_ =	sdelay $0x2  }
0xa4: {  	v7 =	vadd.f32 v9, v7  }
0xa5: {  	vm5 =	vne.s32 v8, $0xFFFFFFFF  }
0xa6: {  	vm6 =	vmand vm5, vm3;
	(xrf2) =	vadd.seg.scan.f32 vm5, v7;
	_ =	sdelay $0x5  }
0xa7: {  	vm7 =	veq.s32 v8, v5;
	vm5 =	veq.s32 v8, v3  }
0xa8: {  	vm8 =	vgt.u32 v8, $0xFFFFFFFD;
	vm4 =	vmor vm4, vm5;
	vm7 =	vmor vm7, vm5  }
0xa9: {  	vm7 =	vmor vm7, vm8  }
0xaa: {  	v8 =	vsel vm7, $0xFFFFFFFF, v8  }
.Ltmp5:
0xab: {  	v7 =	vsel vm5, $0x0, v10;
	v9, _, _ =	vpop (xrf2);
	(pc) =	sbr.rel @p2 .LBB2_7-.Ltmp5, $4  }
0xac: {  	v6 =	vsel vm5, v9, v6;
	v10 =	vadd.f32 v9, v7;
	v7 =	vsel vm6, $0x0, v9  }
0xad: {  	s0 =	sadd.s32 $0x10, s0;
	v7 =	vshift.insert v7, v0, s21  }
0xae: {  	s22 =	sadd.s32 $0x10, s22;
	[tilespmem:s0+$0x0] =	vst v10;
	(ifvalue) =	ssetifvalue $0xFFFFFFFF  }
0xaf: {  	[hbm4b:s1+s16] =	stream.indirect_vreg.scatter [tilespmem:s0], [sflag:$0x2], $0x1, v8, vm0, $0x4038;
	[tilespmem:$0xF30] =	vst v63  }
0xb0: {  	v3 =	vld [tilespmem:s28+$0xD70];
	_ =	sdelay $0x4  }
0xb1: {  	v3 =	vshift.insert v3, v0, s21  }
0xb2: {  	s0 =	simm.s32 $0x30  }
0xb3: {  	[tilespmem:s0+$0x0] =	vst.msk $0x1, v3  }
0xb4: {  	v3 =	vsel vm4, $0x1, v1;
	[tilespmem:$0x90] =	vst v6  }
0xb5: {  	s0 =	sadd.s32 @!p1 $0xD7F, s28;
	[tilespmem:$0xA0] =	vst v3  }
0xb6: {  	[spmem:s14] =	stream.linear.scatter @!p1 [tilespmem:s0], [sflag:$0x1], $0x1, $0x38;
	[tilespmem:$0xF30] =	vst v63  }
0xb7: {  	s0 =	simm.s32 @!p1 $0x1  }
0xb8: {  	v3 =	vmctz.xlane @!p1 vm4;
	_ =	swait.ge @!p1 [sflag:s0], $0x1  }
0xb9: {  	(v2sf) =	vpush @!p1 v4, $0x0  }
0xba: {  	(v2sf) =	vpush @!p1 v3, $0x0;
	_ =	sdelay $0xd  }
0xbb: {  	s2 =	spop @!p1 (v2sf)  }
0xbc: {  	s6 =	spop @!p1 (v2sf)  }
0xbd: {  	p2 =	sne.s32 @!p1 s26, s2;
	p3 =	slt.s32 @!p1 s6, $0xF  }
0xbe: {  	[sflag:s0] =	ssyncset.done @!p1 $0x0;
	p2 =	por p2, p1;
	p3 =	por !p3, p1  }
0xbf: {  	[sflag:s0] =	ssyncadd.s32 @!p1 $0xFFFFFFFF;
	v3 =	vimm.s32 @!p2 $0xFFFFFFFF;
	s6 =	simm.s32 @p3 $0xF  }
0xc0: {  	[tilespmem:$0x80] =	vst @!p2 v3;
	s2 =	sadd.s32 @!p1 $0x90, s6  }
0xc1: {  	[spmem:s10] =	stream.linear.scatter @!p1 [tilespmem:s2], [sflag:$0x1], $0x1, $0x38;
	[tilespmem:$0xF30] =	vst v63  }
0xc2: {  	_ =	swait.ge @!p1 [sflag:s0], $0x1  }
0xc3: {  	[sflag:s0] =	ssyncset.done @!p1 $0x0  }
0xc4: {  	s2 =	simm.s32 @!p1 $0x80;
	[sflag:s0] =	ssyncadd.s32 @!p1 $0xFFFFFFFF  }
0xc5: {  	[spmem:s15] =	stream.linear.scatter @!p1 [tilespmem:s2], [sflag:$0x1], $0x1, $0x38;
	[tilespmem:$0xF30] =	vst v63  }
0xc6: {  	_ =	swait.ge @!p1 [sflag:s0], $0x1  }
0xc7: {  	[sflag:s0] =	ssyncset.done @!p1 $0x0  }
0xc8: {  	[sflag:s0] =	ssyncadd.s32 @!p1 $0xFFFFFFFF;
	(ifvalue) =	ssetifvalue $0xFFFFFFFF;
	v3 =	vld [tilespmem:s25+$0x10];
	_ =	sdelay $0x3  }
.Ltmp6:
0xc9: {  	_ = 	snop;
	(pc) =	sbr.rel .LBB2_9-.Ltmp6, $3  }
0xca: {  	_ =	sdelay $0x1  }
0xcb: {  	(ifvalue) =	ssetifvalue $0xFFFFFFFF  }
0xcc: {  	[hbm4b:s1+s16] =	stream.indirect_vreg.scatter [tilespmem:s29], [sflag:$0x9], $0x1, v3, vm0, $0x4038;
	[tilespmem:$0xF30] =	vst v63  }
.LBB2_10:
0xcd: {  	_ =	sfence.sel $0x180000  }
0xce: {  	s0 =	simm.s32 $0x7;
	[bflag:$0x0] =	sbarrier.arrive $0xFFFF  }
0xcf: {  	s26 =	simm.s32 $0x8;
	[sflag:s0] =	ssyncpa.u1 $0x1  }
0xd0: {  	s28 =	simm.s32 $0x9;
	[sflag:s26] =	ssyncpa.u1 $0x1  }
0xd1: {  	[sflag:s28] =	ssyncpa.u1 $0x1  }
0xd2: {  	_ =	sfence.stream.spmem  }
0xd3: {  	s29 =	simm.s32 $0x3;
	[bflag:$0x0] =	sbarrier.arrive $0xFFFF  }
0xd4: {  	s30 =	simm.s32 $0x4;
	[sflag:s29] =	ssyncpa.u1 $0x1  }
0xd5: {  	s31 =	simm.s32 $0x3C;
	s2 =	stileid.u32;
	[sflag:s30] =	ssyncpa.u1 $0x1  }
0xd6: {  	p0 =	sne.s32 s2, $0x0;
	[sflag:s31] =	ssyncpa.u1 $0x1  }
0xd7: {  	s0 =	simm.s32 @p0 $0x1;
	_ =	sfence @p0  }
0xd8: {  	[sflag:s0] =	ssyncpa.u1 @p0 $0x1;
	s0 =	simm.s32 @p0 $0x2  }
0xd9: {  	[sflag:s0] =	ssyncpa.u1 @p0 $0x1  }
0xda: {  	_ =	strace @p0 $0x90000059  }
0xdb: {  	[bflag:$0x2] =	sbarrier.arrive @p0 $0xFFFF  }
0xdc: {  	_ =	shalt @p0  }
.LBB2_11:
0xdd: {  	_ =	sfence.stream.spmem;
	s0 =	simm.s32 $0x5  }
0xde: {  	s2 =	simm.s32 $0x80;
	s3 =	simm.s32 $0xC0;
	[sflag:s0] =	ssyncpa.u1 $0x0  }
0xdf: {  	[tilespmem:s3], [sflag:$0x5] =	stream.linear.gather [spmem:s2], $0x20, $0x38;
	[tilespmem:$0xF30] =	vst v63  }
0xe0: {  	s2 =	simm.s32 $0x0;
	s3 =	simm.s32 $0xE0  }
0xe1: {  	[tilespmem:s3], [sflag:$0x5] =	stream.linear.gather [spmem:s2], $0x20, $0x38;
	[tilespmem:$0xF30] =	vst v63  }
.Ltmp7:
0xe2: {  	_ = 	snop;
	(pc) =	sbr.rel .LBB2_12-.Ltmp7, $4  }
0xe3: {  	_ =	swait.ge [sflag:s0], $0x40  }
0xe4: {  	[sflag:s0] =	ssyncset.done $0x0  }
0xe5: {  	s31 =	simm.s32 $0x6;
	[sflag:s0] =	ssyncadd.s32 $0xFFFFFFC0  }
0xe6: {  	s4 =	simm.s32 $0x0;
	[sflag:s31] =	ssyncpa.u1 $0x0  }
.LBB2_17:
0xe7: {  	p0 =	sgt.u32 s5, $0x7F  }
0xe8: {  	s0 =	sshrl.u32 @!p0 s5, $0x3  }
0xe9: {  	s5 =	sand.u32 @!p0 $0x7, s5;
	s6 =	simm.s32 @!p0 $0xB0;
	s0 =	sadd.s32 @!p0 s1, s0  }
0xea: {  	[tilespmem:s6], [sflag:$0x6] =	stream.linear.gather @!p0 [hbm4b:s0+s5], $0x1, $0x38;
	[tilespmem:$0xF30] =	vst v63  }
0xeb: {  	s0 =	simm.s32 @!p0 $0x6  }
0xec: {  	_ =	swait.ge @!p0 [sflag:s0], $0x1  }
0xed: {  	[sflag:s0] =	ssyncset.done @!p0 $0x0  }
0xee: {  	[sflag:s0] =	ssyncadd.s32 @!p0 $0xFFFFFFFF  }
0xef: {  	v2 =	vmov @!p0 s4;
	v1 =	vld.msk @!p0 [tilespmem:$0xB0], $0x1;
	_ =	sdelay $0x3  }
0xf0: {  	s0 =	simm.s32 @!p0 $0xE0  }
0xf1: {  	[tilespmem:v2+s0+$0x0], v1 =	vst.idx.ret.add.f32.msk @!p0 $0x1, v1  }
0xf2: {  	[tilespmem:s2+$0xC0] =	vst.msk $0x1, v0  }
0xf3: {  	v0 =	vld.msk [tilespmem:s4+$0xE0], $0x1;
	_ =	sdelay $0x4  }
0xf4: {  	[tilespmem:s2+$0xE0] =	vst.msk $0x1, v0;
	s2 =	sadd.s32 $0x1, s2  }
.LBB2_19:
0xf5: {  	s4 =	sadd.s32 $0x1, s4  }
0xf6: {  	p0 =	sne.s32 s4, $0x20  }
.Ltmp8:
0xf7: {  	_ = 	snop;
	(pc) =	sbr.rel @!p0 .LBB2_20-.Ltmp8, $1  }
0xf8: {  	_ =	sdelay $0x3  }
.LBB2_12:
0xf9: {  	v0 =	vld.msk [tilespmem:s4+$0xC0], $0x1;
	_ =	sdelay $0x4  }
0xfa: {  	(v2sf) =	vpush v0, $0x0;
	_ =	sdelay $0xe  }
0xfb: {  	s5 =	spop (v2sf)  }
0xfc: {  	p0 =	seq.s32 s5, $0xFFFFFFFF  }
.Ltmp9:
0xfd: {  	_ = 	snop;
	(pc) =	sbr.rel @p0 .LBB2_19-.Ltmp9, $1  }
0xfe: {  	_ =	sdelay $0x3  }
0xff: {  	p0 =	slt.s32 s2, $0x1  }
.Ltmp10:
0x100: {  	_ = 	snop;
	(pc) =	sbr.rel @p0 .LBB2_17-.Ltmp10, $1  }
0x101: {  	_ =	sdelay $0x3  }
0x102: {  	s0 =	simm.s32 $0xC0;
	p0 =	por $0x0, $0x0  }
0x103: {  	v1 =	vld.msk @!p0 [tilespmem:s0+$0x0], $0x1;
	_ =	sdelay $0x4  }
0x104: {  	(v2sf) =	vpush @!p0 v1, $0x0;
	_ =	sdelay $0xd  }
0x105: {  	p2 =	sne.s32 s2, $0x1  }
.Ltmp11:
0x106: {  	s6 =	spop @!p0 (v2sf);
	(pc) =	sbr.rel @!p2 .LBB2_16-.Ltmp11, $4  }
0x107: {  	p1 =	seq.s32 @!p0 s5, s6  }
0x108: {  	s6 =	simm.s32 $0x0;
	p1 =	por !p1, p0  }
0x109: {  	s8 =	simm.s32 $0xFFFFFFFF;
	s6 =	simm.s32 @p1 $0xFFFFFFFF  }
0x10a: {  	s7 =	simm.s32 $0x1;
	s6 =	smov.u32 @p0 s8  }
.LBB2_15:
0x10b: {  	s8 =	smov.u32 s6;
	p0 =	sne.s32 s6, $0xFFFFFFFF  }
0x10c: {  	s0 =	sadd.s32 $0x1, s0;
	s6 =	smov.u32 s7;
	s7 =	sadd.s32 $0x1, s7  }
0x10d: {  	p1 =	sne.s32 s2, s7;
	v1 =	vld.msk @!p0 [tilespmem:s0+$0x0], $0x1;
	_ =	sdelay $0x4  }
0x10e: {  	(v2sf) =	vpush @!p0 v1, $0x0;
	_ =	sdelay $0xe  }
.Ltmp12:
0x10f: {  	s9 =	spop @!p0 (v2sf);
	(pc) =	sbr.rel @p1 .LBB2_15-.Ltmp12, $4  }
0x110: {  	p2 =	seq.s32 @!p0 s5, s9  }
0x111: {  	p2 =	por !p2, p0  }
0x112: {  	s6 =	simm.s32 @p2 $0xFFFFFFFF  }
0x113: {  	s6 =	smov.u32 @p0 s8  }
.LBB2_16:
0x114: {  	p0 =	sne.s32 s6, $0xFFFFFFFF  }
.Ltmp13:
0x115: {  	_ = 	snop;
	(pc) =	sbr.rel @!p0 .LBB2_17-.Ltmp13, $1  }
0x116: {  	_ =	sdelay $0x3  }
0x117: {  	v0 =	vld.msk [tilespmem:s4+$0xE0], $0x1;
	v1 =	vmov s6  }
.Ltmp14:
0x118: {  	_ = 	snop;
	(pc) =	sbr.rel .LBB2_19-.Ltmp14, $2  }
0x119: {  	_ =	sdelay $0x2  }
0x11a: {  	[tilespmem:v1+s3+$0x0], v0 =	vst.idx.ret.add.f32.msk $0x1, v0  }
.LBB2_20:
0x11b: {  	p0 =	slt.s32 s2, $0x1  }
.Ltmp15:
0x11c: {  	_ = 	snop;
	(pc) =	sbr.rel @p0 .LBB2_24-.Ltmp15, $3  }
0x11d: {  	_ =	sdelay $0x1  }
0x11e: {  	s0 =	simm.s32 $0x6  }
0x11f: {  	s3 =	simm.s32 $0x0;
	[sflag:s0] =	ssyncpa.u1 $0x1  }
0x120: {  	s0 =	simm.s32 $0xC0  }
0x121: {  	v0 =	vld.msk [tilespmem:s0+$0x0], $0x1;
	_ =	sdelay $0x4  }
0x122: {  	(v2sf) =	vpush v0, $0x0;
	_ =	sdelay $0xe  }
0x123: {  	s2 =	sadd.s32 $0xFFFFFFFF, s2;
	s4 =	spop (v2sf)  }
0x124: {  	p1 =	sne.s32 s2, $0x0;
	p0 =	sgt.u32 s4, $0x7F  }
.Ltmp16:
0x125: {  	s5 =	sshrl.u32 @!p0 s4, $0x3;
	(pc) =	sbr.rel @!p1 .LBB2_23-.Ltmp16, $4  }
0x126: {  	s0 =	simm.s32 $0xE0;
	s4 =	sand.u32 @!p0 $0x7, s4;
	s5 =	sadd.s32 @!p0 s1, s5  }
0x127: {  	[hbm4b:s5+s4] =	stream.linear.scatter @!p0 [tilespmem:s0], [sflag:$0x5], $0x1, $0x38;
	[tilespmem:$0xF30] =	vst v63  }
0x128: {  	s5 =	simm.s32 $0x0  }
0x129: {  	s4 =	simm.s32 $0xC1;
	s5 =	simm.s32 @!p0 $0x4  }
.LBB2_22:
0x12a: {  	v0 =	vld.msk [tilespmem:s4+$0x0], $0x1;
	s2 =	sadd.s32 $0xFFFFFFFF, s2;
	s3 =	sadd.s32 s3, s5  }
0x12b: {  	p0 =	sne.s32 s2, $0x0;
	_ =	sdelay $0x3  }
0x12c: {  	(v2sf) =	vpush v0, $0x0;
	_ =	sdelay $0xe  }
.Ltmp17:
0x12d: {  	s6 =	spop (v2sf);
	(pc) =	sbr.rel @p0 .LBB2_22-.Ltmp17, $4  }
0x12e: {  	s5 =	simm.s32 $0x0;
	p1 =	sgt.u32 s6, $0x7F  }
0x12f: {  	s0 =	sadd.s32 $0x1, s0;
	s5 =	simm.s32 @!p1 $0x4;
	s7 =	sshrl.u32 @!p1 s6, $0x3  }
0x130: {  	s4 =	sadd.s32 $0x1, s4;
	s6 =	sand.u32 @!p1 $0x7, s6;
	s7 =	sadd.s32 @!p1 s1, s7  }
0x131: {  	[hbm4b:s7+s6] =	stream.linear.scatter @!p1 [tilespmem:s0], [sflag:$0x5], $0x1, $0x38;
	[tilespmem:$0xF30] =	vst v63  }
.LBB2_23:
0x132: {  	s0 =	sadd.s32 s3, s5  }
0x133: {  	s3 =	sshrl.u32 s0, $0x2  }
.LBB2_24:
0x134: {  	s0 =	simm.s32 $0x5  }
0x135: {  	_ =	swait.ge [sflag:s0], s3  }
0x136: {  	s1 =	ssub.s32 $0x0, s3;
	[sflag:s0] =	ssyncset.done $0x0  }
0x137: {  	[sflag:s0] =	ssyncadd.s32 s1  }
0x138: {  	[sflag:s0] =	ssyncpa.u1 $0x1  }
0x139: {  	s29 =	simm.s32 $0x1;
	_ =	sfence  }
0x13a: {  	s30 =	simm.s32 $0x2;
	[sflag:s29] =	ssyncpa.u1 $0x1  }
0x13b: {  	[sflag:s30] =	ssyncpa.u1 $0x1  }
0x13c: {  	_ =	strace $0x90000059  }
0x13d: {  	[bflag:$0x2] =	sbarrier.arrive $0xFFFF  }
0x13e: {  	s31 =	rddreg [dreg:$0x2]  }
0x13f: {  	s0 =	sadd.s32 $0x100000, s31  }
0x140: {  	[sflag:s0] =	ssyncadd.tile.s32 $0x1;
	_ =	shalt  }
.Lfunc_end2:
_tile_overlayer_lowered:
.L_overlay_start_2:
0x141: {  	(tag) =	ssettag $0x2  }
0x142: {  	s0 =	rddreg [dreg:$0x0];
	s2 =	stileid.u32  }
0x143: {  	s1 =	rddreg [dreg:$0x1];
	p0 =	sne.s32 s2, $0x0  }
0x144: {  	s3 =	rddreg [dreg:$0x2];
	[bflag:$0x3] =	sbarrier.arrive $0xFFFF;
	s2 =	simm.s32 @!p0 $0x1C01  }
0x145: {  	[timem:s3], [sflag:s2] =	dma.local @!p0 [hbm:s0], s1  }
0x146: {  	s0 =	simm.s32 @!p0 $0x1  }
0x147: {  	_ =	swait.ge @!p0 [sflag:s0], s1  }
0x148: {  	s1 =	ssub.s32 @!p0 $0x0, s1;
	[sflag:s0] =	ssyncset.done @!p0 $0x0  }
0x149: {  	[sflag:s0] =	ssyncadd.s32 @!p0 s1  }
0x14a: {  	[bflag:$0x3] =	sbarrier.arrive $0xFFFF  }
0x14b: {  	_ =	shalt  }

// kernel: scatter_offload_async_start.4
scs
__scs_entry_jumppad:
0x0: {  	(pc) =	sbr.rel $0x88, $3  }
0x1: {  	(tag) =	ssettag $0x0;
	lr =	simm.s32 $0x1  }
0x2: {  	[smem:$0x3F96] =	sst lr;
	_ =	strace $0xD0000000  }
0x3: {  	_ = 	snop  }
0x4: {  	_ = 	snop  }
0x5: {  	_ = 	snop  }
0x6: {  	_ = 	snop  }
0x7: {  	_ = 	snop  }
__scs_overlays_trampoline_lowered:
0x8: {  	[smem:$0x3FA5] =	sst s0  }
0x9: {  	[smem:$0x3FA6] =	sst s1  }
0xa: {  	[smem:$0x3FA7] =	sst s2  }
0xb: {  	[smem:$0x3FA8] =	sst s3  }
0xc: {  	[smem:$0x3FA9] =	sst s4  }
0xd: {  	[smem:$0x3FAA] =	sst s5  }
0xe: {  	[smem:$0x3FAB] =	sst s6  }
0xf: {  	[smem:$0x3FAC] =	sst s7  }
0x10: {  	[smem:$0x3FAD] =	sst s8  }
0x11: {  	[smem:$0x3FAE] =	sst s9;
	s0 =	simm.s32 @!p0 $0x0  }
0x12: {  	s1 =	sld [smem:$0x3F94];
	s0 =	simm.s32 @p0 $0x1  }
0x13: {  	[smem:$0x3FAF] =	sst s0;
	s0 =	simm.s32 @!p1 $0x0  }
0x14: {  	s2 =	sld [smem:$0x3F93];
	s0 =	simm.s32 @p1 $0x1  }
0x15: {  	[smem:$0x3FB0] =	sst s0;
	s0 =	simm.s32 @!p2 $0x0  }
0x16: {  	s3 =	sld [smem:$0x3FDB];
	s0 =	simm.s32 @p2 $0x1  }
0x17: {  	s4 =	simm.s32 $0x1BF5;
	[smem:$0x3FB2] =	sst s0  }
0x18: {  	s0 =	sld [smem:$0x3F95];
	_ =	swait.ge [sflag:s4], $0x0  }
0x19: {  	s7 =	sld [smem:$0x3F96]  }
0x1a: {  	s8 =	sadd.s32 $0xFFFFE003, lr  }
0x1b: {  	s9 =	sadd.s32 $0xFFFFFEF7, lr;
	s5 =	simm.s32 $0xFFFFFFFF;
	p2 =	slt.u32 s8, $0xFFFFF086  }
0x1c: {  	p1 =	slt.u32 s9, $0xF7A;
	s5 =	simm.s32 @!p2 $0x0  }
0x1d: {  	s5 =	simm.s32 @p1 $0x1;
	p0 =	seq.s32 s7, s2  }
0x1e: {  	s7 =	smul.u32 @!p0 $0xF7A, s2;
	p2 =	seq.s32 @!p0 s5, $0x0  }
0x1f: {  	s9 =	smul.u32 $0xF7A, s1;
	s8 =	simm.s32 @!p0 $0x1BF5;
	p2 =	por !p2, p0  }
0x20: {  	[sflag:s8] =	ssyncset.s32 @!p0 $0xFFFFF086;
	s6 =	sadd.s32 @!p0 s3, s7;
	s7 =	simm.s32 @!p0 $0x108  }
0x21: {  	s3 =	sadd.s32 s3, s9;
	s6 =	sadd.s32 @!p0 $0x88, s6;
	s7 =	simm.s32 @p2 $0x1082  }
0x22: {  	[simem:s7], [sflag:s8] =	dma.local @!p0 [hbm:s6], $0xF7A  }
0x23: {  	s9 =	sor.u32 $0xD0000000, s2;
	s6 =	simm.s32 $0x108;
	_ =	swait.ge @!p0 [sflag:s8], $0x0  }
0x24: {  	s3 =	sadd.s32 $0x88, s3;
	s6 =	simm.s32 @!p1 $0x1082;
	[sflag:s4] =	ssyncset.s32 $0xFFFFF086  }
0x25: {  	[simem:s6], [sflag:s4] =	dma.local [hbm:s3], $0xF7A  }
0x26: {  	[smem:$0x3F96] =	sst s1;
	(tag) =	ssettag s2;
	_ =	strace s9  }
0x27: {  	s1 =	sld [smem:$0x3FA6]  }
0x28: {  	s2 =	sld [smem:$0x3FA7]  }
0x29: {  	s4 =	sld [smem:$0x3FA9]  }
0x2a: {  	p0 =	seq.s32 s5, $0x0;
	s5 =	sld [smem:$0x3FAA]  }
0x2b: {  	s6 =	sld [smem:$0x3FAB]  }
0x2c: {  	s7 =	sld [smem:$0x3FAC]  }
0x2d: {  	s3 =	simm.s32 $0x108;
	s8 =	sld [smem:$0x3FAD]  }
0x2e: {  	s3 =	simm.s32 @!p0 $0x1082;
	s9 =	sld [smem:$0x3FAE]  }
0x2f: {  	lr =	sadd.s32 s0, s3;
	s0 =	sld [smem:$0x3FA5]  }
0x30: {  	s3 =	sld [smem:$0x3FA8]  }
0x31: {  	[smem:$0x3FB1] =	sst s10  }
0x32: {  	s10 =	sld [smem:$0x3FAF];
	_ =	sdelay $0x3  }
0x33: {  	p0 =	seq.s32 s10, $0x1;
	s10 =	sld [smem:$0x3FB1];
	_ =	sdelay $0x3  }
0x34: {  	[smem:$0x3FB1] =	sst s10  }
0x35: {  	s10 =	sld [smem:$0x3FB0];
	_ =	sdelay $0x3  }
0x36: {  	p1 =	seq.s32 s10, $0x1;
	s10 =	sld [smem:$0x3FB1];
	_ =	sdelay $0x3  }
0x37: {  	[smem:$0x3FB1] =	sst s10  }
0x38: {  	s10 =	sld [smem:$0x3FB2]  }
0x39: {  	_ = 	snop;
	(pc) =	sbr.ind lr, $3  }
0x3a: {  	_ = 	snop  }
0x3b: {  	_ = 	snop  }
0x3c: {  	p2 =	seq.s32 s10, $0x1;
	s10 =	sld [smem:$0x3FB1]  }
0x3d: {  	_ =	shalt  }
0x3e: {  	_ =	shalt  }
0x3f: {  	_ =	shalt  }
0x40: {  	_ =	shalt  }
0x41: {  	_ =	shalt  }
0x42: {  	_ =	shalt  }
0x43: {  	_ =	shalt  }
0x44: {  	_ =	shalt  }
0x45: {  	_ =	shalt  }
0x46: {  	_ =	shalt  }
0x47: {  	_ =	shalt  }
0x48: {  	_ =	shalt  }
0x49: {  	_ =	shalt  }
0x4a: {  	_ =	shalt  }
0x4b: {  	_ =	shalt  }
0x4c: {  	_ =	shalt  }
0x4d: {  	_ =	shalt  }
0x4e: {  	_ =	shalt  }
0x4f: {  	_ =	shalt  }
0x50: {  	_ =	shalt  }
0x51: {  	_ =	shalt  }
0x52: {  	_ =	shalt  }
0x53: {  	_ =	shalt  }
0x54: {  	_ =	shalt  }
0x55: {  	_ =	shalt  }
0x56: {  	_ =	shalt  }
0x57: {  	_ =	shalt  }
0x58: {  	_ =	shalt  }
0x59: {  	_ =	shalt  }
0x5a: {  	_ =	shalt  }
0x5b: {  	_ =	shalt  }
0x5c: {  	_ =	shalt  }
0x5d: {  	_ =	shalt  }
0x5e: {  	_ =	shalt  }
0x5f: {  	_ =	shalt  }
0x60: {  	_ =	shalt  }
0x61: {  	_ =	shalt  }
0x62: {  	_ =	shalt  }
0x63: {  	_ =	shalt  }
0x64: {  	_ =	shalt  }
0x65: {  	_ =	shalt  }
0x66: {  	_ =	shalt  }
0x67: {  	_ =	shalt  }
0x68: {  	_ =	shalt  }
0x69: {  	_ =	shalt  }
0x6a: {  	_ =	shalt  }
0x6b: {  	_ =	shalt  }
0x6c: {  	_ =	shalt  }
0x6d: {  	_ =	shalt  }
0x6e: {  	_ =	shalt  }
0x6f: {  	_ =	shalt  }
0x70: {  	_ =	shalt  }
0x71: {  	_ =	shalt  }
0x72: {  	_ =	shalt  }
0x73: {  	_ =	shalt  }
0x74: {  	_ =	shalt  }
0x75: {  	_ =	shalt  }
0x76: {  	_ =	shalt  }
0x77: {  	_ =	shalt  }
0x78: {  	_ =	shalt  }
0x79: {  	_ =	shalt  }
0x7a: {  	_ =	shalt  }
0x7b: {  	_ =	shalt  }
0x7c: {  	_ =	shalt  }
0x7d: {  	_ =	shalt  }
0x7e: {  	_ =	shalt  }
0x7f: {  	_ =	shalt  }
0x80: {  	_ =	shalt  }
0x81: {  	_ =	shalt  }
0x82: {  	_ =	shalt  }
0x83: {  	_ =	shalt  }
0x84: {  	_ =	shalt  }
0x85: {  	_ =	shalt  }
0x86: {  	_ =	shalt  }
0x87: {  	_ =	shalt  }
.Lfunc_end0:
.L_simem_size_0:
called_computation.4_lowered:
.L_overlay_start_0:
0x88: {  	s0 =	sld [smem:$0x3FD9]  }
0x89: {  	s1 =	sld [smem:$0x3FFE];
	_ =	sdelay $0x3  }
0x8a: {  	s0 =	sadd.s32 s1, s0  }
0x8b: {  	[smem:$0x3FBD] =	sst s0  }
0x8c: {  	_ = 	snop  }
0x8d: {  	s0 =	sld [smem:$0x3FD0];
	_ =	sdelay $0x2  }
0x8e: {  	s13 =	simm.s32 $0xB;
	s2 =	simm.s32 $0x10  }
0x8f: {  	[smem:s2], [sflag:s13] =	dma.local [hbm:s0], $0x1  }
0x90: {  	_ =	swait.eq [sflag:s13], $0x1  }
0x91: {  	[sflag:s13] =	ssyncset.done $0x0  }
0x92: {  	s14 =	sld [smem:$0x12];
	[sflag:s13] =	ssyncadd.s32 $0xFFFFFFFF  }
0x93: {  	s15 =	sld [smem:$0x14];
	(tm) =	ssettm $0x1  }
0x94: {  	s16 =	sld [smem:$0x3FFB];
	_ =	sdelay $0x3  }
0x95: {  	_ =	strace s16  }
0x96: {  	s2 =	sld [smem:$0x3FFC];
	_ =	sdelay $0x3  }
0x97: {  	_ =	strace s2  }
0x98: {  	s2 =	sld [smem:$0x3FFD];
	_ =	sdelay $0x3  }
0x99: {  	_ =	strace s2  }
0x9a: {  	_ =	strace $0x8FFFFFFF  }
0x9b: {  	s17 =	sld [smem:$0x3FDB];
	_ =	sdelay $0x1  }
0x9c: {  	s3 =	simm.s32 $_scs_section_size  }
0x9d: {  	s4 =	simm.s32 $_size__tile_overlayer_lowered;
	s5 =	simm.s32 $_tile_overlayer_lowered  }
0x9e: {  	s20 =	simm.s32 $0x1BFF;
	s19 =	sshll.u32 s5, $0x1;
	s2 =	sadd.s32 s3, s17  }
0x9f: {  	s6 =	simm.s32 $0x0;
	s18 =	sshll.u32 s4, $0x1;
	s4 =	sadd.s32 s19, s2  }
0xa0: {  	[timem:s6], [sflag:s20] =	dma.local [hbm:s4], s18  }
0xa1: {  	_ =	swait.ge [sflag:s20], s18  }
0xa2: {  	s3 =	ssub.s32 $0x0, s18;
	[sflag:s20] =	ssyncset.done $0x0  }
0xa3: {  	[sflag:s20] =	ssyncadd.s32 s3;
	_ =	sdelay $0x1  }
0xa4: {  	s21 =	simm.s32 $0x1B8B  }
0xa5: {  	_ =	swait.ge [sflag:s21], $0x1  }
0xa6: {  	[sflag:s21] =	ssyncset.done $0x0  }
0xa7: {  	s23 =	simm.s32 $0x1B8E;
	s22 =	sld [smem:$0x3FFE];
	[sflag:s21] =	ssyncadd.s32 $0xFFFFFFFF  }
0xa8: {  	s24 =	simm.s32 $execute0_lowered;
	[smem:$0x3FD2] =	sst s23  }
0xa9: {  	s4 =	sshll.u32 s24, $0x1;
	_ =	strace $0x8000005B;
	[dreg:$0x1] =	wrdreg $0xFFFFFFFF  }
0xaa: {  	s25 =	simm.s32 $_size_execute0_lowered;
	s2 =	sadd.s32 s2, s4;
	[dreg:$0x0] =	wrdreg $0x0  }
0xab: {  	s4 =	sshll.u32 s25, $0x1;
	[dreg:$0x2] =	wrdreg s2  }
0xac: {  	[dreg:$0x3] =	wrdreg s4  }
0xad: {  	[dreg:$0x4] =	wrdreg $0xC0  }
0xae: {  	_ =	task [dreg:s6], $0x5FFFF  }
0xaf: {  	[dreg:$0x1] =	wrdreg $0xFFFFFFFF  }
0xb0: {  	[dreg:$0x0] =	wrdreg $0x60  }
0xb1: {  	[dreg:$0x2] =	wrdreg s15  }
0xb2: {  	[dreg:$0x3] =	wrdreg s22  }
0xb3: {  	[dreg:$0x4] =	wrdreg s14  }
0xb4: {  	[dreg:$0x5] =	wrdreg $0xA  }
0xb5: {  	_ =	task.clear_ibuf [dreg:s6], $0x6FFFF;
	_ =	strace $0x9000005B  }
0xb6: {  	s26 =	simm.s32 $0xA;
	_ =	strace $0x8000005D  }
0xb7: {  	_ =	swait.ge [sflag:s26], $0x1  }
0xb8: {  	[sflag:s26] =	ssyncadd.s32 $0xFFFFFFFF  }
0xb9: {  	_ =	strace $0x9000005D  }
0xba: {  	_ =	sfence  }
0xbb: {  	s28 =	sld [smem:$0x0];
	_ =	sdelay $0x1  }
0xbc: {  	s29 =	srdreg.scid  }
0xbd: {  	s30 =	sshll.u32 s29, $0xD;
	s31 =	sshrl.u32 s29, $0x2  }
0xbe: {  	s1 =	sand.u32 $0x1, s29;
	s2 =	sand.u32 $0x4000, s30;
	s0 =	sadd.s32 s31, s28  }
0xbf: {  	s1 =	sor.u32 s2, s1;
	s0 =	sshll.u32 s0, $0x11  }
0xc0: {  	s0 =	sor.u32 s0, s1  }
0xc1: {  	s0 =	sadd.s32 $0x8F2B, s0  }
0xc2: {  	[sflag:s0] =	ssyncadd.remote.s32 $0x1  }
0xc3: {  	_ =	sfence.sel $0xFFFF  }
0xc4: {  	[dreg:$0x0] =	wrdreg $0xFFFFFFFF;
	(pc) =	sbr.abs _section_cstart, $3  }
0xc5: {  	[dreg:$0x1] =	wrdreg $0xFFFFFFFF  }
0xc6: {  	_ =	task.clear_ibuf [dreg:s6], $0x2FFFF;
	_ =	strace $0x9FFFFFFF  }
0xc7: {  	(tm) =	ssettm $0x7FFFFFFF  }
tec
execute0_lowered:
.L_overlay_start_1:
0x0: {  	(tag) =	ssettag $0x1  }
0x1: {  	s1 =	rddreg [dreg:$0x0]  }
0x2: {  	s0 =	rddreg [dreg:$0x1]  }
0x3: {  	s30 =	rddreg [dreg:$0x2];
	_ =	strace $0x8000005C;
	s2 =	simm.s32 $0x1  }
0x4: {  	s9 =	simm.s32 $0x108;
	v0 =	vimm.s32 $0x0;
	[sflag:s2] =	ssyncpa.u1 $0x0  }
0x5: {  	[tilespmem:s9+$0x70] =	vst v0  }
0x6: {  	[tilespmem:s9+$0x60] =	vst v0  }
0x7: {  	[tilespmem:s9+$0x50] =	vst v0  }
0x8: {  	[tilespmem:s9+$0x40] =	vst v0  }
0x9: {  	[tilespmem:s9+$0x30] =	vst v0  }
0xa: {  	[tilespmem:s9+$0x20] =	vst v0  }
0xb: {  	s5 =	sadd.s32 $0x9E00, s0;
	s6 =	sadd.s32 $0xA400, s0;
	s0 =	simm.s32 $0x40;
	[tilespmem:s9+$0x10] =	vst v0  }
.LBB2_1:
0xc: {  	s0 =	sadd.s32 $0x40, s0;
	[tilespmem:s9+$0x0] =	vst v0;
	s9 =	sadd.s32 $0x80, s9  }
0xd: {  	p0 =	slt.u32 s0, $0x3C40;
	[tilespmem:s9+$0x70] =	vst v0  }
0xe: {  	[tilespmem:s9+$0x60] =	vst v0  }
.Ltmp0:
0xf: {  	[tilespmem:s9+$0x50] =	vst v0;
	(pc) =	sbr.rel @p0 .LBB2_1-.Ltmp0, $4  }
0x10: {  	[tilespmem:s9+$0x40] =	vst v0  }
0x11: {  	[tilespmem:s9+$0x30] =	vst v0  }
0x12: {  	[tilespmem:s9+$0x20] =	vst v0  }
0x13: {  	[tilespmem:s9+$0x10] =	vst v0  }
0x14: {  	s3 =	stileid.u32  }
0x15: {  	s2 =	sshll.u32 s3, $0x1;
	s0 =	smin.u32 s3, $0xA  }
0x16: {  	s0 =	sadd.s32 s0, s2  }
0x17: {  	p0 =	slt.u32 s3, $0xA;
	s7 =	smul.u32 $0xF0, s0;
	s0 =	simm.s32 $0x2D0  }
0x18: {  	s0 =	simm.s32 @!p0 $0x1E0  }
0x19: {  	s0 =	sadd.s32 s0, s7  }
0x1a: {  	s8 =	smin.u32 s0, $0x2710  }
0x1b: {  	s0 =	ssub.s32 s8, s7  }
0x1c: {  	p0 =	sgt.s32 s0, $0x0  }
0x1d: {  	s0 =	simm.s32 @!p0 $0x0  }
0x1e: {  	s4 =	simm.s32 $0x2;
	s29 =	smul.u32 $0x8889, s0  }
0x1f: {  	s10 =	simm.s32 $0x7;
	s31 =	simm.s32 $0x8;
	s11 =	simm.s32 $0x9  }
0x20: {  	s20 =	simm.s32 $0x0;
	[dreg:$0x4] =	wrdreg s2;
	s2 =	sshrl.u32 s29, $0x17  }
0x21: {  	s16 =	simm.s32 $0xA;
	s18 =	simm.s32 $0x0;
	s12 =	smul.u32 $0xF0, s2  }
.Ltmp1:
0x22: {  	[tilespmem:s9+$0x0] =	vst v0;
	v0 =	vimm.s32 $0xFFFFFFFF;
	s19 =	simm.s32 $0x0;
	[sflag:s4] =	ssyncpa.u1 $0x0;
	(pc) =	sbr.rel .LBB2_3-.Ltmp1, $4  }
0x23: {  	[tilespmem:$0xF208] =	vst v0;
	[sflag:s10] =	ssyncpa.u1 $0x0;
	p0 =	sne.s32 s0, s12;
	s0 =	simm.s32 $0x1  }
0x24: {  	s14 =	sshll.u32 s3, $0x8;
	[sflag:s31] =	ssyncpa.u1 $0x0;
	s0 =	simm.s32 @!p0 $0x0  }
0x25: {  	[sflag:s11] =	ssyncpa.u1 $0x0;
	s17 =	smov.u32 s7;
	s13 =	sadd.s32 s2, s0  }
0x26: {  	v0 =	vlaneseq.u32;
	s12 =	simm.s32 $0x1;
	p0 =	por $0x0, $0x0;
	s15 =	sadd.s32 $0x1, s13  }
.LBB2_18:
0x27: {  	s0 =	sshrl.u32 s29, $0x2  }
.LBB2_20:
0x28: {  	_ =	swait.ge [sflag:s16], s0  }
0x29: {  	s31 =	ssub.s32 $0x0, s0;
	v1 =	vmov s22;
	vm0 =	veq.s32 v0, $0x0;
	[sflag:s16] =	ssyncset.done $0x0  }
0x2a: {  	vm15 =	veq.s32 v0, $0x2;
	v1 =	vsel vm0, s28, v1;
	[sflag:s16] =	ssyncadd.s32 s31  }
0x2b: {  	v1 =	vsel vm15, s20, v1;
	[sflag:s16] =	ssyncpa.u1 $0x1  }
0x2c: {  	[tilespmem:$0xF208] =	vst v1  }
.LBB2_21:
0x2d: {  	s0 =	sadd.s32 $0xF0, s17  }
0x2e: {  	s2 =	smov.u32 s7;
	p1 =	slt.s32 s0, s8  }
0x2f: {  	s2 =	smov.u32 @p1 s0;
	p1 =	sne.s32 s19, s15  }
.Ltmp2:
0x30: {  	_ = 	snop;
	(pc) =	sbr.rel @!p1 .LBB2_22-.Ltmp2, $3  }
0x31: {  	_ =	sdelay $0x1  }
0x32: {  	s20 =	smov.u32 s18;
	s31 =	sadd.s32 $0x1, s19;
	s18 =	smov.u32 s17  }
0x33: {  	p0 =	por !p0, !p0;
	s19 =	smov.u32 s31;
	s17 =	smov.u32 s2  }
.LBB2_3:
0x34: {  	p1 =	sge.u32 s19, s13  }
0x35: {  	s0 =	smulhi.u32 @!p1 $0xAAAAAAAB, s19  }
0x36: {  	s2 =	smov.u32 s17;
	p2 =	sgt.s32 @!p1 s17, $0x2620  }
0x37: {  	s4 =	sshra.s32 @!p1 s17, $0x1F;
	p2 =	por !p2, p1;
	s0 =	sshrl.u32 @!p1 s0, $0x1  }
0x38: {  	s4 =	sand.u32 @!p1 s4, s17;
	s2 =	simm.s32 @p2 $0x2620;
	s0 =	smul.u32 @!p1 $0x3, s0  }
0x39: {  	s2 =	ssub.s32 @!p1 s2, s4  }
0x3a: {  	s2 =	sadd.s32 @!p1 $0xFFFFD9E0, s2;
	s0 =	ssub.s32 @!p1 s19, s0  }
0x3b: {  	s4 =	sshll.u32 @!p1 s2, $0x2;
	p2 =	sgt.s32 @!p1 s2, $0xEF;
	s0 =	smul.u32 @!p1 $0x3C0, s0  }
0x3c: {  	s21 =	sand.u32 @!p1 $0x7, s17;
	s2 =	ssub.s32 @!p1 $0x3C0, s4;
	p2 =	por !p2, p1  }
0x3d: {  	s4 =	sshrl.u32 @!p1 s17, $0x3;
	s2 =	sshrl.u32 @!p1 s2, $0x2;
	s0 =	sshrl.u32 @!p1 s0, $0x2  }
0x3e: {  	s4 =	sadd.s32 @!p1 s6, s4;
	s2 =	simm.s32 @!p2 $0x0;
	s0 =	sadd.s32 @!p1 $0x10238, s0  }
0x3f: {  	[tilespmem:s0], [sflag:$0x8] =	stream.linear.gather @!p1 [hbm4b:s4+s21], s2, $0x38;
	[tilespmem:$0x1F6E8] =	vst v63  }
0x40: {  	s0 =	sadd.s32 $0xFFFFFFFF, s19  }
0x41: {  	p1 =	sge.u32 s0, s13  }
0x42: {  	p2 =	sgt.s32 @!p1 s18, $0x2620  }
0x43: {  	s2 =	smov.u32 s18;
	s4 =	sshra.s32 @!p1 s18, $0x1F;
	p2 =	por !p2, p1  }
0x44: {  	s4 =	sand.u32 @!p1 s4, s18;
	s2 =	simm.s32 @p2 $0x2620  }
0x45: {  	s2 =	ssub.s32 @!p1 s2, s4  }
0x46: {  	s2 =	sadd.s32 @!p1 $0xFFFFD9E0, s2  }
0x47: {  	s21 =	sand.u32 @!p1 $0x1, s0;
	s4 =	sshll.u32 @!p1 s2, $0x2  }
0x48: {  	p2 =	sgt.s32 @!p1 s2, $0xEF;
	s2 =	ssub.s32 @!p1 $0x3C0, s4;
	s4 =	smulhi.u32 @!p1 $0xAAAAAAAB, s0  }
0x49: {  	s23 =	smul.u32 @!p1 $0x3C0, s21;
	p2 =	por !p2, p1;
	s2 =	sshrl.u32 @!p1 s2, $0x2  }
0x4a: {  	s22 =	simm.s32 @!p1 $0x8;
	s2 =	simm.s32 @!p2 $0x0;
	s4 =	sshrl.u32 @!p1 s4, $0x1  }
0x4b: {  	s23 =	sshrl.u32 @!p1 s23, $0x2;
	_ =	swait.ge @!p1 [sflag:s22], s2;
	s4 =	smul.u32 @!p1 $0x3, s4  }
0x4c: {  	s23 =	sor.u32 @!p1 $0x10508, s23;
	s24 =	ssub.s32 @!p1 $0x0, s2;
	[sflag:s22] =	ssyncset.done @!p1 $0x0  }
0x4d: {  	[sflag:s22] =	ssyncadd.s32 @!p1 s24;
	s22 =	sshrl.u32 @!p1 s18, $0x3;
	s0 =	ssub.s32 @!p1 s0, s4  }
0x4e: {  	s24 =	sand.u32 @!p1 $0x7, s18;
	s22 =	sadd.s32 @!p1 s5, s22;
	s0 =	smul.u32 @!p1 $0x3C0, s0  }
0x4f: {  	[tilespmem:s23], [sflag:$0x9] =	stream.linear.gather @!p1 [hbm4b:s22+s24], s2, $0x38;
	[tilespmem:$0x1F6E8] =	vst v63  }
0x50: {  	s4 =	ssub.s32 @!p1 $0x2710, s18;
	s2 =	smul.u32 @!p1 $0x1E000, s21  }
0x51: {  	p2 =	slt.s32 @!p1 s4, $0xF0  }
0x52: {  	p2 =	por !p2, p1;
	s0 =	sshrl.u32 @!p1 s0, $0x2;
	s2 =	sshrl.u32 @!p1 s2, $0x2  }
0x53: {  	s4 =	simm.s32 @p2 $0xF0;
	s0 =	sadd.s32 @!p1 $0x10238, s0;
	s2 =	sor.u32 @!p1 $0x106E8, s2  }
0x54: {  	[tilespmem:s2], [sflag:$0x7] =	stream.indirect.gather @!p1 [hbm4b:s30+s4], $0x80, s0, s4, $0xb8;
	[tilespmem:$0x1F6E8] =	vst v63  }
0x55: {  	p1 =	slt.u32 s19, $0x2  }
.Ltmp3:
0x56: {  	_ = 	snop;
	(pc) =	sbr.rel @p1 .LBB2_21-.Ltmp3, $1  }
0x57: {  	_ =	sdelay $0x3  }
0x58: {  	p1 =	sgt.s32 s20, $0x2620;
	s0 =	smov.u32 s20  }
0x59: {  	s2 =	sshra.s32 s20, $0x1F;
	s4 =	ssub.s32 $0x2710, s20;
	s0 =	simm.s32 @!p1 $0x2620  }
0x5a: {  	s2 =	sand.u32 s2, s20;
	p1 =	slt.s32 s4, $0xF0;
	s21 =	smov.u32 s4  }
0x5b: {  	s0 =	ssub.s32 s0, s2;
	s21 =	simm.s32 @!p1 $0xF0  }
0x5c: {  	s0 =	sadd.s32 $0xFFFFD9E0, s0;
	s25 =	sshll.u32 s21, $0x7  }
0x5d: {  	s26 =	sshll.u32 s0, $0x2;
	s2 =	sand.u32 $0x3FFFFF80, s25  }
0x5e: {  	p1 =	sgt.s32 s0, $0xEF;
	s29 =	ssub.s32 $0x3C0, s26;
	_ =	swait.ge [sflag:s10], s2  }
0x5f: {  	s2 =	ssub.s32 $0x0, s2;
	[sflag:s10] =	ssyncset.done $0x0;
	s0 =	sshrl.u32 s29, $0x2  }
0x60: {  	[sflag:s10] =	ssyncadd.s32 s2;
	s0 =	simm.s32 @p1 $0x0  }
0x61: {  	_ =	swait.ge [sflag:s11], s0  }
0x62: {  	s0 =	ssub.s32 $0x0, s0;
	[sflag:s11] =	ssyncset.done $0x0  }
0x63: {  	[sflag:s11] =	ssyncadd.s32 s0  }
0x64: {  	v1 =	vld [tilespmem:$0xF208];
	_ =	sdelay $0x4  }
0x65: {  	(v2sf) =	vpush v1, $0x0  }
0x66: {  	(v2sf) =	vpush v1, $0x1  }
0x67: {  	(v2sf) =	vpush v1, $0x2;
	_ =	sdelay $0x3  }
0x68: {  	s0 =	sadd.s32 $0xF0, s20  }
0x69: {  	p1 =	slt.s32 s8, s0  }
0x6a: {  	s0 =	smov.u32 @p1 s8;
	p1 =	sgt.s32 s4, $0x0  }
0x6b: {  	s24 =	ssub.s32 s0, s20;
	s4 =	simm.s32 @!p1 $0x0  }
0x6c: {  	p1 =	slt.s32 s4, s24  }
0x6d: {  	s24 =	smov.u32 @p1 s4  }
0x6e: {  	s23 =	simm.s32 $0x1;
	p1 =	slt.s32 s24, $0x1  }
.Ltmp4:
0x6f: {  	s23 =	simm.s32 @!p0 $0x0;
	(pc) =	sbr.rel @p1 .LBB2_8-.Ltmp4, $4  }
0x70: {  	s31 =	smul.u32 $0x3C0, s23  }
0x71: {  	s25 =	spop (v2sf)  }
0x72: {  	s0 =	sshrl.u32 s31, $0x2;
	s28 =	spop (v2sf)  }
0x73: {  	s21 =	sor.u32 $0x10508, s0;
	s20 =	spop (v2sf)  }
0x74: {  	s0 =	smin.u32 s24, $0x10  }
0x75: {  	v1 =	vmov s0  }
0x76: {  	p2 =	sgt.s32 s24, $0x10;
	vm1 =	vgt.u32 v1, v0  }
.Ltmp5:
0x77: {  	_ = 	snop;
	(pc) =	sbr.rel @!p2 .LBB2_7-.Ltmp5, $2  }
0x78: {  	_ =	sdelay $0x2  }
0x79: {  	s26 =	simm.s32 $0x10;
	s29 =	sadd.s32 $0xFFFFFFF0, s24;
	s22 =	smov.u32 s21;
	vm0 =	vmmov vm1  }
.LBB2_6:
0x7a: {  	s0 =	smin.u32 s29, $0x10;
	s26 =	sadd.s32 $0x10, s26;
	v1 =	vld.msk [tilespmem:s22+$0x0 ss:$0x1], vm1  }
0x7b: {  	v2 =	vmov s0;
	p2 =	slt.s32 s26, s24  }
0x7c: {  	vm1 =	vgt.u32 v2, v0  }
.Ltmp6:
0x7d: {  	(pc) =	sbr.rel @p2 .LBB2_6-.Ltmp6, $3  }
0x7e: {  	_ =	sdelay $0x1  }
0x7f: {  	v1 =	vshll.u32 v1, $0x4  }
0x80: {  	s29 =	sadd.s32 $0xFFFFFFF0, s29;
	[tilespmem:s22+$0x0] =	vst.msk vm0, v1;
	s22 =	sadd.s32 $0x10, s22;
	vm0 =	vmmov vm1  }
.LBB2_7:
0x81: {  	_ =	sdelay $0x4  }
0x82: {  	v1 =	vld.msk [tilespmem:s22+$0x0 ss:$0x1], vm1;
	_ =	sdelay $0x4  }
0x83: {  	v1 =	vshll.u32 v1, $0x4  }
0x84: {  	[tilespmem:s22+$0x0] =	vst.msk vm0, v1  }
.LBB2_8:
0x85: {  	s0 =	sand.u32 $0x1, s19  }
0x86: {  	s0 =	smul.u32 $0xF0, s0  }
0x87: {  	p2 =	sne.s32 s28, $0xFFFFFFFF  }
0x88: {  	v1 =	vld.msk @!p2 [tilespmem:s0+$0x10508], $0x1;
	_ =	sdelay $0x4  }
0x89: {  	(v2sf) =	vpush @!p2 v1, $0x0;
	_ =	sdelay $0xc  }
.Ltmp7:
0x8a: {  	_ = 	snop;
	(pc) =	sbr.rel @p1 .LBB2_19-.Ltmp7, $4  }
0x8b: {  	_ = 	snop  }
0x8c: {  	s26 =	spop @!p2 (v2sf)  }
0x8d: {  	s20 =	simm.s32 @!p2 $0x0;
	s22 =	smov.u32 s26  }
0x8e: {  	[sflag:s16] =	ssyncpa.u1 $0x0;
	s26 =	smov.u32 @p2 s25;
	s22 =	smov.u32 @p2 s28  }
0x8f: {  	v1 =	vld.msk [tilespmem:s21+$0x0], $0x1;
	_ =	sdelay $0x4  }
0x90: {  	(v2sf) =	vpush v1, $0x0;
	_ =	sdelay $0xe  }
0x91: {  	s9 =	smov.u32 s30;
	s0 =	smul.u32 $0x1E000, s23;
	s30 =	spop (v2sf)  }
0x92: {  	s24 =	ssub.s32 $0x0, s24;
	p1 =	seq.s32 s26, s30  }
0x93: {  	s28 =	sadd.s32 $0x1, s24;
	s0 =	sshrl.u32 s0, $0x2;
	p2 =	sgt.s32 @!p1 s26, $0x0  }
0x94: {  	s23 =	sor.u32 $0x10728, s0;
	s0 =	smov.u32 s26;
	p2 =	por !p2, p1  }
0x95: {  	s0 =	simm.s32 @p2 $0x0;
	p2 =	seq.s32 s28, $0x0  }
.Ltmp8:
0x96: {  	_ = 	snop;
	(pc) =	sbr.rel @p2 .LBB2_11-.Ltmp8, $4  }
0x97: {  	_ = 	snop  }
0x98: {  	s25 =	simm.s32 $0x0;
	s31 =	simm.s32 @!p1 $0x1;
	s2 =	smin.u32 @!p1 s0, $0xF0  }
0x99: {  	s29 =	sadd.s32 $0x1, s21;
	s31 =	smov.u32 @p1 s25;
	s4 =	sand.u32 @!p1 $0xF8, s2  }
0x9a: {  	s0 =	simm.s32 @!p1 $0x7988;
	s2 =	sand.u32 @!p1 $0x7, s2;
	s4 =	sadd.s32 @!p1 s1, s4  }
.LBB2_10:
0x9b: {  	s3 =	smov.u32 s31  }
0x9c: {  	[tilespmem:s0], [sflag:$0x2] =	stream.linear.gather @!p1 [hbm4b:s4+s2], $0x80, $0x38;
	[tilespmem:$0x1F6E8] =	vst v63  }
0x9d: {  	s28 =	sadd.s32 $0x1, s28;
	s2 =	smov.u32 s30;
	v1 =	vld.msk [tilespmem:s29+$0x0], $0x1  }
0x9e: {  	p2 =	seq.s32 s28, $0x0;
	_ =	sdelay $0x3  }
0x9f: {  	(v2sf) =	vpush v1, $0x0;
	_ =	sdelay $0xe  }
0xa0: {  	s30 =	spop (v2sf)  }
0xa1: {  	p1 =	seq.s32 s2, s30  }
0xa2: {  	p3 =	sgt.s32 @!p1 s2, $0x0;
	s0 =	sshll.u32 @!p1 s31, $0x9;
	s31 =	sadd.s32 @!p1 $0x1, s31  }
.Ltmp9:
0xa3: {  	p3 =	por !p3, p1;
	s0 =	sshra.s32 @!p1 s0, $0x2;
	(pc) =	sbr.rel @!p2 .LBB2_10-.Ltmp9, $4  }
0xa4: {  	s31 =	smov.u32 @p1 s3;
	s2 =	simm.s32 @p3 $0x0;
	s0 =	sadd.s32 @!p1 $0x7988, s0  }
0xa5: {  	s2 =	smin.u32 @!p1 s2, $0xF0  }
0xa6: {  	s3 =	sand.u32 @!p1 $0xF8, s2;
	s2 =	sand.u32 @!p1 $0x7, s2  }
0xa7: {  	s29 =	sadd.s32 $0x1, s29;
	s4 =	sadd.s32 @!p1 s1, s3  }
.LBB2_11:
0xa8: {  	[tilespmem:s0], [sflag:$0x2] =	stream.linear.gather @!p1 [hbm4b:s4+s2], $0x80, $0x38;
	[tilespmem:$0x1F6E8] =	vst v63  }
.Ltmp10:
0xa9: {  	s28 =	sshll.u32 s31, $0x7;
	(pc) =	sbr.rel .LBB2_12-.Ltmp10, $4  }
0xaa: {  	s31 =	simm.s32 $0x2;
	s0 =	sand.u32 $0x3FFFFF80, s28  }
0xab: {  	_ =	swait.ge [sflag:s31], s0  }
0xac: {  	s0 =	ssub.s32 $0x0, s0;
	[sflag:s31] =	ssyncset.done $0x0  }
0xad: {  	s29 =	simm.s32 $0x0;
	s30 =	smov.u32 s9;
	[sflag:s31] =	ssyncadd.s32 s0  }
.LBB2_13:
0xae: {  	v1 =	vld [tilespmem:s23+$0xFFFFFFC0];
	_ =	sdelay $0x3  }
0xaf: {  	s0 =	sshra.s32 s0, $0x2  }
0xb0: {  	[tilespmem:s0+$0x108] =	vst.add.f32.msk $0xffff, v1  }
0xb1: {  	v1 =	vld [tilespmem:s23+$0xFFFFFFD0];
	_ =	sdelay $0x4  }
0xb2: {  	[tilespmem:s0+$0x118] =	vst.add.f32.msk $0xffff, v1  }
0xb3: {  	v1 =	vld [tilespmem:s23+$0xFFFFFFE0];
	_ =	sdelay $0x4  }
0xb4: {  	[tilespmem:s0+$0x128] =	vst.add.f32.msk $0xffff, v1  }
0xb5: {  	v1 =	vld [tilespmem:s23+$0xFFFFFFF0];
	_ =	sdelay $0x4  }
0xb6: {  	[tilespmem:s0+$0x138] =	vst.add.f32.msk $0xffff, v1  }
0xb7: {  	v1 =	vld [tilespmem:s23+$0x0];
	_ =	sdelay $0x4  }
0xb8: {  	[tilespmem:s0+$0x148] =	vst.add.f32.msk $0xffff, v1  }
0xb9: {  	v1 =	vld [tilespmem:s23+$0x10];
	_ =	sdelay $0x4  }
0xba: {  	[tilespmem:s0+$0x158] =	vst.add.f32.msk $0xffff, v1  }
0xbb: {  	v1 =	vld [tilespmem:s23+$0x20];
	_ =	sdelay $0x4  }
0xbc: {  	[tilespmem:s0+$0x168] =	vst.add.f32.msk $0xffff, v1  }
0xbd: {  	v1 =	vld [tilespmem:s23+$0x30];
	_ =	sdelay $0x4  }
0xbe: {  	[tilespmem:s0+$0x178] =	vst.add.f32.msk $0xffff, v1  }
.LBB2_17:
0xbf: {  	s24 =	sadd.s32 $0x1, s24  }
0xc0: {  	p1 =	seq.s32 s24, $0x0  }
.Ltmp11:
0xc1: {  	_ = 	snop;
	(pc) =	sbr.rel @p1 .LBB2_18-.Ltmp11, $2  }
0xc2: {  	_ =	sdelay $0x2  }
0xc3: {  	s21 =	sadd.s32 $0x1, s21;
	s23 =	sadd.s32 $0x80, s23;
	s26 =	smov.u32 s28  }
.LBB2_12:
0xc4: {  	v1 =	vld.msk [tilespmem:s21+$0x0], $0x1;
	_ =	sdelay $0x4  }
0xc5: {  	(v2sf) =	vpush v1, $0x0;
	_ =	sdelay $0xe  }
0xc6: {  	s28 =	spop (v2sf)  }
0xc7: {  	p1 =	sne.s32 s26, s28  }
.Ltmp12:
0xc8: {  	_ = 	snop;
	(pc) =	sbr.rel @!p1 .LBB2_13-.Ltmp12, $2  }
0xc9: {  	_ =	sdelay $0x2  }
0xca: {  	s0 =	sshll.u32 s20, $0x9  }
0xcb: {  	p1 =	seq.s32 s26, s22  }
.Ltmp13:
0xcc: {  	_ = 	snop;
	(pc) =	sbr.rel @!p1 .LBB2_15-.Ltmp13, $1  }
0xcd: {  	_ =	sdelay $0x3  }
0xce: {  	s0 =	sshra.s32 s0, $0x2  }
.Ltmp14:
0xcf: {  	s0 =	sadd.s32 $0x108, s0;
	(pc) =	sbr.rel .LBB2_16-.Ltmp14, $4  }
0xd0: {  	[spmem:s14] =	stream.linear.scatter [tilespmem:s0], [sflag:$0x1], $0x80, $0x38;
	[tilespmem:$0x1F6E8] =	vst v63  }
0xd1: {  	_ =	swait.ge [sflag:s12], $0x80  }
0xd2: {  	[sflag:s12] =	ssyncset.done $0x0  }
0xd3: {  	[sflag:s12] =	ssyncadd.s32 $0xFFFFFF80  }
.LBB2_15:
0xd4: {  	s2 =	sshll.u32 s25, $0x9  }
0xd5: {  	s2 =	sshra.s32 s2, $0x2  }
0xd6: {  	v1 =	vld [tilespmem:s2+$0x7988];
	_ =	sdelay $0x3  }
0xd7: {  	s0 =	sshra.s32 s0, $0x2  }
0xd8: {  	[tilespmem:s0+$0x108] =	vst.add.f32.msk $0xffff, v1  }
0xd9: {  	v1 =	vld [tilespmem:s2+$0x7998];
	_ =	sdelay $0x4  }
0xda: {  	[tilespmem:s0+$0x118] =	vst.add.f32.msk $0xffff, v1  }
0xdb: {  	v1 =	vld [tilespmem:s2+$0x79A8];
	_ =	sdelay $0x4  }
0xdc: {  	[tilespmem:s0+$0x128] =	vst.add.f32.msk $0xffff, v1  }
0xdd: {  	v1 =	vld [tilespmem:s2+$0x79B8];
	_ =	sdelay $0x4  }
0xde: {  	[tilespmem:s0+$0x138] =	vst.add.f32.msk $0xffff, v1  }
0xdf: {  	v1 =	vld [tilespmem:s2+$0x79C8];
	_ =	sdelay $0x4  }
0xe0: {  	[tilespmem:s0+$0x148] =	vst.add.f32.msk $0xffff, v1  }
0xe1: {  	v1 =	vld [tilespmem:s2+$0x79D8];
	_ =	sdelay $0x4  }
0xe2: {  	[tilespmem:s0+$0x158] =	vst.add.f32.msk $0xffff, v1  }
0xe3: {  	v1 =	vld [tilespmem:s2+$0x79E8];
	_ =	sdelay $0x4  }
0xe4: {  	[tilespmem:s0+$0x168] =	vst.add.f32.msk $0xffff, v1  }
0xe5: {  	v1 =	vld [tilespmem:s2+$0x79F8];
	_ =	sdelay $0x2  }
0xe6: {  	p1 =	sgt.u32 s26, $0xF0  }
0xe7: {  	s2 =	sand.u32 @!p1 $0xF8, s26  }
0xe8: {  	s3 =	sadd.s32 $0x108, s0;
	[tilespmem:s0+$0x178] =	vst.add.f32.msk $0xffff, v1;
	s0 =	sadd.s32 @!p1 s1, s2;
	s2 =	sand.u32 @!p1 $0x7, s26  }
0xe9: {  	[hbm4b:s0+s2] =	stream.linear.scatter @!p1 [tilespmem:s3], [sflag:$0xA], $0x80, $0x38;
	[tilespmem:$0x1F6E8] =	vst v63  }
0xea: {  	s0 =	simm.s32 $0x0  }
0xeb: {  	s0 =	simm.s32 @!p1 $0x200  }
0xec: {  	s29 =	sadd.s32 s0, s29  }
.LBB2_16:
0xed: {  	s0 =	sadd.s32 $0x1, s20  }
0xee: {  	s2 =	smulhi.u32 $0x88888889, s0;
	_ =	sdelay $0x1  }
0xef: {  	v1 =	vld [tilespmem:s23+$0xFFFFFFC0];
	s2 =	sshrl.u32 s2, $0x7  }
0xf0: {  	s2 =	smul.u32 $0xF0, s2;
	_ =	sdelay $0x1  }
0xf1: {  	s20 =	ssub.s32 s0, s2  }
0xf2: {  	s0 =	sshll.u32 s20, $0x7  }
0xf3: {  	[tilespmem:s0+$0x108] =	vst v1  }
0xf4: {  	v1 =	vld [tilespmem:s23+$0xFFFFFFD0];
	_ =	sdelay $0x4  }
0xf5: {  	[tilespmem:s0+$0x118] =	vst v1  }
0xf6: {  	v1 =	vld [tilespmem:s23+$0xFFFFFFE0];
	_ =	sdelay $0x4  }
0xf7: {  	[tilespmem:s0+$0x128] =	vst v1  }
0xf8: {  	v1 =	vld [tilespmem:s23+$0xFFFFFFF0];
	_ =	sdelay $0x4  }
0xf9: {  	[tilespmem:s0+$0x138] =	vst v1  }
0xfa: {  	v1 =	vld [tilespmem:s23+$0x0];
	_ =	sdelay $0x4  }
0xfb: {  	[tilespmem:s0+$0x148] =	vst v1  }
0xfc: {  	v1 =	vld [tilespmem:s23+$0x10];
	_ =	sdelay $0x4  }
0xfd: {  	[tilespmem:s0+$0x158] =	vst v1  }
0xfe: {  	v1 =	vld [tilespmem:s23+$0x20];
	_ =	sdelay $0x4  }
0xff: {  	[tilespmem:s0+$0x168] =	vst v1  }
0x100: {  	v1 =	vld [tilespmem:s23+$0x30]  }
.Ltmp15:
0x101: {  	_ = 	snop;
	(pc) =	sbr.rel .LBB2_17-.Ltmp15, $2  }
0x102: {  	_ =	sdelay $0x2  }
0x103: {  	s25 =	sadd.s32 $0x1, s25;
	[tilespmem:s0+$0x178] =	vst v1  }
.LBB2_19:
.Ltmp16:
0x104: {  	(pc) =	sbr.rel .LBB2_20-.Ltmp16, $4  }
0x105: {  	_ = 	snop  }
0x106: {  	s0 =	simm.s32 $0x2  }
0x107: {  	_ =	swait.ge [sflag:s0], $0x0  }
0x108: {  	s28 =	smov.u32 s26;
	[sflag:s0] =	ssyncset.done $0x0;
	s0 =	simm.s32 $0x0  }
.LBB2_22:
0x109: {  	_ =	sfence.sel $0x180000  }
0x10a: {  	s0 =	simm.s32 $0x7;
	[bflag:$0x0] =	sbarrier.arrive $0xFFFF  }
0x10b: {  	s24 =	simm.s32 $0x8;
	[sflag:s0] =	ssyncpa.u1 $0x1  }
0x10c: {  	s25 =	simm.s32 $0x9;
	[sflag:s24] =	ssyncpa.u1 $0x1  }
0x10d: {  	s26 =	simm.s32 $0x2;
	[sflag:s25] =	ssyncpa.u1 $0x1  }
0x10e: {  	[sflag:s26] =	ssyncpa.u1 $0x1  }
0x10f: {  	v0 =	vld [tilespmem:$0xF208];
	_ =	sdelay $0x4  }
0x110: {  	(v2sf) =	vpush v0, $0x0  }
0x111: {  	(v2sf) =	vpush v0, $0x1;
	_ =	sdelay $0x2  }
0x112: {  	(v2sf) =	vpush v0, $0x2;
	_ =	sdelay $0xa  }
0x113: {  	s0 =	spop (v2sf)  }
0x114: {  	s2 =	spop (v2sf)  }
0x115: {  	s3 =	smov.u32 s0;
	p0 =	sne.s32 s0, s2  }
0x116: {  	s3 =	simm.s32 @!p0 $0xFFFFFFFF  }
0x117: {  	v2 =	vimm.s32 $0x1;
	v3 =	vlaneseq.u32;
	v1 =	vmov s3;
	s3 =	spop (v2sf)  }
0x118: {  	v0 =	vperm.xlane v0, v2;
	v1 =	vperm.xlane v1, v3;
	p0 =	seq.s32 s3, $0xFFFFFFFF  }
0x119: {  	vm0 =	vcmask $0x3F04;
	s5 =	simm.s32 $0xF208;
	p1 =	sne.s32 @!p0 s0, s2  }
0x11a: {  	s6 =	rddreg [dreg:$0x4];
	s0 =	simm.s32 @!p0 $0x1;
	v0 =	vsel vm0, v1, v0;
	p1 =	por !p1, p0  }
0x11b: {  	s4 =	sor.u32 $0x1000, s6;
	s2 =	sshll.u32 @!p0 s3, $0x9;
	[tilespmem:$0xF208] =	vst v0;
	s0 =	simm.s32 @p1 $0x0  }
0x11c: {  	[spmem:s4] =	stream.linear.scatter [tilespmem:s5], [sflag:$0x1], $0x2, $0x38;
	[tilespmem:$0x1F6E8] =	vst v63  }
0x11d: {  	s2 =	sshra.s32 @!p0 s2, $0x2;
	s0 =	sor.u32 @!p0 s0, s6  }
0x11e: {  	s2 =	sadd.s32 @!p0 $0x108, s2;
	s0 =	sshll.u32 @!p0 s0, $0x7  }
0x11f: {  	[spmem:s0] =	stream.linear.scatter @!p0 [tilespmem:s2], [sflag:$0x1], $0x80, $0x38;
	[tilespmem:$0x1F6E8] =	vst v63  }
0x120: {  	s2 =	simm.s32 @!p0 $0x82  }
0x121: {  	s0 =	simm.s32 $0x1;
	s2 =	simm.s32 @p0 $0x2  }
0x122: {  	_ =	swait.ge [sflag:s0], s2  }
0x123: {  	s2 =	ssub.s32 $0x0, s2;
	[sflag:s0] =	ssyncset.done $0x0  }
0x124: {  	[sflag:s0] =	ssyncadd.s32 s2  }
0x125: {  	_ =	sfence.stream.spmem  }
0x126: {  	s28 =	simm.s32 $0x3;
	[bflag:$0x0] =	sbarrier.arrive $0xFFFF  }
0x127: {  	s29 =	simm.s32 $0x4;
	[sflag:s28] =	ssyncpa.u1 $0x1  }
0x128: {  	s30 =	simm.s32 $0x3C;
	s31 =	stileid.u32;
	[sflag:s29] =	ssyncpa.u1 $0x1  }
0x129: {  	p0 =	sne.s32 s31, $0x0;
	[sflag:s30] =	ssyncpa.u1 $0x1  }
0x12a: {  	_ =	sfence @p0  }
0x12b: {  	[sflag:s0] =	ssyncpa.u1 @p0 $0x1  }
0x12c: {  	_ =	strace @p0 $0x9000005C  }
0x12d: {  	[bflag:$0x2] =	sbarrier.arrive @p0 $0xFFFF  }
0x12e: {  	_ =	shalt @p0  }
.LBB2_23:
0x12f: {  	_ =	sfence.stream.spmem;
	s0 =	simm.s32 $0x5  }
0x130: {  	s2 =	simm.s32 $0x1000;
	s3 =	simm.s32 $0xF218;
	[sflag:s0] =	ssyncpa.u1 $0x0  }
0x131: {  	[tilespmem:s3], [sflag:$0x5] =	stream.linear.gather [spmem:s2], $0x20, $0x38;
	[tilespmem:$0x1F6E8] =	vst v63  }
0x132: {  	s30 =	simm.s32 $0xF238;
	s2 =	simm.s32 $0x0  }
0x133: {  	[tilespmem:s30], [sflag:$0x5] =	stream.linear.gather [spmem:s2], $0x1000, $0x38;
	[tilespmem:$0x1F6E8] =	vst v63  }
.Ltmp17:
0x134: {  	_ = 	snop;
	(pc) =	sbr.rel .LBB2_24-.Ltmp17, $4  }
0x135: {  	_ =	swait.ge [sflag:s0], $0x1020  }
0x136: {  	[sflag:s0] =	ssyncset.done $0x0  }
0x137: {  	s31 =	simm.s32 $0x6;
	[sflag:s0] =	ssyncadd.s32 $0xFFFFEFE0  }
0x138: {  	s3 =	simm.s32 $0x0;
	[sflag:s31] =	ssyncpa.u1 $0x0  }
.LBB2_30:
0x139: {  	p0 =	slt.u32 s4, $0xF1  }
0x13a: {  	s0 =	sand.u32 @p0 $0xF8, s4  }
0x13b: {  	s4 =	sand.u32 @p0 $0x7, s4;
	s5 =	simm.s32 @p0 $0xF188;
	s0 =	sadd.s32 @p0 s1, s0  }
0x13c: {  	[tilespmem:s5], [sflag:$0x6] =	stream.linear.gather @p0 [hbm4b:s0+s4], $0x80, $0x38;
	[tilespmem:$0x1F6E8] =	vst v63  }
0x13d: {  	s0 =	simm.s32 @p0 $0x6  }
0x13e: {  	_ =	swait.ge @p0 [sflag:s0], $0x80  }
0x13f: {  	[sflag:s0] =	ssyncset.done @p0 $0x0  }
0x140: {  	[sflag:s0] =	ssyncadd.s32 @p0 $0xFFFFFF80  }
0x141: {  	v1 =	vld @p0 [tilespmem:$0xF188];
	_ =	sdelay $0x2  }
0x142: {  	s0 =	sshll.u32 @p0 s3, $0x9  }
0x143: {  	s4 =	sshrl.u32 @p0 s0, $0x2  }
0x144: {  	[tilespmem:s4+$0xF238] =	vst.add.f32.msk @p0 $0xffff, v1  }
0x145: {  	v1 =	vld @p0 [tilespmem:$0xF198];
	_ =	sdelay $0x4  }
0x146: {  	[tilespmem:s4+$0xF248] =	vst.add.f32.msk @p0 $0xffff, v1  }
0x147: {  	v1 =	vld @p0 [tilespmem:$0xF1A8];
	_ =	sdelay $0x4  }
0x148: {  	[tilespmem:s4+$0xF258] =	vst.add.f32.msk @p0 $0xffff, v1  }
0x149: {  	v1 =	vld @p0 [tilespmem:$0xF1B8];
	_ =	sdelay $0x4  }
0x14a: {  	[tilespmem:s4+$0xF268] =	vst.add.f32.msk @p0 $0xffff, v1  }
0x14b: {  	v1 =	vld @p0 [tilespmem:$0xF1C8];
	_ =	sdelay $0x4  }
0x14c: {  	[tilespmem:s4+$0xF278] =	vst.add.f32.msk @p0 $0xffff, v1  }
0x14d: {  	v1 =	vld @p0 [tilespmem:$0xF1D8];
	_ =	sdelay $0x4  }
0x14e: {  	[tilespmem:s4+$0xF288] =	vst.add.f32.msk @p0 $0xffff, v1  }
0x14f: {  	v1 =	vld @p0 [tilespmem:$0xF1E8];
	_ =	sdelay $0x4  }
0x150: {  	[tilespmem:s4+$0xF298] =	vst.add.f32.msk @p0 $0xffff, v1  }
0x151: {  	v1 =	vld @p0 [tilespmem:$0xF1F8];
	_ =	sdelay $0x3  }
0x152: {  	s5 =	sshll.u32 @!p0 s3, $0x9  }
0x153: {  	s5 =	smov.u32 @p0 s0;
	[tilespmem:s4+$0xF2A8] =	vst.add.f32.msk @p0 $0xffff, v1  }
0x154: {  	s0 =	sshrl.u32 s5, $0x2;
	[tilespmem:s2+$0xF218] =	vst.msk $0x1, v0  }
0x155: {  	v0 =	vld [tilespmem:s0+$0xF238];
	_ =	sdelay $0x2  }
0x156: {  	s31 =	sshll.u32 s2, $0x9  }
0x157: {  	s4 =	sshra.s32 s31, $0x2  }
0x158: {  	[tilespmem:s4+$0xF238] =	vst v0  }
0x159: {  	v0 =	vld [tilespmem:s0+$0xF248];
	_ =	sdelay $0x4  }
0x15a: {  	[tilespmem:s4+$0xF248] =	vst v0  }
0x15b: {  	v0 =	vld [tilespmem:s0+$0xF258];
	_ =	sdelay $0x4  }
0x15c: {  	[tilespmem:s4+$0xF258] =	vst v0  }
0x15d: {  	v0 =	vld [tilespmem:s0+$0xF268];
	_ =	sdelay $0x4  }
0x15e: {  	[tilespmem:s4+$0xF268] =	vst v0  }
0x15f: {  	v0 =	vld [tilespmem:s0+$0xF278];
	_ =	sdelay $0x4  }
0x160: {  	[tilespmem:s4+$0xF278] =	vst v0  }
0x161: {  	v0 =	vld [tilespmem:s0+$0xF288];
	_ =	sdelay $0x4  }
0x162: {  	[tilespmem:s4+$0xF288] =	vst v0  }
0x163: {  	v0 =	vld [tilespmem:s0+$0xF298];
	_ =	sdelay $0x4  }
0x164: {  	[tilespmem:s4+$0xF298] =	vst v0  }
0x165: {  	v0 =	vld [tilespmem:s0+$0xF2A8];
	_ =	sdelay $0x4  }
0x166: {  	s2 =	sadd.s32 $0x1, s2;
	[tilespmem:s4+$0xF2A8] =	vst v0  }
.LBB2_31:
0x167: {  	s3 =	sadd.s32 $0x1, s3  }
0x168: {  	p0 =	sne.s32 s3, $0x20  }
.Ltmp18:
0x169: {  	_ = 	snop;
	(pc) =	sbr.rel @!p0 .LBB2_32-.Ltmp18, $1  }
0x16a: {  	_ =	sdelay $0x3  }
.LBB2_24:
0x16b: {  	v0 =	vld.msk [tilespmem:s3+$0xF218], $0x1;
	_ =	sdelay $0x4  }
0x16c: {  	(v2sf) =	vpush v0, $0x0;
	_ =	sdelay $0xe  }
0x16d: {  	s4 =	spop (v2sf)  }
0x16e: {  	p0 =	seq.s32 s4, $0xFFFFFFFF  }
.Ltmp19:
0x16f: {  	_ = 	snop;
	(pc) =	sbr.rel @p0 .LBB2_31-.Ltmp19, $1  }
0x170: {  	_ =	sdelay $0x3  }
0x171: {  	p0 =	slt.s32 s2, $0x1  }
.Ltmp20:
0x172: {  	_ = 	snop;
	(pc) =	sbr.rel @p0 .LBB2_30-.Ltmp20, $1  }
0x173: {  	_ =	sdelay $0x3  }
0x174: {  	s5 =	simm.s32 $0xF218;
	p0 =	por $0x0, $0x0  }
0x175: {  	v1 =	vld.msk @!p0 [tilespmem:s5+$0x0], $0x1;
	_ =	sdelay $0x4  }
0x176: {  	(v2sf) =	vpush @!p0 v1, $0x0;
	_ =	sdelay $0xd  }
0x177: {  	p2 =	sne.s32 s2, $0x1  }
.Ltmp21:
0x178: {  	s0 =	spop @!p0 (v2sf);
	(pc) =	sbr.rel @!p2 .LBB2_28-.Ltmp21, $4  }
0x179: {  	p1 =	seq.s32 @!p0 s4, s0  }
0x17a: {  	s6 =	simm.s32 $0x0;
	p1 =	por !p1, p0  }
0x17b: {  	s0 =	simm.s32 $0xFFFFFFFF;
	s6 =	simm.s32 @p1 $0xFFFFFFFF  }
0x17c: {  	s7 =	simm.s32 $0x1;
	s6 =	smov.u32 @p0 s0  }
.LBB2_27:
0x17d: {  	s0 =	smov.u32 s6;
	p0 =	sne.s32 s6, $0xFFFFFFFF  }
0x17e: {  	s5 =	sadd.s32 $0x1, s5;
	s6 =	smov.u32 s7;
	s7 =	sadd.s32 $0x1, s7  }
0x17f: {  	p1 =	sne.s32 s2, s7;
	v1 =	vld.msk @!p0 [tilespmem:s5+$0x0], $0x1;
	_ =	sdelay $0x4  }
0x180: {  	(v2sf) =	vpush @!p0 v1, $0x0;
	_ =	sdelay $0xe  }
.Ltmp22:
0x181: {  	s8 =	spop @!p0 (v2sf);
	(pc) =	sbr.rel @p1 .LBB2_27-.Ltmp22, $4  }
0x182: {  	p2 =	seq.s32 @!p0 s4, s8  }
0x183: {  	p2 =	por !p2, p0  }
0x184: {  	s6 =	simm.s32 @p2 $0xFFFFFFFF  }
0x185: {  	s6 =	smov.u32 @p0 s0  }
.LBB2_28:
0x186: {  	p0 =	seq.s32 s6, $0xFFFFFFFF  }
.Ltmp23:
0x187: {  	_ = 	snop;
	(pc) =	sbr.rel @p0 .LBB2_30-.Ltmp23, $1  }
0x188: {  	_ =	sdelay $0x3  }
0x189: {  	s0 =	sshll.u32 s3, $0x7  }
0x18a: {  	s0 =	sand.u32 $0x3FFFFF80, s0  }
0x18b: {  	v0 =	vld [tilespmem:s0+$0xF238];
	_ =	sdelay $0x2  }
0x18c: {  	s4 =	sshll.u32 s6, $0x9  }
0x18d: {  	s4 =	sshra.s32 s4, $0x2  }
0x18e: {  	[tilespmem:s4+$0xF238] =	vst.add.f32.msk $0xffff, v0  }
0x18f: {  	v0 =	vld [tilespmem:s0+$0xF248];
	_ =	sdelay $0x4  }
0x190: {  	[tilespmem:s4+$0xF248] =	vst.add.f32.msk $0xffff, v0  }
0x191: {  	v0 =	vld [tilespmem:s0+$0xF258];
	_ =	sdelay $0x4  }
0x192: {  	[tilespmem:s4+$0xF258] =	vst.add.f32.msk $0xffff, v0  }
0x193: {  	v0 =	vld [tilespmem:s0+$0xF268];
	_ =	sdelay $0x4  }
0x194: {  	[tilespmem:s4+$0xF268] =	vst.add.f32.msk $0xffff, v0  }
0x195: {  	v0 =	vld [tilespmem:s0+$0xF278];
	_ =	sdelay $0x4  }
0x196: {  	[tilespmem:s4+$0xF278] =	vst.add.f32.msk $0xffff, v0  }
0x197: {  	v0 =	vld [tilespmem:s0+$0xF288];
	_ =	sdelay $0x4  }
0x198: {  	[tilespmem:s4+$0xF288] =	vst.add.f32.msk $0xffff, v0  }
0x199: {  	v0 =	vld [tilespmem:s0+$0xF298];
	_ =	sdelay $0x4  }
0x19a: {  	[tilespmem:s4+$0xF298] =	vst.add.f32.msk $0xffff, v0  }
0x19b: {  	v0 =	vld [tilespmem:s0+$0xF2A8]  }
.Ltmp24:
0x19c: {  	_ = 	snop;
	(pc) =	sbr.rel .LBB2_31-.Ltmp24, $2  }
0x19d: {  	_ =	sdelay $0x2  }
0x19e: {  	[tilespmem:s4+$0xF2A8] =	vst.add.f32.msk $0xffff, v0  }
.LBB2_32:
0x19f: {  	p0 =	slt.s32 s2, $0x1  }
.Ltmp25:
0x1a0: {  	_ = 	snop;
	(pc) =	sbr.rel @p0 .LBB2_36-.Ltmp25, $3  }
0x1a1: {  	_ =	sdelay $0x1  }
0x1a2: {  	s0 =	simm.s32 $0x6  }
0x1a3: {  	s3 =	simm.s32 $0x0;
	[sflag:s0] =	ssyncpa.u1 $0x1  }
0x1a4: {  	s0 =	simm.s32 $0xF218  }
0x1a5: {  	v0 =	vld.msk [tilespmem:s0+$0x0], $0x1;
	_ =	sdelay $0x4  }
0x1a6: {  	(v2sf) =	vpush v0, $0x0;
	_ =	sdelay $0xe  }
0x1a7: {  	s2 =	sadd.s32 $0xFFFFFFFF, s2;
	s0 =	spop (v2sf)  }
0x1a8: {  	p1 =	sne.s32 s2, $0x0;
	p0 =	sgt.u32 s0, $0xF0  }
.Ltmp26:
0x1a9: {  	s5 =	sand.u32 @!p0 $0xF8, s0;
	(pc) =	sbr.rel @!p1 .LBB2_35-.Ltmp26, $4  }
0x1aa: {  	s4 =	simm.s32 $0xF238;
	s0 =	sand.u32 @!p0 $0x7, s0;
	s5 =	sadd.s32 @!p0 s1, s5  }
0x1ab: {  	[hbm4b:s5+s0] =	stream.linear.scatter @!p0 [tilespmem:s4], [sflag:$0x5], $0x80, $0x38;
	[tilespmem:$0x1F6E8] =	vst v63  }
0x1ac: {  	s0 =	simm.s32 $0x0  }
0x1ad: {  	s5 =	simm.s32 $0xF219;
	s0 =	simm.s32 @!p0 $0x200  }
.LBB2_34:
0x1ae: {  	v0 =	vld.msk [tilespmem:s5+$0x0], $0x1;
	s2 =	sadd.s32 $0xFFFFFFFF, s2;
	s3 =	sadd.s32 s3, s0  }
0x1af: {  	p0 =	sne.s32 s2, $0x0;
	_ =	sdelay $0x3  }
0x1b0: {  	(v2sf) =	vpush v0, $0x0;
	_ =	sdelay $0xe  }
.Ltmp27:
0x1b1: {  	s6 =	spop (v2sf);
	(pc) =	sbr.rel @p0 .LBB2_34-.Ltmp27, $4  }
0x1b2: {  	s0 =	simm.s32 $0x0;
	p1 =	sgt.u32 s6, $0xF0  }
0x1b3: {  	s4 =	sadd.s32 $0x80, s4;
	s0 =	simm.s32 @!p1 $0x200;
	s7 =	sand.u32 @!p1 $0xF8, s6  }
0x1b4: {  	s5 =	sadd.s32 $0x1, s5;
	s6 =	sand.u32 @!p1 $0x7, s6;
	s7 =	sadd.s32 @!p1 s1, s7  }
0x1b5: {  	[hbm4b:s7+s6] =	stream.linear.scatter @!p1 [tilespmem:s4], [sflag:$0x5], $0x80, $0x38;
	[tilespmem:$0x1F6E8] =	vst v63  }
.LBB2_35:
0x1b6: {  	s0 =	sadd.s32 s3, s0  }
0x1b7: {  	s3 =	sshrl.u32 s0, $0x2  }
.LBB2_36:
0x1b8: {  	s0 =	simm.s32 $0x5  }
0x1b9: {  	_ =	swait.ge [sflag:s0], s3  }
0x1ba: {  	s1 =	ssub.s32 $0x0, s3;
	[sflag:s0] =	ssyncset.done $0x0  }
0x1bb: {  	[sflag:s0] =	ssyncadd.s32 s1  }
0x1bc: {  	[sflag:s0] =	ssyncpa.u1 $0x1  }
0x1bd: {  	s30 =	simm.s32 $0x1;
	_ =	sfence  }
0x1be: {  	[sflag:s30] =	ssyncpa.u1 $0x1  }
0x1bf: {  	_ =	strace $0x9000005C  }
0x1c0: {  	[bflag:$0x2] =	sbarrier.arrive $0xFFFF  }
0x1c1: {  	s31 =	rddreg [dreg:$0x3]  }
0x1c2: {  	s0 =	sadd.s32 $0x100000, s31  }
0x1c3: {  	[sflag:s0] =	ssyncadd.tile.s32 $0x1;
	_ =	shalt  }
.Lfunc_end2:
_tile_overlayer_lowered:
.L_overlay_start_2:
0x1c4: {  	(tag) =	ssettag $0x2  }
0x1c5: {  	s0 =	rddreg [dreg:$0x0];
	s2 =	stileid.u32  }
0x1c6: {  	s1 =	rddreg [dreg:$0x1];
	p0 =	sne.s32 s2, $0x0  }
0x1c7: {  	s3 =	rddreg [dreg:$0x2];
	[bflag:$0x3] =	sbarrier.arrive $0xFFFF;
	s2 =	simm.s32 @!p0 $0x1C01  }
0x1c8: {  	[timem:s3], [sflag:s2] =	dma.local @!p0 [hbm:s0], s1  }
0x1c9: {  	s0 =	simm.s32 @!p0 $0x1  }
0x1ca: {  	_ =	swait.ge @!p0 [sflag:s0], s1  }
0x1cb: {  	s1 =	ssub.s32 @!p0 $0x0, s1;
	[sflag:s0] =	ssyncset.done @!p0 $0x0  }
0x1cc: {  	[sflag:s0] =	ssyncadd.s32 @!p0 s1  }
0x1cd: {  	[bflag:$0x3] =	sbarrier.arrive $0xFFFF  }
0x1ce: {  	_ =	shalt  }

// kernel: scatter_offload_async_start
scs
__scs_entry_jumppad:
0x0: {  	(pc) =	sbr.rel $0x88, $3  }
0x1: {  	(tag) =	ssettag $0x0;
	lr =	simm.s32 $0x1  }
0x2: {  	[smem:$0x3F96] =	sst lr;
	_ =	strace $0xD0000000  }
0x3: {  	_ = 	snop  }
0x4: {  	_ = 	snop  }
0x5: {  	_ = 	snop  }
0x6: {  	_ = 	snop  }
0x7: {  	_ = 	snop  }
__scs_overlays_trampoline_lowered:
0x8: {  	[smem:$0x3FA5] =	sst s0  }
0x9: {  	[smem:$0x3FA6] =	sst s1  }
0xa: {  	[smem:$0x3FA7] =	sst s2  }
0xb: {  	[smem:$0x3FA8] =	sst s3  }
0xc: {  	[smem:$0x3FA9] =	sst s4  }
0xd: {  	[smem:$0x3FAA] =	sst s5  }
0xe: {  	[smem:$0x3FAB] =	sst s6  }
0xf: {  	[smem:$0x3FAC] =	sst s7  }
0x10: {  	[smem:$0x3FAD] =	sst s8  }
0x11: {  	[smem:$0x3FAE] =	sst s9;
	s0 =	simm.s32 @!p0 $0x0  }
0x12: {  	s1 =	sld [smem:$0x3F94];
	s0 =	simm.s32 @p0 $0x1  }
0x13: {  	[smem:$0x3FAF] =	sst s0;
	s0 =	simm.s32 @!p1 $0x0  }
0x14: {  	s2 =	sld [smem:$0x3F93];
	s0 =	simm.s32 @p1 $0x1  }
0x15: {  	[smem:$0x3FB0] =	sst s0;
	s0 =	simm.s32 @!p2 $0x0  }
0x16: {  	s3 =	sld [smem:$0x3FDB];
	s0 =	simm.s32 @p2 $0x1  }
0x17: {  	s4 =	simm.s32 $0x1BF5;
	[smem:$0x3FB2] =	sst s0  }
0x18: {  	s0 =	sld [smem:$0x3F95];
	_ =	swait.ge [sflag:s4], $0x0  }
0x19: {  	s7 =	sld [smem:$0x3F96]  }
0x1a: {  	s8 =	sadd.s32 $0xFFFFE003, lr  }
0x1b: {  	s9 =	sadd.s32 $0xFFFFFEF7, lr;
	s5 =	simm.s32 $0xFFFFFFFF;
	p2 =	slt.u32 s8, $0xFFFFF086  }
0x1c: {  	p1 =	slt.u32 s9, $0xF7A;
	s5 =	simm.s32 @!p2 $0x0  }
0x1d: {  	s5 =	simm.s32 @p1 $0x1;
	p0 =	seq.s32 s7, s2  }
0x1e: {  	s7 =	smul.u32 @!p0 $0xF7A, s2;
	p2 =	seq.s32 @!p0 s5, $0x0  }
0x1f: {  	s9 =	smul.u32 $0xF7A, s1;
	s8 =	simm.s32 @!p0 $0x1BF5;
	p2 =	por !p2, p0  }
0x20: {  	[sflag:s8] =	ssyncset.s32 @!p0 $0xFFFFF086;
	s6 =	sadd.s32 @!p0 s3, s7;
	s7 =	simm.s32 @!p0 $0x108  }
0x21: {  	s3 =	sadd.s32 s3, s9;
	s6 =	sadd.s32 @!p0 $0x88, s6;
	s7 =	simm.s32 @p2 $0x1082  }
0x22: {  	[simem:s7], [sflag:s8] =	dma.local @!p0 [hbm:s6], $0xF7A  }
0x23: {  	s9 =	sor.u32 $0xD0000000, s2;
	s6 =	simm.s32 $0x108;
	_ =	swait.ge @!p0 [sflag:s8], $0x0  }
0x24: {  	s3 =	sadd.s32 $0x88, s3;
	s6 =	simm.s32 @!p1 $0x1082;
	[sflag:s4] =	ssyncset.s32 $0xFFFFF086  }
0x25: {  	[simem:s6], [sflag:s4] =	dma.local [hbm:s3], $0xF7A  }
0x26: {  	[smem:$0x3F96] =	sst s1;
	(tag) =	ssettag s2;
	_ =	strace s9  }
0x27: {  	s1 =	sld [smem:$0x3FA6]  }
0x28: {  	s2 =	sld [smem:$0x3FA7]  }
0x29: {  	s4 =	sld [smem:$0x3FA9]  }
0x2a: {  	p0 =	seq.s32 s5, $0x0;
	s5 =	sld [smem:$0x3FAA]  }
0x2b: {  	s6 =	sld [smem:$0x3FAB]  }
0x2c: {  	s7 =	sld [smem:$0x3FAC]  }
0x2d: {  	s3 =	simm.s32 $0x108;
	s8 =	sld [smem:$0x3FAD]  }
0x2e: {  	s3 =	simm.s32 @!p0 $0x1082;
	s9 =	sld [smem:$0x3FAE]  }
0x2f: {  	lr =	sadd.s32 s0, s3;
	s0 =	sld [smem:$0x3FA5]  }
0x30: {  	s3 =	sld [smem:$0x3FA8]  }
0x31: {  	[smem:$0x3FB1] =	sst s10  }
0x32: {  	s10 =	sld [smem:$0x3FAF];
	_ =	sdelay $0x3  }
0x33: {  	p0 =	seq.s32 s10, $0x1;
	s10 =	sld [smem:$0x3FB1];
	_ =	sdelay $0x3  }
0x34: {  	[smem:$0x3FB1] =	sst s10  }
0x35: {  	s10 =	sld [smem:$0x3FB0];
	_ =	sdelay $0x3  }
0x36: {  	p1 =	seq.s32 s10, $0x1;
	s10 =	sld [smem:$0x3FB1];
	_ =	sdelay $0x3  }
0x37: {  	[smem:$0x3FB1] =	sst s10  }
0x38: {  	s10 =	sld [smem:$0x3FB2]  }
0x39: {  	_ = 	snop;
	(pc) =	sbr.ind lr, $3  }
0x3a: {  	_ = 	snop  }
0x3b: {  	_ = 	snop  }
0x3c: {  	p2 =	seq.s32 s10, $0x1;
	s10 =	sld [smem:$0x3FB1]  }
0x3d: {  	_ =	shalt  }
0x3e: {  	_ =	shalt  }
0x3f: {  	_ =	shalt  }
0x40: {  	_ =	shalt  }
0x41: {  	_ =	shalt  }
0x42: {  	_ =	shalt  }
0x43: {  	_ =	shalt  }
0x44: {  	_ =	shalt  }
0x45: {  	_ =	shalt  }
0x46: {  	_ =	shalt  }
0x47: {  	_ =	shalt  }
0x48: {  	_ =	shalt  }
0x49: {  	_ =	shalt  }
0x4a: {  	_ =	shalt  }
0x4b: {  	_ =	shalt  }
0x4c: {  	_ =	shalt  }
0x4d: {  	_ =	shalt  }
0x4e: {  	_ =	shalt  }
0x4f: {  	_ =	shalt  }
0x50: {  	_ =	shalt  }
0x51: {  	_ =	shalt  }
0x52: {  	_ =	shalt  }
0x53: {  	_ =	shalt  }
0x54: {  	_ =	shalt  }
0x55: {  	_ =	shalt  }
0x56: {  	_ =	shalt  }
0x57: {  	_ =	shalt  }
0x58: {  	_ =	shalt  }
0x59: {  	_ =	shalt  }
0x5a: {  	_ =	shalt  }
0x5b: {  	_ =	shalt  }
0x5c: {  	_ =	shalt  }
0x5d: {  	_ =	shalt  }
0x5e: {  	_ =	shalt  }
0x5f: {  	_ =	shalt  }
0x60: {  	_ =	shalt  }
0x61: {  	_ =	shalt  }
0x62: {  	_ =	shalt  }
0x63: {  	_ =	shalt  }
0x64: {  	_ =	shalt  }
0x65: {  	_ =	shalt  }
0x66: {  	_ =	shalt  }
0x67: {  	_ =	shalt  }
0x68: {  	_ =	shalt  }
0x69: {  	_ =	shalt  }
0x6a: {  	_ =	shalt  }
0x6b: {  	_ =	shalt  }
0x6c: {  	_ =	shalt  }
0x6d: {  	_ =	shalt  }
0x6e: {  	_ =	shalt  }
0x6f: {  	_ =	shalt  }
0x70: {  	_ =	shalt  }
0x71: {  	_ =	shalt  }
0x72: {  	_ =	shalt  }
0x73: {  	_ =	shalt  }
0x74: {  	_ =	shalt  }
0x75: {  	_ =	shalt  }
0x76: {  	_ =	shalt  }
0x77: {  	_ =	shalt  }
0x78: {  	_ =	shalt  }
0x79: {  	_ =	shalt  }
0x7a: {  	_ =	shalt  }
0x7b: {  	_ =	shalt  }
0x7c: {  	_ =	shalt  }
0x7d: {  	_ =	shalt  }
0x7e: {  	_ =	shalt  }
0x7f: {  	_ =	shalt  }
0x80: {  	_ =	shalt  }
0x81: {  	_ =	shalt  }
0x82: {  	_ =	shalt  }
0x83: {  	_ =	shalt  }
0x84: {  	_ =	shalt  }
0x85: {  	_ =	shalt  }
0x86: {  	_ =	shalt  }
0x87: {  	_ =	shalt  }
.Lfunc_end0:
.L_simem_size_0:
called_computation_lowered:
.L_overlay_start_0:
0x88: {  	s2 =	sld [smem:$0x3FD9]  }
0x89: {  	s3 =	sld [smem:$0x3FFE];
	_ =	sdelay $0x1  }
0x8a: {  	s1 =	srdreg.scid  }
0x8b: {  	s0 =	sand.u32 $0x1, s1  }
0x8c: {  	s13 =	sshll.u32 s0, $0xA;
	s2 =	sadd.s32 s3, s2  }
0x8d: {  	s2 =	sadd.s32 s2, s13  }
0x8e: {  	[smem:$0x3FBD] =	sst s2  }
0x8f: {  	_ = 	snop  }
0x90: {  	s2 =	sld [smem:$0x3FD0];
	_ =	sdelay $0x2  }
0x91: {  	s14 =	simm.s32 $0xB;
	s4 =	simm.s32 $0x10  }
0x92: {  	[smem:s4], [sflag:s14] =	dma.local [hbm:s2], $0x1  }
0x93: {  	_ =	swait.eq [sflag:s14], $0x1  }
0x94: {  	[sflag:s14] =	ssyncset.done $0x0  }
0x95: {  	[sflag:s14] =	ssyncadd.s32 $0xFFFFFFFF  }
0x96: {  	s15 =	sld [smem:$0x12];
	(tm) =	ssettm $0x1  }
0x97: {  	s16 =	sld [smem:$0x3FFB];
	_ =	sdelay $0x3  }
0x98: {  	_ =	strace s16  }
0x99: {  	s3 =	sld [smem:$0x3FFC];
	_ =	sdelay $0x3  }
0x9a: {  	_ =	strace s3  }
0x9b: {  	s3 =	sld [smem:$0x3FFD];
	_ =	sdelay $0x3  }
0x9c: {  	_ =	strace s3  }
0x9d: {  	_ =	strace $0x8FFFFFFF  }
0x9e: {  	s17 =	sld [smem:$0x3FDB];
	_ =	sdelay $0x1  }
0x9f: {  	s18 =	simm.s32 $_scs_section_size  }
0xa0: {  	s5 =	simm.s32 $_size__tile_overlayer_lowered;
	s6 =	simm.s32 $_tile_overlayer_lowered  }
0xa1: {  	s21 =	simm.s32 $0x1BFF;
	s20 =	sshll.u32 s6, $0x1;
	s3 =	sadd.s32 s18, s17  }
0xa2: {  	s7 =	simm.s32 $0x0;
	s19 =	sshll.u32 s5, $0x1;
	s5 =	sadd.s32 s20, s3  }
0xa3: {  	[timem:s7], [sflag:s21] =	dma.local [hbm:s5], s19  }
0xa4: {  	_ =	swait.ge [sflag:s21], s19  }
0xa5: {  	s4 =	ssub.s32 $0x0, s19;
	[sflag:s21] =	ssyncset.done $0x0  }
0xa6: {  	[sflag:s21] =	ssyncadd.s32 s4;
	_ =	sdelay $0x1  }
0xa7: {  	s22 =	simm.s32 $0x1B8B  }
0xa8: {  	_ =	swait.ge [sflag:s22], $0x1  }
0xa9: {  	[sflag:s22] =	ssyncset.done $0x0  }
0xaa: {  	s23 =	sld [smem:$0x3FFE];
	[sflag:s22] =	ssyncadd.s32 $0xFFFFFFFF  }
0xab: {  	s25 =	simm.s32 $0x1B8E;
	s24 =	sld [smem:$0x0]  }
0xac: {  	s26 =	simm.s32 $execute0_lowered;
	[smem:$0x3FD2] =	sst s25  }
0xad: {  	s6 =	sshll.u32 s26, $0x1;
	_ =	strace $0x80000049;
	[dreg:$0x1] =	wrdreg $0xFFFFFFFF  }
0xae: {  	s28 =	simm.s32 $_size_execute0_lowered;
	s3 =	sadd.s32 s3, s6;
	[dreg:$0x0] =	wrdreg $0x0  }
0xaf: {  	s6 =	sshll.u32 s28, $0x1;
	[dreg:$0x2] =	wrdreg s3  }
0xb0: {  	[dreg:$0x3] =	wrdreg s6  }
0xb1: {  	[dreg:$0x4] =	wrdreg $0xC0  }
0xb2: {  	_ =	task [dreg:s7], $0x5FFFF  }
0xb3: {  	[dreg:$0x1] =	wrdreg $0xFFFFFFFF  }
0xb4: {  	[dreg:$0x0] =	wrdreg $0x60  }
0xb5: {  	[dreg:$0x2] =	wrdreg s15  }
0xb6: {  	[dreg:$0x3] =	wrdreg s23  }
0xb7: {  	[dreg:$0x4] =	wrdreg s1  }
0xb8: {  	[dreg:$0x5] =	wrdreg s24  }
0xb9: {  	[dreg:$0x6] =	wrdreg $0x9  }
0xba: {  	_ =	task.clear_ibuf [dreg:s7], $0x7FFFF;
	_ =	strace $0x90000049  }
0xbb: {  	s29 =	simm.s32 $0x9;
	_ =	strace $0x8000004B  }
0xbc: {  	_ =	swait.ge [sflag:s29], $0x1  }
0xbd: {  	[sflag:s29] =	ssyncadd.s32 $0xFFFFFFFF  }
0xbe: {  	_ =	strace $0x9000004B  }
0xbf: {  	_ =	sfence  }
0xc0: {  	s30 =	sld [smem:$0x0];
	_ =	sdelay $0x2  }
0xc1: {  	s31 =	sshll.u32 s1, $0xD;
	s1 =	sshrl.u32 s1, $0x2  }
0xc2: {  	s3 =	sand.u32 $0x4000, s31;
	s1 =	sadd.s32 s1, s30  }
0xc3: {  	s0 =	sor.u32 s3, s0;
	s1 =	sshll.u32 s1, $0x11  }
0xc4: {  	s0 =	sor.u32 s1, s0  }
0xc5: {  	s0 =	sadd.s32 $0x8F2B, s0  }
0xc6: {  	[sflag:s0] =	ssyncadd.remote.s32 $0x1  }
0xc7: {  	_ =	sfence.sel $0xFFFF  }
0xc8: {  	[dreg:$0x0] =	wrdreg $0xFFFFFFFF;
	(pc) =	sbr.abs _section_cstart, $3  }
0xc9: {  	[dreg:$0x1] =	wrdreg $0xFFFFFFFF  }
0xca: {  	_ =	task.clear_ibuf [dreg:s7], $0x2FFFF;
	_ =	strace $0x9FFFFFFF  }
0xcb: {  	(tm) =	ssettm $0x7FFFFFFF  }
tec
execute0_lowered:
.L_overlay_start_1:
0x0: {  	(tag) =	ssettag $0x1  }
0x1: {  	s1 =	rddreg [dreg:$0x0]  }
0x2: {  	s15 =	rddreg [dreg:$0x1]  }
0x3: {  	s2 =	rddreg [dreg:$0x2];
	_ =	strace $0x8000004A;
	s0 =	simm.s32 $0x1  }
0x4: {  	v0 =	vimm.s32 $0x0;
	[sflag:s0] =	ssyncpa.u1 $0x0;
	s0 =	simm.s32 $0x108  }
0x5: {  	[tilespmem:s0+$0x70] =	vst v0  }
0x6: {  	[tilespmem:s0+$0x60] =	vst v0  }
0x7: {  	[tilespmem:s0+$0x50] =	vst v0  }
0x8: {  	[tilespmem:s0+$0x40] =	vst v0  }
0x9: {  	[tilespmem:s0+$0x30] =	vst v0  }
0xa: {  	s3 =	simm.s32 $0x40;
	[tilespmem:s0+$0x20] =	vst v0  }
0xb: {  	s6 =	sadd.s32 $0x13C00, s15;
	s14 =	sadd.s32 $0x4F5C00, s15;
	s5 =	sand.u32 $0x1, s2;
	[tilespmem:s0+$0x10] =	vst v0  }
.LBB2_1:
0xc: {  	s3 =	sadd.s32 $0x40, s3;
	[tilespmem:s0+$0x0] =	vst v0;
	s0 =	sadd.s32 $0x80, s0  }
0xd: {  	p0 =	slt.u32 s3, $0x3C40;
	[tilespmem:s0+$0x70] =	vst v0  }
0xe: {  	[tilespmem:s0+$0x60] =	vst v0  }
.Ltmp0:
0xf: {  	[tilespmem:s0+$0x50] =	vst v0;
	(pc) =	sbr.rel @p0 .LBB2_1-.Ltmp0, $4  }
0x10: {  	[tilespmem:s0+$0x40] =	vst v0  }
0x11: {  	[tilespmem:s0+$0x30] =	vst v0  }
0x12: {  	[tilespmem:s0+$0x20] =	vst v0  }
0x13: {  	[tilespmem:s0+$0x10] =	vst v0  }
0x14: {  	s9 =	stileid.u32  }
0x15: {  	s2 =	smul.u32 $0x29, s9  }
0x16: {  	s3 =	smin.u32 s9, $0xB  }
0x17: {  	s2 =	sadd.s32 s3, s2  }
0x18: {  	p0 =	slt.u32 s9, $0xB;
	s7 =	smul.u32 $0xF0, s2;
	s2 =	simm.s32 $0x2760  }
0x19: {  	s2 =	simm.s32 @!p0 $0x2670  }
0x1a: {  	s2 =	sadd.s32 s2, s7  }
0x1b: {  	s8 =	smin.u32 s2, $0x27100  }
0x1c: {  	s2 =	ssub.s32 s8, s7  }
0x1d: {  	p0 =	sgt.s32 s2, $0x0  }
0x1e: {  	s29 =	simm.s32 $0x2;
	s10 =	simm.s32 $0x9;
	s2 =	simm.s32 @!p0 $0x0  }
0x1f: {  	s4 =	simm.s32 $0xA;
	s11 =	simm.s32 $0xB;
	s28 =	smulhi.u32 $0x88888889, s2  }
0x20: {  	[dreg:$0x5] =	wrdreg s5;
	s31 =	smul.u32 $0x4E20, s5;
	s12 =	simm.s32 $0x1  }
0x21: {  	s22 =	simm.s32 $0x0;
	s18 =	simm.s32 $0xC;
	s30 =	sshrl.u32 s28, $0x7  }
0x22: {  	s20 =	simm.s32 $0x0;
	s21 =	simm.s32 $0x0;
	s3 =	smul.u32 $0xF0, s30  }
.Ltmp1:
0x23: {  	[tilespmem:s0+$0x0] =	vst v0;
	v0 =	vimm.s32 $0xFFFFFFFF;
	[sflag:s29] =	ssyncpa.u1 $0x0;
	s16 =	sshll.u32 s9, $0x8;
	(pc) =	sbr.rel .LBB2_3-.Ltmp1, $4  }
0x24: {  	[tilespmem:$0xF208] =	vst v0;
	[sflag:s10] =	ssyncpa.u1 $0x0;
	p0 =	sne.s32 s2, s3;
	s2 =	simm.s32 $0x1  }
0x25: {  	s14 =	sadd.s32 s31, s14;
	[sflag:s4] =	ssyncpa.u1 $0x0;
	s2 =	simm.s32 @!p0 $0x0  }
0x26: {  	s15 =	sadd.s32 s31, s15;
	[sflag:s11] =	ssyncpa.u1 $0x0;
	s13 =	sadd.s32 s2, s30  }
0x27: {  	v0 =	vlaneseq.u32;
	s19 =	smov.u32 s7;
	p0 =	por $0x0, $0x0;
	s17 =	sadd.s32 $0x1, s13  }
.LBB2_18:
0x28: {  	s0 =	sshrl.u32 s31, $0x2  }
.LBB2_20:
0x29: {  	_ =	swait.ge [sflag:s18], s0  }
0x2a: {  	s31 =	ssub.s32 $0x0, s0;
	v1 =	vmov s24;
	vm0 =	veq.s32 v0, $0x0;
	[sflag:s18] =	ssyncset.done $0x0  }
0x2b: {  	vm15 =	veq.s32 v0, $0x2;
	v1 =	vsel vm0, s30, v1;
	[sflag:s18] =	ssyncadd.s32 s31  }
0x2c: {  	v1 =	vsel vm15, s22, v1;
	[sflag:s18] =	ssyncpa.u1 $0x1  }
0x2d: {  	[tilespmem:$0xF208] =	vst v1  }
.LBB2_21:
0x2e: {  	s0 =	sadd.s32 $0xF0, s19  }
0x2f: {  	s2 =	smov.u32 s7;
	p1 =	slt.s32 s0, s8  }
0x30: {  	s2 =	smov.u32 @p1 s0;
	p1 =	sne.s32 s21, s17  }
.Ltmp2:
0x31: {  	_ = 	snop;
	(pc) =	sbr.rel @!p1 .LBB2_22-.Ltmp2, $3  }
0x32: {  	_ =	sdelay $0x1  }
0x33: {  	s22 =	smov.u32 s20;
	s31 =	sadd.s32 $0x1, s21;
	s20 =	smov.u32 s19  }
0x34: {  	p0 =	por !p0, !p0;
	s21 =	smov.u32 s31;
	s19 =	smov.u32 s2  }
.LBB2_3:
0x35: {  	p1 =	sge.u32 s21, s13  }
0x36: {  	s0 =	smulhi.u32 @!p1 $0xAAAAAAAB, s21  }
0x37: {  	s2 =	smov.u32 s19;
	p2 =	sgt.s32 @!p1 s19, $0x27010  }
0x38: {  	s3 =	sshra.s32 @!p1 s19, $0x1F;
	p2 =	por !p2, p1;
	s0 =	sshrl.u32 @!p1 s0, $0x1  }
0x39: {  	s3 =	sand.u32 @!p1 s3, s19;
	s2 =	simm.s32 @p2 $0x27010;
	s0 =	smul.u32 @!p1 $0x3, s0  }
0x3a: {  	s2 =	ssub.s32 @!p1 s2, s3  }
0x3b: {  	s2 =	sadd.s32 @!p1 $0xFFFD8FF0, s2;
	s0 =	ssub.s32 @!p1 s21, s0  }
0x3c: {  	s3 =	sshll.u32 @!p1 s2, $0x2;
	p2 =	sgt.s32 @!p1 s2, $0xEF;
	s0 =	smul.u32 @!p1 $0x3C0, s0  }
0x3d: {  	s4 =	sand.u32 @!p1 $0x7, s19;
	s2 =	ssub.s32 @!p1 $0x3C0, s3;
	p2 =	por !p2, p1  }
0x3e: {  	s3 =	sshrl.u32 @!p1 s19, $0x3;
	s2 =	sshrl.u32 @!p1 s2, $0x2;
	s0 =	sshrl.u32 @!p1 s0, $0x2  }
0x3f: {  	s3 =	sadd.s32 @!p1 s3, s14;
	s2 =	simm.s32 @!p2 $0x0;
	s0 =	sadd.s32 @!p1 $0x10248, s0  }
0x40: {  	[tilespmem:s0], [sflag:$0xA] =	stream.linear.gather @!p1 [hbm4b:s3+s4], s2, $0x38;
	[tilespmem:$0x1F6F8] =	vst v63  }
0x41: {  	s0 =	sadd.s32 $0xFFFFFFFF, s21  }
0x42: {  	p1 =	sge.u32 s0, s13  }
0x43: {  	p2 =	sgt.s32 @!p1 s20, $0x27010  }
0x44: {  	s2 =	smov.u32 s20;
	s3 =	sshra.s32 @!p1 s20, $0x1F;
	p2 =	por !p2, p1  }
0x45: {  	s3 =	sand.u32 @!p1 s3, s20;
	s2 =	simm.s32 @p2 $0x27010  }
0x46: {  	s2 =	ssub.s32 @!p1 s2, s3  }
0x47: {  	s2 =	sadd.s32 @!p1 $0xFFFD8FF0, s2  }
0x48: {  	s4 =	sand.u32 @!p1 $0x1, s0;
	s3 =	sshll.u32 @!p1 s2, $0x2  }
0x49: {  	p2 =	sgt.s32 @!p1 s2, $0xEF;
	s2 =	ssub.s32 @!p1 $0x3C0, s3;
	s3 =	smulhi.u32 @!p1 $0xAAAAAAAB, s0  }
0x4a: {  	s23 =	smul.u32 @!p1 $0x3C0, s4;
	p2 =	por !p2, p1;
	s2 =	sshrl.u32 @!p1 s2, $0x2  }
0x4b: {  	s5 =	simm.s32 @!p1 $0xA;
	s2 =	simm.s32 @!p2 $0x0;
	s3 =	sshrl.u32 @!p1 s3, $0x1  }
0x4c: {  	s23 =	sshrl.u32 @!p1 s23, $0x2;
	_ =	swait.ge @!p1 [sflag:s5], s2;
	s3 =	smul.u32 @!p1 $0x3, s3  }
0x4d: {  	s23 =	sadd.s32 @!p1 $0x10518, s23;
	s24 =	ssub.s32 @!p1 $0x0, s2;
	[sflag:s5] =	ssyncset.done @!p1 $0x0  }
0x4e: {  	[sflag:s5] =	ssyncadd.s32 @!p1 s24;
	s5 =	sshrl.u32 @!p1 s20, $0x3;
	s0 =	ssub.s32 @!p1 s0, s3  }
0x4f: {  	s24 =	sand.u32 @!p1 $0x7, s20;
	s5 =	sadd.s32 @!p1 s5, s15;
	s0 =	smul.u32 @!p1 $0x3C0, s0  }
0x50: {  	[tilespmem:s23], [sflag:$0xB] =	stream.linear.gather @!p1 [hbm4b:s5+s24], s2, $0x38;
	[tilespmem:$0x1F6F8] =	vst v63  }
0x51: {  	s3 =	ssub.s32 @!p1 $0x27100, s20;
	s2 =	smul.u32 @!p1 $0x1E000, s4  }
0x52: {  	p2 =	slt.s32 @!p1 s3, $0xF0  }
0x53: {  	p2 =	por !p2, p1;
	s0 =	sshrl.u32 @!p1 s0, $0x2;
	s2 =	sshrl.u32 @!p1 s2, $0x2  }
0x54: {  	s3 =	simm.s32 @p2 $0xF0;
	s0 =	sadd.s32 @!p1 $0x10248, s0;
	s2 =	sor.u32 @!p1 $0x106F8, s2  }
0x55: {  	[tilespmem:s2], [sflag:$0x9] =	stream.indirect.gather @!p1 [hbm4b:s6+s3], $0x80, s0, s3, $0xb8;
	[tilespmem:$0x1F6F8] =	vst v63  }
0x56: {  	p1 =	slt.u32 s21, $0x2  }
.Ltmp3:
0x57: {  	_ = 	snop;
	(pc) =	sbr.rel @p1 .LBB2_21-.Ltmp3, $1  }
0x58: {  	_ =	sdelay $0x3  }
0x59: {  	p1 =	sgt.s32 s22, $0x27010  }
0x5a: {  	s0 =	smov.u32 s22;
	s2 =	sshra.s32 s22, $0x1F;
	s3 =	ssub.s32 $0x27100, s22  }
0x5b: {  	s0 =	simm.s32 @!p1 $0x27010;
	s2 =	sand.u32 s2, s22;
	p1 =	slt.s32 s3, $0xF0  }
0x5c: {  	s0 =	ssub.s32 s0, s2;
	s3 =	simm.s32 @!p1 $0xF0  }
0x5d: {  	s0 =	sadd.s32 $0xFFFD8FF0, s0;
	s25 =	sshll.u32 s3, $0x7  }
0x5e: {  	s26 =	sshll.u32 s0, $0x2;
	s2 =	sand.u32 $0x3FFFFF80, s25  }
0x5f: {  	p1 =	sgt.s32 s0, $0xEF;
	s29 =	ssub.s32 $0x3C0, s26;
	_ =	swait.ge [sflag:s10], s2  }
0x60: {  	s2 =	ssub.s32 $0x0, s2;
	[sflag:s10] =	ssyncset.done $0x0;
	s0 =	sshrl.u32 s29, $0x2  }
0x61: {  	[sflag:s10] =	ssyncadd.s32 s2;
	s0 =	simm.s32 @p1 $0x0  }
0x62: {  	_ =	swait.ge [sflag:s11], s0  }
0x63: {  	s0 =	ssub.s32 $0x0, s0;
	[sflag:s11] =	ssyncset.done $0x0  }
0x64: {  	[sflag:s11] =	ssyncadd.s32 s0  }
0x65: {  	v1 =	vld [tilespmem:$0xF208];
	_ =	sdelay $0x4  }
0x66: {  	(v2sf) =	vpush v1, $0x0  }
0x67: {  	(v2sf) =	vpush v1, $0x1  }
0x68: {  	(v2sf) =	vpush v1, $0x2;
	_ =	sdelay $0x3  }
0x69: {  	s0 =	sadd.s32 $0xF0, s22  }
0x6a: {  	s2 =	ssub.s32 $0x4E200, s22;
	p1 =	slt.s32 s8, s0  }
0x6b: {  	s0 =	smov.u32 @p1 s8;
	p1 =	sgt.s32 s2, $0x0  }
0x6c: {  	s26 =	ssub.s32 s0, s22;
	s2 =	simm.s32 @!p1 $0x0  }
0x6d: {  	p1 =	slt.s32 s2, s26  }
0x6e: {  	s26 =	smov.u32 @p1 s2  }
0x6f: {  	s25 =	simm.s32 $0x1;
	p1 =	slt.s32 s26, $0x1  }
.Ltmp4:
0x70: {  	s25 =	simm.s32 @!p0 $0x0;
	(pc) =	sbr.rel @p1 .LBB2_8-.Ltmp4, $4  }
0x71: {  	s31 =	smul.u32 $0x3C0, s25  }
0x72: {  	s28 =	spop (v2sf)  }
0x73: {  	s0 =	sshrl.u32 s31, $0x2;
	s30 =	spop (v2sf)  }
0x74: {  	s23 =	sadd.s32 $0x10518, s0;
	s22 =	spop (v2sf)  }
0x75: {  	s0 =	smin.u32 s26, $0x10  }
0x76: {  	v1 =	vmov s0  }
0x77: {  	p2 =	sgt.s32 s26, $0x10;
	vm1 =	vgt.u32 v1, v0  }
.Ltmp5:
0x78: {  	_ = 	snop;
	(pc) =	sbr.rel @!p2 .LBB2_7-.Ltmp5, $2  }
0x79: {  	_ =	sdelay $0x2  }
0x7a: {  	s4 =	simm.s32 $0x10;
	s24 =	sadd.s32 $0xFFFFFFF0, s26;
	s0 =	smov.u32 s23;
	vm0 =	vmmov vm1  }
.LBB2_6:
0x7b: {  	s2 =	smin.u32 s24, $0x10;
	s4 =	sadd.s32 $0x10, s4;
	v1 =	vld.msk [tilespmem:s0+$0x0 ss:$0x1], vm1  }
0x7c: {  	v2 =	vmov s2;
	p2 =	slt.s32 s4, s26  }
0x7d: {  	vm1 =	vgt.u32 v2, v0  }
.Ltmp6:
0x7e: {  	(pc) =	sbr.rel @p2 .LBB2_6-.Ltmp6, $3  }
0x7f: {  	_ =	sdelay $0x1  }
0x80: {  	v1 =	vshll.u32 v1, $0x4  }
0x81: {  	s24 =	sadd.s32 $0xFFFFFFF0, s24;
	[tilespmem:s0+$0x0] =	vst.msk vm0, v1;
	s0 =	sadd.s32 $0x10, s0;
	vm0 =	vmmov vm1  }
.LBB2_7:
0x82: {  	_ =	sdelay $0x4  }
0x83: {  	v1 =	vld.msk [tilespmem:s0+$0x0 ss:$0x1], vm1;
	_ =	sdelay $0x4  }
0x84: {  	v1 =	vshll.u32 v1, $0x4  }
0x85: {  	[tilespmem:s0+$0x0] =	vst.msk vm0, v1  }
.LBB2_8:
0x86: {  	s0 =	sand.u32 $0x1, s21  }
0x87: {  	s0 =	smul.u32 $0xF0, s0  }
0x88: {  	p2 =	sne.s32 s30, $0xFFFFFFFF  }
0x89: {  	v1 =	vld.msk @!p2 [tilespmem:s0+$0x10518], $0x1;
	_ =	sdelay $0x4  }
0x8a: {  	(v2sf) =	vpush @!p2 v1, $0x0;
	_ =	sdelay $0xc  }
.Ltmp7:
0x8b: {  	_ = 	snop;
	(pc) =	sbr.rel @p1 .LBB2_19-.Ltmp7, $4  }
0x8c: {  	_ = 	snop  }
0x8d: {  	s29 =	spop @!p2 (v2sf)  }
0x8e: {  	s22 =	simm.s32 @!p2 $0x0;
	s24 =	smov.u32 s29  }
0x8f: {  	[sflag:s18] =	ssyncpa.u1 $0x0;
	s29 =	smov.u32 @p2 s28;
	s24 =	smov.u32 @p2 s30  }
0x90: {  	v1 =	vld.msk [tilespmem:s23+$0x0], $0x1;
	_ =	sdelay $0x4  }
0x91: {  	(v2sf) =	vpush v1, $0x0;
	_ =	sdelay $0xe  }
0x92: {  	s2 =	smul.u32 $0x1E000, s25;
	s0 =	spop (v2sf)  }
0x93: {  	s26 =	ssub.s32 $0x0, s26;
	p1 =	seq.s32 s29, s0  }
0x94: {  	s30 =	sadd.s32 $0x1, s26;
	s2 =	sshrl.u32 s2, $0x2;
	p2 =	sgt.s32 @!p1 s29, $0x0  }
0x95: {  	s25 =	sor.u32 $0x10738, s2;
	s2 =	smov.u32 s29;
	p2 =	por !p2, p1  }
0x96: {  	s2 =	simm.s32 @p2 $0x0;
	p2 =	seq.s32 s30, $0x0  }
.Ltmp8:
0x97: {  	_ = 	snop;
	(pc) =	sbr.rel @p2 .LBB2_11-.Ltmp8, $4  }
0x98: {  	_ = 	snop  }
0x99: {  	s28 =	simm.s32 $0x0;
	s31 =	sadd.s32 $0x1, s23;
	s2 =	smin.u32 @!p1 s2, $0x270F0  }
0x9a: {  	s4 =	simm.s32 @!p1 $0x1;
	s5 =	simm.s32 @!p1 $0x7988;
	s3 =	sand.u32 @!p1 $0x3FFF8, s2  }
0x9b: {  	s4 =	smov.u32 @p1 s28;
	s2 =	sand.u32 @!p1 $0x7, s2;
	s3 =	sadd.s32 @!p1 s1, s3  }
.LBB2_10:
0x9c: {  	s9 =	smov.u32 s4  }
0x9d: {  	[tilespmem:s5], [sflag:$0x2] =	stream.linear.gather @!p1 [hbm4b:s3+s2], $0x80, $0x38;
	[tilespmem:$0x1F6F8] =	vst v63  }
0x9e: {  	s30 =	sadd.s32 $0x1, s30;
	s2 =	smov.u32 s0;
	v1 =	vld.msk [tilespmem:s31+$0x0], $0x1  }
0x9f: {  	p2 =	seq.s32 s30, $0x0;
	_ =	sdelay $0x3  }
0xa0: {  	(v2sf) =	vpush v1, $0x0;
	_ =	sdelay $0xe  }
0xa1: {  	s0 =	spop (v2sf)  }
0xa2: {  	p1 =	seq.s32 s2, s0  }
0xa3: {  	p3 =	sgt.s32 @!p1 s2, $0x0;
	s3 =	sshll.u32 @!p1 s4, $0x9;
	s4 =	sadd.s32 @!p1 $0x1, s4  }
.Ltmp9:
0xa4: {  	p3 =	por !p3, p1;
	s3 =	sshra.s32 @!p1 s3, $0x2;
	(pc) =	sbr.rel @!p2 .LBB2_10-.Ltmp9, $4  }
0xa5: {  	s4 =	smov.u32 @p1 s9;
	s2 =	simm.s32 @p3 $0x0;
	s5 =	sadd.s32 @!p1 $0x7988, s3  }
0xa6: {  	s2 =	smin.u32 @!p1 s2, $0x270F0  }
0xa7: {  	s3 =	sand.u32 @!p1 $0x3FFF8, s2;
	s2 =	sand.u32 @!p1 $0x7, s2  }
0xa8: {  	s31 =	sadd.s32 $0x1, s31;
	s3 =	sadd.s32 @!p1 s1, s3  }
.LBB2_11:
0xa9: {  	[tilespmem:s5], [sflag:$0x2] =	stream.linear.gather @!p1 [hbm4b:s3+s2], $0x80, $0x38;
	[tilespmem:$0x1F6F8] =	vst v63  }
.Ltmp10:
0xaa: {  	s0 =	sshll.u32 s4, $0x7;
	(pc) =	sbr.rel .LBB2_12-.Ltmp10, $4  }
0xab: {  	s30 =	simm.s32 $0x2;
	s0 =	sand.u32 $0x3FFFFF80, s0  }
0xac: {  	_ =	swait.ge [sflag:s30], s0  }
0xad: {  	s0 =	ssub.s32 $0x0, s0;
	[sflag:s30] =	ssyncset.done $0x0  }
0xae: {  	s31 =	simm.s32 $0x0;
	[sflag:s30] =	ssyncadd.s32 s0  }
.LBB2_13:
0xaf: {  	v1 =	vld [tilespmem:s25+$0xFFFFFFC0];
	_ =	sdelay $0x3  }
0xb0: {  	s0 =	sshra.s32 s0, $0x2  }
0xb1: {  	[tilespmem:s0+$0x108] =	vst.add.f32.msk $0xffff, v1  }
0xb2: {  	v1 =	vld [tilespmem:s25+$0xFFFFFFD0];
	_ =	sdelay $0x4  }
0xb3: {  	[tilespmem:s0+$0x118] =	vst.add.f32.msk $0xffff, v1  }
0xb4: {  	v1 =	vld [tilespmem:s25+$0xFFFFFFE0];
	_ =	sdelay $0x4  }
0xb5: {  	[tilespmem:s0+$0x128] =	vst.add.f32.msk $0xffff, v1  }
0xb6: {  	v1 =	vld [tilespmem:s25+$0xFFFFFFF0];
	_ =	sdelay $0x4  }
0xb7: {  	[tilespmem:s0+$0x138] =	vst.add.f32.msk $0xffff, v1  }
0xb8: {  	v1 =	vld [tilespmem:s25+$0x0];
	_ =	sdelay $0x4  }
0xb9: {  	[tilespmem:s0+$0x148] =	vst.add.f32.msk $0xffff, v1  }
0xba: {  	v1 =	vld [tilespmem:s25+$0x10];
	_ =	sdelay $0x4  }
0xbb: {  	[tilespmem:s0+$0x158] =	vst.add.f32.msk $0xffff, v1  }
0xbc: {  	v1 =	vld [tilespmem:s25+$0x20];
	_ =	sdelay $0x4  }
0xbd: {  	[tilespmem:s0+$0x168] =	vst.add.f32.msk $0xffff, v1  }
0xbe: {  	v1 =	vld [tilespmem:s25+$0x30];
	_ =	sdelay $0x4  }
0xbf: {  	[tilespmem:s0+$0x178] =	vst.add.f32.msk $0xffff, v1  }
.LBB2_17:
0xc0: {  	s26 =	sadd.s32 $0x1, s26  }
0xc1: {  	p1 =	seq.s32 s26, $0x0  }
.Ltmp11:
0xc2: {  	_ = 	snop;
	(pc) =	sbr.rel @p1 .LBB2_18-.Ltmp11, $2  }
0xc3: {  	_ =	sdelay $0x2  }
0xc4: {  	s23 =	sadd.s32 $0x1, s23;
	s25 =	sadd.s32 $0x80, s25;
	s29 =	smov.u32 s30  }
.LBB2_12:
0xc5: {  	v1 =	vld.msk [tilespmem:s23+$0x0], $0x1;
	_ =	sdelay $0x4  }
0xc6: {  	(v2sf) =	vpush v1, $0x0;
	_ =	sdelay $0xe  }
0xc7: {  	s30 =	spop (v2sf)  }
0xc8: {  	p1 =	sne.s32 s29, s30  }
.Ltmp12:
0xc9: {  	_ = 	snop;
	(pc) =	sbr.rel @!p1 .LBB2_13-.Ltmp12, $2  }
0xca: {  	_ =	sdelay $0x2  }
0xcb: {  	s0 =	sshll.u32 s22, $0x9  }
0xcc: {  	p1 =	seq.s32 s29, s24  }
.Ltmp13:
0xcd: {  	_ = 	snop;
	(pc) =	sbr.rel @!p1 .LBB2_15-.Ltmp13, $1  }
0xce: {  	_ =	sdelay $0x3  }
0xcf: {  	s0 =	sshra.s32 s0, $0x2  }
.Ltmp14:
0xd0: {  	s0 =	sadd.s32 $0x108, s0;
	(pc) =	sbr.rel .LBB2_16-.Ltmp14, $4  }
0xd1: {  	[spmem:s16] =	stream.linear.scatter [tilespmem:s0], [sflag:$0x1], $0x80, $0x38;
	[tilespmem:$0x1F6F8] =	vst v63  }
0xd2: {  	_ =	swait.ge [sflag:s12], $0x80  }
0xd3: {  	[sflag:s12] =	ssyncset.done $0x0  }
0xd4: {  	[sflag:s12] =	ssyncadd.s32 $0xFFFFFF80  }
.LBB2_15:
0xd5: {  	s2 =	sshll.u32 s28, $0x9  }
0xd6: {  	s2 =	sshra.s32 s2, $0x2  }
0xd7: {  	v1 =	vld [tilespmem:s2+$0x7988];
	_ =	sdelay $0x3  }
0xd8: {  	s0 =	sshra.s32 s0, $0x2  }
0xd9: {  	[tilespmem:s0+$0x108] =	vst.add.f32.msk $0xffff, v1  }
0xda: {  	v1 =	vld [tilespmem:s2+$0x7998];
	_ =	sdelay $0x4  }
0xdb: {  	[tilespmem:s0+$0x118] =	vst.add.f32.msk $0xffff, v1  }
0xdc: {  	v1 =	vld [tilespmem:s2+$0x79A8];
	_ =	sdelay $0x4  }
0xdd: {  	[tilespmem:s0+$0x128] =	vst.add.f32.msk $0xffff, v1  }
0xde: {  	v1 =	vld [tilespmem:s2+$0x79B8];
	_ =	sdelay $0x4  }
0xdf: {  	[tilespmem:s0+$0x138] =	vst.add.f32.msk $0xffff, v1  }
0xe0: {  	v1 =	vld [tilespmem:s2+$0x79C8];
	_ =	sdelay $0x4  }
0xe1: {  	[tilespmem:s0+$0x148] =	vst.add.f32.msk $0xffff, v1  }
0xe2: {  	v1 =	vld [tilespmem:s2+$0x79D8];
	_ =	sdelay $0x4  }
0xe3: {  	[tilespmem:s0+$0x158] =	vst.add.f32.msk $0xffff, v1  }
0xe4: {  	v1 =	vld [tilespmem:s2+$0x79E8];
	_ =	sdelay $0x4  }
0xe5: {  	[tilespmem:s0+$0x168] =	vst.add.f32.msk $0xffff, v1  }
0xe6: {  	v1 =	vld [tilespmem:s2+$0x79F8];
	_ =	sdelay $0x2  }
0xe7: {  	p1 =	sgt.u32 s29, $0x270F0  }
0xe8: {  	s2 =	sand.u32 @!p1 $0x3FFF8, s29  }
0xe9: {  	s3 =	sadd.s32 $0x108, s0;
	[tilespmem:s0+$0x178] =	vst.add.f32.msk $0xffff, v1;
	s0 =	sadd.s32 @!p1 s1, s2;
	s2 =	sand.u32 @!p1 $0x7, s29  }
0xea: {  	[hbm4b:s0+s2] =	stream.linear.scatter @!p1 [tilespmem:s3], [sflag:$0xC], $0x80, $0x38;
	[tilespmem:$0x1F6F8] =	vst v63  }
0xeb: {  	s0 =	simm.s32 $0x0  }
0xec: {  	s0 =	simm.s32 @!p1 $0x200  }
0xed: {  	s31 =	sadd.s32 s0, s31  }
.LBB2_16:
0xee: {  	s0 =	sadd.s32 $0x1, s22  }
0xef: {  	s2 =	smulhi.u32 $0x88888889, s0;
	_ =	sdelay $0x1  }
0xf0: {  	v1 =	vld [tilespmem:s25+$0xFFFFFFC0];
	s2 =	sshrl.u32 s2, $0x7  }
0xf1: {  	s2 =	smul.u32 $0xF0, s2;
	_ =	sdelay $0x1  }
0xf2: {  	s22 =	ssub.s32 s0, s2  }
0xf3: {  	s0 =	sshll.u32 s22, $0x7  }
0xf4: {  	[tilespmem:s0+$0x108] =	vst v1  }
0xf5: {  	v1 =	vld [tilespmem:s25+$0xFFFFFFD0];
	_ =	sdelay $0x4  }
0xf6: {  	[tilespmem:s0+$0x118] =	vst v1  }
0xf7: {  	v1 =	vld [tilespmem:s25+$0xFFFFFFE0];
	_ =	sdelay $0x4  }
0xf8: {  	[tilespmem:s0+$0x128] =	vst v1  }
0xf9: {  	v1 =	vld [tilespmem:s25+$0xFFFFFFF0];
	_ =	sdelay $0x4  }
0xfa: {  	[tilespmem:s0+$0x138] =	vst v1  }
0xfb: {  	v1 =	vld [tilespmem:s25+$0x0];
	_ =	sdelay $0x4  }
0xfc: {  	[tilespmem:s0+$0x148] =	vst v1  }
0xfd: {  	v1 =	vld [tilespmem:s25+$0x10];
	_ =	sdelay $0x4  }
0xfe: {  	[tilespmem:s0+$0x158] =	vst v1  }
0xff: {  	v1 =	vld [tilespmem:s25+$0x20];
	_ =	sdelay $0x4  }
0x100: {  	[tilespmem:s0+$0x168] =	vst v1  }
0x101: {  	v1 =	vld [tilespmem:s25+$0x30]  }
.Ltmp15:
0x102: {  	_ = 	snop;
	(pc) =	sbr.rel .LBB2_17-.Ltmp15, $2  }
0x103: {  	_ =	sdelay $0x2  }
0x104: {  	s28 =	sadd.s32 $0x1, s28;
	[tilespmem:s0+$0x178] =	vst v1  }
.LBB2_19:
.Ltmp16:
0x105: {  	(pc) =	sbr.rel .LBB2_20-.Ltmp16, $4  }
0x106: {  	_ = 	snop  }
0x107: {  	s0 =	simm.s32 $0x2  }
0x108: {  	_ =	swait.ge [sflag:s0], $0x0  }
0x109: {  	s30 =	smov.u32 s29;
	[sflag:s0] =	ssyncset.done $0x0;
	s0 =	simm.s32 $0x0  }
.LBB2_22:
0x10a: {  	_ =	sfence.sel $0x180000  }
0x10b: {  	s0 =	simm.s32 $0x9;
	[bflag:$0x0] =	sbarrier.arrive $0xFFFF  }
0x10c: {  	s24 =	simm.s32 $0xA;
	[sflag:s0] =	ssyncpa.u1 $0x1  }
0x10d: {  	s25 =	simm.s32 $0xB;
	[sflag:s24] =	ssyncpa.u1 $0x1  }
0x10e: {  	s26 =	simm.s32 $0x2;
	[sflag:s25] =	ssyncpa.u1 $0x1  }
0x10f: {  	[sflag:s26] =	ssyncpa.u1 $0x1  }
0x110: {  	v0 =	vld [tilespmem:$0xF208];
	_ =	sdelay $0x4  }
0x111: {  	(v2sf) =	vpush v0, $0x0  }
0x112: {  	(v2sf) =	vpush v0, $0x1;
	_ =	sdelay $0x1  }
0x113: {  	(v2sf) =	vpush v0, $0x2;
	_ =	sdelay $0xb  }
0x114: {  	s0 =	spop (v2sf)  }
0x115: {  	s2 =	spop (v2sf)  }
0x116: {  	s3 =	smov.u32 s0;
	p0 =	sne.s32 s0, s2  }
0x117: {  	s4 =	spop (v2sf);
	s3 =	simm.s32 @!p0 $0xFFFFFFFF  }
0x118: {  	v2 =	vimm.s32 $0x1;
	v3 =	vlaneseq.u32;
	p0 =	seq.s32 s4, $0xFFFFFFFF;
	v1 =	vmov s3  }
0x119: {  	s16 =	stileid.u32;
	v0 =	vperm.xlane v0, v2;
	p1 =	sne.s32 @!p0 s0, s2;
	v1 =	vperm.xlane v1, v3  }
0x11a: {  	vm0 =	vcmask $0x3F04;
	s6 =	simm.s32 $0xF208;
	s0 =	simm.s32 @!p0 $0x1;
	p1 =	por !p1, p0  }
0x11b: {  	s3 =	sshll.u32 s16, $0x1;
	s2 =	sshll.u32 @!p0 s4, $0x9;
	s0 =	simm.s32 @p1 $0x0;
	v0 =	vsel vm0, v1, v0  }
0x11c: {  	s5 =	sor.u32 $0x1000, s3;
	s2 =	sshra.s32 @!p0 s2, $0x2;
	s0 =	sor.u32 @!p0 s0, s3;
	[tilespmem:$0xF208] =	vst v0  }
0x11d: {  	[spmem:s5] =	stream.linear.scatter [tilespmem:s6], [sflag:$0x1], $0x2, $0x38;
	[tilespmem:$0x1F6F8] =	vst v63  }
0x11e: {  	s2 =	sadd.s32 @!p0 $0x108, s2;
	s0 =	sshll.u32 @!p0 s0, $0x7  }
0x11f: {  	[spmem:s0] =	stream.linear.scatter @!p0 [tilespmem:s2], [sflag:$0x1], $0x80, $0x38;
	[tilespmem:$0x1F6F8] =	vst v63  }
0x120: {  	s0 =	simm.s32 @!p0 $0x82  }
0x121: {  	s28 =	simm.s32 $0x1;
	s0 =	simm.s32 @p0 $0x2  }
0x122: {  	_ =	swait.ge [sflag:s28], s0  }
0x123: {  	s0 =	ssub.s32 $0x0, s0;
	[sflag:s28] =	ssyncset.done $0x0  }
0x124: {  	p0 =	sne.s32 s16, $0x0;
	[sflag:s28] =	ssyncadd.s32 s0  }
.Ltmp17:
0x125: {  	_ =	sfence.stream.spmem;
	(pc) =	sbr.rel @p0 .LBB2_39-.Ltmp17, $4  }
0x126: {  	s29 =	simm.s32 $0x3;
	[bflag:$0x0] =	sbarrier.arrive $0xFFFF  }
0x127: {  	s30 =	simm.s32 $0x4;
	[sflag:s29] =	ssyncpa.u1 $0x1  }
0x128: {  	s31 =	simm.s32 $0x3C;
	[sflag:s30] =	ssyncpa.u1 $0x1  }
0x129: {  	s15 =	rddreg [dreg:$0x5];
	[sflag:s31] =	ssyncpa.u1 $0x1  }
0x12a: {  	_ =	sfence.stream.spmem;
	s0 =	simm.s32 $0x5  }
0x12b: {  	s2 =	simm.s32 $0x1000;
	s3 =	simm.s32 $0xF218;
	[sflag:s0] =	ssyncpa.u1 $0x0  }
0x12c: {  	[tilespmem:s3], [sflag:$0x5] =	stream.linear.gather [spmem:s2], $0x20, $0x38;
	[tilespmem:$0x1F6F8] =	vst v63  }
0x12d: {  	s26 =	simm.s32 $0x0;
	s28 =	simm.s32 $0xF238  }
0x12e: {  	[tilespmem:s28], [sflag:$0x5] =	stream.linear.gather [spmem:s26], $0x1000, $0x38;
	[tilespmem:$0x1F6F8] =	vst v63  }
0x12f: {  	_ =	swait.ge [sflag:s0], $0x1020  }
0x130: {  	[sflag:s0] =	ssyncset.done $0x0  }
0x131: {  	s29 =	simm.s32 $0x0;
	[sflag:s0] =	ssyncadd.s32 $0xFFFFEFE0  }
0x132: {  	v0 =	vld.msk [tilespmem:s29+$0xF218], $0x1;
	_ =	sdelay $0x1  }
0x133: {  	s30 =	simm.s32 $0x1  }
0x134: {  	v1 =	vld.msk [tilespmem:s30+$0xF218], $0x1;
	_ =	sdelay $0x1  }
0x135: {  	(v2sf) =	vpush v0, $0x0;
	_ =	sdelay $0x2  }
0x136: {  	(v2sf) =	vpush v1, $0x0;
	_ =	sdelay $0x2  }
0x137: {  	s31 =	simm.s32 $0x2  }
0x138: {  	v0 =	vld.msk [tilespmem:s31+$0xF218], $0x1;
	_ =	sdelay $0x2  }
0x139: {  	s4 =	simm.s32 $0xFFFFFFFF;
	s5 =	simm.s32 $0xFFFFFFFF;
	s0 =	simm.s32 $0xC  }
.LBB2_24:
0x13a: {  	s2 =	smov.u32 s5;
	s3 =	smov.u32 s4  }
0x13b: {  	s4 =	sshra.s32 s0, $0x2;
	p1 =	sne.s32 s0, $0x7C;
	s0 =	sadd.s32 $0x4, s0;
	(v2sf) =	vpush v0, $0x0  }
0x13c: {  	v0 =	vld.msk [tilespmem:s4+$0xF218], $0x1  }
.Ltmp18:
0x13d: {  	(pc) =	sbr.rel @p1 .LBB2_24-.Ltmp18, $4  }
0x13e: {  	s5 =	spop (v2sf)  }
0x13f: {  	p2 =	sne.s32 s3, $0xFFFFFFFF;
	s4 =	smov.u32 s5  }
0x140: {  	p3 =	seq.s32 s5, $0xFFFFFFFF;
	s4 =	smov.u32 @p2 s3  }
0x141: {  	s5 =	smov.u32 @p3 s2;
	s4 =	smov.u32 @p3 s3  }
0x142: {  	(v2sf) =	vpush v0, $0x0;
	_ =	sdelay $0x8  }
0x143: {  	s0 =	spop (v2sf)  }
0x144: {  	p1 =	sne.s32 s4, $0xFFFFFFFF;
	s2 =	smov.u32 s0  }
0x145: {  	s9 =	simm.s32 $0x6;
	p2 =	seq.s32 s0, $0xFFFFFFFF;
	s2 =	smov.u32 @p1 s4  }
0x146: {  	s6 =	simm.s32 $0x0;
	s2 =	smov.u32 @p2 s4;
	s3 =	spop (v2sf)  }
0x147: {  	s0 =	smov.u32 @p2 s5;
	p1 =	sne.s32 s2, $0xFFFFFFFF;
	s4 =	smov.u32 s3  }
.Ltmp19:
0x148: {  	p2 =	seq.s32 s3, $0xFFFFFFFF;
	s4 =	smov.u32 @p1 s2;
	(pc) =	sbr.rel .LBB2_26-.Ltmp19, $4  }
0x149: {  	s10 =	simm.s32 $0xF188;
	s4 =	smov.u32 @p2 s2;
	s7 =	spop (v2sf)  }
0x14a: {  	s11 =	simm.s32 $0x0;
	p1 =	sne.s32 s4, $0xFFFFFFFF;
	s8 =	smov.u32 s7  }
0x14b: {  	s3 =	smov.u32 @p2 s0;
	p2 =	seq.s32 s7, $0xFFFFFFFF;
	s8 =	smov.u32 @p1 s4  }
0x14c: {  	[sflag:s9] =	ssyncpa.u1 $0x0;
	s7 =	smov.u32 @p2 s3;
	s8 =	smov.u32 @p2 s4  }
.LBB2_32:
0x14d: {  	p1 =	sgt.u32 s12, $0x270F0  }
0x14e: {  	p2 =	seq.s32 @!p1 s12, s8  }
0x14f: {  	p1 =	por p1, p2  }
0x150: {  	p2 =	sne.s32 @!p1 s12, s7  }
0x151: {  	p1 =	por p1, !p2  }
0x152: {  	s0 =	sshll.u32 @p1 s11, $0x9  }
0x153: {  	s0 =	sand.u32 @!p1 $0x3FFF8, s12  }
0x154: {  	s2 =	sand.u32 @!p1 $0x7, s12;
	s0 =	sadd.s32 @!p1 s1, s0  }
0x155: {  	[tilespmem:s10], [sflag:$0x6] =	stream.linear.gather @!p1 [hbm4b:s0+s2], $0x80, $0x38;
	[tilespmem:$0x1F6F8] =	vst v63  }
0x156: {  	_ =	swait.ge @!p1 [sflag:s9], $0x80  }
0x157: {  	[sflag:s9] =	ssyncset.done @!p1 $0x0  }
0x158: {  	[sflag:s9] =	ssyncadd.s32 @!p1 $0xFFFFFF80  }
0x159: {  	v1 =	vld @!p1 [tilespmem:$0xF188];
	_ =	sdelay $0x2  }
0x15a: {  	s0 =	sshll.u32 @!p1 s11, $0x9  }
0x15b: {  	s2 =	sshrl.u32 @!p1 s0, $0x2  }
0x15c: {  	[tilespmem:s2+$0xF238] =	vst.add.f32.msk @!p1 $0xffff, v1  }
0x15d: {  	v1 =	vld @!p1 [tilespmem:$0xF198];
	_ =	sdelay $0x4  }
0x15e: {  	[tilespmem:s2+$0xF248] =	vst.add.f32.msk @!p1 $0xffff, v1  }
0x15f: {  	v1 =	vld @!p1 [tilespmem:$0xF1A8];
	_ =	sdelay $0x4  }
0x160: {  	[tilespmem:s2+$0xF258] =	vst.add.f32.msk @!p1 $0xffff, v1  }
0x161: {  	v1 =	vld @!p1 [tilespmem:$0xF1B8];
	_ =	sdelay $0x4  }
0x162: {  	[tilespmem:s2+$0xF268] =	vst.add.f32.msk @!p1 $0xffff, v1  }
0x163: {  	v1 =	vld @!p1 [tilespmem:$0xF1C8];
	_ =	sdelay $0x4  }
0x164: {  	[tilespmem:s2+$0xF278] =	vst.add.f32.msk @!p1 $0xffff, v1  }
0x165: {  	v1 =	vld @!p1 [tilespmem:$0xF1D8];
	_ =	sdelay $0x4  }
0x166: {  	[tilespmem:s2+$0xF288] =	vst.add.f32.msk @!p1 $0xffff, v1  }
0x167: {  	v1 =	vld @!p1 [tilespmem:$0xF1E8];
	_ =	sdelay $0x4  }
0x168: {  	[tilespmem:s2+$0xF298] =	vst.add.f32.msk @!p1 $0xffff, v1  }
0x169: {  	v1 =	vld @!p1 [tilespmem:$0xF1F8];
	_ =	sdelay $0x4  }
0x16a: {  	[tilespmem:s2+$0xF2A8] =	vst.add.f32.msk @!p1 $0xffff, v1  }
0x16b: {  	s0 =	sshrl.u32 s0, $0x2;
	[tilespmem:s6+$0xF218] =	vst.msk $0x1, v0  }
0x16c: {  	v0 =	vld [tilespmem:s0+$0xF238];
	_ =	sdelay $0x2  }
0x16d: {  	s31 =	sshll.u32 s6, $0x9  }
0x16e: {  	s2 =	sshra.s32 s31, $0x2  }
0x16f: {  	[tilespmem:s2+$0xF238] =	vst v0  }
0x170: {  	v0 =	vld [tilespmem:s0+$0xF248];
	_ =	sdelay $0x4  }
0x171: {  	[tilespmem:s2+$0xF248] =	vst v0  }
0x172: {  	v0 =	vld [tilespmem:s0+$0xF258];
	_ =	sdelay $0x4  }
0x173: {  	[tilespmem:s2+$0xF258] =	vst v0  }
0x174: {  	v0 =	vld [tilespmem:s0+$0xF268];
	_ =	sdelay $0x4  }
0x175: {  	[tilespmem:s2+$0xF268] =	vst v0  }
0x176: {  	v0 =	vld [tilespmem:s0+$0xF278];
	_ =	sdelay $0x4  }
0x177: {  	[tilespmem:s2+$0xF278] =	vst v0  }
0x178: {  	v0 =	vld [tilespmem:s0+$0xF288];
	_ =	sdelay $0x4  }
0x179: {  	[tilespmem:s2+$0xF288] =	vst v0  }
0x17a: {  	v0 =	vld [tilespmem:s0+$0xF298];
	_ =	sdelay $0x4  }
0x17b: {  	[tilespmem:s2+$0xF298] =	vst v0  }
0x17c: {  	v0 =	vld [tilespmem:s0+$0xF2A8];
	_ =	sdelay $0x4  }
0x17d: {  	s6 =	sadd.s32 $0x1, s6;
	[tilespmem:s2+$0xF2A8] =	vst v0  }
.LBB2_33:
0x17e: {  	s11 =	sadd.s32 $0x1, s11  }
0x17f: {  	p1 =	sne.s32 s11, $0x20  }
.Ltmp20:
0x180: {  	_ = 	snop;
	(pc) =	sbr.rel @!p1 .LBB2_34-.Ltmp20, $1  }
0x181: {  	_ =	sdelay $0x3  }
.LBB2_26:
0x182: {  	v0 =	vld.msk [tilespmem:s11+$0xF218], $0x1;
	_ =	sdelay $0x4  }
0x183: {  	(v2sf) =	vpush v0, $0x0;
	_ =	sdelay $0xe  }
0x184: {  	s12 =	spop (v2sf)  }
0x185: {  	p1 =	seq.s32 s12, $0xFFFFFFFF  }
.Ltmp21:
0x186: {  	_ = 	snop;
	(pc) =	sbr.rel @p1 .LBB2_33-.Ltmp21, $1  }
0x187: {  	_ =	sdelay $0x3  }
0x188: {  	p1 =	slt.s32 s6, $0x1  }
.Ltmp22:
0x189: {  	_ = 	snop;
	(pc) =	sbr.rel @p1 .LBB2_32-.Ltmp22, $1  }
0x18a: {  	_ =	sdelay $0x3  }
0x18b: {  	s13 =	simm.s32 $0xF218;
	p1 =	por $0x0, $0x0  }
0x18c: {  	v1 =	vld.msk @!p1 [tilespmem:s13+$0x0], $0x1;
	_ =	sdelay $0x4  }
0x18d: {  	(v2sf) =	vpush @!p1 v1, $0x0;
	_ =	sdelay $0xd  }
0x18e: {  	p3 =	sne.s32 s6, $0x1  }
.Ltmp23:
0x18f: {  	s0 =	spop @!p1 (v2sf);
	(pc) =	sbr.rel @!p3 .LBB2_30-.Ltmp23, $4  }
0x190: {  	p2 =	seq.s32 @!p1 s12, s0  }
0x191: {  	s14 =	simm.s32 $0x0;
	p2 =	por !p2, p1  }
0x192: {  	s2 =	simm.s32 $0xFFFFFFFF;
	s14 =	simm.s32 @p2 $0xFFFFFFFF  }
0x193: {  	s0 =	simm.s32 $0x1;
	s14 =	smov.u32 @p1 s2  }
.LBB2_29:
0x194: {  	s2 =	smov.u32 s14;
	p1 =	sne.s32 s14, $0xFFFFFFFF  }
0x195: {  	s13 =	sadd.s32 $0x1, s13;
	s14 =	smov.u32 s0;
	s0 =	sadd.s32 $0x1, s0  }
0x196: {  	p2 =	sne.s32 s6, s0;
	v1 =	vld.msk @!p1 [tilespmem:s13+$0x0], $0x1;
	_ =	sdelay $0x4  }
0x197: {  	(v2sf) =	vpush @!p1 v1, $0x0;
	_ =	sdelay $0xe  }
.Ltmp24:
0x198: {  	s3 =	spop @!p1 (v2sf);
	(pc) =	sbr.rel @p2 .LBB2_29-.Ltmp24, $4  }
0x199: {  	p3 =	seq.s32 @!p1 s12, s3  }
0x19a: {  	p3 =	por !p3, p1  }
0x19b: {  	s14 =	simm.s32 @p3 $0xFFFFFFFF  }
0x19c: {  	s14 =	smov.u32 @p1 s2  }
.LBB2_30:
0x19d: {  	p1 =	seq.s32 s14, $0xFFFFFFFF  }
.Ltmp25:
0x19e: {  	_ = 	snop;
	(pc) =	sbr.rel @p1 .LBB2_32-.Ltmp25, $1  }
0x19f: {  	_ =	sdelay $0x3  }
0x1a0: {  	s0 =	sshll.u32 s11, $0x7  }
0x1a1: {  	s0 =	sand.u32 $0x3FFFFF80, s0  }
0x1a2: {  	v0 =	vld [tilespmem:s0+$0xF238];
	_ =	sdelay $0x2  }
0x1a3: {  	s2 =	sshll.u32 s14, $0x9  }
0x1a4: {  	s2 =	sshra.s32 s2, $0x2  }
0x1a5: {  	[tilespmem:s2+$0xF238] =	vst.add.f32.msk $0xffff, v0  }
0x1a6: {  	v0 =	vld [tilespmem:s0+$0xF248];
	_ =	sdelay $0x4  }
0x1a7: {  	[tilespmem:s2+$0xF248] =	vst.add.f32.msk $0xffff, v0  }
0x1a8: {  	v0 =	vld [tilespmem:s0+$0xF258];
	_ =	sdelay $0x4  }
0x1a9: {  	[tilespmem:s2+$0xF258] =	vst.add.f32.msk $0xffff, v0  }
0x1aa: {  	v0 =	vld [tilespmem:s0+$0xF268];
	_ =	sdelay $0x4  }
0x1ab: {  	[tilespmem:s2+$0xF268] =	vst.add.f32.msk $0xffff, v0  }
0x1ac: {  	v0 =	vld [tilespmem:s0+$0xF278];
	_ =	sdelay $0x4  }
0x1ad: {  	[tilespmem:s2+$0xF278] =	vst.add.f32.msk $0xffff, v0  }
0x1ae: {  	v0 =	vld [tilespmem:s0+$0xF288];
	_ =	sdelay $0x4  }
0x1af: {  	[tilespmem:s2+$0xF288] =	vst.add.f32.msk $0xffff, v0  }
0x1b0: {  	v0 =	vld [tilespmem:s0+$0xF298];
	_ =	sdelay $0x4  }
0x1b1: {  	[tilespmem:s2+$0xF298] =	vst.add.f32.msk $0xffff, v0  }
0x1b2: {  	v0 =	vld [tilespmem:s0+$0xF2A8]  }
.Ltmp26:
0x1b3: {  	_ = 	snop;
	(pc) =	sbr.rel .LBB2_33-.Ltmp26, $2  }
0x1b4: {  	_ =	sdelay $0x2  }
0x1b5: {  	[tilespmem:s2+$0xF2A8] =	vst.add.f32.msk $0xffff, v0  }
.LBB2_34:
0x1b6: {  	s0 =	simm.s32 $0x6;
	p1 =	seq.s32 s6, $0x0  }
0x1b7: {  	[sflag:s0] =	ssyncpa.u1 $0x1;
	v0 =	vimm.s32 @p1 $0xFFFFFFFF  }
0x1b8: {  	s9 =	sadd.s32 $0xFFFFFFFF, s6;
	[tilespmem:$0x10238] =	vst @p1 v0  }
0x1b9: {  	v0 =	vld.msk @!p1 [tilespmem:s9+$0xF218], $0x1;
	_ =	sdelay $0x1  }
0x1ba: {  	v1 =	vld.msk @!p1 [tilespmem:$0xF218], $0x1;
	_ =	sdelay $0x2  }
0x1bb: {  	p2 =	seq.s32 @!p1 s9, $0x0;
	v0 =	vbroadcast @!p1 v0, $0x0  }
0x1bc: {  	vm0 =	vmmov @!p1 $0x1;
	p2 =	por !p2, p1  }
0x1bd: {  	v1 =	vnsel @!p1 vm0, $0xFFFFFFFF, v1;
	vm0 =	vcmask @!p1 $0x308;
	v0 =	vpsel !p2, $0xFFFFFFFF, v0  }
0x1be: {  	p2 =	sne.s32 @!p1 s8, s7;
	v0 =	vsel @!p1 vm0, v1, v0  }
0x1bf: {  	s0 =	simm.s32 @!p1 $0xF238;
	s2 =	simm.s32 @!p1 $0x0;
	p3 =	por !p2, p1;
	[tilespmem:$0x10238] =	vst @!p1 v0  }
0x1c0: {  	[spmem:s2] =	stream.linear.scatter @!p1 [tilespmem:s0], [sflag:$0x1], $0x80, $0x38;
	[tilespmem:$0x1F6F8] =	vst v63  }
0x1c1: {  	s0 =	sshll.u32 @!p3 s9, $0x9  }
0x1c2: {  	s0 =	sshra.s32 @!p3 s0, $0x2  }
0x1c3: {  	s2 =	simm.s32 @!p3 $0x80;
	s0 =	sadd.s32 @!p3 $0xF238, s0  }
0x1c4: {  	[spmem:s2] =	stream.linear.scatter @!p3 [tilespmem:s0], [sflag:$0x1], $0x80, $0x38;
	[tilespmem:$0x1F6F8] =	vst v63  }
0x1c5: {  	s0 =	simm.s32 @!p3 $0x1  }
0x1c6: {  	_ =	swait.ge @!p3 [sflag:s0], $0x100  }
0x1c7: {  	p1 =	por p2, p1;
	[sflag:s0] =	ssyncset.done @!p3 $0x0  }
0x1c8: {  	[sflag:s0] =	ssyncadd.s32 @!p3 $0xFFFFFF00;
	s0 =	simm.s32 @!p1 $0x1  }
0x1c9: {  	_ =	swait.ge @!p1 [sflag:s0], $0x80  }
0x1ca: {  	s29 =	simm.s32 $0x10238;
	[sflag:s0] =	ssyncset.done @!p1 $0x0  }
0x1cb: {  	s30 =	simm.s32 $0x1000;
	s31 =	simm.s32 $0x1;
	[sflag:s0] =	ssyncadd.s32 @!p1 $0xFFFFFF80  }
0x1cc: {  	[spmem:s30] =	stream.linear.scatter [tilespmem:s29], [sflag:$0x1], $0x10, $0x38;
	[tilespmem:$0x1F6F8] =	vst v63  }
0x1cd: {  	_ =	swait.ge [sflag:s31], $0x10  }
0x1ce: {  	[sflag:s31] =	ssyncset.done $0x0  }
0x1cf: {  	p1 =	seq.s32 s15, $0x0;
	s8 =	rddreg [dreg:$0x2];
	[sflag:s31] =	ssyncadd.s32 $0xFFFFFFF0  }
0x1d0: {  	s2 =	sshll.u32 @p1 s8, $0xE;
	s7 =	rddreg [dreg:$0x3]  }
0x1d1: {  	s0 =	sadd.s32 @p1 $0x15C3C, s2;
	s2 =	sshll.u32 @p1 s7, $0x11  }
0x1d2: {  	_ =	sfence.stream.spmem;
	s0 =	sor.u32 @p1 s2, s0  }
0x1d3: {  	[sflag:s0] =	ssyncadd.remote.s32 @p1 $0x1;
	s0 =	simm.s32 @p1 $0x4  }
0x1d4: {  	s3 =	simm.s32 @!p1 $0x3C;
	s2 =	sand.u32 $0xFFFFFFFE, s8;
	_ =	swait.ge @p1 [sflag:s0], $0x22  }
0x1d5: {  	s4 =	simm.s32 @!p1 $0x0;
	s2 =	sadd.s32 @!p1 $0x4, s2;
	[sflag:s0] =	ssyncset.done @p1 $0x0  }
0x1d6: {  	s5 =	simm.s32 @!p1 $0x100;
	[sflag:s0] =	ssyncadd.s32 @p1 $0xFFFFFFDE;
	s0 =	sshll.u32 @!p1 s2, $0x1A  }
0x1d7: {  	s2 =	sshll.u32 @!p1 s2, $0xD;
	s0 =	sor.u32 @!p1 s0, s7;
	_ =	swait.eq @!p1 [sflag:s3], $0x1  }
0x1d8: {  	s2 =	sor.u32 @!p1 $0x1C04, s2;
	s3 =	simm.s32 @!p1 $0x1C03;
	s0 =	sor.u32 @!p1 $0x80004000, s0  }
0x1d9: {  	[spmem:s5], [sflag:s2] =	dma.general @!p1 [spmem:s4], [sflag:s3], length:$0x20, [dreg:$0x0], stride_count:$0x0, ici_dest:s0, dma_misc:DstOpCode:WRITE  }
0x1da: {  	p2 =	slt.s32 s9, $0x2;
	s4 =	simm.s32 @!p1 $0x200;
	s5 =	simm.s32 @!p1 $0x202  }
0x1db: {  	[spmem:s5], [sflag:s2] =	dma.general @!p1 [spmem:s4], [sflag:s3], length:$0x2, [dreg:$0x0], stride_count:$0x0, ici_dest:s0, dma_misc:DstOpCode:WRITE  }
.Ltmp27:
0x1dc: {  	s0 =	simm.s32 @!p1 $0x3;
	(pc) =	sbr.rel @p2 .LBB2_38-.Ltmp27, $4  }
0x1dd: {  	s2 =	sshll.u32 @!p1 s8, $0xE;
	_ =	swait.ge @!p1 [sflag:s0], $0x22  }
0x1de: {  	s3 =	sshll.u32 @!p1 s7, $0x11;
	s2 =	sadd.s32 @!p1 $0x11C3C, s2;
	[sflag:s0] =	ssyncset.done @!p1 $0x0  }
0x1df: {  	[sflag:s0] =	ssyncadd.s32 @!p1 $0xFFFFFFDE;
	s0 =	sor.u32 @!p1 s3, s2  }
0x1e0: {  	[sflag:s0] =	ssyncadd.remote.s32 @!p1 $0xFFFFFFFF;
	s0 =	simm.s32 $0x0  }
0x1e1: {  	s0 =	simm.s32 $0xF219  }
0x1e2: {  	v0 =	vld.msk [tilespmem:s0+$0x0], $0x1;
	_ =	sdelay $0x4  }
0x1e3: {  	(v2sf) =	vpush v0, $0x0;
	_ =	sdelay $0xb  }
0x1e4: {  	s31 =	sadd.s32 $0xFFFFFFFE, s6  }
0x1e5: {  	s0 =	sadd.s32 $0xFFFFFFFF, s31  }
0x1e6: {  	p2 =	sne.s32 s0, $0x0  }
.Ltmp28:
0x1e7: {  	s2 =	spop (v2sf);
	(pc) =	sbr.rel @!p2 .LBB2_37-.Ltmp28, $4  }
0x1e8: {  	s4 =	simm.s32 $0xF2B8;
	s7 =	simm.s32 $0x0;
	p1 =	sgt.u32 s2, $0x270F0  }
0x1e9: {  	s5 =	simm.s32 $0x0;
	s6 =	simm.s32 $0xF21A;
	s3 =	sand.u32 @!p1 $0x3FFF8, s2  }
0x1ea: {  	s2 =	sand.u32 @!p1 $0x7, s2;
	s7 =	simm.s32 @!p1 $0x200;
	s3 =	sadd.s32 @!p1 s1, s3  }
0x1eb: {  	[hbm4b:s3+s2] =	stream.linear.scatter @!p1 [tilespmem:s4], [sflag:$0x5], $0x80, $0x38;
	[tilespmem:$0x1F6F8] =	vst v63  }
.LBB2_36:
0x1ec: {  	v0 =	vld.msk [tilespmem:s6+$0x0], $0x1;
	s0 =	sadd.s32 $0xFFFFFFFF, s0;
	s5 =	sadd.s32 s5, s7  }
0x1ed: {  	p1 =	sne.s32 s0, $0x0;
	_ =	sdelay $0x3  }
0x1ee: {  	(v2sf) =	vpush v0, $0x0;
	_ =	sdelay $0xe  }
.Ltmp29:
0x1ef: {  	s2 =	spop (v2sf);
	(pc) =	sbr.rel @p1 .LBB2_36-.Ltmp29, $4  }
0x1f0: {  	s7 =	simm.s32 $0x0;
	p2 =	sgt.u32 s2, $0x270F0  }
0x1f1: {  	s4 =	sadd.s32 $0x80, s4;
	s7 =	simm.s32 @!p2 $0x200;
	s3 =	sand.u32 @!p2 $0x3FFF8, s2  }
0x1f2: {  	s6 =	sadd.s32 $0x1, s6;
	s2 =	sand.u32 @!p2 $0x7, s2;
	s3 =	sadd.s32 @!p2 s1, s3  }
0x1f3: {  	[hbm4b:s3+s2] =	stream.linear.scatter @!p2 [tilespmem:s4], [sflag:$0x5], $0x80, $0x38;
	[tilespmem:$0x1F6F8] =	vst v63  }
.LBB2_37:
0x1f4: {  	s0 =	sadd.s32 s5, s7  }
0x1f5: {  	s0 =	sshrl.u32 s0, $0x2  }
.LBB2_38:
0x1f6: {  	s2 =	simm.s32 $0x5  }
0x1f7: {  	_ =	swait.ge [sflag:s2], s0  }
0x1f8: {  	s31 =	ssub.s32 $0x0, s0;
	[sflag:s2] =	ssyncset.done $0x0  }
0x1f9: {  	[sflag:s2] =	ssyncadd.s32 s31  }
0x1fa: {  	[sflag:s2] =	ssyncpa.u1 $0x1  }
.LBB2_39:
0x1fb: {  	s0 =	sor.u32 s15, s16  }
0x1fc: {  	p1 =	sne.s32 s0, $0x0  }
.Ltmp30:
0x1fd: {  	_ = 	snop;
	(pc) =	sbr.rel @p1 .LBB2_54-.Ltmp30, $3  }
0x1fe: {  	_ =	sdelay $0x1  }
0x1ff: {  	[bflag:$0x0] =	sbarrier.arrive $0xFFFF  }
0x200: {  	_ =	sfence  }
0x201: {  	s0 =	simm.s32 $0x7  }
0x202: {  	s2 =	simm.s32 $0x1000;
	s3 =	simm.s32 $0xF218;
	[sflag:s0] =	ssyncpa.u1 $0x0  }
0x203: {  	[tilespmem:s3], [sflag:$0x7] =	stream.linear.gather [spmem:s2], $0x20, $0x38;
	[tilespmem:$0x1F6F8] =	vst v63  }
0x204: {  	s30 =	simm.s32 $0xF238;
	s2 =	simm.s32 $0x0  }
0x205: {  	[tilespmem:s30], [sflag:$0x7] =	stream.linear.gather [spmem:s2], $0x1000, $0x38;
	[tilespmem:$0x1F6F8] =	vst v63  }
.Ltmp31:
0x206: {  	_ = 	snop;
	(pc) =	sbr.rel .LBB2_41-.Ltmp31, $4  }
0x207: {  	_ =	swait.ge [sflag:s0], $0x1020  }
0x208: {  	[sflag:s0] =	ssyncset.done $0x0  }
0x209: {  	s31 =	simm.s32 $0x8;
	[sflag:s0] =	ssyncadd.s32 $0xFFFFEFE0  }
0x20a: {  	s3 =	simm.s32 $0x0;
	[sflag:s31] =	ssyncpa.u1 $0x0  }
.LBB2_47:
0x20b: {  	p1 =	slt.u32 s4, $0x270F1  }
0x20c: {  	s0 =	sand.u32 @p1 $0x3FFF8, s4  }
0x20d: {  	s4 =	sand.u32 @p1 $0x7, s4;
	s5 =	simm.s32 @p1 $0xF188;
	s0 =	sadd.s32 @p1 s1, s0  }
0x20e: {  	[tilespmem:s5], [sflag:$0x8] =	stream.linear.gather @p1 [hbm4b:s0+s4], $0x80, $0x38;
	[tilespmem:$0x1F6F8] =	vst v63  }
0x20f: {  	s0 =	simm.s32 @p1 $0x8  }
0x210: {  	_ =	swait.ge @p1 [sflag:s0], $0x80  }
0x211: {  	[sflag:s0] =	ssyncset.done @p1 $0x0  }
0x212: {  	[sflag:s0] =	ssyncadd.s32 @p1 $0xFFFFFF80  }
0x213: {  	v1 =	vld @p1 [tilespmem:$0xF188];
	_ =	sdelay $0x2  }
0x214: {  	s0 =	sshll.u32 @p1 s3, $0x9  }
0x215: {  	s4 =	sshrl.u32 @p1 s0, $0x2  }
0x216: {  	[tilespmem:s4+$0xF238] =	vst.add.f32.msk @p1 $0xffff, v1  }
0x217: {  	v1 =	vld @p1 [tilespmem:$0xF198];
	_ =	sdelay $0x4  }
0x218: {  	[tilespmem:s4+$0xF248] =	vst.add.f32.msk @p1 $0xffff, v1  }
0x219: {  	v1 =	vld @p1 [tilespmem:$0xF1A8];
	_ =	sdelay $0x4  }
0x21a: {  	[tilespmem:s4+$0xF258] =	vst.add.f32.msk @p1 $0xffff, v1  }
0x21b: {  	v1 =	vld @p1 [tilespmem:$0xF1B8];
	_ =	sdelay $0x4  }
0x21c: {  	[tilespmem:s4+$0xF268] =	vst.add.f32.msk @p1 $0xffff, v1  }
0x21d: {  	v1 =	vld @p1 [tilespmem:$0xF1C8];
	_ =	sdelay $0x4  }
0x21e: {  	[tilespmem:s4+$0xF278] =	vst.add.f32.msk @p1 $0xffff, v1  }
0x21f: {  	v1 =	vld @p1 [tilespmem:$0xF1D8];
	_ =	sdelay $0x4  }
0x220: {  	[tilespmem:s4+$0xF288] =	vst.add.f32.msk @p1 $0xffff, v1  }
0x221: {  	v1 =	vld @p1 [tilespmem:$0xF1E8];
	_ =	sdelay $0x4  }
0x222: {  	[tilespmem:s4+$0xF298] =	vst.add.f32.msk @p1 $0xffff, v1  }
0x223: {  	v1 =	vld @p1 [tilespmem:$0xF1F8];
	_ =	sdelay $0x3  }
0x224: {  	s5 =	sshll.u32 @!p1 s3, $0x9  }
0x225: {  	s5 =	smov.u32 @p1 s0;
	[tilespmem:s4+$0xF2A8] =	vst.add.f32.msk @p1 $0xffff, v1  }
0x226: {  	s0 =	sshrl.u32 s5, $0x2;
	[tilespmem:s2+$0xF218] =	vst.msk $0x1, v0  }
0x227: {  	v0 =	vld [tilespmem:s0+$0xF238];
	_ =	sdelay $0x2  }
0x228: {  	s31 =	sshll.u32 s2, $0x9  }
0x229: {  	s4 =	sshra.s32 s31, $0x2  }
0x22a: {  	[tilespmem:s4+$0xF238] =	vst v0  }
0x22b: {  	v0 =	vld [tilespmem:s0+$0xF248];
	_ =	sdelay $0x4  }
0x22c: {  	[tilespmem:s4+$0xF248] =	vst v0  }
0x22d: {  	v0 =	vld [tilespmem:s0+$0xF258];
	_ =	sdelay $0x4  }
0x22e: {  	[tilespmem:s4+$0xF258] =	vst v0  }
0x22f: {  	v0 =	vld [tilespmem:s0+$0xF268];
	_ =	sdelay $0x4  }
0x230: {  	[tilespmem:s4+$0xF268] =	vst v0  }
0x231: {  	v0 =	vld [tilespmem:s0+$0xF278];
	_ =	sdelay $0x4  }
0x232: {  	[tilespmem:s4+$0xF278] =	vst v0  }
0x233: {  	v0 =	vld [tilespmem:s0+$0xF288];
	_ =	sdelay $0x4  }
0x234: {  	[tilespmem:s4+$0xF288] =	vst v0  }
0x235: {  	v0 =	vld [tilespmem:s0+$0xF298];
	_ =	sdelay $0x4  }
0x236: {  	[tilespmem:s4+$0xF298] =	vst v0  }
0x237: {  	v0 =	vld [tilespmem:s0+$0xF2A8];
	_ =	sdelay $0x4  }
0x238: {  	s2 =	sadd.s32 $0x1, s2;
	[tilespmem:s4+$0xF2A8] =	vst v0  }
.LBB2_48:
0x239: {  	s3 =	sadd.s32 $0x1, s3  }
0x23a: {  	p1 =	sne.s32 s3, $0x20  }
.Ltmp32:
0x23b: {  	_ = 	snop;
	(pc) =	sbr.rel @!p1 .LBB2_49-.Ltmp32, $1  }
0x23c: {  	_ =	sdelay $0x3  }
.LBB2_41:
0x23d: {  	v0 =	vld.msk [tilespmem:s3+$0xF218], $0x1;
	_ =	sdelay $0x4  }
0x23e: {  	(v2sf) =	vpush v0, $0x0;
	_ =	sdelay $0xe  }
0x23f: {  	s4 =	spop (v2sf)  }
0x240: {  	p1 =	seq.s32 s4, $0xFFFFFFFF  }
.Ltmp33:
0x241: {  	_ = 	snop;
	(pc) =	sbr.rel @p1 .LBB2_48-.Ltmp33, $1  }
0x242: {  	_ =	sdelay $0x3  }
0x243: {  	p1 =	slt.s32 s2, $0x1  }
.Ltmp34:
0x244: {  	_ = 	snop;
	(pc) =	sbr.rel @p1 .LBB2_47-.Ltmp34, $1  }
0x245: {  	_ =	sdelay $0x3  }
0x246: {  	s5 =	simm.s32 $0xF218;
	p1 =	por $0x0, $0x0  }
0x247: {  	v1 =	vld.msk @!p1 [tilespmem:s5+$0x0], $0x1;
	_ =	sdelay $0x4  }
0x248: {  	(v2sf) =	vpush @!p1 v1, $0x0;
	_ =	sdelay $0xd  }
0x249: {  	p3 =	sne.s32 s2, $0x1  }
.Ltmp35:
0x24a: {  	s0 =	spop @!p1 (v2sf);
	(pc) =	sbr.rel @!p3 .LBB2_45-.Ltmp35, $4  }
0x24b: {  	p2 =	seq.s32 @!p1 s4, s0  }
0x24c: {  	s6 =	simm.s32 $0x0;
	p2 =	por !p2, p1  }
0x24d: {  	s7 =	simm.s32 $0xFFFFFFFF;
	s6 =	simm.s32 @p2 $0xFFFFFFFF  }
0x24e: {  	s0 =	simm.s32 $0x1;
	s6 =	smov.u32 @p1 s7  }
.LBB2_44:
0x24f: {  	s7 =	smov.u32 s6;
	p1 =	sne.s32 s6, $0xFFFFFFFF  }
0x250: {  	s5 =	sadd.s32 $0x1, s5;
	s6 =	smov.u32 s0;
	s0 =	sadd.s32 $0x1, s0  }
0x251: {  	p2 =	sne.s32 s2, s0;
	v1 =	vld.msk @!p1 [tilespmem:s5+$0x0], $0x1;
	_ =	sdelay $0x4  }
0x252: {  	(v2sf) =	vpush @!p1 v1, $0x0;
	_ =	sdelay $0xe  }
.Ltmp36:
0x253: {  	s8 =	spop @!p1 (v2sf);
	(pc) =	sbr.rel @p2 .LBB2_44-.Ltmp36, $4  }
0x254: {  	p3 =	seq.s32 @!p1 s4, s8  }
0x255: {  	p3 =	por !p3, p1  }
0x256: {  	s6 =	simm.s32 @p3 $0xFFFFFFFF  }
0x257: {  	s6 =	smov.u32 @p1 s7  }
.LBB2_45:
0x258: {  	p1 =	seq.s32 s6, $0xFFFFFFFF  }
.Ltmp37:
0x259: {  	_ = 	snop;
	(pc) =	sbr.rel @p1 .LBB2_47-.Ltmp37, $1  }
0x25a: {  	_ =	sdelay $0x3  }
0x25b: {  	s0 =	sshll.u32 s3, $0x7  }
0x25c: {  	s0 =	sand.u32 $0x3FFFFF80, s0  }
0x25d: {  	v0 =	vld [tilespmem:s0+$0xF238];
	_ =	sdelay $0x2  }
0x25e: {  	s4 =	sshll.u32 s6, $0x9  }
0x25f: {  	s4 =	sshra.s32 s4, $0x2  }
0x260: {  	[tilespmem:s4+$0xF238] =	vst.add.f32.msk $0xffff, v0  }
0x261: {  	v0 =	vld [tilespmem:s0+$0xF248];
	_ =	sdelay $0x4  }
0x262: {  	[tilespmem:s4+$0xF248] =	vst.add.f32.msk $0xffff, v0  }
0x263: {  	v0 =	vld [tilespmem:s0+$0xF258];
	_ =	sdelay $0x4  }
0x264: {  	[tilespmem:s4+$0xF258] =	vst.add.f32.msk $0xffff, v0  }
0x265: {  	v0 =	vld [tilespmem:s0+$0xF268];
	_ =	sdelay $0x4  }
0x266: {  	[tilespmem:s4+$0xF268] =	vst.add.f32.msk $0xffff, v0  }
0x267: {  	v0 =	vld [tilespmem:s0+$0xF278];
	_ =	sdelay $0x4  }
0x268: {  	[tilespmem:s4+$0xF278] =	vst.add.f32.msk $0xffff, v0  }
0x269: {  	v0 =	vld [tilespmem:s0+$0xF288];
	_ =	sdelay $0x4  }
0x26a: {  	[tilespmem:s4+$0xF288] =	vst.add.f32.msk $0xffff, v0  }
0x26b: {  	v0 =	vld [tilespmem:s0+$0xF298];
	_ =	sdelay $0x4  }
0x26c: {  	[tilespmem:s4+$0xF298] =	vst.add.f32.msk $0xffff, v0  }
0x26d: {  	v0 =	vld [tilespmem:s0+$0xF2A8]  }
.Ltmp38:
0x26e: {  	_ = 	snop;
	(pc) =	sbr.rel .LBB2_48-.Ltmp38, $2  }
0x26f: {  	_ =	sdelay $0x2  }
0x270: {  	[tilespmem:s4+$0xF2A8] =	vst.add.f32.msk $0xffff, v0  }
.LBB2_49:
0x271: {  	p1 =	slt.s32 s2, $0x1  }
.Ltmp39:
0x272: {  	_ = 	snop;
	(pc) =	sbr.rel @p1 .LBB2_53-.Ltmp39, $3  }
0x273: {  	_ =	sdelay $0x1  }
0x274: {  	s0 =	simm.s32 $0x8  }
0x275: {  	s3 =	simm.s32 $0x0;
	[sflag:s0] =	ssyncpa.u1 $0x1  }
0x276: {  	s0 =	simm.s32 $0xF218  }
0x277: {  	v0 =	vld.msk [tilespmem:s0+$0x0], $0x1;
	_ =	sdelay $0x4  }
0x278: {  	(v2sf) =	vpush v0, $0x0;
	_ =	sdelay $0xe  }
0x279: {  	s0 =	sadd.s32 $0xFFFFFFFF, s2;
	s5 =	spop (v2sf)  }
0x27a: {  	p2 =	sne.s32 s0, $0x0;
	p1 =	sgt.u32 s5, $0x270F0  }
.Ltmp40:
0x27b: {  	s6 =	sand.u32 @!p1 $0x3FFF8, s5;
	(pc) =	sbr.rel @!p2 .LBB2_52-.Ltmp40, $4  }
0x27c: {  	s4 =	simm.s32 $0xF238;
	s5 =	sand.u32 @!p1 $0x7, s5;
	s2 =	sadd.s32 @!p1 s1, s6  }
0x27d: {  	[hbm4b:s2+s5] =	stream.linear.scatter @!p1 [tilespmem:s4], [sflag:$0x7], $0x80, $0x38;
	[tilespmem:$0x1F6F8] =	vst v63  }
0x27e: {  	s5 =	simm.s32 $0x0  }
0x27f: {  	s2 =	simm.s32 $0xF219;
	s5 =	simm.s32 @!p1 $0x200  }
.LBB2_51:
0x280: {  	v0 =	vld.msk [tilespmem:s2+$0x0], $0x1;
	s0 =	sadd.s32 $0xFFFFFFFF, s0;
	s3 =	sadd.s32 s3, s5  }
0x281: {  	p1 =	sne.s32 s0, $0x0;
	_ =	sdelay $0x3  }
0x282: {  	(v2sf) =	vpush v0, $0x0;
	_ =	sdelay $0xe  }
.Ltmp41:
0x283: {  	s6 =	spop (v2sf);
	(pc) =	sbr.rel @p1 .LBB2_51-.Ltmp41, $4  }
0x284: {  	s5 =	simm.s32 $0x0;
	p2 =	sgt.u32 s6, $0x270F0  }
0x285: {  	s4 =	sadd.s32 $0x80, s4;
	s5 =	simm.s32 @!p2 $0x200;
	s7 =	sand.u32 @!p2 $0x3FFF8, s6  }
0x286: {  	s2 =	sadd.s32 $0x1, s2;
	s6 =	sand.u32 @!p2 $0x7, s6;
	s7 =	sadd.s32 @!p2 s1, s7  }
0x287: {  	[hbm4b:s7+s6] =	stream.linear.scatter @!p2 [tilespmem:s4], [sflag:$0x7], $0x80, $0x38;
	[tilespmem:$0x1F6F8] =	vst v63  }
.LBB2_52:
0x288: {  	s0 =	sadd.s32 s3, s5  }
0x289: {  	s3 =	sshrl.u32 s0, $0x2  }
.LBB2_53:
0x28a: {  	s0 =	simm.s32 $0x7  }
0x28b: {  	_ =	swait.ge [sflag:s0], s3  }
0x28c: {  	s1 =	ssub.s32 $0x0, s3;
	[sflag:s0] =	ssyncset.done $0x0  }
0x28d: {  	[sflag:s0] =	ssyncadd.s32 s1  }
0x28e: {  	[sflag:s0] =	ssyncpa.u1 $0x1  }
.LBB2_54:
0x28f: {  	_ =	sfence;
	s0 =	simm.s32 $0x1  }
0x290: {  	[sflag:s0] =	ssyncpa.u1 $0x1  }
0x291: {  	_ =	strace $0x9000004A  }
0x292: {  	[bflag:$0x2] =	sbarrier.arrive $0xFFFF  }
0x293: {  	s0 =	rddreg [dreg:$0x4]  }
0x294: {  	s0 =	sadd.s32 @!p0 $0x100000, s0  }
0x295: {  	[sflag:s0] =	ssyncadd.tile.s32 @!p0 $0x1;
	_ =	shalt  }
.Lfunc_end2:
_tile_overlayer_lowered:
.L_overlay_start_2:
0x296: {  	(tag) =	ssettag $0x2  }
0x297: {  	s0 =	rddreg [dreg:$0x0];
	s2 =	stileid.u32  }
0x298: {  	s1 =	rddreg [dreg:$0x1];
	p0 =	sne.s32 s2, $0x0  }
0x299: {  	s3 =	rddreg [dreg:$0x2];
	[bflag:$0x3] =	sbarrier.arrive $0xFFFF;
	s2 =	simm.s32 @!p0 $0x1C01  }
0x29a: {  	[timem:s3], [sflag:s2] =	dma.local @!p0 [hbm:s0], s1  }
0x29b: {  	s0 =	simm.s32 @!p0 $0x1  }
0x29c: {  	_ =	swait.ge @!p0 [sflag:s0], s1  }
0x29d: {  	s1 =	ssub.s32 @!p0 $0x0, s1;
	[sflag:s0] =	ssyncset.done @!p0 $0x0  }
0x29e: {  	[sflag:s0] =	ssyncadd.s32 @!p0 s1  }
0x29f: {  	[bflag:$0x3] =	sbarrier.arrive $0xFFFF  }
0x2a0: {  	_ =	shalt  }

</sc_bundles>
